<compile_context>
chip_gen: v7x
topology: tpu7x:2x2x1
jax: 0.10.2.dev20260603
libtpu: 0.0.44.dev20260713+nightly
codegen_flags: <defaults>
</compile_context>

<pallas_src>
import jax
import jax.numpy as jnp
from jax import lax
from jax.experimental import pallas as pl
from jax.experimental.pallas import tpu as pltpu
from jax.experimental.pallas import tpu_sc as plsc

N = 10000
E = 320000
NC, NS, L = 2, 16, 16
NW = NC * NS
G = 128
KW = 80
E_PAD = NW * KW * G
NPAD = 10240
RPS = NPAD // NS
TRASH = N
KW0, KW1 = 88, 72
KWMAX = max(KW0, KW1)
G_EXTRA = KWMAX + 8

_f32 = jnp.float32
_bf16 = jnp.bfloat16

import numpy as _np
_SIGMA = _np.concatenate([_np.arange(0, 32, 2), _np.arange(1, 32, 2),
                          32 + _np.arange(0, 32, 2), 32 + _np.arange(1, 32, 2)])
_INV = _np.empty(64, _np.int32)
_INV[_SIGMA] = _np.arange(64)



def _make_sc_agg(D, with_deg=False):
  mesh = plsc.VectorSubcoreMesh(core_axis_name="c", subcore_axis_name="s")
  out_type = [jax.ShapeDtypeStruct((NC, NPAD, D), _f32)]
  scratch = [
      pltpu.VMEM((KWMAX + 1, G), jnp.int32),
      pltpu.VMEM((KWMAX, G), jnp.int32),
      pltpu.VMEM((2, G, D), _bf16),
      pltpu.VMEM((G, D), _f32),
      pltpu.VMEM_SHARED((NPAD, D), _f32),
      pltpu.SemaphoreType.DMA((2,)),
  ]
  if with_deg:
    out_type.append(jax.ShapeDtypeStruct((NC, NPAD, L), _f32))
    scratch += [
        pltpu.VMEM((G, L), _f32),
        pltpu.VMEM((G, L), _f32),
        pltpu.VMEM_SHARED((NPAD, L), _f32),
    ]

  def body(edge_hbm, p_hbm, part_hbm, *refs):
    if with_deg:
      (degp_hbm, src_v, dst_v, rows_b, rows_v, acc_sh, sem,
       ones_v, z16_v, deg_sh) = refs
    else:
      src_v, dst_v, rows_b, rows_v, acc_sh, sem = refs
    c = lax.axis_index("c")
    s = lax.axis_index("s")
    kw_c = KW0 + c * (KW1 - KW0)
    base = c * (NS * KW0) + s * kw_c

    pltpu.sync_copy(edge_hbm.at[0, pl.ds(base, KWMAX + 1)], src_v)
    pltpu.sync_copy(edge_hbm.at[1, pl.ds(base, KWMAX)], dst_v)

    def zrow(i, _):
      def zcol(j, _):
        rows_v[i, pl.ds(j * L, L)] = jnp.zeros((L,), _f32)
        return 0
      lax.fori_loop(0, D // L, zcol, 0)
      return 0
    lax.fori_loop(0, G, zrow, 0)

    def zacc(i, _):
      pltpu.sync_copy(rows_v, acc_sh.at[pl.ds(s * RPS + i * G, G)])
      return 0
    lax.fori_loop(0, RPS // G, zacc, 0)

    if with_deg:
      def fill16(i, _):
        ones_v[i, :] = jnp.ones((L,), _f32)
        z16_v[i, :] = jnp.zeros((L,), _f32)
        return 0
      lax.fori_loop(0, G, fill16, 0)

      def zdeg(i, _):
        pltpu.sync_copy(z16_v, deg_sh.at[pl.ds(s * RPS + i * G, G)])
        return 0
      lax.fori_loop(0, RPS // G, zdeg, 0)

    plsc.subcore_barrier()

    pltpu.async_copy(p_hbm.at[src_v.at[0]], rows_b.at[0], sem.at[0])

    def step(jo, _):
      for b in range(2):
        j = jo * 2 + b
        pltpu.async_copy(p_hbm.at[src_v.at[j + 1]], rows_b.at[1 - b],
                         sem.at[1 - b])
        pltpu.make_async_copy(p_hbm.at[pl.ds(0, G)], rows_b.at[b],
                              sem.at[b]).wait()

        def conv(i2, _):
          for r in range(2):
            i = i2 * 2 + r
            for h in range(D // 32):
              v = rows_b[b, i, pl.ds(32 * h, 32)]
              ev, od = plsc.unpack(v, format=plsc.PackFormat.INTERLEAVED)
              rows_v[i, pl.ds(32 * h, L)] = ev
              rows_v[i, pl.ds(32 * h + L, L)] = od
          return 0
        lax.fori_loop(0, G // 2, conv, 0)

        pltpu.sync_copy(rows_v, acc_sh.at[dst_v.at[j]], add=True)
        if with_deg:
          pltpu.sync_copy(ones_v, deg_sh.at[dst_v.at[j]], add=True)
      return 0
    lax.fori_loop(0, kw_c // 2, step, 0)

    pltpu.make_async_copy(p_hbm.at[pl.ds(0, G)], rows_b.at[0],
                          sem.at[0]).wait()

    plsc.subcore_barrier()

    def wout(i, _):
      off = s * RPS + i * G
      pltpu.sync_copy(acc_sh.at[pl.ds(off, G)],
                      part_hbm.at[c, pl.ds(off, G)])
      if with_deg:
        pltpu.sync_copy(deg_sh.at[pl.ds(off, G)],
                        degp_hbm.at[c, pl.ds(off, G)])
      return 0
    lax.fori_loop(0, RPS // G, wout, 0)

  return pl.kernel(body, out_type=tuple(out_type), mesh=mesh,
                   scratch_types=scratch,
                   compiler_params=pltpu.CompilerParams(
                       use_tc_tiling_on_sc=False,
                       needs_layout_passes=False))


_agg64 = _make_sc_agg(64)
_agg64_deg = _make_sc_agg(64, with_deg=True)





_BM = 2000


def _mm_body(x_ref, w_ref, o1_ref, o2_ref):
  p = jnp.dot(x_ref[...], w_ref[...], preferred_element_type=_f32)
  o1_ref[...] = p[:, :64].astype(_bf16)
  o2_ref[...] = p[:, 64:].astype(_bf16)


def _matmul_p1(x, w):
  return pl.pallas_call(
      _mm_body,
      grid=(N // _BM,),
      in_specs=[pl.BlockSpec((_BM, 128), lambda i: (i, 0)),
                pl.BlockSpec((128, 128), lambda i: (0, 0))],
      out_specs=[pl.BlockSpec((_BM, 64), lambda i: (i, 0)),
                 pl.BlockSpec((_BM, 64), lambda i: (i, 0))],
      out_shape=[jax.ShapeDtypeStruct((N, 64), _bf16),
                 jax.ShapeDtypeStruct((N, 64), _bf16)],
  )(x, w)


def _mid_body(sa_ref, sb_ref, degp_ref, x_ref, w1r_ref, b1_ref, w2l_ref,
              w2r_ref, b2_ref, p2_ref, r2_ref):
  deg = degp_ref[0, :, 0] + degp_ref[1, :, 0]
  dinv = 1.0 / jnp.maximum(deg, 1.0)
  agg = jnp.concatenate([sa_ref[0] + sa_ref[1], sb_ref[0] + sb_ref[1]],
                        axis=1) * dinv[:, None]
  h = agg + jnp.dot(x_ref[...], w1r_ref[...], preferred_element_type=_f32)
  h = jnp.maximum(h + b1_ref[...], 0.0)
  p2_ref[...] = jnp.dot(h, w2l_ref[...],
                        preferred_element_type=_f32).astype(_bf16)
  r2_ref[...] = (jnp.dot(h, w2r_ref[...], preferred_element_type=_f32)
                 + b2_ref[...])


def _mid(Sa, Sb, degp, x, w1r, b1, w2l, w2r, b2):
  return pl.pallas_call(
      _mid_body,
      grid=(N // _BM,),
      in_specs=[
          pl.BlockSpec((NC, _BM, 64), lambda i: (0, i, 0)),
          pl.BlockSpec((NC, _BM, 64), lambda i: (0, i, 0)),
          pl.BlockSpec((NC, _BM, L), lambda i: (0, i, 0)),
          pl.BlockSpec((_BM, 128), lambda i: (i, 0)),
          pl.BlockSpec((128, 128), lambda i: (0, 0)),
          pl.BlockSpec((1, 128), lambda i: (0, 0)),
          pl.BlockSpec((128, 64), lambda i: (0, 0)),
          pl.BlockSpec((128, 64), lambda i: (0, 0)),
          pl.BlockSpec((1, 64), lambda i: (0, 0)),
      ],
      out_specs=[pl.BlockSpec((_BM, 64), lambda i: (i, 0)),
                 pl.BlockSpec((_BM, 64), lambda i: (i, 0))],
      out_shape=[jax.ShapeDtypeStruct((N, 64), _bf16),
                 jax.ShapeDtypeStruct((N, 64), _f32)],
  )(Sa, Sb, degp, x, w1r, b1, w2l, w2r, b2)


def _final_body(t_ref, degp_ref, r2_ref, o_ref):
  deg = degp_ref[0, :, 0] + degp_ref[1, :, 0]
  dinv = 1.0 / jnp.maximum(deg, 1.0)
  o_ref[...] = (t_ref[0] + t_ref[1]) * dinv[:, None] + r2_ref[...]


def _final(T, degp, r2):
  return pl.pallas_call(
      _final_body,
      grid=(N // _BM,),
      in_specs=[
          pl.BlockSpec((NC, _BM, 64), lambda i: (0, i, 0)),
          pl.BlockSpec((NC, _BM, L), lambda i: (0, i, 0)),
          pl.BlockSpec((_BM, 64), lambda i: (i, 0)),
      ],
      out_specs=pl.BlockSpec((_BM, 64), lambda i: (i, 0)),
      out_shape=jax.ShapeDtypeStruct((N, 64), _f32),
  )(T, degp, r2)



def kernel(x, edge_index, W1_l, b1, W1_r, W2_l, b2, W2_r):
  src = edge_index[0].astype(jnp.int32)
  dst = edge_index[1].astype(jnp.int32)
  pad = E_PAD - E + G_EXTRA * G
  srcp = jnp.concatenate([src, jnp.zeros((pad,), jnp.int32)])
  trash = TRASH + jnp.arange(pad, dtype=jnp.int32) % (NPAD - N)
  dstp = jnp.concatenate([dst, trash])
  edges = jnp.stack([srcp, dstp]).reshape(2, NW * KW + G_EXTRA, G)

  w1lp = W1_l[:, _np.concatenate([_INV, 64 + _INV])]
  w2lp = W2_l[:, _INV]

  p1a, p1b = _matmul_p1(x, w1lp)
  Sa, degp = _agg64_deg(edges, p1a)
  (Sb,) = _agg64(edges, p1b)
  p2, r2 = _mid(Sa, Sb, degp, x, W1_r, b1.reshape(1, -1), w2lp, W2_r,
                b2.reshape(1, -1))
  (T,) = _agg64(edges, p2)
  return _final(T, degp, r2)

# --- scband reference (transcript-rebuilt; emitter-appended) ---
"""Pipeline reference for scband-sageencoder-21431886807833 (READ-ONLY COPY).

The authoritative reference and input builder live on the scoring server;
editing this copy changes nothing except your own understanding.
"""

import jax, jax.numpy as jnp
import numpy as np

N_NODES = 10000
N_EDGES = 320000
D_IN = 128
D_H1 = 128
D_H2 = 64


def setup_inputs(seed: int = 0) -> dict:
    key = jax.random.key(seed)
    ks = jax.random.split(key, 8)
    x = jax.random.normal(ks[0], (N_NODES, D_IN), dtype=jnp.float32)
    edge_index = jax.random.randint(ks[1], (2, N_EDGES), 0, N_NODES, dtype=jnp.int64)
    # SAGEConv layer 1: lin_l (aggregated neighbors, with bias), lin_r (root, no bias)
    s1 = 1.0 / np.sqrt(D_IN)
    W1_l = jax.random.uniform(ks[2], (D_IN, D_H1), minval=-s1, maxval=s1, dtype=jnp.float32)
    b1 = jax.random.uniform(ks[3], (D_H1,), minval=-s1, maxval=s1, dtype=jnp.float32)
    W1_r = jax.random.uniform(ks[4], (D_IN, D_H1), minval=-s1, maxval=s1, dtype=jnp.float32)
    # SAGEConv layer 2
    s2 = 1.0 / np.sqrt(D_H1)
    W2_l = jax.random.uniform(ks[5], (D_H1, D_H2), minval=-s2, maxval=s2, dtype=jnp.float32)
    b2 = jax.random.uniform(ks[6], (D_H2,), minval=-s2, maxval=s2, dtype=jnp.float32)
    W2_r = jax.random.uniform(ks[7], (D_H1, D_H2), minval=-s2, maxval=s2, dtype=jnp.float32)
    return {"x": x, "edge_index": edge_index, "W1_l": W1_l, "b1": b1, "W1_r": W1_r,
            "W2_l": W2_l, "b2": b2, "W2_r": W2_r}


def _sage_conv_mean(x, src, dst, W_l, W_r, b, num_nodes):
    # gather source node features along edges
    msgs = jnp.take(x, src, axis=0)
    # scatter-add into destination nodes, then mean-normalize by in-degree
    agg = jax.ops.segment_sum(msgs, dst, num_segments=num_nodes)
    deg = jax.ops.segment_sum(jnp.ones((src.shape[0],), dtype=x.dtype), dst, num_segments=num_nodes)
    agg = agg / jnp.clip(deg, 1.0, None)[:, None]
    return agg @ W_l + b + x @ W_r


def reference(x, edge_index, W1_l, b1, W1_r, W2_l, b2, W2_r):
    src = edge_index[0]
    dst = edge_index[1]
    n = x.shape[0]
    h = _sage_conv_mean(x, src, dst, W1_l, W1_r, b1, n)
    h = jax.nn.relu(h)  # dropout is identity at inference
    out = _sage_conv_mean(h, src, dst, W2_l, W2_r, b2, n)
    return out

if __name__ == "__main__":
    import jax
    _d = setup_inputs()
    print(jax.jit(kernel)(*tuple(_d.values())))

</pallas_src>

<mosaic_0001>
#map = affine_map<(d0, d1) -> (0, 0, 0)>
#map1 = affine_map<(d0, d1) -> (0, 0)>
module attributes {stable_mosaic.version = 14 : i64} {
  func.func @body(%arg0: i32, %arg1: i32, %arg2: memref<2x2656x128xi32, #tpu.memory_space<hbm>>, %arg3: memref<10000x64xbf16, #tpu.memory_space<hbm>>, %arg4: memref<2x10240x64xf32, #tpu.memory_space<hbm>>, %arg5: memref<89x128xi32, #tpu.memory_space<vmem>>, %arg6: memref<88x128xi32, #tpu.memory_space<vmem>>, %arg7: memref<2x128x64xbf16, #tpu.memory_space<vmem>>, %arg8: memref<128x64xf32, #tpu.memory_space<vmem>>, %arg9: memref<10240x64xf32, #tpu.memory_space<vmem_shared>>, %arg10: memref<2x!tpu.dma_semaphore, #tpu.memory_space<semaphore_mem>>) attributes {dimension_semantics = [#tpu.dimension_semantics<core_parallel>, #tpu.dimension_semantics<subcore_parallel>], iteration_bounds = array<i64: 2, 16>, scalar_prefetch = 0 : i64, scratch_operands = 6 : i64, tpu.core_type = #tpu.core_type<sc_vector_subcore>, window_params = [{transform_indices = #map}, {transform_indices = #map1}, {transform_indices = #map}]} {
    %mul3A = arith.constant -16 : i32
    %mul3A_0 = arith.muli %arg0, %mul3A : i32
    %add3A = arith.constant 88 : i32
    %add3A_1 = arith.addi %add3A, %mul3A_0 : i32
    %mul3A_2 = arith.constant 1408 : i32
    %mul3A_3 = arith.muli %arg0, %mul3A_2 : i32
    %mul3A_4 = arith.muli %arg1, %add3A_1 : i32
    %add3A_5 = arith.addi %mul3A_3, %mul3A_4 : i32
    %run_scoped3A = arith.constant 0 : i32
    "tpu.region"() ({
      %run_scoped3A_86 = tpu.sem_alloc : memref<!tpu.dma_semaphore, #tpu.memory_space<semaphore_mem>>
      %dma_start3A_87 = arith.constant 0 : i32
      %dma_start3A_88 = tpu.memref_slice %arg2[%run_scoped3A, %add3A_5, %dma_start3A_87] : memref<2x2656x128xi32, #tpu.memory_space<hbm>> -> memref<1x89x128xi32, #tpu.memory_space<hbm>>
      %dma_start3A_89 = tpu.memref_squeeze %dma_start3A_88 : memref<1x89x128xi32, #tpu.memory_space<hbm>> -> memref<89x128xi32, #tpu.memory_space<hbm>>
      %dma_start3A_90 = arith.constant 0 : i32
      %dma_start3A_91 = tpu.memref_slice %arg2[%run_scoped3A, %add3A_5, %dma_start3A_90] : memref<2x2656x128xi32, #tpu.memory_space<hbm>> -> memref<1x89x128xi32, #tpu.memory_space<hbm>>
      %dma_start3A_92 = tpu.memref_squeeze %dma_start3A_91 : memref<1x89x128xi32, #tpu.memory_space<hbm>> -> memref<89x128xi32, #tpu.memory_space<hbm>>
      tpu.enqueue_dma source(%dma_start3A_92 : memref<89x128xi32, #tpu.memory_space<hbm>>) target(%arg5 : memref<89x128xi32, #tpu.memory_space<vmem>>) target_semaphore(%run_scoped3A_86 : memref<!tpu.dma_semaphore, #tpu.memory_space<semaphore_mem>>)
      %dma_wait3A_93 = arith.constant 0 : i32
      %dma_wait3A_94 = tpu.memref_slice %arg2[%run_scoped3A, %add3A_5, %dma_wait3A_93] : memref<2x2656x128xi32, #tpu.memory_space<hbm>> -> memref<1x89x128xi32, #tpu.memory_space<hbm>>
      %dma_wait3A_95 = tpu.memref_squeeze %dma_wait3A_94 : memref<1x89x128xi32, #tpu.memory_space<hbm>> -> memref<89x128xi32, #tpu.memory_space<hbm>>
      %dma_wait3A_96 = arith.constant 0 : i32
      %dma_wait3A_97 = tpu.memref_slice %arg2[%run_scoped3A, %add3A_5, %dma_wait3A_96] : memref<2x2656x128xi32, #tpu.memory_space<hbm>> -> memref<1x89x128xi32, #tpu.memory_space<hbm>>
      %dma_wait3A_98 = tpu.memref_squeeze %dma_wait3A_97 : memref<1x89x128xi32, #tpu.memory_space<hbm>> -> memref<89x128xi32, #tpu.memory_space<hbm>>
      tpu.wait_dma2 semaphore(%run_scoped3A_86 : memref<!tpu.dma_semaphore, #tpu.memory_space<semaphore_mem>>) src(%dma_wait3A_98 : memref<89x128xi32, #tpu.memory_space<hbm>>) dst(%arg5 : memref<89x128xi32, #tpu.memory_space<vmem>>)
      tpu.yield
    }) : () -> ()
    %run_scoped3A_6 = arith.constant 1 : i32
    "tpu.region"() ({
      %run_scoped3A_86 = tpu.sem_alloc : memref<!tpu.dma_semaphore, #tpu.memory_space<semaphore_mem>>
      %dma_start3A_87 = arith.constant 0 : i32
      %dma_start3A_88 = tpu.memref_slice %arg2[%run_scoped3A_6, %add3A_5, %dma_start3A_87] : memref<2x2656x128xi32, #tpu.memory_space<hbm>> -> memref<1x88x128xi32, #tpu.memory_space<hbm>>
      %dma_start3A_89 = tpu.memref_squeeze %dma_start3A_88 : memref<1x88x128xi32, #tpu.memory_space<hbm>> -> memref<88x128xi32, #tpu.memory_space<hbm>>
      %dma_start3A_90 = arith.constant 0 : i32
      %dma_start3A_91 = tpu.memref_slice %arg2[%run_scoped3A_6, %add3A_5, %dma_start3A_90] : memref<2x2656x128xi32, #tpu.memory_space<hbm>> -> memref<1x88x128xi32, #tpu.memory_space<hbm>>
      %dma_start3A_92 = tpu.memref_squeeze %dma_start3A_91 : memref<1x88x128xi32, #tpu.memory_space<hbm>> -> memref<88x128xi32, #tpu.memory_space<hbm>>
      tpu.enqueue_dma source(%dma_start3A_92 : memref<88x128xi32, #tpu.memory_space<hbm>>) target(%arg6 : memref<88x128xi32, #tpu.memory_space<vmem>>) target_semaphore(%run_scoped3A_86 : memref<!tpu.dma_semaphore, #tpu.memory_space<semaphore_mem>>)
      %dma_wait3A_93 = arith.constant 0 : i32
      %dma_wait3A_94 = tpu.memref_slice %arg2[%run_scoped3A_6, %add3A_5, %dma_wait3A_93] : memref<2x2656x128xi32, #tpu.memory_space<hbm>> -> memref<1x88x128xi32, #tpu.memory_space<hbm>>
      %dma_wait3A_95 = tpu.memref_squeeze %dma_wait3A_94 : memref<1x88x128xi32, #tpu.memory_space<hbm>> -> memref<88x128xi32, #tpu.memory_space<hbm>>
      %dma_wait3A_96 = arith.constant 0 : i32
      %dma_wait3A_97 = tpu.memref_slice %arg2[%run_scoped3A_6, %add3A_5, %dma_wait3A_96] : memref<2x2656x128xi32, #tpu.memory_space<hbm>> -> memref<1x88x128xi32, #tpu.memory_space<hbm>>
      %dma_wait3A_98 = tpu.memref_squeeze %dma_wait3A_97 : memref<1x88x128xi32, #tpu.memory_space<hbm>> -> memref<88x128xi32, #tpu.memory_space<hbm>>
      tpu.wait_dma2 semaphore(%run_scoped3A_86 : memref<!tpu.dma_semaphore, #tpu.memory_space<semaphore_mem>>) src(%dma_wait3A_98 : memref<88x128xi32, #tpu.memory_space<hbm>>) dst(%arg6 : memref<88x128xi32, #tpu.memory_space<vmem>>)
      tpu.yield
    }) : () -> ()
    %scan3A = arith.constant 0 : i32
    %scan3A_7 = arith.constant 0 : i32
    %scan3A_8 = arith.constant 128 : i32
    %scan3A_9 = arith.addi %scan3A_7, %scan3A_8 : i32
    %scan3A_10 = arith.constant 1 : i32
    %scan3A_11 = scf.for %scan3A_86 = %scan3A_7 to %scan3A_9 step %scan3A_10 iter_args(%scan3A_87 = %scan3A) -> (i32)  : i32 {
      %scan3A_88 = arith.constant 0 : i32
      %scan3A_89 = arith.constant 0 : i32
      %scan3A_90 = arith.constant 4 : i32
      %scan3A_91 = arith.addi %scan3A_89, %scan3A_90 : i32
      %scan3A_92 = arith.constant 1 : i32
      %scan3A_93 = scf.for %scan3A_96 = %scan3A_89 to %scan3A_91 step %scan3A_92 iter_args(%scan3A_97 = %scan3A_88) -> (i32)  : i32 {
        %broadcast_in_dim3A = arith.constant 0.000000e+00 : f32
        %broadcast_in_dim3A_98 = vector.broadcast %broadcast_in_dim3A : f32 to vector<16xf32>
        %mul3A_99 = arith.constant 16 : i32
        %mul3A_100 = arith.muli %scan3A_96, %mul3A_99 : i32
        %swap3A = arith.index_cast %scan3A_86 : i32 to index
        %swap3A_101 = arith.index_cast %mul3A_100 : i32 to index
        %swap3A_102 = tpu.vector_load %arg8[%swap3A, %swap3A_101] {strides = array<i32>} : memref<128x64xf32, #tpu.memory_space<vmem>>, vector<16xf32>,
        tpu.vector_store %arg8[%swap3A, %swap3A_101], %broadcast_in_dim3A_98 {strides = array<i32>} : memref<128x64xf32, #tpu.memory_space<vmem>>, vector<16xf32>,
        %scan3A_103 = arith.constant 0 : i32
        scf.yield %scan3A_103 : i32
      }
      %scan3A_94 = arith.constant 4 : i32
      %scan3A_95 = arith.constant 0 : i32
      scf.yield %scan3A_95 : i32
    }
    %scan3A_12 = arith.constant 128 : i32
    %scan3A_13 = arith.constant 0 : i32
    %scan3A_14 = arith.constant 0 : i32
    %scan3A_15 = arith.constant 5 : i32
    %scan3A_16 = arith.addi %scan3A_14, %scan3A_15 : i32
    %scan3A_17 = arith.constant 1 : i32
    %scan3A_18 = scf.for %scan3A_86 = %scan3A_14 to %scan3A_16 step %scan3A_17 iter_args(%scan3A_87 = %scan3A_13) -> (i32)  : i32 {
      %mul3A_88 = arith.constant 640 : i32
      %mul3A_89 = arith.muli %arg1, %mul3A_88 : i32
      %mul3A_90 = arith.constant 128 : i32
      %mul3A_91 = arith.muli %scan3A_86, %mul3A_90 : i32
      %add3A_92 = arith.addi %mul3A_89, %mul3A_91 : i32
      "tpu.region"() ({
        %run_scoped3A_94 = tpu.sem_alloc : memref<!tpu.dma_semaphore, #tpu.memory_space<semaphore_mem>>
        %dma_start3A_95 = arith.constant 0 : i32
        %dma_start3A_96 = tpu.memref_slice %arg9[%add3A_92, %dma_start3A_95] : memref<10240x64xf32, #tpu.memory_space<vmem_shared>> -> memref<128x64xf32, #tpu.memory_space<vmem_shared>>
        %dma_start3A_97 = arith.constant 0 : i32
        %dma_start3A_98 = tpu.memref_slice %arg9[%add3A_92, %dma_start3A_97] : memref<10240x64xf32, #tpu.memory_space<vmem_shared>> -> memref<128x64xf32, #tpu.memory_space<vmem_shared>>
        tpu.enqueue_dma source(%arg8 : memref<128x64xf32, #tpu.memory_space<vmem>>) target(%dma_start3A_98 : memref<128x64xf32, #tpu.memory_space<vmem_shared>>) target_semaphore(%run_scoped3A_94 : memref<!tpu.dma_semaphore, #tpu.memory_space<semaphore_mem>>)
        %dma_wait3A_99 = arith.constant 0 : i32
        %dma_wait3A_100 = tpu.memref_slice %arg9[%add3A_92, %dma_wait3A_99] : memref<10240x64xf32, #tpu.memory_space<vmem_shared>> -> memref<128x64xf32, #tpu.memory_space<vmem_shared>>
        %dma_wait3A_101 = arith.constant 0 : i32
        %dma_wait3A_102 = tpu.memref_slice %arg9[%add3A_92, %dma_wait3A_101] : memref<10240x64xf32, #tpu.memory_space<vmem_shared>> -> memref<128x64xf32, #tpu.memory_space<vmem_shared>>
        tpu.wait_dma2 semaphore(%run_scoped3A_94 : memref<!tpu.dma_semaphore, #tpu.memory_space<semaphore_mem>>) src(%arg8 : memref<128x64xf32, #tpu.memory_space<vmem>>) dst(%dma_wait3A_102 : memref<128x64xf32, #tpu.memory_space<vmem_shared>>)
        tpu.yield
      }) : () -> ()
      %scan3A_93 = arith.constant 0 : i32
      scf.yield %scan3A_93 : i32
    }
    %scan3A_19 = arith.constant 5 : i32
    %barrier3A = arith.constant 0 : index
    tpu.barrier barrier_id(%barrier3A)
    %dma_start3A = arith.constant 0 : i32
    %dma_start3A_20 = arith.constant 0 : i32
    %dma_start3A_21 = arith.constant 0 : i32
    %dma_start3A_22 = arith.constant 0 : i32
    %dma_start3A_23 = arith.constant 0 : i32
    %dma_start3A_24 = tpu.memref_slice %arg7[%dma_start3A_20, %dma_start3A_22, %dma_start3A_23] : memref<2x128x64xbf16, #tpu.memory_space<vmem>> -> memref<1x128x64xbf16, #tpu.memory_space<vmem>>
    %dma_start3A_25 = tpu.memref_squeeze %dma_start3A_24 : memref<1x128x64xbf16, #tpu.memory_space<vmem>> -> memref<128x64xbf16, #tpu.memory_space<vmem>>
    %dma_start3A_26 = arith.constant 0 : i32
    %dma_start3A_27 = tpu.memref_slice %arg5[%dma_start3A, %dma_start3A_26] : memref<89x128xi32, #tpu.memory_space<vmem>> -> memref<1x128xi32, #tpu.memory_space<vmem>>
    %dma_start3A_28 = tpu.memref_squeeze %dma_start3A_27 : memref<1x128xi32, #tpu.memory_space<vmem>> -> memref<128xi32, #tpu.memory_space<vmem>>
    %dma_start3A_29 = arith.constant 0 : i32
    %dma_start3A_30 = arith.constant 0 : i32
    %dma_start3A_31 = tpu.memref_slice %arg3[%dma_start3A_29, %dma_start3A_30] : memref<10000x64xbf16, #tpu.memory_space<hbm>> -> memref<10000x64xbf16, #tpu.memory_space<hbm>>
    %dma_start3A_32 = tpu.memref_slice %arg10[%dma_start3A_21] : memref<2x!tpu.dma_semaphore, #tpu.memory_space<semaphore_mem>> -> memref<1x!tpu.dma_semaphore, #tpu.memory_space<semaphore_mem>>
    %dma_start3A_33 = tpu.memref_squeeze %dma_start3A_32 : memref<1x!tpu.dma_semaphore, #tpu.memory_space<semaphore_mem>> -> memref<!tpu.dma_semaphore, #tpu.memory_space<semaphore_mem>>
    tpu.enqueue_indirect_dma source(%dma_start3A_31 : memref<10000x64xbf16, #tpu.memory_space<hbm>>) target(%dma_start3A_25 : memref<128x64xbf16, #tpu.memory_space<vmem>>) offsets(%dma_start3A_28 : memref<128xi32, #tpu.memory_space<vmem>>) semaphore(%dma_start3A_33 : memref<!tpu.dma_semaphore, #tpu.memory_space<semaphore_mem>>)
    %jit3A = arith.constant 2 : i32
    %div3A = arith.divsi %add3A_1, %jit3A : i32
    %sign3A = arith.constant 0 : i32
    %sign3A_34 = arith.cmpi sgt, %add3A_1, %sign3A : i32
    %sign3A_35 = arith.extui %sign3A_34 : i1 to i32
    %sign3A_36 = arith.constant 0 : i32
    %sign3A_37 = arith.cmpi slt, %add3A_1, %sign3A_36 : i32
    %sign3A_38 = arith.extui %sign3A_37 : i1 to i32
    %sign3A_39 = arith.subi %sign3A_35, %sign3A_38 : i32
    %sign3A_40 = arith.constant 0 : i32
    %sign3A_41 = arith.cmpi sgt, %jit3A, %sign3A_40 : i32
    %sign3A_42 = arith.extui %sign3A_41 : i1 to i32
    %sign3A_43 = arith.constant 0 : i32
    %sign3A_44 = arith.cmpi slt, %jit3A, %sign3A_43 : i32
    %sign3A_45 = arith.extui %sign3A_44 : i1 to i32
    %sign3A_46 = arith.subi %sign3A_42, %sign3A_45 : i32
    %ne3A = arith.cmpi ne, %sign3A_39, %sign3A_46 : i32
    %rem3A = arith.remsi %add3A_1, %jit3A : i32
    %ne3A_47 = arith.constant 0 : i32
    %ne3A_48 = arith.cmpi ne, %rem3A, %ne3A_47 : i32
    %and3A = arith.andi %ne3A, %ne3A_48 : i1
    %sub3A = arith.constant 1 : i32
    %sub3A_49 = arith.subi %div3A, %sub3A : i32
    %select_n3A = arith.select %and3A, %sub3A_49, %div3A : i32
    %while3A = arith.constant 0 : i32
    %while3A_50 = arith.constant 0 : i32
    %while3A_51 = arith.subi %select_n3A, %while3A : i32
    %while3A_52 = arith.addi %while3A, %while3A_51 : i32
    %while3A_53 = arith.constant 1 : i32
    %while3A_54 = arith.divsi %while3A_51, %while3A_53 : i32
    %while3A_55 = arith.muli %while3A_54, %while3A_53 : i32
    %while3A_56 = arith.addi %while3A, %while3A_55 : i32
    %while3A_57 = arith.constant 1 : i32
    %while3A_58 = scf.for %while3A_86 = %while3A to %while3A_56 step %while3A_57 iter_args(%while3A_87 = %while3A_50) -> (i32)  : i32 {
      %mul3A_88 = arith.constant 2 : i32
      %mul3A_89 = arith.muli %while3A_86, %mul3A_88 : i32
      %add3A_90 = arith.constant 0 : i32
      %add3A_91 = arith.addi %mul3A_89, %add3A_90 : i32
      %add3A_92 = arith.constant 1 : i32
      %add3A_93 = arith.addi %add3A_91, %add3A_92 : i32
      %dma_start3A_94 = arith.constant 1 : i32
      %dma_start3A_95 = arith.constant 1 : i32
      %dma_start3A_96 = arith.constant 0 : i32
      %dma_start3A_97 = arith.constant 0 : i32
      %dma_start3A_98 = tpu.memref_slice %arg7[%dma_start3A_94, %dma_start3A_96, %dma_start3A_97] : memref<2x128x64xbf16, #tpu.memory_space<vmem>> -> memref<1x128x64xbf16, #tpu.memory_space<vmem>>
      %dma_start3A_99 = tpu.memref_squeeze %dma_start3A_98 : memref<1x128x64xbf16, #tpu.memory_space<vmem>> -> memref<128x64xbf16, #tpu.memory_space<vmem>>
      %dma_start3A_100 = arith.constant 0 : i32
      %dma_start3A_101 = tpu.memref_slice %arg5[%add3A_93, %dma_start3A_100] : memref<89x128xi32, #tpu.memory_space<vmem>> -> memref<1x128xi32, #tpu.memory_space<vmem>>
      %dma_start3A_102 = tpu.memref_squeeze %dma_start3A_101 : memref<1x128xi32, #tpu.memory_space<vmem>> -> memref<128xi32, #tpu.memory_space<vmem>>
      %dma_start3A_103 = arith.constant 0 : i32
      %dma_start3A_104 = arith.constant 0 : i32
      %dma_start3A_105 = tpu.memref_slice %arg3[%dma_start3A_103, %dma_start3A_104] : memref<10000x64xbf16, #tpu.memory_space<hbm>> -> memref<10000x64xbf16, #tpu.memory_space<hbm>>
      %dma_start3A_106 = tpu.memref_slice %arg10[%dma_start3A_95] : memref<2x!tpu.dma_semaphore, #tpu.memory_space<semaphore_mem>> -> memref<1x!tpu.dma_semaphore, #tpu.memory_space<semaphore_mem>>
      %dma_start3A_107 = tpu.memref_squeeze %dma_start3A_106 : memref<1x!tpu.dma_semaphore, #tpu.memory_space<semaphore_mem>> -> memref<!tpu.dma_semaphore, #tpu.memory_space<semaphore_mem>>
      tpu.enqueue_indirect_dma source(%dma_start3A_105 : memref<10000x64xbf16, #tpu.memory_space<hbm>>) target(%dma_start3A_99 : memref<128x64xbf16, #tpu.memory_space<vmem>>) offsets(%dma_start3A_102 : memref<128xi32, #tpu.memory_space<vmem>>) semaphore(%dma_start3A_107 : memref<!tpu.dma_semaphore, #tpu.memory_space<semaphore_mem>>)
      %dma_wait3A_108 = arith.constant 0 : i32
      %dma_wait3A_109 = arith.constant 0 : i32
      %dma_wait3A_110 = arith.constant 0 : i32
      %dma_wait3A_111 = arith.constant 0 : i32
      %dma_wait3A_112 = tpu.memref_slice %arg7[%dma_wait3A_108, %dma_wait3A_110, %dma_wait3A_111] : memref<2x128x64xbf16, #tpu.memory_space<vmem>> -> memref<1x128x64xbf16, #tpu.memory_space<vmem>>
      %dma_wait3A_113 = tpu.memref_squeeze %dma_wait3A_112 : memref<1x128x64xbf16, #tpu.memory_space<vmem>> -> memref<128x64xbf16, #tpu.memory_space<vmem>>
      %dma_wait3A_114 = arith.constant 0 : i32
      %dma_wait3A_115 = arith.constant 0 : i32
      %dma_wait3A_116 = tpu.memref_slice %arg3[%dma_wait3A_114, %dma_wait3A_115] : memref<10000x64xbf16, #tpu.memory_space<hbm>> -> memref<128x64xbf16, #tpu.memory_space<hbm>>
      %dma_wait3A_117 = tpu.memref_slice %arg10[%dma_wait3A_109] : memref<2x!tpu.dma_semaphore, #tpu.memory_space<semaphore_mem>> -> memref<1x!tpu.dma_semaphore, #tpu.memory_space<semaphore_mem>>
      %dma_wait3A_118 = tpu.memref_squeeze %dma_wait3A_117 : memref<1x!tpu.dma_semaphore, #tpu.memory_space<semaphore_mem>> -> memref<!tpu.dma_semaphore, #tpu.memory_space<semaphore_mem>>
      %dma_wait3A_119 = arith.constant 0 : i32
      %dma_wait3A_120 = arith.constant 0 : i32
      %dma_wait3A_121 = tpu.memref_slice %arg7[%dma_wait3A_108, %dma_wait3A_119, %dma_wait3A_120] : memref<2x128x64xbf16, #tpu.memory_space<vmem>> -> memref<1x128x64xbf16, #tpu.memory_space<vmem>>
      %dma_wait3A_122 = tpu.memref_squeeze %dma_wait3A_121 : memref<1x128x64xbf16, #tpu.memory_space<vmem>> -> memref<128x64xbf16, #tpu.memory_space<vmem>>
      %dma_wait3A_123 = arith.constant 0 : i32
      %dma_wait3A_124 = arith.constant 0 : i32
      %dma_wait3A_125 = tpu.memref_slice %arg3[%dma_wait3A_123, %dma_wait3A_124] : memref<10000x64xbf16, #tpu.memory_space<hbm>> -> memref<128x64xbf16, #tpu.memory_space<hbm>>
      tpu.wait_dma2 semaphore(%dma_wait3A_118 : memref<!tpu.dma_semaphore, #tpu.memory_space<semaphore_mem>>) src(%dma_wait3A_125 : memref<128x64xbf16, #tpu.memory_space<hbm>>) dst(%dma_wait3A_122 : memref<128x64xbf16, #tpu.memory_space<vmem>>)
      %scan3A_126 = arith.constant 0 : i32
      %scan3A_127 = arith.constant 0 : i32
      %scan3A_128 = arith.constant 64 : i32
      %scan3A_129 = arith.addi %scan3A_127, %scan3A_128 : i32
      %scan3A_130 = arith.constant 1 : i32
      %scan3A_131 = scf.for %scan3A_179 = %scan3A_127 to %scan3A_129 step %scan3A_130 iter_args(%scan3A_180 = %scan3A_126) -> (i32)  : i32 {
        %mul3A_181 = arith.constant 2 : i32
        %mul3A_182 = arith.muli %scan3A_179, %mul3A_181 : i32
        %add3A_183 = arith.constant 0 : i32
        %add3A_184 = arith.addi %mul3A_182, %add3A_183 : i32
        %get3A = arith.constant 0 : i32
        %get3A_185 = arith.index_cast %get3A : i32 to index
        %get3A_186 = arith.index_cast %add3A_184 : i32 to index
        %get3A_187 = arith.constant 0 : index
        %get3A_188 = tpu.vector_load %arg7[%get3A_185, %get3A_186, %get3A_187] {strides = array<i32>} : memref<2x128x64xbf16, #tpu.memory_space<vmem>>, vector<32xbf16>,
        %unpack3A = tpu.unpack_subelements %get3A_188, 0 {pack_format = #tpu.pack_format<interleaved>} : vector<32xbf16> -> vector<16xf32>
        %unpack3A_189 = tpu.unpack_subelements %get3A_188, 1 {pack_format = #tpu.pack_format<interleaved>} : vector<32xbf16> -> vector<16xf32>
        %swap3A = arith.index_cast %add3A_184 : i32 to index
        %swap3A_190 = arith.constant 0 : index
        %swap3A_191 = tpu.vector_load %arg8[%swap3A, %swap3A_190] {strides = array<i32>} : memref<128x64xf32, #tpu.memory_space<vmem>>, vector<16xf32>,
        tpu.vector_store %arg8[%swap3A, %swap3A_190], %unpack3A {strides = array<i32>} : memref<128x64xf32, #tpu.memory_space<vmem>>, vector<16xf32>,
        %swap3A_192 = arith.index_cast %add3A_184 : i32 to index
        %swap3A_193 = arith.constant 16 : index
        %swap3A_194 = tpu.vector_load %arg8[%swap3A_192, %swap3A_193] {strides = array<i32>} : memref<128x64xf32, #tpu.memory_space<vmem>>, vector<16xf32>,
        tpu.vector_store %arg8[%swap3A_192, %swap3A_193], %unpack3A_189 {strides = array<i32>} : memref<128x64xf32, #tpu.memory_space<vmem>>, vector<16xf32>,
        %get3A_195 = arith.constant 0 : i32
        %get3A_196 = arith.index_cast %get3A_195 : i32 to index
        %get3A_197 = arith.index_cast %add3A_184 : i32 to index
        %get3A_198 = arith.constant 32 : index
        %get3A_199 = tpu.vector_load %arg7[%get3A_196, %get3A_197, %get3A_198] {strides = array<i32>} : memref<2x128x64xbf16, #tpu.memory_space<vmem>>, vector<32xbf16>,
        %unpack3A_200 = tpu.unpack_subelements %get3A_199, 0 {pack_format = #tpu.pack_format<interleaved>} : vector<32xbf16> -> vector<16xf32>
        %unpack3A_201 = tpu.unpack_subelements %get3A_199, 1 {pack_format = #tpu.pack_format<interleaved>} : vector<32xbf16> -> vector<16xf32>
        %swap3A_202 = arith.index_cast %add3A_184 : i32 to index
        %swap3A_203 = arith.constant 32 : index
        %swap3A_204 = tpu.vector_load %arg8[%swap3A_202, %swap3A_203] {strides = array<i32>} : memref<128x64xf32, #tpu.memory_space<vmem>>, vector<16xf32>,
        tpu.vector_store %arg8[%swap3A_202, %swap3A_203], %unpack3A_200 {strides = array<i32>} : memref<128x64xf32, #tpu.memory_space<vmem>>, vector<16xf32>,
        %swap3A_205 = arith.index_cast %add3A_184 : i32 to index
        %swap3A_206 = arith.constant 48 : index
        %swap3A_207 = tpu.vector_load %arg8[%swap3A_205, %swap3A_206] {strides = array<i32>} : memref<128x64xf32, #tpu.memory_space<vmem>>, vector<16xf32>,
        tpu.vector_store %arg8[%swap3A_205, %swap3A_206], %unpack3A_201 {strides = array<i32>} : memref<128x64xf32, #tpu.memory_space<vmem>>, vector<16xf32>,
        %mul3A_208 = arith.constant 2 : i32
        %mul3A_209 = arith.muli %scan3A_179, %mul3A_208 : i32
        %add3A_210 = arith.constant 1 : i32
        %add3A_211 = arith.addi %mul3A_209, %add3A_210 : i32
        %get3A_212 = arith.constant 0 : i32
        %get3A_213 = arith.index_cast %get3A_212 : i32 to index
        %get3A_214 = arith.index_cast %add3A_211 : i32 to index
        %get3A_215 = arith.constant 0 : index
        %get3A_216 = tpu.vector_load %arg7[%get3A_213, %get3A_214, %get3A_215] {strides = array<i32>} : memref<2x128x64xbf16, #tpu.memory_space<vmem>>, vector<32xbf16>,
        %unpack3A_217 = tpu.unpack_subelements %get3A_216, 0 {pack_format = #tpu.pack_format<interleaved>} : vector<32xbf16> -> vector<16xf32>
        %unpack3A_218 = tpu.unpack_subelements %get3A_216, 1 {pack_format = #tpu.pack_format<interleaved>} : vector<32xbf16> -> vector<16xf32>
        %swap3A_219 = arith.index_cast %add3A_211 : i32 to index
        %swap3A_220 = arith.constant 0 : index
        %swap3A_221 = tpu.vector_load %arg8[%swap3A_219, %swap3A_220] {strides = array<i32>} : memref<128x64xf32, #tpu.memory_space<vmem>>, vector<16xf32>,
        tpu.vector_store %arg8[%swap3A_219, %swap3A_220], %unpack3A_217 {strides = array<i32>} : memref<128x64xf32, #tpu.memory_space<vmem>>, vector<16xf32>,
        %swap3A_222 = arith.index_cast %add3A_211 : i32 to index
        %swap3A_223 = arith.constant 16 : index
        %swap3A_224 = tpu.vector_load %arg8[%swap3A_222, %swap3A_223] {strides = array<i32>} : memref<128x64xf32, #tpu.memory_space<vmem>>, vector<16xf32>,
        tpu.vector_store %arg8[%swap3A_222, %swap3A_223], %unpack3A_218 {strides = array<i32>} : memref<128x64xf32, #tpu.memory_space<vmem>>, vector<16xf32>,
        %get3A_225 = arith.constant 0 : i32
        %get3A_226 = arith.index_cast %get3A_225 : i32 to index
        %get3A_227 = arith.index_cast %add3A_211 : i32 to index
        %get3A_228 = arith.constant 32 : index
        %get3A_229 = tpu.vector_load %arg7[%get3A_226, %get3A_227, %get3A_228] {strides = array<i32>} : memref<2x128x64xbf16, #tpu.memory_space<vmem>>, vector<32xbf16>,
        %unpack3A_230 = tpu.unpack_subelements %get3A_229, 0 {pack_format = #tpu.pack_format<interleaved>} : vector<32xbf16> -> vector<16xf32>
        %unpack3A_231 = tpu.unpack_subelements %get3A_229, 1 {pack_format = #tpu.pack_format<interleaved>} : vector<32xbf16> -> vector<16xf32>
        %swap3A_232 = arith.index_cast %add3A_211 : i32 to index
        %swap3A_233 = arith.constant 32 : index
        %swap3A_234 = tpu.vector_load %arg8[%swap3A_232, %swap3A_233] {strides = array<i32>} : memref<128x64xf32, #tpu.memory_space<vmem>>, vector<16xf32>,
        tpu.vector_store %arg8[%swap3A_232, %swap3A_233], %unpack3A_230 {strides = array<i32>} : memref<128x64xf32, #tpu.memory_space<vmem>>, vector<16xf32>,
        %swap3A_235 = arith.index_cast %add3A_211 : i32 to index
        %swap3A_236 = arith.constant 48 : index
        %swap3A_237 = tpu.vector_load %arg8[%swap3A_235, %swap3A_236] {strides = array<i32>} : memref<128x64xf32, #tpu.memory_space<vmem>>, vector<16xf32>,
        tpu.vector_store %arg8[%swap3A_235, %swap3A_236], %unpack3A_231 {strides = array<i32>} : memref<128x64xf32, #tpu.memory_space<vmem>>, vector<16xf32>,
        %scan3A_238 = arith.constant 0 : i32
        scf.yield %scan3A_238 : i32
      }
      %scan3A_132 = arith.constant 64 : i32
      "tpu.region"() ({
        %run_scoped3A_179 = tpu.sem_alloc : memref<!tpu.dma_semaphore, #tpu.memory_space<semaphore_mem>>
        %dma_start3A_180 = arith.constant 0 : i32
        %dma_start3A_181 = tpu.memref_slice %arg6[%add3A_91, %dma_start3A_180] : memref<88x128xi32, #tpu.memory_space<vmem>> -> memref<1x128xi32, #tpu.memory_space<vmem>>
        %dma_start3A_182 = tpu.memref_squeeze %dma_start3A_181 : memref<1x128xi32, #tpu.memory_space<vmem>> -> memref<128xi32, #tpu.memory_space<vmem>>
        %dma_start3A_183 = arith.constant 0 : i32
        %dma_start3A_184 = arith.constant 0 : i32
        %dma_start3A_185 = tpu.memref_slice %arg9[%dma_start3A_183, %dma_start3A_184] : memref<10240x64xf32, #tpu.memory_space<vmem_shared>> -> memref<10240x64xf32, #tpu.memory_space<vmem_shared>>
        tpu.enqueue_indirect_dma source(%arg8 : memref<128x64xf32, #tpu.memory_space<vmem>>) target(%dma_start3A_185 : memref<10240x64xf32, #tpu.memory_space<vmem_shared>>) offsets(%dma_start3A_182 : memref<128xi32, #tpu.memory_space<vmem>>) semaphore(%run_scoped3A_179 : memref<!tpu.dma_semaphore, #tpu.memory_space<semaphore_mem>>) {add = true}
        %dma_wait3A_186 = arith.constant 0 : i32
        %dma_wait3A_187 = tpu.memref_slice %arg6[%add3A_91, %dma_wait3A_186] : memref<88x128xi32, #tpu.memory_space<vmem>> -> memref<1x128xi32, #tpu.memory_space<vmem>>
        %dma_wait3A_188 = tpu.memref_squeeze %dma_wait3A_187 : memref<1x128xi32, #tpu.memory_space<vmem>> -> memref<128xi32, #tpu.memory_space<vmem>>
        %dma_wait3A_189 = arith.constant 0 : i32
        %dma_wait3A_190 = arith.constant 0 : i32
        %dma_wait3A_191 = tpu.memref_slice %arg9[%dma_wait3A_189, %dma_wait3A_190] : memref<10240x64xf32, #tpu.memory_space<vmem_shared>> -> memref<10240x64xf32, #tpu.memory_space<vmem_shared>>
        tpu.wait_indirect_dma semaphore(%run_scoped3A_179 : memref<!tpu.dma_semaphore, #tpu.memory_space<semaphore_mem>>) src(%arg8 : memref<128x64xf32, #tpu.memory_space<vmem>>) dst(%dma_wait3A_191 : memref<10240x64xf32, #tpu.memory_space<vmem_shared>>)
        tpu.yield
      }) : () -> ()
      %mul3A_133 = arith.constant 2 : i32
      %mul3A_134 = arith.muli %while3A_86, %mul3A_133 : i32
      %add3A_135 = arith.constant 1 : i32
      %add3A_136 = arith.addi %mul3A_134, %add3A_135 : i32
      %add3A_137 = arith.constant 1 : i32
      %add3A_138 = arith.addi %add3A_136, %add3A_137 : i32
      %dma_start3A_139 = arith.constant 0 : i32
      %dma_start3A_140 = arith.constant 0 : i32
      %dma_start3A_141 = arith.constant 0 : i32
      %dma_start3A_142 = arith.constant 0 : i32
      %dma_start3A_143 = tpu.memref_slice %arg7[%dma_start3A_139, %dma_start3A_141, %dma_start3A_142] : memref<2x128x64xbf16, #tpu.memory_space<vmem>> -> memref<1x128x64xbf16, #tpu.memory_space<vmem>>
      %dma_start3A_144 = tpu.memref_squeeze %dma_start3A_143 : memref<1x128x64xbf16, #tpu.memory_space<vmem>> -> memref<128x64xbf16, #tpu.memory_space<vmem>>
      %dma_start3A_145 = arith.constant 0 : i32
      %dma_start3A_146 = tpu.memref_slice %arg5[%add3A_138, %dma_start3A_145] : memref<89x128xi32, #tpu.memory_space<vmem>> -> memref<1x128xi32, #tpu.memory_space<vmem>>
      %dma_start3A_147 = tpu.memref_squeeze %dma_start3A_146 : memref<1x128xi32, #tpu.memory_space<vmem>> -> memref<128xi32, #tpu.memory_space<vmem>>
      %dma_start3A_148 = arith.constant 0 : i32
      %dma_start3A_149 = arith.constant 0 : i32
      %dma_start3A_150 = tpu.memref_slice %arg3[%dma_start3A_148, %dma_start3A_149] : memref<10000x64xbf16, #tpu.memory_space<hbm>> -> memref<10000x64xbf16, #tpu.memory_space<hbm>>
      %dma_start3A_151 = tpu.memref_slice %arg10[%dma_start3A_140] : memref<2x!tpu.dma_semaphore, #tpu.memory_space<semaphore_mem>> -> memref<1x!tpu.dma_semaphore, #tpu.memory_space<semaphore_mem>>
      %dma_start3A_152 = tpu.memref_squeeze %dma_start3A_151 : memref<1x!tpu.dma_semaphore, #tpu.memory_space<semaphore_mem>> -> memref<!tpu.dma_semaphore, #tpu.memory_space<semaphore_mem>>
      tpu.enqueue_indirect_dma source(%dma_start3A_150 : memref<10000x64xbf16, #tpu.memory_space<hbm>>) target(%dma_start3A_144 : memref<128x64xbf16, #tpu.memory_space<vmem>>) offsets(%dma_start3A_147 : memref<128xi32, #tpu.memory_space<vmem>>) semaphore(%dma_start3A_152 : memref<!tpu.dma_semaphore, #tpu.memory_space<semaphore_mem>>)
      %dma_wait3A_153 = arith.constant 1 : i32
      %dma_wait3A_154 = arith.constant 1 : i32
      %dma_wait3A_155 = arith.constant 0 : i32
      %dma_wait3A_156 = arith.constant 0 : i32
      %dma_wait3A_157 = tpu.memref_slice %arg7[%dma_wait3A_153, %dma_wait3A_155, %dma_wait3A_156] : memref<2x128x64xbf16, #tpu.memory_space<vmem>> -> memref<1x128x64xbf16, #tpu.memory_space<vmem>>
      %dma_wait3A_158 = tpu.memref_squeeze %dma_wait3A_157 : memref<1x128x64xbf16, #tpu.memory_space<vmem>> -> memref<128x64xbf16, #tpu.memory_space<vmem>>
      %dma_wait3A_159 = arith.constant 0 : i32
      %dma_wait3A_160 = arith.constant 0 : i32
      %dma_wait3A_161 = tpu.memref_slice %arg3[%dma_wait3A_159, %dma_wait3A_160] : memref<10000x64xbf16, #tpu.memory_space<hbm>> -> memref<128x64xbf16, #tpu.memory_space<hbm>>
      %dma_wait3A_162 = tpu.memref_slice %arg10[%dma_wait3A_154] : memref<2x!tpu.dma_semaphore, #tpu.memory_space<semaphore_mem>> -> memref<1x!tpu.dma_semaphore, #tpu.memory_space<semaphore_mem>>
      %dma_wait3A_163 = tpu.memref_squeeze %dma_wait3A_162 : memref<1x!tpu.dma_semaphore, #tpu.memory_space<semaphore_mem>> -> memref<!tpu.dma_semaphore, #tpu.memory_space<semaphore_mem>>
      %dma_wait3A_164 = arith.constant 0 : i32
      %dma_wait3A_165 = arith.constant 0 : i32
      %dma_wait3A_166 = tpu.memref_slice %arg7[%dma_wait3A_153, %dma_wait3A_164, %dma_wait3A_165] : memref<2x128x64xbf16, #tpu.memory_space<vmem>> -> memref<1x128x64xbf16, #tpu.memory_space<vmem>>
      %dma_wait3A_167 = tpu.memref_squeeze %dma_wait3A_166 : memref<1x128x64xbf16, #tpu.memory_space<vmem>> -> memref<128x64xbf16, #tpu.memory_space<vmem>>
      %dma_wait3A_168 = arith.constant 0 : i32
      %dma_wait3A_169 = arith.constant 0 : i32
      %dma_wait3A_170 = tpu.memref_slice %arg3[%dma_wait3A_168, %dma_wait3A_169] : memref<10000x64xbf16, #tpu.memory_space<hbm>> -> memref<128x64xbf16, #tpu.memory_space<hbm>>
      tpu.wait_dma2 semaphore(%dma_wait3A_163 : memref<!tpu.dma_semaphore, #tpu.memory_space<semaphore_mem>>) src(%dma_wait3A_170 : memref<128x64xbf16, #tpu.memory_space<hbm>>) dst(%dma_wait3A_167 : memref<128x64xbf16, #tpu.memory_space<vmem>>)
      %scan3A_171 = arith.constant 0 : i32
      %scan3A_172 = arith.constant 0 : i32
      %scan3A_173 = arith.constant 64 : i32
      %scan3A_174 = arith.addi %scan3A_172, %scan3A_173 : i32
      %scan3A_175 = arith.constant 1 : i32
      %scan3A_176 = scf.for %scan3A_179 = %scan3A_172 to %scan3A_174 step %scan3A_175 iter_args(%scan3A_180 = %scan3A_171) -> (i32)  : i32 {
        %mul3A_181 = arith.constant 2 : i32
        %mul3A_182 = arith.muli %scan3A_179, %mul3A_181 : i32
        %add3A_183 = arith.constant 0 : i32
        %add3A_184 = arith.addi %mul3A_182, %add3A_183 : i32
        %get3A = arith.constant 1 : i32
        %get3A_185 = arith.index_cast %get3A : i32 to index
        %get3A_186 = arith.index_cast %add3A_184 : i32 to index
        %get3A_187 = arith.constant 0 : index
        %get3A_188 = tpu.vector_load %arg7[%get3A_185, %get3A_186, %get3A_187] {strides = array<i32>} : memref<2x128x64xbf16, #tpu.memory_space<vmem>>, vector<32xbf16>,
        %unpack3A = tpu.unpack_subelements %get3A_188, 0 {pack_format = #tpu.pack_format<interleaved>} : vector<32xbf16> -> vector<16xf32>
        %unpack3A_189 = tpu.unpack_subelements %get3A_188, 1 {pack_format = #tpu.pack_format<interleaved>} : vector<32xbf16> -> vector<16xf32>
        %swap3A = arith.index_cast %add3A_184 : i32 to index
        %swap3A_190 = arith.constant 0 : index
        %swap3A_191 = tpu.vector_load %arg8[%swap3A, %swap3A_190] {strides = array<i32>} : memref<128x64xf32, #tpu.memory_space<vmem>>, vector<16xf32>,
        tpu.vector_store %arg8[%swap3A, %swap3A_190], %unpack3A {strides = array<i32>} : memref<128x64xf32, #tpu.memory_space<vmem>>, vector<16xf32>,
        %swap3A_192 = arith.index_cast %add3A_184 : i32 to index
        %swap3A_193 = arith.constant 16 : index
        %swap3A_194 = tpu.vector_load %arg8[%swap3A_192, %swap3A_193] {strides = array<i32>} : memref<128x64xf32, #tpu.memory_space<vmem>>, vector<16xf32>,
        tpu.vector_store %arg8[%swap3A_192, %swap3A_193], %unpack3A_189 {strides = array<i32>} : memref<128x64xf32, #tpu.memory_space<vmem>>, vector<16xf32>,
        %get3A_195 = arith.constant 1 : i32
        %get3A_196 = arith.index_cast %get3A_195 : i32 to index
        %get3A_197 = arith.index_cast %add3A_184 : i32 to index
        %get3A_198 = arith.constant 32 : index
        %get3A_199 = tpu.vector_load %arg7[%get3A_196, %get3A_197, %get3A_198] {strides = array<i32>} : memref<2x128x64xbf16, #tpu.memory_space<vmem>>, vector<32xbf16>,
        %unpack3A_200 = tpu.unpack_subelements %get3A_199, 0 {pack_format = #tpu.pack_format<interleaved>} : vector<32xbf16> -> vector<16xf32>
        %unpack3A_201 = tpu.unpack_subelements %get3A_199, 1 {pack_format = #tpu.pack_format<interleaved>} : vector<32xbf16> -> vector<16xf32>
        %swap3A_202 = arith.index_cast %add3A_184 : i32 to index
        %swap3A_203 = arith.constant 32 : index
        %swap3A_204 = tpu.vector_load %arg8[%swap3A_202, %swap3A_203] {strides = array<i32>} : memref<128x64xf32, #tpu.memory_space<vmem>>, vector<16xf32>,
        tpu.vector_store %arg8[%swap3A_202, %swap3A_203], %unpack3A_200 {strides = array<i32>} : memref<128x64xf32, #tpu.memory_space<vmem>>, vector<16xf32>,
        %swap3A_205 = arith.index_cast %add3A_184 : i32 to index
        %swap3A_206 = arith.constant 48 : index
        %swap3A_207 = tpu.vector_load %arg8[%swap3A_205, %swap3A_206] {strides = array<i32>} : memref<128x64xf32, #tpu.memory_space<vmem>>, vector<16xf32>,
        tpu.vector_store %arg8[%swap3A_205, %swap3A_206], %unpack3A_201 {strides = array<i32>} : memref<128x64xf32, #tpu.memory_space<vmem>>, vector<16xf32>,
        %mul3A_208 = arith.constant 2 : i32
        %mul3A_209 = arith.muli %scan3A_179, %mul3A_208 : i32
        %add3A_210 = arith.constant 1 : i32
        %add3A_211 = arith.addi %mul3A_209, %add3A_210 : i32
        %get3A_212 = arith.constant 1 : i32
        %get3A_213 = arith.index_cast %get3A_212 : i32 to index
        %get3A_214 = arith.index_cast %add3A_211 : i32 to index
        %get3A_215 = arith.constant 0 : index
        %get3A_216 = tpu.vector_load %arg7[%get3A_213, %get3A_214, %get3A_215] {strides = array<i32>} : memref<2x128x64xbf16, #tpu.memory_space<vmem>>, vector<32xbf16>,
        %unpack3A_217 = tpu.unpack_subelements %get3A_216, 0 {pack_format = #tpu.pack_format<interleaved>} : vector<32xbf16> -> vector<16xf32>
        %unpack3A_218 = tpu.unpack_subelements %get3A_216, 1 {pack_format = #tpu.pack_format<interleaved>} : vector<32xbf16> -> vector<16xf32>
        %swap3A_219 = arith.index_cast %add3A_211 : i32 to index
        %swap3A_220 = arith.constant 0 : index
        %swap3A_221 = tpu.vector_load %arg8[%swap3A_219, %swap3A_220] {strides = array<i32>} : memref<128x64xf32, #tpu.memory_space<vmem>>, vector<16xf32>,
        tpu.vector_store %arg8[%swap3A_219, %swap3A_220], %unpack3A_217 {strides = array<i32>} : memref<128x64xf32, #tpu.memory_space<vmem>>, vector<16xf32>,
        %swap3A_222 = arith.index_cast %add3A_211 : i32 to index
        %swap3A_223 = arith.constant 16 : index
        %swap3A_224 = tpu.vector_load %arg8[%swap3A_222, %swap3A_223] {strides = array<i32>} : memref<128x64xf32, #tpu.memory_space<vmem>>, vector<16xf32>,
        tpu.vector_store %arg8[%swap3A_222, %swap3A_223], %unpack3A_218 {strides = array<i32>} : memref<128x64xf32, #tpu.memory_space<vmem>>, vector<16xf32>,
        %get3A_225 = arith.constant 1 : i32
        %get3A_226 = arith.index_cast %get3A_225 : i32 to index
        %get3A_227 = arith.index_cast %add3A_211 : i32 to index
        %get3A_228 = arith.constant 32 : index
        %get3A_229 = tpu.vector_load %arg7[%get3A_226, %get3A_227, %get3A_228] {strides = array<i32>} : memref<2x128x64xbf16, #tpu.memory_space<vmem>>, vector<32xbf16>,
        %unpack3A_230 = tpu.unpack_subelements %get3A_229, 0 {pack_format = #tpu.pack_format<interleaved>} : vector<32xbf16> -> vector<16xf32>
        %unpack3A_231 = tpu.unpack_subelements %get3A_229, 1 {pack_format = #tpu.pack_format<interleaved>} : vector<32xbf16> -> vector<16xf32>
        %swap3A_232 = arith.index_cast %add3A_211 : i32 to index
        %swap3A_233 = arith.constant 32 : index
        %swap3A_234 = tpu.vector_load %arg8[%swap3A_232, %swap3A_233] {strides = array<i32>} : memref<128x64xf32, #tpu.memory_space<vmem>>, vector<16xf32>,
        tpu.vector_store %arg8[%swap3A_232, %swap3A_233], %unpack3A_230 {strides = array<i32>} : memref<128x64xf32, #tpu.memory_space<vmem>>, vector<16xf32>,
        %swap3A_235 = arith.index_cast %add3A_211 : i32 to index
        %swap3A_236 = arith.constant 48 : index
        %swap3A_237 = tpu.vector_load %arg8[%swap3A_235, %swap3A_236] {strides = array<i32>} : memref<128x64xf32, #tpu.memory_space<vmem>>, vector<16xf32>,
        tpu.vector_store %arg8[%swap3A_235, %swap3A_236], %unpack3A_231 {strides = array<i32>} : memref<128x64xf32, #tpu.memory_space<vmem>>, vector<16xf32>,
        %scan3A_238 = arith.constant 0 : i32
        scf.yield %scan3A_238 : i32
      }
      %scan3A_177 = arith.constant 64 : i32
      "tpu.region"() ({
        %run_scoped3A_179 = tpu.sem_alloc : memref<!tpu.dma_semaphore, #tpu.memory_space<semaphore_mem>>
        %dma_start3A_180 = arith.constant 0 : i32
        %dma_start3A_181 = tpu.memref_slice %arg6[%add3A_136, %dma_start3A_180] : memref<88x128xi32, #tpu.memory_space<vmem>> -> memref<1x128xi32, #tpu.memory_space<vmem>>
        %dma_start3A_182 = tpu.memref_squeeze %dma_start3A_181 : memref<1x128xi32, #tpu.memory_space<vmem>> -> memref<128xi32, #tpu.memory_space<vmem>>
        %dma_start3A_183 = arith.constant 0 : i32
        %dma_start3A_184 = arith.constant 0 : i32
        %dma_start3A_185 = tpu.memref_slice %arg9[%dma_start3A_183, %dma_start3A_184] : memref<10240x64xf32, #tpu.memory_space<vmem_shared>> -> memref<10240x64xf32, #tpu.memory_space<vmem_shared>>
        tpu.enqueue_indirect_dma source(%arg8 : memref<128x64xf32, #tpu.memory_space<vmem>>) target(%dma_start3A_185 : memref<10240x64xf32, #tpu.memory_space<vmem_shared>>) offsets(%dma_start3A_182 : memref<128xi32, #tpu.memory_space<vmem>>) semaphore(%run_scoped3A_179 : memref<!tpu.dma_semaphore, #tpu.memory_space<semaphore_mem>>) {add = true}
        %dma_wait3A_186 = arith.constant 0 : i32
        %dma_wait3A_187 = tpu.memref_slice %arg6[%add3A_136, %dma_wait3A_186] : memref<88x128xi32, #tpu.memory_space<vmem>> -> memref<1x128xi32, #tpu.memory_space<vmem>>
        %dma_wait3A_188 = tpu.memref_squeeze %dma_wait3A_187 : memref<1x128xi32, #tpu.memory_space<vmem>> -> memref<128xi32, #tpu.memory_space<vmem>>
        %dma_wait3A_189 = arith.constant 0 : i32
        %dma_wait3A_190 = arith.constant 0 : i32
        %dma_wait3A_191 = tpu.memref_slice %arg9[%dma_wait3A_189, %dma_wait3A_190] : memref<10240x64xf32, #tpu.memory_space<vmem_shared>> -> memref<10240x64xf32, #tpu.memory_space<vmem_shared>>
        tpu.wait_indirect_dma semaphore(%run_scoped3A_179 : memref<!tpu.dma_semaphore, #tpu.memory_space<semaphore_mem>>) src(%arg8 : memref<128x64xf32, #tpu.memory_space<vmem>>) dst(%dma_wait3A_191 : memref<10240x64xf32, #tpu.memory_space<vmem_shared>>)
        tpu.yield
      }) : () -> ()
      %while3A_178 = arith.constant 0 : i32
      scf.yield %while3A_178 : i32
    }
    %while3A_59 = arith.constant 1 : i32
    %while3A_60 = scf.for %while3A_86 = %while3A_56 to %while3A_52 step %while3A_59 iter_args(%while3A_87 = %while3A_58) -> (i32)  : i32 {
      %mul3A_88 = arith.constant 2 : i32
      %mul3A_89 = arith.muli %while3A_86, %mul3A_88 : i32
      %add3A_90 = arith.constant 0 : i32
      %add3A_91 = arith.addi %mul3A_89, %add3A_90 : i32
      %add3A_92 = arith.constant 1 : i32
      %add3A_93 = arith.addi %add3A_91, %add3A_92 : i32
      %dma_start3A_94 = arith.constant 1 : i32
      %dma_start3A_95 = arith.constant 1 : i32
      %dma_start3A_96 = arith.constant 0 : i32
      %dma_start3A_97 = arith.constant 0 : i32
      %dma_start3A_98 = tpu.memref_slice %arg7[%dma_start3A_94, %dma_start3A_96, %dma_start3A_97] : memref<2x128x64xbf16, #tpu.memory_space<vmem>> -> memref<1x128x64xbf16, #tpu.memory_space<vmem>>
      %dma_start3A_99 = tpu.memref_squeeze %dma_start3A_98 : memref<1x128x64xbf16, #tpu.memory_space<vmem>> -> memref<128x64xbf16, #tpu.memory_space<vmem>>
      %dma_start3A_100 = arith.constant 0 : i32
      %dma_start3A_101 = tpu.memref_slice %arg5[%add3A_93, %dma_start3A_100] : memref<89x128xi32, #tpu.memory_space<vmem>> -> memref<1x128xi32, #tpu.memory_space<vmem>>
      %dma_start3A_102 = tpu.memref_squeeze %dma_start3A_101 : memref<1x128xi32, #tpu.memory_space<vmem>> -> memref<128xi32, #tpu.memory_space<vmem>>
      %dma_start3A_103 = arith.constant 0 : i32
      %dma_start3A_104 = arith.constant 0 : i32
      %dma_start3A_105 = tpu.memref_slice %arg3[%dma_start3A_103, %dma_start3A_104] : memref<10000x64xbf16, #tpu.memory_space<hbm>> -> memref<10000x64xbf16, #tpu.memory_space<hbm>>
      %dma_start3A_106 = tpu.memref_slice %arg10[%dma_start3A_95] : memref<2x!tpu.dma_semaphore, #tpu.memory_space<semaphore_mem>> -> memref<1x!tpu.dma_semaphore, #tpu.memory_space<semaphore_mem>>
      %dma_start3A_107 = tpu.memref_squeeze %dma_start3A_106 : memref<1x!tpu.dma_semaphore, #tpu.memory_space<semaphore_mem>> -> memref<!tpu.dma_semaphore, #tpu.memory_space<semaphore_mem>>
      tpu.enqueue_indirect_dma source(%dma_start3A_105 : memref<10000x64xbf16, #tpu.memory_space<hbm>>) target(%dma_start3A_99 : memref<128x64xbf16, #tpu.memory_space<vmem>>) offsets(%dma_start3A_102 : memref<128xi32, #tpu.memory_space<vmem>>) semaphore(%dma_start3A_107 : memref<!tpu.dma_semaphore, #tpu.memory_space<semaphore_mem>>)
      %dma_wait3A_108 = arith.constant 0 : i32
      %dma_wait3A_109 = arith.constant 0 : i32
      %dma_wait3A_110 = arith.constant 0 : i32
      %dma_wait3A_111 = arith.constant 0 : i32
      %dma_wait3A_112 = tpu.memref_slice %arg7[%dma_wait3A_108, %dma_wait3A_110, %dma_wait3A_111] : memref<2x128x64xbf16, #tpu.memory_space<vmem>> -> memref<1x128x64xbf16, #tpu.memory_space<vmem>>
      %dma_wait3A_113 = tpu.memref_squeeze %dma_wait3A_112 : memref<1x128x64xbf16, #tpu.memory_space<vmem>> -> memref<128x64xbf16, #tpu.memory_space<vmem>>
      %dma_wait3A_114 = arith.constant 0 : i32
      %dma_wait3A_115 = arith.constant 0 : i32
      %dma_wait3A_116 = tpu.memref_slice %arg3[%dma_wait3A_114, %dma_wait3A_115] : memref<10000x64xbf16, #tpu.memory_space<hbm>> -> memref<128x64xbf16, #tpu.memory_space<hbm>>
      %dma_wait3A_117 = tpu.memref_slice %arg10[%dma_wait3A_109] : memref<2x!tpu.dma_semaphore, #tpu.memory_space<semaphore_mem>> -> memref<1x!tpu.dma_semaphore, #tpu.memory_space<semaphore_mem>>
      %dma_wait3A_118 = tpu.memref_squeeze %dma_wait3A_117 : memref<1x!tpu.dma_semaphore, #tpu.memory_space<semaphore_mem>> -> memref<!tpu.dma_semaphore, #tpu.memory_space<semaphore_mem>>
      %dma_wait3A_119 = arith.constant 0 : i32
      %dma_wait3A_120 = arith.constant 0 : i32
      %dma_wait3A_121 = tpu.memref_slice %arg7[%dma_wait3A_108, %dma_wait3A_119, %dma_wait3A_120] : memref<2x128x64xbf16, #tpu.memory_space<vmem>> -> memref<1x128x64xbf16, #tpu.memory_space<vmem>>
      %dma_wait3A_122 = tpu.memref_squeeze %dma_wait3A_121 : memref<1x128x64xbf16, #tpu.memory_space<vmem>> -> memref<128x64xbf16, #tpu.memory_space<vmem>>
      %dma_wait3A_123 = arith.constant 0 : i32
      %dma_wait3A_124 = arith.constant 0 : i32
      %dma_wait3A_125 = tpu.memref_slice %arg3[%dma_wait3A_123, %dma_wait3A_124] : memref<10000x64xbf16, #tpu.memory_space<hbm>> -> memref<128x64xbf16, #tpu.memory_space<hbm>>
      tpu.wait_dma2 semaphore(%dma_wait3A_118 : memref<!tpu.dma_semaphore, #tpu.memory_space<semaphore_mem>>) src(%dma_wait3A_125 : memref<128x64xbf16, #tpu.memory_space<hbm>>) dst(%dma_wait3A_122 : memref<128x64xbf16, #tpu.memory_space<vmem>>)
      %scan3A_126 = arith.constant 0 : i32
      %scan3A_127 = arith.constant 0 : i32
      %scan3A_128 = arith.constant 64 : i32
      %scan3A_129 = arith.addi %scan3A_127, %scan3A_128 : i32
      %scan3A_130 = arith.constant 1 : i32
      %scan3A_131 = scf.for %scan3A_179 = %scan3A_127 to %scan3A_129 step %scan3A_130 iter_args(%scan3A_180 = %scan3A_126) -> (i32)  : i32 {
        %mul3A_181 = arith.constant 2 : i32
        %mul3A_182 = arith.muli %scan3A_179, %mul3A_181 : i32
        %add3A_183 = arith.constant 0 : i32
        %add3A_184 = arith.addi %mul3A_182, %add3A_183 : i32
        %get3A = arith.constant 0 : i32
        %get3A_185 = arith.index_cast %get3A : i32 to index
        %get3A_186 = arith.index_cast %add3A_184 : i32 to index
        %get3A_187 = arith.constant 0 : index
        %get3A_188 = tpu.vector_load %arg7[%get3A_185, %get3A_186, %get3A_187] {strides = array<i32>} : memref<2x128x64xbf16, #tpu.memory_space<vmem>>, vector<32xbf16>,
        %unpack3A = tpu.unpack_subelements %get3A_188, 0 {pack_format = #tpu.pack_format<interleaved>} : vector<32xbf16> -> vector<16xf32>
        %unpack3A_189 = tpu.unpack_subelements %get3A_188, 1 {pack_format = #tpu.pack_format<interleaved>} : vector<32xbf16> -> vector<16xf32>
        %swap3A = arith.index_cast %add3A_184 : i32 to index
        %swap3A_190 = arith.constant 0 : index
        %swap3A_191 = tpu.vector_load %arg8[%swap3A, %swap3A_190] {strides = array<i32>} : memref<128x64xf32, #tpu.memory_space<vmem>>, vector<16xf32>,
        tpu.vector_store %arg8[%swap3A, %swap3A_190], %unpack3A {strides = array<i32>} : memref<128x64xf32, #tpu.memory_space<vmem>>, vector<16xf32>,
        %swap3A_192 = arith.index_cast %add3A_184 : i32 to index
        %swap3A_193 = arith.constant 16 : index
        %swap3A_194 = tpu.vector_load %arg8[%swap3A_192, %swap3A_193] {strides = array<i32>} : memref<128x64xf32, #tpu.memory_space<vmem>>, vector<16xf32>,
        tpu.vector_store %arg8[%swap3A_192, %swap3A_193], %unpack3A_189 {strides = array<i32>} : memref<128x64xf32, #tpu.memory_space<vmem>>, vector<16xf32>,
        %get3A_195 = arith.constant 0 : i32
        %get3A_196 = arith.index_cast %get3A_195 : i32 to index
        %get3A_197 = arith.index_cast %add3A_184 : i32 to index
        %get3A_198 = arith.constant 32 : index
        %get3A_199 = tpu.vector_load %arg7[%get3A_196, %get3A_197, %get3A_198] {strides = array<i32>} : memref<2x128x64xbf16, #tpu.memory_space<vmem>>, vector<32xbf16>,
        %unpack3A_200 = tpu.unpack_subelements %get3A_199, 0 {pack_format = #tpu.pack_format<interleaved>} : vector<32xbf16> -> vector<16xf32>
        %unpack3A_201 = tpu.unpack_subelements %get3A_199, 1 {pack_format = #tpu.pack_format<interleaved>} : vector<32xbf16> -> vector<16xf32>
        %swap3A_202 = arith.index_cast %add3A_184 : i32 to index
        %swap3A_203 = arith.constant 32 : index
        %swap3A_204 = tpu.vector_load %arg8[%swap3A_202, %swap3A_203] {strides = array<i32>} : memref<128x64xf32, #tpu.memory_space<vmem>>, vector<16xf32>,
        tpu.vector_store %arg8[%swap3A_202, %swap3A_203], %unpack3A_200 {strides = array<i32>} : memref<128x64xf32, #tpu.memory_space<vmem>>, vector<16xf32>,
        %swap3A_205 = arith.index_cast %add3A_184 : i32 to index
        %swap3A_206 = arith.constant 48 : index
        %swap3A_207 = tpu.vector_load %arg8[%swap3A_205, %swap3A_206] {strides = array<i32>} : memref<128x64xf32, #tpu.memory_space<vmem>>, vector<16xf32>,
        tpu.vector_store %arg8[%swap3A_205, %swap3A_206], %unpack3A_201 {strides = array<i32>} : memref<128x64xf32, #tpu.memory_space<vmem>>, vector<16xf32>,
        %mul3A_208 = arith.constant 2 : i32
        %mul3A_209 = arith.muli %scan3A_179, %mul3A_208 : i32
        %add3A_210 = arith.constant 1 : i32
        %add3A_211 = arith.addi %mul3A_209, %add3A_210 : i32
        %get3A_212 = arith.constant 0 : i32
        %get3A_213 = arith.index_cast %get3A_212 : i32 to index
        %get3A_214 = arith.index_cast %add3A_211 : i32 to index
        %get3A_215 = arith.constant 0 : index
        %get3A_216 = tpu.vector_load %arg7[%get3A_213, %get3A_214, %get3A_215] {strides = array<i32>} : memref<2x128x64xbf16, #tpu.memory_space<vmem>>, vector<32xbf16>,
        %unpack3A_217 = tpu.unpack_subelements %get3A_216, 0 {pack_format = #tpu.pack_format<interleaved>} : vector<32xbf16> -> vector<16xf32>
        %unpack3A_218 = tpu.unpack_subelements %get3A_216, 1 {pack_format = #tpu.pack_format<interleaved>} : vector<32xbf16> -> vector<16xf32>
        %swap3A_219 = arith.index_cast %add3A_211 : i32 to index
        %swap3A_220 = arith.constant 0 : index
        %swap3A_221 = tpu.vector_load %arg8[%swap3A_219, %swap3A_220] {strides = array<i32>} : memref<128x64xf32, #tpu.memory_space<vmem>>, vector<16xf32>,
        tpu.vector_store %arg8[%swap3A_219, %swap3A_220], %unpack3A_217 {strides = array<i32>} : memref<128x64xf32, #tpu.memory_space<vmem>>, vector<16xf32>,
        %swap3A_222 = arith.index_cast %add3A_211 : i32 to index
        %swap3A_223 = arith.constant 16 : index
        %swap3A_224 = tpu.vector_load %arg8[%swap3A_222, %swap3A_223] {strides = array<i32>} : memref<128x64xf32, #tpu.memory_space<vmem>>, vector<16xf32>,
        tpu.vector_store %arg8[%swap3A_222, %swap3A_223], %unpack3A_218 {strides = array<i32>} : memref<128x64xf32, #tpu.memory_space<vmem>>, vector<16xf32>,
        %get3A_225 = arith.constant 0 : i32
        %get3A_226 = arith.index_cast %get3A_225 : i32 to index
        %get3A_227 = arith.index_cast %add3A_211 : i32 to index
        %get3A_228 = arith.constant 32 : index
        %get3A_229 = tpu.vector_load %arg7[%get3A_226, %get3A_227, %get3A_228] {strides = array<i32>} : memref<2x128x64xbf16, #tpu.memory_space<vmem>>, vector<32xbf16>,
        %unpack3A_230 = tpu.unpack_subelements %get3A_229, 0 {pack_format = #tpu.pack_format<interleaved>} : vector<32xbf16> -> vector<16xf32>
        %unpack3A_231 = tpu.unpack_subelements %get3A_229, 1 {pack_format = #tpu.pack_format<interleaved>} : vector<32xbf16> -> vector<16xf32>
        %swap3A_232 = arith.index_cast %add3A_211 : i32 to index
        %swap3A_233 = arith.constant 32 : index
        %swap3A_234 = tpu.vector_load %arg8[%swap3A_232, %swap3A_233] {strides = array<i32>} : memref<128x64xf32, #tpu.memory_space<vmem>>, vector<16xf32>,
        tpu.vector_store %arg8[%swap3A_232, %swap3A_233], %unpack3A_230 {strides = array<i32>} : memref<128x64xf32, #tpu.memory_space<vmem>>, vector<16xf32>,
        %swap3A_235 = arith.index_cast %add3A_211 : i32 to index
        %swap3A_236 = arith.constant 48 : index
        %swap3A_237 = tpu.vector_load %arg8[%swap3A_235, %swap3A_236] {strides = array<i32>} : memref<128x64xf32, #tpu.memory_space<vmem>>, vector<16xf32>,
        tpu.vector_store %arg8[%swap3A_235, %swap3A_236], %unpack3A_231 {strides = array<i32>} : memref<128x64xf32, #tpu.memory_space<vmem>>, vector<16xf32>,
        %scan3A_238 = arith.constant 0 : i32
        scf.yield %scan3A_238 : i32
      }
      %scan3A_132 = arith.constant 64 : i32
      "tpu.region"() ({
        %run_scoped3A_179 = tpu.sem_alloc : memref<!tpu.dma_semaphore, #tpu.memory_space<semaphore_mem>>
        %dma_start3A_180 = arith.constant 0 : i32
        %dma_start3A_181 = tpu.memref_slice %arg6[%add3A_91, %dma_start3A_180] : memref<88x128xi32, #tpu.memory_space<vmem>> -> memref<1x128xi32, #tpu.memory_space<vmem>>
        %dma_start3A_182 = tpu.memref_squeeze %dma_start3A_181 : memref<1x128xi32, #tpu.memory_space<vmem>> -> memref<128xi32, #tpu.memory_space<vmem>>
        %dma_start3A_183 = arith.constant 0 : i32
        %dma_start3A_184 = arith.constant 0 : i32
        %dma_start3A_185 = tpu.memref_slice %arg9[%dma_start3A_183, %dma_start3A_184] : memref<10240x64xf32, #tpu.memory_space<vmem_shared>> -> memref<10240x64xf32, #tpu.memory_space<vmem_shared>>
        tpu.enqueue_indirect_dma source(%arg8 : memref<128x64xf32, #tpu.memory_space<vmem>>) target(%dma_start3A_185 : memref<10240x64xf32, #tpu.memory_space<vmem_shared>>) offsets(%dma_start3A_182 : memref<128xi32, #tpu.memory_space<vmem>>) semaphore(%run_scoped3A_179 : memref<!tpu.dma_semaphore, #tpu.memory_space<semaphore_mem>>) {add = true}
        %dma_wait3A_186 = arith.constant 0 : i32
        %dma_wait3A_187 = tpu.memref_slice %arg6[%add3A_91, %dma_wait3A_186] : memref<88x128xi32, #tpu.memory_space<vmem>> -> memref<1x128xi32, #tpu.memory_space<vmem>>
        %dma_wait3A_188 = tpu.memref_squeeze %dma_wait3A_187 : memref<1x128xi32, #tpu.memory_space<vmem>> -> memref<128xi32, #tpu.memory_space<vmem>>
        %dma_wait3A_189 = arith.constant 0 : i32
        %dma_wait3A_190 = arith.constant 0 : i32
        %dma_wait3A_191 = tpu.memref_slice %arg9[%dma_wait3A_189, %dma_wait3A_190] : memref<10240x64xf32, #tpu.memory_space<vmem_shared>> -> memref<10240x64xf32, #tpu.memory_space<vmem_shared>>
        tpu.wait_indirect_dma semaphore(%run_scoped3A_179 : memref<!tpu.dma_semaphore, #tpu.memory_space<semaphore_mem>>) src(%arg8 : memref<128x64xf32, #tpu.memory_space<vmem>>) dst(%dma_wait3A_191 : memref<10240x64xf32, #tpu.memory_space<vmem_shared>>)
        tpu.yield
      }) : () -> ()
      %mul3A_133 = arith.constant 2 : i32
      %mul3A_134 = arith.muli %while3A_86, %mul3A_133 : i32
      %add3A_135 = arith.constant 1 : i32
      %add3A_136 = arith.addi %mul3A_134, %add3A_135 : i32
      %add3A_137 = arith.constant 1 : i32
      %add3A_138 = arith.addi %add3A_136, %add3A_137 : i32
      %dma_start3A_139 = arith.constant 0 : i32
      %dma_start3A_140 = arith.constant 0 : i32
      %dma_start3A_141 = arith.constant 0 : i32
      %dma_start3A_142 = arith.constant 0 : i32
      %dma_start3A_143 = tpu.memref_slice %arg7[%dma_start3A_139, %dma_start3A_141, %dma_start3A_142] : memref<2x128x64xbf16, #tpu.memory_space<vmem>> -> memref<1x128x64xbf16, #tpu.memory_space<vmem>>
      %dma_start3A_144 = tpu.memref_squeeze %dma_start3A_143 : memref<1x128x64xbf16, #tpu.memory_space<vmem>> -> memref<128x64xbf16, #tpu.memory_space<vmem>>
      %dma_start3A_145 = arith.constant 0 : i32
      %dma_start3A_146 = tpu.memref_slice %arg5[%add3A_138, %dma_start3A_145] : memref<89x128xi32, #tpu.memory_space<vmem>> -> memref<1x128xi32, #tpu.memory_space<vmem>>
      %dma_start3A_147 = tpu.memref_squeeze %dma_start3A_146 : memref<1x128xi32, #tpu.memory_space<vmem>> -> memref<128xi32, #tpu.memory_space<vmem>>
      %dma_start3A_148 = arith.constant 0 : i32
      %dma_start3A_149 = arith.constant 0 : i32
      %dma_start3A_150 = tpu.memref_slice %arg3[%dma_start3A_148, %dma_start3A_149] : memref<10000x64xbf16, #tpu.memory_space<hbm>> -> memref<10000x64xbf16, #tpu.memory_space<hbm>>
      %dma_start3A_151 = tpu.memref_slice %arg10[%dma_start3A_140] : memref<2x!tpu.dma_semaphore, #tpu.memory_space<semaphore_mem>> -> memref<1x!tpu.dma_semaphore, #tpu.memory_space<semaphore_mem>>
      %dma_start3A_152 = tpu.memref_squeeze %dma_start3A_151 : memref<1x!tpu.dma_semaphore, #tpu.memory_space<semaphore_mem>> -> memref<!tpu.dma_semaphore, #tpu.memory_space<semaphore_mem>>
      tpu.enqueue_indirect_dma source(%dma_start3A_150 : memref<10000x64xbf16, #tpu.memory_space<hbm>>) target(%dma_start3A_144 : memref<128x64xbf16, #tpu.memory_space<vmem>>) offsets(%dma_start3A_147 : memref<128xi32, #tpu.memory_space<vmem>>) semaphore(%dma_start3A_152 : memref<!tpu.dma_semaphore, #tpu.memory_space<semaphore_mem>>)
      %dma_wait3A_153 = arith.constant 1 : i32
      %dma_wait3A_154 = arith.constant 1 : i32
      %dma_wait3A_155 = arith.constant 0 : i32
      %dma_wait3A_156 = arith.constant 0 : i32
      %dma_wait3A_157 = tpu.memref_slice %arg7[%dma_wait3A_153, %dma_wait3A_155, %dma_wait3A_156] : memref<2x128x64xbf16, #tpu.memory_space<vmem>> -> memref<1x128x64xbf16, #tpu.memory_space<vmem>>
      %dma_wait3A_158 = tpu.memref_squeeze %dma_wait3A_157 : memref<1x128x64xbf16, #tpu.memory_space<vmem>> -> memref<128x64xbf16, #tpu.memory_space<vmem>>
      %dma_wait3A_159 = arith.constant 0 : i32
      %dma_wait3A_160 = arith.constant 0 : i32
      %dma_wait3A_161 = tpu.memref_slice %arg3[%dma_wait3A_159, %dma_wait3A_160] : memref<10000x64xbf16, #tpu.memory_space<hbm>> -> memref<128x64xbf16, #tpu.memory_space<hbm>>
      %dma_wait3A_162 = tpu.memref_slice %arg10[%dma_wait3A_154] : memref<2x!tpu.dma_semaphore, #tpu.memory_space<semaphore_mem>> -> memref<1x!tpu.dma_semaphore, #tpu.memory_space<semaphore_mem>>
      %dma_wait3A_163 = tpu.memref_squeeze %dma_wait3A_162 : memref<1x!tpu.dma_semaphore, #tpu.memory_space<semaphore_mem>> -> memref<!tpu.dma_semaphore, #tpu.memory_space<semaphore_mem>>
      %dma_wait3A_164 = arith.constant 0 : i32
      %dma_wait3A_165 = arith.constant 0 : i32
      %dma_wait3A_166 = tpu.memref_slice %arg7[%dma_wait3A_153, %dma_wait3A_164, %dma_wait3A_165] : memref<2x128x64xbf16, #tpu.memory_space<vmem>> -> memref<1x128x64xbf16, #tpu.memory_space<vmem>>
      %dma_wait3A_167 = tpu.memref_squeeze %dma_wait3A_166 : memref<1x128x64xbf16, #tpu.memory_space<vmem>> -> memref<128x64xbf16, #tpu.memory_space<vmem>>
      %dma_wait3A_168 = arith.constant 0 : i32
      %dma_wait3A_169 = arith.constant 0 : i32
      %dma_wait3A_170 = tpu.memref_slice %arg3[%dma_wait3A_168, %dma_wait3A_169] : memref<10000x64xbf16, #tpu.memory_space<hbm>> -> memref<128x64xbf16, #tpu.memory_space<hbm>>
      tpu.wait_dma2 semaphore(%dma_wait3A_163 : memref<!tpu.dma_semaphore, #tpu.memory_space<semaphore_mem>>) src(%dma_wait3A_170 : memref<128x64xbf16, #tpu.memory_space<hbm>>) dst(%dma_wait3A_167 : memref<128x64xbf16, #tpu.memory_space<vmem>>)
      %scan3A_171 = arith.constant 0 : i32
      %scan3A_172 = arith.constant 0 : i32
      %scan3A_173 = arith.constant 64 : i32
      %scan3A_174 = arith.addi %scan3A_172, %scan3A_173 : i32
      %scan3A_175 = arith.constant 1 : i32
      %scan3A_176 = scf.for %scan3A_179 = %scan3A_172 to %scan3A_174 step %scan3A_175 iter_args(%scan3A_180 = %scan3A_171) -> (i32)  : i32 {
        %mul3A_181 = arith.constant 2 : i32
        %mul3A_182 = arith.muli %scan3A_179, %mul3A_181 : i32
        %add3A_183 = arith.constant 0 : i32
        %add3A_184 = arith.addi %mul3A_182, %add3A_183 : i32
        %get3A = arith.constant 1 : i32
        %get3A_185 = arith.index_cast %get3A : i32 to index
        %get3A_186 = arith.index_cast %add3A_184 : i32 to index
        %get3A_187 = arith.constant 0 : index
        %get3A_188 = tpu.vector_load %arg7[%get3A_185, %get3A_186, %get3A_187] {strides = array<i32>} : memref<2x128x64xbf16, #tpu.memory_space<vmem>>, vector<32xbf16>,
        %unpack3A = tpu.unpack_subelements %get3A_188, 0 {pack_format = #tpu.pack_format<interleaved>} : vector<32xbf16> -> vector<16xf32>
        %unpack3A_189 = tpu.unpack_subelements %get3A_188, 1 {pack_format = #tpu.pack_format<interleaved>} : vector<32xbf16> -> vector<16xf32>
        %swap3A = arith.index_cast %add3A_184 : i32 to index
        %swap3A_190 = arith.constant 0 : index
        %swap3A_191 = tpu.vector_load %arg8[%swap3A, %swap3A_190] {strides = array<i32>} : memref<128x64xf32, #tpu.memory_space<vmem>>, vector<16xf32>,
        tpu.vector_store %arg8[%swap3A, %swap3A_190], %unpack3A {strides = array<i32>} : memref<128x64xf32, #tpu.memory_space<vmem>>, vector<16xf32>,
        %swap3A_192 = arith.index_cast %add3A_184 : i32 to index
        %swap3A_193 = arith.constant 16 : index
        %swap3A_194 = tpu.vector_load %arg8[%swap3A_192, %swap3A_193] {strides = array<i32>} : memref<128x64xf32, #tpu.memory_space<vmem>>, vector<16xf32>,
        tpu.vector_store %arg8[%swap3A_192, %swap3A_193], %unpack3A_189 {strides = array<i32>} : memref<128x64xf32, #tpu.memory_space<vmem>>, vector<16xf32>,
        %get3A_195 = arith.constant 1 : i32
        %get3A_196 = arith.index_cast %get3A_195 : i32 to index
        %get3A_197 = arith.index_cast %add3A_184 : i32 to index
        %get3A_198 = arith.constant 32 : index
        %get3A_199 = tpu.vector_load %arg7[%get3A_196, %get3A_197, %get3A_198] {strides = array<i32>} : memref<2x128x64xbf16, #tpu.memory_space<vmem>>, vector<32xbf16>,
        %unpack3A_200 = tpu.unpack_subelements %get3A_199, 0 {pack_format = #tpu.pack_format<interleaved>} : vector<32xbf16> -> vector<16xf32>
        %unpack3A_201 = tpu.unpack_subelements %get3A_199, 1 {pack_format = #tpu.pack_format<interleaved>} : vector<32xbf16> -> vector<16xf32>
        %swap3A_202 = arith.index_cast %add3A_184 : i32 to index
        %swap3A_203 = arith.constant 32 : index
        %swap3A_204 = tpu.vector_load %arg8[%swap3A_202, %swap3A_203] {strides = array<i32>} : memref<128x64xf32, #tpu.memory_space<vmem>>, vector<16xf32>,
        tpu.vector_store %arg8[%swap3A_202, %swap3A_203], %unpack3A_200 {strides = array<i32>} : memref<128x64xf32, #tpu.memory_space<vmem>>, vector<16xf32>,
        %swap3A_205 = arith.index_cast %add3A_184 : i32 to index
        %swap3A_206 = arith.constant 48 : index
        %swap3A_207 = tpu.vector_load %arg8[%swap3A_205, %swap3A_206] {strides = array<i32>} : memref<128x64xf32, #tpu.memory_space<vmem>>, vector<16xf32>,
        tpu.vector_store %arg8[%swap3A_205, %swap3A_206], %unpack3A_201 {strides = array<i32>} : memref<128x64xf32, #tpu.memory_space<vmem>>, vector<16xf32>,
        %mul3A_208 = arith.constant 2 : i32
        %mul3A_209 = arith.muli %scan3A_179, %mul3A_208 : i32
        %add3A_210 = arith.constant 1 : i32
        %add3A_211 = arith.addi %mul3A_209, %add3A_210 : i32
        %get3A_212 = arith.constant 1 : i32
        %get3A_213 = arith.index_cast %get3A_212 : i32 to index
        %get3A_214 = arith.index_cast %add3A_211 : i32 to index
        %get3A_215 = arith.constant 0 : index
        %get3A_216 = tpu.vector_load %arg7[%get3A_213, %get3A_214, %get3A_215] {strides = array<i32>} : memref<2x128x64xbf16, #tpu.memory_space<vmem>>, vector<32xbf16>,
        %unpack3A_217 = tpu.unpack_subelements %get3A_216, 0 {pack_format = #tpu.pack_format<interleaved>} : vector<32xbf16> -> vector<16xf32>
        %unpack3A_218 = tpu.unpack_subelements %get3A_216, 1 {pack_format = #tpu.pack_format<interleaved>} : vector<32xbf16> -> vector<16xf32>
        %swap3A_219 = arith.index_cast %add3A_211 : i32 to index
        %swap3A_220 = arith.constant 0 : index
        %swap3A_221 = tpu.vector_load %arg8[%swap3A_219, %swap3A_220] {strides = array<i32>} : memref<128x64xf32, #tpu.memory_space<vmem>>, vector<16xf32>,
        tpu.vector_store %arg8[%swap3A_219, %swap3A_220], %unpack3A_217 {strides = array<i32>} : memref<128x64xf32, #tpu.memory_space<vmem>>, vector<16xf32>,
        %swap3A_222 = arith.index_cast %add3A_211 : i32 to index
        %swap3A_223 = arith.constant 16 : index
        %swap3A_224 = tpu.vector_load %arg8[%swap3A_222, %swap3A_223] {strides = array<i32>} : memref<128x64xf32, #tpu.memory_space<vmem>>, vector<16xf32>,
        tpu.vector_store %arg8[%swap3A_222, %swap3A_223], %unpack3A_218 {strides = array<i32>} : memref<128x64xf32, #tpu.memory_space<vmem>>, vector<16xf32>,
        %get3A_225 = arith.constant 1 : i32
        %get3A_226 = arith.index_cast %get3A_225 : i32 to index
        %get3A_227 = arith.index_cast %add3A_211 : i32 to index
        %get3A_228 = arith.constant 32 : index
        %get3A_229 = tpu.vector_load %arg7[%get3A_226, %get3A_227, %get3A_228] {strides = array<i32>} : memref<2x128x64xbf16, #tpu.memory_space<vmem>>, vector<32xbf16>,
        %unpack3A_230 = tpu.unpack_subelements %get3A_229, 0 {pack_format = #tpu.pack_format<interleaved>} : vector<32xbf16> -> vector<16xf32>
        %unpack3A_231 = tpu.unpack_subelements %get3A_229, 1 {pack_format = #tpu.pack_format<interleaved>} : vector<32xbf16> -> vector<16xf32>
        %swap3A_232 = arith.index_cast %add3A_211 : i32 to index
        %swap3A_233 = arith.constant 32 : index
        %swap3A_234 = tpu.vector_load %arg8[%swap3A_232, %swap3A_233] {strides = array<i32>} : memref<128x64xf32, #tpu.memory_space<vmem>>, vector<16xf32>,
        tpu.vector_store %arg8[%swap3A_232, %swap3A_233], %unpack3A_230 {strides = array<i32>} : memref<128x64xf32, #tpu.memory_space<vmem>>, vector<16xf32>,
        %swap3A_235 = arith.index_cast %add3A_211 : i32 to index
        %swap3A_236 = arith.constant 48 : index
        %swap3A_237 = tpu.vector_load %arg8[%swap3A_235, %swap3A_236] {strides = array<i32>} : memref<128x64xf32, #tpu.memory_space<vmem>>, vector<16xf32>,
        tpu.vector_store %arg8[%swap3A_235, %swap3A_236], %unpack3A_231 {strides = array<i32>} : memref<128x64xf32, #tpu.memory_space<vmem>>, vector<16xf32>,
        %scan3A_238 = arith.constant 0 : i32
        scf.yield %scan3A_238 : i32
      }
      %scan3A_177 = arith.constant 64 : i32
      "tpu.region"() ({
        %run_scoped3A_179 = tpu.sem_alloc : memref<!tpu.dma_semaphore, #tpu.memory_space<semaphore_mem>>
        %dma_start3A_180 = arith.constant 0 : i32
        %dma_start3A_181 = tpu.memref_slice %arg6[%add3A_136, %dma_start3A_180] : memref<88x128xi32, #tpu.memory_space<vmem>> -> memref<1x128xi32, #tpu.memory_space<vmem>>
        %dma_start3A_182 = tpu.memref_squeeze %dma_start3A_181 : memref<1x128xi32, #tpu.memory_space<vmem>> -> memref<128xi32, #tpu.memory_space<vmem>>
        %dma_start3A_183 = arith.constant 0 : i32
        %dma_start3A_184 = arith.constant 0 : i32
        %dma_start3A_185 = tpu.memref_slice %arg9[%dma_start3A_183, %dma_start3A_184] : memref<10240x64xf32, #tpu.memory_space<vmem_shared>> -> memref<10240x64xf32, #tpu.memory_space<vmem_shared>>
        tpu.enqueue_indirect_dma source(%arg8 : memref<128x64xf32, #tpu.memory_space<vmem>>) target(%dma_start3A_185 : memref<10240x64xf32, #tpu.memory_space<vmem_shared>>) offsets(%dma_start3A_182 : memref<128xi32, #tpu.memory_space<vmem>>) semaphore(%run_scoped3A_179 : memref<!tpu.dma_semaphore, #tpu.memory_space<semaphore_mem>>) {add = true}
        %dma_wait3A_186 = arith.constant 0 : i32
        %dma_wait3A_187 = tpu.memref_slice %arg6[%add3A_136, %dma_wait3A_186] : memref<88x128xi32, #tpu.memory_space<vmem>> -> memref<1x128xi32, #tpu.memory_space<vmem>>
        %dma_wait3A_188 = tpu.memref_squeeze %dma_wait3A_187 : memref<1x128xi32, #tpu.memory_space<vmem>> -> memref<128xi32, #tpu.memory_space<vmem>>
        %dma_wait3A_189 = arith.constant 0 : i32
        %dma_wait3A_190 = arith.constant 0 : i32
        %dma_wait3A_191 = tpu.memref_slice %arg9[%dma_wait3A_189, %dma_wait3A_190] : memref<10240x64xf32, #tpu.memory_space<vmem_shared>> -> memref<10240x64xf32, #tpu.memory_space<vmem_shared>>
        tpu.wait_indirect_dma semaphore(%run_scoped3A_179 : memref<!tpu.dma_semaphore, #tpu.memory_space<semaphore_mem>>) src(%arg8 : memref<128x64xf32, #tpu.memory_space<vmem>>) dst(%dma_wait3A_191 : memref<10240x64xf32, #tpu.memory_space<vmem_shared>>)
        tpu.yield
      }) : () -> ()
      %while3A_178 = arith.constant 0 : i32
      scf.yield %while3A_178 : i32
    }
    %dma_wait3A = arith.constant 0 : i32
    %dma_wait3A_61 = arith.constant 0 : i32
    %dma_wait3A_62 = arith.constant 0 : i32
    %dma_wait3A_63 = arith.constant 0 : i32
    %dma_wait3A_64 = tpu.memref_slice %arg7[%dma_wait3A, %dma_wait3A_62, %dma_wait3A_63] : memref<2x128x64xbf16, #tpu.memory_space<vmem>> -> memref<1x128x64xbf16, #tpu.memory_space<vmem>>
    %dma_wait3A_65 = tpu.memref_squeeze %dma_wait3A_64 : memref<1x128x64xbf16, #tpu.memory_space<vmem>> -> memref<128x64xbf16, #tpu.memory_space<vmem>>
    %dma_wait3A_66 = arith.constant 0 : i32
    %dma_wait3A_67 = arith.constant 0 : i32
    %dma_wait3A_68 = tpu.memref_slice %arg3[%dma_wait3A_66, %dma_wait3A_67] : memref<10000x64xbf16, #tpu.memory_space<hbm>> -> memref<128x64xbf16, #tpu.memory_space<hbm>>
    %dma_wait3A_69 = tpu.memref_slice %arg10[%dma_wait3A_61] : memref<2x!tpu.dma_semaphore, #tpu.memory_space<semaphore_mem>> -> memref<1x!tpu.dma_semaphore, #tpu.memory_space<semaphore_mem>>
    %dma_wait3A_70 = tpu.memref_squeeze %dma_wait3A_69 : memref<1x!tpu.dma_semaphore, #tpu.memory_space<semaphore_mem>> -> memref<!tpu.dma_semaphore, #tpu.memory_space<semaphore_mem>>
    %dma_wait3A_71 = arith.constant 0 : i32
    %dma_wait3A_72 = arith.constant 0 : i32
    %dma_wait3A_73 = tpu.memref_slice %arg7[%dma_wait3A, %dma_wait3A_71, %dma_wait3A_72] : memref<2x128x64xbf16, #tpu.memory_space<vmem>> -> memref<1x128x64xbf16, #tpu.memory_space<vmem>>
    %dma_wait3A_74 = tpu.memref_squeeze %dma_wait3A_73 : memref<1x128x64xbf16, #tpu.memory_space<vmem>> -> memref<128x64xbf16, #tpu.memory_space<vmem>>
    %dma_wait3A_75 = arith.constant 0 : i32
    %dma_wait3A_76 = arith.constant 0 : i32
    %dma_wait3A_77 = tpu.memref_slice %arg3[%dma_wait3A_75, %dma_wait3A_76] : memref<10000x64xbf16, #tpu.memory_space<hbm>> -> memref<128x64xbf16, #tpu.memory_space<hbm>>
    tpu.wait_dma2 semaphore(%dma_wait3A_70 : memref<!tpu.dma_semaphore, #tpu.memory_space<semaphore_mem>>) src(%dma_wait3A_77 : memref<128x64xbf16, #tpu.memory_space<hbm>>) dst(%dma_wait3A_74 : memref<128x64xbf16, #tpu.memory_space<vmem>>)
    %barrier3A_78 = arith.constant 0 : index
    tpu.barrier barrier_id(%barrier3A_78)
    %scan3A_79 = arith.constant 0 : i32
    %scan3A_80 = arith.constant 0 : i32
    %scan3A_81 = arith.constant 5 : i32
    %scan3A_82 = arith.addi %scan3A_80, %scan3A_81 : i32
    %scan3A_83 = arith.constant 1 : i32
    %scan3A_84 = scf.for %scan3A_86 = %scan3A_80 to %scan3A_82 step %scan3A_83 iter_args(%scan3A_87 = %scan3A_79) -> (i32)  : i32 {
      %mul3A_88 = arith.constant 640 : i32
      %mul3A_89 = arith.muli %arg1, %mul3A_88 : i32
      %mul3A_90 = arith.constant 128 : i32
      %mul3A_91 = arith.muli %scan3A_86, %mul3A_90 : i32
      %add3A_92 = arith.addi %mul3A_89, %mul3A_91 : i32
      "tpu.region"() ({
        %run_scoped3A_94 = tpu.sem_alloc : memref<!tpu.dma_semaphore, #tpu.memory_space<semaphore_mem>>
        %dma_start3A_95 = arith.constant 0 : i32
        %dma_start3A_96 = tpu.memref_slice %arg4[%arg0, %add3A_92, %dma_start3A_95] : memref<2x10240x64xf32, #tpu.memory_space<hbm>> -> memref<1x128x64xf32, #tpu.memory_space<hbm>>
        %dma_start3A_97 = tpu.memref_squeeze %dma_start3A_96 : memref<1x128x64xf32, #tpu.memory_space<hbm>> -> memref<128x64xf32, #tpu.memory_space<hbm>>
        %dma_start3A_98 = arith.constant 0 : i32
        %dma_start3A_99 = tpu.memref_slice %arg9[%add3A_92, %dma_start3A_98] : memref<10240x64xf32, #tpu.memory_space<vmem_shared>> -> memref<128x64xf32, #tpu.memory_space<vmem_shared>>
        tpu.enqueue_dma source(%dma_start3A_99 : memref<128x64xf32, #tpu.memory_space<vmem_shared>>) target(%dma_start3A_97 : memref<128x64xf32, #tpu.memory_space<hbm>>) target_semaphore(%run_scoped3A_94 : memref<!tpu.dma_semaphore, #tpu.memory_space<semaphore_mem>>)
        %dma_wait3A_100 = arith.constant 0 : i32
        %dma_wait3A_101 = tpu.memref_slice %arg4[%arg0, %add3A_92, %dma_wait3A_100] : memref<2x10240x64xf32, #tpu.memory_space<hbm>> -> memref<1x128x64xf32, #tpu.memory_space<hbm>>
        %dma_wait3A_102 = tpu.memref_squeeze %dma_wait3A_101 : memref<1x128x64xf32, #tpu.memory_space<hbm>> -> memref<128x64xf32, #tpu.memory_space<hbm>>
        %dma_wait3A_103 = arith.constant 0 : i32
        %dma_wait3A_104 = tpu.memref_slice %arg9[%add3A_92, %dma_wait3A_103] : memref<10240x64xf32, #tpu.memory_space<vmem_shared>> -> memref<128x64xf32, #tpu.memory_space<vmem_shared>>
        tpu.wait_dma2 semaphore(%run_scoped3A_94 : memref<!tpu.dma_semaphore, #tpu.memory_space<semaphore_mem>>) src(%dma_wait3A_104 : memref<128x64xf32, #tpu.memory_space<vmem_shared>>) dst(%dma_wait3A_102 : memref<128x64xf32, #tpu.memory_space<hbm>>)
        tpu.yield
      }) : () -> ()
      %scan3A_93 = arith.constant 0 : i32
      scf.yield %scan3A_93 : i32
    }
    %scan3A_85 = arith.constant 5 : i32
    return
  }
}

#map = affine_map<(d0, d1) -> (0, 0, 0)>
#map1 = affine_map<(d0, d1) -> (0, 0)>
module attributes {stable_mosaic.version = 14 : i64} {
  func.func @body(%arg0: i32, %arg1: i32, %arg2: memref<2x2656x128xi32, #tpu.memory_space<hbm>>, %arg3: memref<10000x64xbf16, #tpu.memory_space<hbm>>, %arg4: memref<2x10240x64xf32, #tpu.memory_space<hbm>>, %arg5: memref<89x128xi32, #tpu.memory_space<vmem>>, %arg6: memref<88x128xi32, #tpu.memory_space<vmem>>, %arg7: memref<2x128x64xbf16, #tpu.memory_space<vmem>>, %arg8: memref<128x64xf32, #tpu.memory_space<vmem>>, %arg9: memref<10240x64xf32, #tpu.memory_space<vmem_shared>>, %arg10: memref<2x!tpu.dma_semaphore, #tpu.memory_space<semaphore_mem>>) attributes {dimension_semantics = [#tpu.dimension_semantics<core_parallel>, #tpu.dimension_semantics<subcore_parallel>], iteration_bounds = array<i64: 2, 16>, scalar_prefetch = 0 : i64, scratch_operands = 6 : i64, tpu.core_type = #tpu.core_type<sc_vector_subcore>, window_params = [{transform_indices = #map}, {transform_indices = #map1}, {transform_indices = #map}]} {
    %mul3A = arith.constant -16 : i32
    %mul3A_0 = arith.muli %arg0, %mul3A : i32
    %add3A = arith.constant 88 : i32
    %add3A_1 = arith.addi %add3A, %mul3A_0 : i32
    %mul3A_2 = arith.constant 1408 : i32
    %mul3A_3 = arith.muli %arg0, %mul3A_2 : i32
    %mul3A_4 = arith.muli %arg1, %add3A_1 : i32
    %add3A_5 = arith.addi %mul3A_3, %mul3A_4 : i32
    %run_scoped3A = arith.constant 0 : i32
    "tpu.region"() ({
      %run_scoped3A_86 = tpu.sem_alloc : memref<!tpu.dma_semaphore, #tpu.memory_space<semaphore_mem>>
      %dma_start3A_87 = arith.constant 0 : i32
      %dma_start3A_88 = tpu.memref_slice %arg2[%run_scoped3A, %add3A_5, %dma_start3A_87] : memref<2x2656x128xi32, #tpu.memory_space<hbm>> -> memref<1x89x128xi32, #tpu.memory_space<hbm>>
      %dma_start3A_89 = tpu.memref_squeeze %dma_start3A_88 : memref<1x89x128xi32, #tpu.memory_space<hbm>> -> memref<89x128xi32, #tpu.memory_space<hbm>>
      %dma_start3A_90 = arith.constant 0 : i32
      %dma_start3A_91 = tpu.memref_slice %arg2[%run_scoped3A, %add3A_5, %dma_start3A_90] : memref<2x2656x128xi32, #tpu.memory_space<hbm>> -> memref<1x89x128xi32, #tpu.memory_space<hbm>>
      %dma_start3A_92 = tpu.memref_squeeze %dma_start3A_91 : memref<1x89x128xi32, #tpu.memory_space<hbm>> -> memref<89x128xi32, #tpu.memory_space<hbm>>
      tpu.enqueue_dma source(%dma_start3A_92 : memref<89x128xi32, #tpu.memory_space<hbm>>) target(%arg5 : memref<89x128xi32, #tpu.memory_space<vmem>>) target_semaphore(%run_scoped3A_86 : memref<!tpu.dma_semaphore, #tpu.memory_space<semaphore_mem>>)
      %dma_wait3A_93 = arith.constant 0 : i32
      %dma_wait3A_94 = tpu.memref_slice %arg2[%run_scoped3A, %add3A_5, %dma_wait3A_93] : memref<2x2656x128xi32, #tpu.memory_space<hbm>> -> memref<1x89x128xi32, #tpu.memory_space<hbm>>
      %dma_wait3A_95 = tpu.memref_squeeze %dma_wait3A_94 : memref<1x89x128xi32, #tpu.memory_space<hbm>> -> memref<89x128xi32, #tpu.memory_space<hbm>>
      %dma_wait3A_96 = arith.constant 0 : i32
      %dma_wait3A_97 = tpu.memref_slice %arg2[%run_scoped3A, %add3A_5, %dma_wait3A_96] : memref<2x2656x128xi32, #tpu.memory_space<hbm>> -> memref<1x89x128xi32, #tpu.memory_space<hbm>>
      %dma_wait3A_98 = tpu.memref_squeeze %dma_wait3A_97 : memref<1x89x128xi32, #tpu.memory_space<hbm>> -> memref<89x128xi32, #tpu.memory_space<hbm>>
      tpu.wait_dma2 semaphore(%run_scoped3A_86 : memref<!tpu.dma_semaphore, #tpu.memory_space<semaphore_mem>>) src(%dma_wait3A_98 : memref<89x128xi32, #tpu.memory_space<hbm>>) dst(%arg5 : memref<89x128xi32, #tpu.memory_space<vmem>>)
      tpu.yield
    }) : () -> ()
    %run_scoped3A_6 = arith.constant 1 : i32
    "tpu.region"() ({
      %run_scoped3A_86 = tpu.sem_alloc : memref<!tpu.dma_semaphore, #tpu.memory_space<semaphore_mem>>
      %dma_start3A_87 = arith.constant 0 : i32
      %dma_start3A_88 = tpu.memref_slice %arg2[%run_scoped3A_6, %add3A_5, %dma_start3A_87] : memref<2x2656x128xi32, #tpu.memory_space<hbm>> -> memref<1x88x128xi32, #tpu.memory_space<hbm>>
      %dma_start3A_89 = tpu.memref_squeeze %dma_start3A_88 : memref<1x88x128xi32, #tpu.memory_space<hbm>> -> memref<88x128xi32, #tpu.memory_space<hbm>>
      %dma_start3A_90 = arith.constant 0 : i32
      %dma_start3A_91 = tpu.memref_slice %arg2[%run_scoped3A_6, %add3A_5, %dma_start3A_90] : memref<2x2656x128xi32, #tpu.memory_space<hbm>> -> memref<1x88x128xi32, #tpu.memory_space<hbm>>
      %dma_start3A_92 = tpu.memref_squeeze %dma_start3A_91 : memref<1x88x128xi32, #tpu.memory_space<hbm>> -> memref<88x128xi32, #tpu.memory_space<hbm>>
      tpu.enqueue_dma source(%dma_start3A_92 : memref<88x128xi32, #tpu.memory_space<hbm>>) target(%arg6 : memref<88x128xi32, #tpu.memory_space<vmem>>) target_semaphore(%run_scoped3A_86 : memref<!tpu.dma_semaphore, #tpu.memory_space<semaphore_mem>>)
      %dma_wait3A_93 = arith.constant 0 : i32
      %dma_wait3A_94 = tpu.memref_slice %arg2[%run_scoped3A_6, %add3A_5, %dma_wait3A_93] : memref<2x2656x128xi32, #tpu.memory_space<hbm>> -> memref<1x88x128xi32, #tpu.memory_space<hbm>>
      %dma_wait3A_95 = tpu.memref_squeeze %dma_wait3A_94 : memref<1x88x128xi32, #tpu.memory_space<hbm>> -> memref<88x128xi32, #tpu.memory_space<hbm>>
      %dma_wait3A_96 = arith.constant 0 : i32
      %dma_wait3A_97 = tpu.memref_slice %arg2[%run_scoped3A_6, %add3A_5, %dma_wait3A_96] : memref<2x2656x128xi32, #tpu.memory_space<hbm>> -> memref<1x88x128xi32, #tpu.memory_space<hbm>>
      %dma_wait3A_98 = tpu.memref_squeeze %dma_wait3A_97 : memref<1x88x128xi32, #tpu.memory_space<hbm>> -> memref<88x128xi32, #tpu.memory_space<hbm>>
      tpu.wait_dma2 semaphore(%run_scoped3A_86 : memref<!tpu.dma_semaphore, #tpu.memory_space<semaphore_mem>>) src(%dma_wait3A_98 : memref<88x128xi32, #tpu.memory_space<hbm>>) dst(%arg6 : memref<88x128xi32, #tpu.memory_space<vmem>>)
      tpu.yield
    }) : () -> ()
    %scan3A = arith.constant 0 : i32
    %scan3A_7 = arith.constant 0 : i32
    %scan3A_8 = arith.constant 128 : i32
    %scan3A_9 = arith.addi %scan3A_7, %scan3A_8 : i32
    %scan3A_10 = arith.constant 1 : i32
    %scan3A_11 = scf.for %scan3A_86 = %scan3A_7 to %scan3A_9 step %scan3A_10 iter_args(%scan3A_87 = %scan3A) -> (i32)  : i32 {
      %scan3A_88 = arith.constant 0 : i32
      %scan3A_89 = arith.constant 0 : i32
      %scan3A_90 = arith.constant 4 : i32
      %scan3A_91 = arith.addi %scan3A_89, %scan3A_90 : i32
      %scan3A_92 = arith.constant 1 : i32
      %scan3A_93 = scf.for %scan3A_96 = %scan3A_89 to %scan3A_91 step %scan3A_92 iter_args(%scan3A_97 = %scan3A_88) -> (i32)  : i32 {
        %broadcast_in_dim3A = arith.constant 0.000000e+00 : f32
        %broadcast_in_dim3A_98 = vector.broadcast %broadcast_in_dim3A : f32 to vector<16xf32>
        %mul3A_99 = arith.constant 16 : i32
        %mul3A_100 = arith.muli %scan3A_96, %mul3A_99 : i32
        %swap3A = arith.index_cast %scan3A_86 : i32 to index
        %swap3A_101 = arith.index_cast %mul3A_100 : i32 to index
        %swap3A_102 = tpu.vector_load %arg8[%swap3A, %swap3A_101] {strides = array<i32>} : memref<128x64xf32, #tpu.memory_space<vmem>>, vector<16xf32>,
        tpu.vector_store %arg8[%swap3A, %swap3A_101], %broadcast_in_dim3A_98 {strides = array<i32>} : memref<128x64xf32, #tpu.memory_space<vmem>>, vector<16xf32>,
        %scan3A_103 = arith.constant 0 : i32
        scf.yield %scan3A_103 : i32
      }
      %scan3A_94 = arith.constant 4 : i32
      %scan3A_95 = arith.constant 0 : i32
      scf.yield %scan3A_95 : i32
    }
    %scan3A_12 = arith.constant 128 : i32
    %scan3A_13 = arith.constant 0 : i32
    %scan3A_14 = arith.constant 0 : i32
    %scan3A_15 = arith.constant 5 : i32
    %scan3A_16 = arith.addi %scan3A_14, %scan3A_15 : i32
    %scan3A_17 = arith.constant 1 : i32
    %scan3A_18 = scf.for %scan3A_86 = %scan3A_14 to %scan3A_16 step %scan3A_17 iter_args(%scan3A_87 = %scan3A_13) -> (i32)  : i32 {
      %mul3A_88 = arith.constant 640 : i32
      %mul3A_89 = arith.muli %arg1, %mul3A_88 : i32
      %mul3A_90 = arith.constant 128 : i32
      %mul3A_91 = arith.muli %scan3A_86, %mul3A_90 : i32
      %add3A_92 = arith.addi %mul3A_89, %mul3A_91 : i32
      "tpu.region"() ({
        %run_scoped3A_94 = tpu.sem_alloc : memref<!tpu.dma_semaphore, #tpu.memory_space<semaphore_mem>>
        %dma_start3A_95 = arith.constant 0 : i32
        %dma_start3A_96 = tpu.memref_slice %arg9[%add3A_92, %dma_start3A_95] : memref<10240x64xf32, #tpu.memory_space<vmem_shared>> -> memref<128x64xf32, #tpu.memory_space<vmem_shared>>
        %dma_start3A_97 = arith.constant 0 : i32
        %dma_start3A_98 = tpu.memref_slice %arg9[%add3A_92, %dma_start3A_97] : memref<10240x64xf32, #tpu.memory_space<vmem_shared>> -> memref<128x64xf32, #tpu.memory_space<vmem_shared>>
        tpu.enqueue_dma source(%arg8 : memref<128x64xf32, #tpu.memory_space<vmem>>) target(%dma_start3A_98 : memref<128x64xf32, #tpu.memory_space<vmem_shared>>) target_semaphore(%run_scoped3A_94 : memref<!tpu.dma_semaphore, #tpu.memory_space<semaphore_mem>>)
        %dma_wait3A_99 = arith.constant 0 : i32
        %dma_wait3A_100 = tpu.memref_slice %arg9[%add3A_92, %dma_wait3A_99] : memref<10240x64xf32, #tpu.memory_space<vmem_shared>> -> memref<128x64xf32, #tpu.memory_space<vmem_shared>>
        %dma_wait3A_101 = arith.constant 0 : i32
        %dma_wait3A_102 = tpu.memref_slice %arg9[%add3A_92, %dma_wait3A_101] : memref<10240x64xf32, #tpu.memory_space<vmem_shared>> -> memref<128x64xf32, #tpu.memory_space<vmem_shared>>
        tpu.wait_dma2 semaphore(%run_scoped3A_94 : memref<!tpu.dma_semaphore, #tpu.memory_space<semaphore_mem>>) src(%arg8 : memref<128x64xf32, #tpu.memory_space<vmem>>) dst(%dma_wait3A_102 : memref<128x64xf32, #tpu.memory_space<vmem_shared>>)
        tpu.yield
      }) : () -> ()
      %scan3A_93 = arith.constant 0 : i32
      scf.yield %scan3A_93 : i32
    }
    %scan3A_19 = arith.constant 5 : i32
    %barrier3A = arith.constant 0 : index
    tpu.barrier barrier_id(%barrier3A)
    %dma_start3A = arith.constant 0 : i32
    %dma_start3A_20 = arith.constant 0 : i32
    %dma_start3A_21 = arith.constant 0 : i32
    %dma_start3A_22 = arith.constant 0 : i32
    %dma_start3A_23 = arith.constant 0 : i32
    %dma_start3A_24 = tpu.memref_slice %arg7[%dma_start3A_20, %dma_start3A_22, %dma_start3A_23] : memref<2x128x64xbf16, #tpu.memory_space<vmem>> -> memref<1x128x64xbf16, #tpu.memory_space<vmem>>
    %dma_start3A_25 = tpu.memref_squeeze %dma_start3A_24 : memref<1x128x64xbf16, #tpu.memory_space<vmem>> -> memref<128x64xbf16, #tpu.memory_space<vmem>>
    %dma_start3A_26 = arith.constant 0 : i32
    %dma_start3A_27 = tpu.memref_slice %arg5[%dma_start3A, %dma_start3A_26] : memref<89x128xi32, #tpu.memory_space<vmem>> -> memref<1x128xi32, #tpu.memory_space<vmem>>
    %dma_start3A_28 = tpu.memref_squeeze %dma_start3A_27 : memref<1x128xi32, #tpu.memory_space<vmem>> -> memref<128xi32, #tpu.memory_space<vmem>>
    %dma_start3A_29 = arith.constant 0 : i32
    %dma_start3A_30 = arith.constant 0 : i32
    %dma_start3A_31 = tpu.memref_slice %arg3[%dma_start3A_29, %dma_start3A_30] : memref<10000x64xbf16, #tpu.memory_space<hbm>> -> memref<10000x64xbf16, #tpu.memory_space<hbm>>
    %dma_start3A_32 = tpu.memref_slice %arg10[%dma_start3A_21] : memref<2x!tpu.dma_semaphore, #tpu.memory_space<semaphore_mem>> -> memref<1x!tpu.dma_semaphore, #tpu.memory_space<semaphore_mem>>
    %dma_start3A_33 = tpu.memref_squeeze %dma_start3A_32 : memref<1x!tpu.dma_semaphore, #tpu.memory_space<semaphore_mem>> -> memref<!tpu.dma_semaphore, #tpu.memory_space<semaphore_mem>>
    tpu.enqueue_indirect_dma source(%dma_start3A_31 : memref<10000x64xbf16, #tpu.memory_space<hbm>>) target(%dma_start3A_25 : memref<128x64xbf16, #tpu.memory_space<vmem>>) offsets(%dma_start3A_28 : memref<128xi32, #tpu.memory_space<vmem>>) semaphore(%dma_start3A_33 : memref<!tpu.dma_semaphore, #tpu.memory_space<semaphore_mem>>)
    %jit3A = arith.constant 2 : i32
    %div3A = arith.divsi %add3A_1, %jit3A : i32
    %sign3A = arith.constant 0 : i32
    %sign3A_34 = arith.cmpi sgt, %add3A_1, %sign3A : i32
    %sign3A_35 = arith.extui %sign3A_34 : i1 to i32
    %sign3A_36 = arith.constant 0 : i32
    %sign3A_37 = arith.cmpi slt, %add3A_1, %sign3A_36 : i32
    %sign3A_38 = arith.extui %sign3A_37 : i1 to i32
    %sign3A_39 = arith.subi %sign3A_35, %sign3A_38 : i32
    %sign3A_40 = arith.constant 0 : i32
    %sign3A_41 = arith.cmpi sgt, %jit3A, %sign3A_40 : i32
    %sign3A_42 = arith.extui %sign3A_41 : i1 to i32
    %sign3A_43 = arith.constant 0 : i32
    %sign3A_44 = arith.cmpi slt, %jit3A, %sign3A_43 : i32
    %sign3A_45 = arith.extui %sign3A_44 : i1 to i32
    %sign3A_46 = arith.subi %sign3A_42, %sign3A_45 : i32
    %ne3A = arith.cmpi ne, %sign3A_39, %sign3A_46 : i32
    %rem3A = arith.remsi %add3A_1, %jit3A : i32
    %ne3A_47 = arith.constant 0 : i32
    %ne3A_48 = arith.cmpi ne, %rem3A, %ne3A_47 : i32
    %and3A = arith.andi %ne3A, %ne3A_48 : i1
    %sub3A = arith.constant 1 : i32
    %sub3A_49 = arith.subi %div3A, %sub3A : i32
    %select_n3A = arith.select %and3A, %sub3A_49, %div3A : i32
    %while3A = arith.constant 0 : i32
    %while3A_50 = arith.constant 0 : i32
    %while3A_51 = arith.subi %select_n3A, %while3A : i32
    %while3A_52 = arith.addi %while3A, %while3A_51 : i32
    %while3A_53 = arith.constant 1 : i32
    %while3A_54 = arith.divsi %while3A_51, %while3A_53 : i32
    %while3A_55 = arith.muli %while3A_54, %while3A_53 : i32
    %while3A_56 = arith.addi %while3A, %while3A_55 : i32
    %while3A_57 = arith.constant 1 : i32
    %while3A_58 = scf.for %while3A_86 = %while3A to %while3A_56 step %while3A_57 iter_args(%while3A_87 = %while3A_50) -> (i32)  : i32 {
      %mul3A_88 = arith.constant 2 : i32
      %mul3A_89 = arith.muli %while3A_86, %mul3A_88 : i32
      %add3A_90 = arith.constant 0 : i32
      %add3A_91 = arith.addi %mul3A_89, %add3A_90 : i32
      %add3A_92 = arith.constant 1 : i32
      %add3A_93 = arith.addi %add3A_91, %add3A_92 : i32
      %dma_start3A_94 = arith.constant 1 : i32
      %dma_start3A_95 = arith.constant 1 : i32
      %dma_start3A_96 = arith.constant 0 : i32
      %dma_start3A_97 = arith.constant 0 : i32
      %dma_start3A_98 = tpu.memref_slice %arg7[%dma_start3A_94, %dma_start3A_96, %dma_start3A_97] : memref<2x128x64xbf16, #tpu.memory_space<vmem>> -> memref<1x128x64xbf16, #tpu.memory_space<vmem>>
      %dma_start3A_99 = tpu.memref_squeeze %dma_start3A_98 : memref<1x128x64xbf16, #tpu.memory_space<vmem>> -> memref<128x64xbf16, #tpu.memory_space<vmem>>
      %dma_start3A_100 = arith.constant 0 : i32
      %dma_start3A_101 = tpu.memref_slice %arg5[%add3A_93, %dma_start3A_100] : memref<89x128xi32, #tpu.memory_space<vmem>> -> memref<1x128xi32, #tpu.memory_space<vmem>>
      %dma_start3A_102 = tpu.memref_squeeze %dma_start3A_101 : memref<1x128xi32, #tpu.memory_space<vmem>> -> memref<128xi32, #tpu.memory_space<vmem>>
      %dma_start3A_103 = arith.constant 0 : i32
      %dma_start3A_104 = arith.constant 0 : i32
      %dma_start3A_105 = tpu.memref_slice %arg3[%dma_start3A_103, %dma_start3A_104] : memref<10000x64xbf16, #tpu.memory_space<hbm>> -> memref<10000x64xbf16, #tpu.memory_space<hbm>>
      %dma_start3A_106 = tpu.memref_slice %arg10[%dma_start3A_95] : memref<2x!tpu.dma_semaphore, #tpu.memory_space<semaphore_mem>> -> memref<1x!tpu.dma_semaphore, #tpu.memory_space<semaphore_mem>>
      %dma_start3A_107 = tpu.memref_squeeze %dma_start3A_106 : memref<1x!tpu.dma_semaphore, #tpu.memory_space<semaphore_mem>> -> memref<!tpu.dma_semaphore, #tpu.memory_space<semaphore_mem>>
      tpu.enqueue_indirect_dma source(%dma_start3A_105 : memref<10000x64xbf16, #tpu.memory_space<hbm>>) target(%dma_start3A_99 : memref<128x64xbf16, #tpu.memory_space<vmem>>) offsets(%dma_start3A_102 : memref<128xi32, #tpu.memory_space<vmem>>) semaphore(%dma_start3A_107 : memref<!tpu.dma_semaphore, #tpu.memory_space<semaphore_mem>>)
      %dma_wait3A_108 = arith.constant 0 : i32
      %dma_wait3A_109 = arith.constant 0 : i32
      %dma_wait3A_110 = arith.constant 0 : i32
      %dma_wait3A_111 = arith.constant 0 : i32
      %dma_wait3A_112 = tpu.memref_slice %arg7[%dma_wait3A_108, %dma_wait3A_110, %dma_wait3A_111] : memref<2x128x64xbf16, #tpu.memory_space<vmem>> -> memref<1x128x64xbf16, #tpu.memory_space<vmem>>
      %dma_wait3A_113 = tpu.memref_squeeze %dma_wait3A_112 : memref<1x128x64xbf16, #tpu.memory_space<vmem>> -> memref<128x64xbf16, #tpu.memory_space<vmem>>
      %dma_wait3A_114 = arith.constant 0 : i32
      %dma_wait3A_115 = arith.constant 0 : i32
      %dma_wait3A_116 = tpu.memref_slice %arg3[%dma_wait3A_114, %dma_wait3A_115] : memref<10000x64xbf16, #tpu.memory_space<hbm>> -> memref<128x64xbf16, #tpu.memory_space<hbm>>
      %dma_wait3A_117 = tpu.memref_slice %arg10[%dma_wait3A_109] : memref<2x!tpu.dma_semaphore, #tpu.memory_space<semaphore_mem>> -> memref<1x!tpu.dma_semaphore, #tpu.memory_space<semaphore_mem>>
      %dma_wait3A_118 = tpu.memref_squeeze %dma_wait3A_117 : memref<1x!tpu.dma_semaphore, #tpu.memory_space<semaphore_mem>> -> memref<!tpu.dma_semaphore, #tpu.memory_space<semaphore_mem>>
      %dma_wait3A_119 = arith.constant 0 : i32
      %dma_wait3A_120 = arith.constant 0 : i32
      %dma_wait3A_121 = tpu.memref_slice %arg7[%dma_wait3A_108, %dma_wait3A_119, %dma_wait3A_120] : memref<2x128x64xbf16, #tpu.memory_space<vmem>> -> memref<1x128x64xbf16, #tpu.memory_space<vmem>>
      %dma_wait3A_122 = tpu.memref_squeeze %dma_wait3A_121 : memref<1x128x64xbf16, #tpu.memory_space<vmem>> -> memref<128x64xbf16, #tpu.memory_space<vmem>>
      %dma_wait3A_123 = arith.constant 0 : i32
      %dma_wait3A_124 = arith.constant 0 : i32
      %dma_wait3A_125 = tpu.memref_slice %arg3[%dma_wait3A_123, %dma_wait3A_124] : memref<10000x64xbf16, #tpu.memory_space<hbm>> -> memref<128x64xbf16, #tpu.memory_space<hbm>>
      tpu.wait_dma2 semaphore(%dma_wait3A_118 : memref<!tpu.dma_semaphore, #tpu.memory_space<semaphore_mem>>) src(%dma_wait3A_125 : memref<128x64xbf16, #tpu.memory_space<hbm>>) dst(%dma_wait3A_122 : memref<128x64xbf16, #tpu.memory_space<vmem>>)
      %scan3A_126 = arith.constant 0 : i32
      %scan3A_127 = arith.constant 0 : i32
      %scan3A_128 = arith.constant 64 : i32
      %scan3A_129 = arith.addi %scan3A_127, %scan3A_128 : i32
      %scan3A_130 = arith.constant 1 : i32
      %scan3A_131 = scf.for %scan3A_179 = %scan3A_127 to %scan3A_129 step %scan3A_130 iter_args(%scan3A_180 = %scan3A_126) -> (i32)  : i32 {
        %mul3A_181 = arith.constant 2 : i32
        %mul3A_182 = arith.muli %scan3A_179, %mul3A_181 : i32
        %add3A_183 = arith.constant 0 : i32
        %add3A_184 = arith.addi %mul3A_182, %add3A_183 : i32
        %get3A = arith.constant 0 : i32
        %get3A_185 = arith.index_cast %get3A : i32 to index
        %get3A_186 = arith.index_cast %add3A_184 : i32 to index
        %get3A_187 = arith.constant 0 : index
        %get3A_188 = tpu.vector_load %arg7[%get3A_185, %get3A_186, %get3A_187] {strides = array<i32>} : memref<2x128x64xbf16, #tpu.memory_space<vmem>>, vector<32xbf16>,
        %unpack3A = tpu.unpack_subelements %get3A_188, 0 {pack_format = #tpu.pack_format<interleaved>} : vector<32xbf16> -> vector<16xf32>
        %unpack3A_189 = tpu.unpack_subelements %get3A_188, 1 {pack_format = #tpu.pack_format<interleaved>} : vector<32xbf16> -> vector<16xf32>
        %swap3A = arith.index_cast %add3A_184 : i32 to index
        %swap3A_190 = arith.constant 0 : index
        %swap3A_191 = tpu.vector_load %arg8[%swap3A, %swap3A_190] {strides = array<i32>} : memref<128x64xf32, #tpu.memory_space<vmem>>, vector<16xf32>,
        tpu.vector_store %arg8[%swap3A, %swap3A_190], %unpack3A {strides = array<i32>} : memref<128x64xf32, #tpu.memory_space<vmem>>, vector<16xf32>,
        %swap3A_192 = arith.index_cast %add3A_184 : i32 to index
        %swap3A_193 = arith.constant 16 : index
        %swap3A_194 = tpu.vector_load %arg8[%swap3A_192, %swap3A_193] {strides = array<i32>} : memref<128x64xf32, #tpu.memory_space<vmem>>, vector<16xf32>,
        tpu.vector_store %arg8[%swap3A_192, %swap3A_193], %unpack3A_189 {strides = array<i32>} : memref<128x64xf32, #tpu.memory_space<vmem>>, vector<16xf32>,
        %get3A_195 = arith.constant 0 : i32
        %get3A_196 = arith.index_cast %get3A_195 : i32 to index
        %get3A_197 = arith.index_cast %add3A_184 : i32 to index
        %get3A_198 = arith.constant 32 : index
        %get3A_199 = tpu.vector_load %arg7[%get3A_196, %get3A_197, %get3A_198] {strides = array<i32>} : memref<2x128x64xbf16, #tpu.memory_space<vmem>>, vector<32xbf16>,
        %unpack3A_200 = tpu.unpack_subelements %get3A_199, 0 {pack_format = #tpu.pack_format<interleaved>} : vector<32xbf16> -> vector<16xf32>
        %unpack3A_201 = tpu.unpack_subelements %get3A_199, 1 {pack_format = #tpu.pack_format<interleaved>} : vector<32xbf16> -> vector<16xf32>
        %swap3A_202 = arith.index_cast %add3A_184 : i32 to index
        %swap3A_203 = arith.constant 32 : index
        %swap3A_204 = tpu.vector_load %arg8[%swap3A_202, %swap3A_203] {strides = array<i32>} : memref<128x64xf32, #tpu.memory_space<vmem>>, vector<16xf32>,
        tpu.vector_store %arg8[%swap3A_202, %swap3A_203], %unpack3A_200 {strides = array<i32>} : memref<128x64xf32, #tpu.memory_space<vmem>>, vector<16xf32>,
        %swap3A_205 = arith.index_cast %add3A_184 : i32 to index
        %swap3A_206 = arith.constant 48 : index
        %swap3A_207 = tpu.vector_load %arg8[%swap3A_205, %swap3A_206] {strides = array<i32>} : memref<128x64xf32, #tpu.memory_space<vmem>>, vector<16xf32>,
        tpu.vector_store %arg8[%swap3A_205, %swap3A_206], %unpack3A_201 {strides = array<i32>} : memref<128x64xf32, #tpu.memory_space<vmem>>, vector<16xf32>,
        %mul3A_208 = arith.constant 2 : i32
        %mul3A_209 = arith.muli %scan3A_179, %mul3A_208 : i32
        %add3A_210 = arith.constant 1 : i32
        %add3A_211 = arith.addi %mul3A_209, %add3A_210 : i32
        %get3A_212 = arith.constant 0 : i32
        %get3A_213 = arith.index_cast %get3A_212 : i32 to index
        %get3A_214 = arith.index_cast %add3A_211 : i32 to index
        %get3A_215 = arith.constant 0 : index
        %get3A_216 = tpu.vector_load %arg7[%get3A_213, %get3A_214, %get3A_215] {strides = array<i32>} : memref<2x128x64xbf16, #tpu.memory_space<vmem>>, vector<32xbf16>,
        %unpack3A_217 = tpu.unpack_subelements %get3A_216, 0 {pack_format = #tpu.pack_format<interleaved>} : vector<32xbf16> -> vector<16xf32>
        %unpack3A_218 = tpu.unpack_subelements %get3A_216, 1 {pack_format = #tpu.pack_format<interleaved>} : vector<32xbf16> -> vector<16xf32>
        %swap3A_219 = arith.index_cast %add3A_211 : i32 to index
        %swap3A_220 = arith.constant 0 : index
        %swap3A_221 = tpu.vector_load %arg8[%swap3A_219, %swap3A_220] {strides = array<i32>} : memref<128x64xf32, #tpu.memory_space<vmem>>, vector<16xf32>,
        tpu.vector_store %arg8[%swap3A_219, %swap3A_220], %unpack3A_217 {strides = array<i32>} : memref<128x64xf32, #tpu.memory_space<vmem>>, vector<16xf32>,
        %swap3A_222 = arith.index_cast %add3A_211 : i32 to index
        %swap3A_223 = arith.constant 16 : index
        %swap3A_224 = tpu.vector_load %arg8[%swap3A_222, %swap3A_223] {strides = array<i32>} : memref<128x64xf32, #tpu.memory_space<vmem>>, vector<16xf32>,
        tpu.vector_store %arg8[%swap3A_222, %swap3A_223], %unpack3A_218 {strides = array<i32>} : memref<128x64xf32, #tpu.memory_space<vmem>>, vector<16xf32>,
        %get3A_225 = arith.constant 0 : i32
        %get3A_226 = arith.index_cast %get3A_225 : i32 to index
        %get3A_227 = arith.index_cast %add3A_211 : i32 to index
        %get3A_228 = arith.constant 32 : index
        %get3A_229 = tpu.vector_load %arg7[%get3A_226, %get3A_227, %get3A_228] {strides = array<i32>} : memref<2x128x64xbf16, #tpu.memory_space<vmem>>, vector<32xbf16>,
        %unpack3A_230 = tpu.unpack_subelements %get3A_229, 0 {pack_format = #tpu.pack_format<interleaved>} : vector<32xbf16> -> vector<16xf32>
        %unpack3A_231 = tpu.unpack_subelements %get3A_229, 1 {pack_format = #tpu.pack_format<interleaved>} : vector<32xbf16> -> vector<16xf32>
        %swap3A_232 = arith.index_cast %add3A_211 : i32 to index
        %swap3A_233 = arith.constant 32 : index
        %swap3A_234 = tpu.vector_load %arg8[%swap3A_232, %swap3A_233] {strides = array<i32>} : memref<128x64xf32, #tpu.memory_space<vmem>>, vector<16xf32>,
        tpu.vector_store %arg8[%swap3A_232, %swap3A_233], %unpack3A_230 {strides = array<i32>} : memref<128x64xf32, #tpu.memory_space<vmem>>, vector<16xf32>,
        %swap3A_235 = arith.index_cast %add3A_211 : i32 to index
        %swap3A_236 = arith.constant 48 : index
        %swap3A_237 = tpu.vector_load %arg8[%swap3A_235, %swap3A_236] {strides = array<i32>} : memref<128x64xf32, #tpu.memory_space<vmem>>, vector<16xf32>,
        tpu.vector_store %arg8[%swap3A_235, %swap3A_236], %unpack3A_231 {strides = array<i32>} : memref<128x64xf32, #tpu.memory_space<vmem>>, vector<16xf32>,
        %scan3A_238 = arith.constant 0 : i32
        scf.yield %scan3A_238 : i32
      }
      %scan3A_132 = arith.constant 64 : i32
      "tpu.region"() ({
        %run_scoped3A_179 = tpu.sem_alloc : memref<!tpu.dma_semaphore, #tpu.memory_space<semaphore_mem>>
        %dma_start3A_180 = arith.constant 0 : i32
        %dma_start3A_181 = tpu.memref_slice %arg6[%add3A_91, %dma_start3A_180] : memref<88x128xi32, #tpu.memory_space<vmem>> -> memref<1x128xi32, #tpu.memory_space<vmem>>
        %dma_start3A_182 = tpu.memref_squeeze %dma_start3A_181 : memref<1x128xi32, #tpu.memory_space<vmem>> -> memref<128xi32, #tpu.memory_space<vmem>>
        %dma_start3A_183 = arith.constant 0 : i32
        %dma_start3A_184 = arith.constant 0 : i32
        %dma_start3A_185 = tpu.memref_slice %arg9[%dma_start3A_183, %dma_start3A_184] : memref<10240x64xf32, #tpu.memory_space<vmem_shared>> -> memref<10240x64xf32, #tpu.memory_space<vmem_shared>>
        tpu.enqueue_indirect_dma source(%arg8 : memref<128x64xf32, #tpu.memory_space<vmem>>) target(%dma_start3A_185 : memref<10240x64xf32, #tpu.memory_space<vmem_shared>>) offsets(%dma_start3A_182 : memref<128xi32, #tpu.memory_space<vmem>>) semaphore(%run_scoped3A_179 : memref<!tpu.dma_semaphore, #tpu.memory_space<semaphore_mem>>) {add = true}
        %dma_wait3A_186 = arith.constant 0 : i32
        %dma_wait3A_187 = tpu.memref_slice %arg6[%add3A_91, %dma_wait3A_186] : memref<88x128xi32, #tpu.memory_space<vmem>> -> memref<1x128xi32, #tpu.memory_space<vmem>>
        %dma_wait3A_188 = tpu.memref_squeeze %dma_wait3A_187 : memref<1x128xi32, #tpu.memory_space<vmem>> -> memref<128xi32, #tpu.memory_space<vmem>>
        %dma_wait3A_189 = arith.constant 0 : i32
        %dma_wait3A_190 = arith.constant 0 : i32
        %dma_wait3A_191 = tpu.memref_slice %arg9[%dma_wait3A_189, %dma_wait3A_190] : memref<10240x64xf32, #tpu.memory_space<vmem_shared>> -> memref<10240x64xf32, #tpu.memory_space<vmem_shared>>
        tpu.wait_indirect_dma semaphore(%run_scoped3A_179 : memref<!tpu.dma_semaphore, #tpu.memory_space<semaphore_mem>>) src(%arg8 : memref<128x64xf32, #tpu.memory_space<vmem>>) dst(%dma_wait3A_191 : memref<10240x64xf32, #tpu.memory_space<vmem_shared>>)
        tpu.yield
      }) : () -> ()
      %mul3A_133 = arith.constant 2 : i32
      %mul3A_134 = arith.muli %while3A_86, %mul3A_133 : i32
      %add3A_135 = arith.constant 1 : i32
      %add3A_136 = arith.addi %mul3A_134, %add3A_135 : i32
      %add3A_137 = arith.constant 1 : i32
      %add3A_138 = arith.addi %add3A_136, %add3A_137 : i32
      %dma_start3A_139 = arith.constant 0 : i32
      %dma_start3A_140 = arith.constant 0 : i32
      %dma_start3A_141 = arith.constant 0 : i32
      %dma_start3A_142 = arith.constant 0 : i32
      %dma_start3A_143 = tpu.memref_slice %arg7[%dma_start3A_139, %dma_start3A_141, %dma_start3A_142] : memref<2x128x64xbf16, #tpu.memory_space<vmem>> -> memref<1x128x64xbf16, #tpu.memory_space<vmem>>
      %dma_start3A_144 = tpu.memref_squeeze %dma_start3A_143 : memref<1x128x64xbf16, #tpu.memory_space<vmem>> -> memref<128x64xbf16, #tpu.memory_space<vmem>>
      %dma_start3A_145 = arith.constant 0 : i32
      %dma_start3A_146 = tpu.memref_slice %arg5[%add3A_138, %dma_start3A_145] : memref<89x128xi32, #tpu.memory_space<vmem>> -> memref<1x128xi32, #tpu.memory_space<vmem>>
      %dma_start3A_147 = tpu.memref_squeeze %dma_start3A_146 : memref<1x128xi32, #tpu.memory_space<vmem>> -> memref<128xi32, #tpu.memory_space<vmem>>
      %dma_start3A_148 = arith.constant 0 : i32
      %dma_start3A_149 = arith.constant 0 : i32
      %dma_start3A_150 = tpu.memref_slice %arg3[%dma_start3A_148, %dma_start3A_149] : memref<10000x64xbf16, #tpu.memory_space<hbm>> -> memref<10000x64xbf16, #tpu.memory_space<hbm>>
      %dma_start3A_151 = tpu.memref_slice %arg10[%dma_start3A_140] : memref<2x!tpu.dma_semaphore, #tpu.memory_space<semaphore_mem>> -> memref<1x!tpu.dma_semaphore, #tpu.memory_space<semaphore_mem>>
      %dma_start3A_152 = tpu.memref_squeeze %dma_start3A_151 : memref<1x!tpu.dma_semaphore, #tpu.memory_space<semaphore_mem>> -> memref<!tpu.dma_semaphore, #tpu.memory_space<semaphore_mem>>
      tpu.enqueue_indirect_dma source(%dma_start3A_150 : memref<10000x64xbf16, #tpu.memory_space<hbm>>) target(%dma_start3A_144 : memref<128x64xbf16, #tpu.memory_space<vmem>>) offsets(%dma_start3A_147 : memref<128xi32, #tpu.memory_space<vmem>>) semaphore(%dma_start3A_152 : memref<!tpu.dma_semaphore, #tpu.memory_space<semaphore_mem>>)
      %dma_wait3A_153 = arith.constant 1 : i32
      %dma_wait3A_154 = arith.constant 1 : i32
      %dma_wait3A_155 = arith.constant 0 : i32
      %dma_wait3A_156 = arith.constant 0 : i32
      %dma_wait3A_157 = tpu.memref_slice %arg7[%dma_wait3A_153, %dma_wait3A_155, %dma_wait3A_156] : memref<2x128x64xbf16, #tpu.memory_space<vmem>> -> memref<1x128x64xbf16, #tpu.memory_space<vmem>>
      %dma_wait3A_158 = tpu.memref_squeeze %dma_wait3A_157 : memref<1x128x64xbf16, #tpu.memory_space<vmem>> -> memref<128x64xbf16, #tpu.memory_space<vmem>>
      %dma_wait3A_159 = arith.constant 0 : i32
      %dma_wait3A_160 = arith.constant 0 : i32
      %dma_wait3A_161 = tpu.memref_slice %arg3[%dma_wait3A_159, %dma_wait3A_160] : memref<10000x64xbf16, #tpu.memory_space<hbm>> -> memref<128x64xbf16, #tpu.memory_space<hbm>>
      %dma_wait3A_162 = tpu.memref_slice %arg10[%dma_wait3A_154] : memref<2x!tpu.dma_semaphore, #tpu.memory_space<semaphore_mem>> -> memref<1x!tpu.dma_semaphore, #tpu.memory_space<semaphore_mem>>
      %dma_wait3A_163 = tpu.memref_squeeze %dma_wait3A_162 : memref<1x!tpu.dma_semaphore, #tpu.memory_space<semaphore_mem>> -> memref<!tpu.dma_semaphore, #tpu.memory_space<semaphore_mem>>
      %dma_wait3A_164 = arith.constant 0 : i32
      %dma_wait3A_165 = arith.constant 0 : i32
      %dma_wait3A_166 = tpu.memref_slice %arg7[%dma_wait3A_153, %dma_wait3A_164, %dma_wait3A_165] : memref<2x128x64xbf16, #tpu.memory_space<vmem>> -> memref<1x128x64xbf16, #tpu.memory_space<vmem>>
      %dma_wait3A_167 = tpu.memref_squeeze %dma_wait3A_166 : memref<1x128x64xbf16, #tpu.memory_space<vmem>> -> memref<128x64xbf16, #tpu.memory_space<vmem>>
      %dma_wait3A_168 = arith.constant 0 : i32
      %dma_wait3A_169 = arith.constant 0 : i32
      %dma_wait3A_170 = tpu.memref_slice %arg3[%dma_wait3A_168, %dma_wait3A_169] : memref<10000x64xbf16, #tpu.memory_space<hbm>> -> memref<128x64xbf16, #tpu.memory_space<hbm>>
      tpu.wait_dma2 semaphore(%dma_wait3A_163 : memref<!tpu.dma_semaphore, #tpu.memory_space<semaphore_mem>>) src(%dma_wait3A_170 : memref<128x64xbf16, #tpu.memory_space<hbm>>) dst(%dma_wait3A_167 : memref<128x64xbf16, #tpu.memory_space<vmem>>)
      %scan3A_171 = arith.constant 0 : i32
      %scan3A_172 = arith.constant 0 : i32
      %scan3A_173 = arith.constant 64 : i32
      %scan3A_174 = arith.addi %scan3A_172, %scan3A_173 : i32
      %scan3A_175 = arith.constant 1 : i32
      %scan3A_176 = scf.for %scan3A_179 = %scan3A_172 to %scan3A_174 step %scan3A_175 iter_args(%scan3A_180 = %scan3A_171) -> (i32)  : i32 {
        %mul3A_181 = arith.constant 2 : i32
        %mul3A_182 = arith.muli %scan3A_179, %mul3A_181 : i32
        %add3A_183 = arith.constant 0 : i32
        %add3A_184 = arith.addi %mul3A_182, %add3A_183 : i32
        %get3A = arith.constant 1 : i32
        %get3A_185 = arith.index_cast %get3A : i32 to index
        %get3A_186 = arith.index_cast %add3A_184 : i32 to index
        %get3A_187 = arith.constant 0 : index
        %get3A_188 = tpu.vector_load %arg7[%get3A_185, %get3A_186, %get3A_187] {strides = array<i32>} : memref<2x128x64xbf16, #tpu.memory_space<vmem>>, vector<32xbf16>,
        %unpack3A = tpu.unpack_subelements %get3A_188, 0 {pack_format = #tpu.pack_format<interleaved>} : vector<32xbf16> -> vector<16xf32>
        %unpack3A_189 = tpu.unpack_subelements %get3A_188, 1 {pack_format = #tpu.pack_format<interleaved>} : vector<32xbf16> -> vector<16xf32>
        %swap3A = arith.index_cast %add3A_184 : i32 to index
        %swap3A_190 = arith.constant 0 : index
        %swap3A_191 = tpu.vector_load %arg8[%swap3A, %swap3A_190] {strides = array<i32>} : memref<128x64xf32, #tpu.memory_space<vmem>>, vector<16xf32>,
        tpu.vector_store %arg8[%swap3A, %swap3A_190], %unpack3A {strides = array<i32>} : memref<128x64xf32, #tpu.memory_space<vmem>>, vector<16xf32>,
        %swap3A_192 = arith.index_cast %add3A_184 : i32 to index
        %swap3A_193 = arith.constant 16 : index
        %swap3A_194 = tpu.vector_load %arg8[%swap3A_192, %swap3A_193] {strides = array<i32>} : memref<128x64xf32, #tpu.memory_space<vmem>>, vector<16xf32>,
        tpu.vector_store %arg8[%swap3A_192, %swap3A_193], %unpack3A_189 {strides = array<i32>} : memref<128x64xf32, #tpu.memory_space<vmem>>, vector<16xf32>,
        %get3A_195 = arith.constant 1 : i32
        %get3A_196 = arith.index_cast %get3A_195 : i32 to index
        %get3A_197 = arith.index_cast %add3A_184 : i32 to index
        %get3A_198 = arith.constant 32 : index
        %get3A_199 = tpu.vector_load %arg7[%get3A_196, %get3A_197, %get3A_198] {strides = array<i32>} : memref<2x128x64xbf16, #tpu.memory_space<vmem>>, vector<32xbf16>,
        %unpack3A_200 = tpu.unpack_subelements %get3A_199, 0 {pack_format = #tpu.pack_format<interleaved>} : vector<32xbf16> -> vector<16xf32>
        %unpack3A_201 = tpu.unpack_subelements %get3A_199, 1 {pack_format = #tpu.pack_format<interleaved>} : vector<32xbf16> -> vector<16xf32>
        %swap3A_202 = arith.index_cast %add3A_184 : i32 to index
        %swap3A_203 = arith.constant 32 : index
        %swap3A_204 = tpu.vector_load %arg8[%swap3A_202, %swap3A_203] {strides = array<i32>} : memref<128x64xf32, #tpu.memory_space<vmem>>, vector<16xf32>,
        tpu.vector_store %arg8[%swap3A_202, %swap3A_203], %unpack3A_200 {strides = array<i32>} : memref<128x64xf32, #tpu.memory_space<vmem>>, vector<16xf32>,
        %swap3A_205 = arith.index_cast %add3A_184 : i32 to index
        %swap3A_206 = arith.constant 48 : index
        %swap3A_207 = tpu.vector_load %arg8[%swap3A_205, %swap3A_206] {strides = array<i32>} : memref<128x64xf32, #tpu.memory_space<vmem>>, vector<16xf32>,
        tpu.vector_store %arg8[%swap3A_205, %swap3A_206], %unpack3A_201 {strides = array<i32>} : memref<128x64xf32, #tpu.memory_space<vmem>>, vector<16xf32>,
        %mul3A_208 = arith.constant 2 : i32
        %mul3A_209 = arith.muli %scan3A_179, %mul3A_208 : i32
        %add3A_210 = arith.constant 1 : i32
        %add3A_211 = arith.addi %mul3A_209, %add3A_210 : i32
        %get3A_212 = arith.constant 1 : i32
        %get3A_213 = arith.index_cast %get3A_212 : i32 to index
        %get3A_214 = arith.index_cast %add3A_211 : i32 to index
        %get3A_215 = arith.constant 0 : index
        %get3A_216 = tpu.vector_load %arg7[%get3A_213, %get3A_214, %get3A_215] {strides = array<i32>} : memref<2x128x64xbf16, #tpu.memory_space<vmem>>, vector<32xbf16>,
        %unpack3A_217 = tpu.unpack_subelements %get3A_216, 0 {pack_format = #tpu.pack_format<interleaved>} : vector<32xbf16> -> vector<16xf32>
        %unpack3A_218 = tpu.unpack_subelements %get3A_216, 1 {pack_format = #tpu.pack_format<interleaved>} : vector<32xbf16> -> vector<16xf32>
        %swap3A_219 = arith.index_cast %add3A_211 : i32 to index
        %swap3A_220 = arith.constant 0 : index
        %swap3A_221 = tpu.vector_load %arg8[%swap3A_219, %swap3A_220] {strides = array<i32>} : memref<128x64xf32, #tpu.memory_space<vmem>>, vector<16xf32>,
        tpu.vector_store %arg8[%swap3A_219, %swap3A_220], %unpack3A_217 {strides = array<i32>} : memref<128x64xf32, #tpu.memory_space<vmem>>, vector<16xf32>,
        %swap3A_222 = arith.index_cast %add3A_211 : i32 to index
        %swap3A_223 = arith.constant 16 : index
        %swap3A_224 = tpu.vector_load %arg8[%swap3A_222, %swap3A_223] {strides = array<i32>} : memref<128x64xf32, #tpu.memory_space<vmem>>, vector<16xf32>,
        tpu.vector_store %arg8[%swap3A_222, %swap3A_223], %unpack3A_218 {strides = array<i32>} : memref<128x64xf32, #tpu.memory_space<vmem>>, vector<16xf32>,
        %get3A_225 = arith.constant 1 : i32
        %get3A_226 = arith.index_cast %get3A_225 : i32 to index
        %get3A_227 = arith.index_cast %add3A_211 : i32 to index
        %get3A_228 = arith.constant 32 : index
        %get3A_229 = tpu.vector_load %arg7[%get3A_226, %get3A_227, %get3A_228] {strides = array<i32>} : memref<2x128x64xbf16, #tpu.memory_space<vmem>>, vector<32xbf16>,
        %unpack3A_230 = tpu.unpack_subelements %get3A_229, 0 {pack_format = #tpu.pack_format<interleaved>} : vector<32xbf16> -> vector<16xf32>
        %unpack3A_231 = tpu.unpack_subelements %get3A_229, 1 {pack_format = #tpu.pack_format<interleaved>} : vector<32xbf16> -> vector<16xf32>
        %swap3A_232 = arith.index_cast %add3A_211 : i32 to index
        %swap3A_233 = arith.constant 32 : index
        %swap3A_234 = tpu.vector_load %arg8[%swap3A_232, %swap3A_233] {strides = array<i32>} : memref<128x64xf32, #tpu.memory_space<vmem>>, vector<16xf32>,
        tpu.vector_store %arg8[%swap3A_232, %swap3A_233], %unpack3A_230 {strides = array<i32>} : memref<128x64xf32, #tpu.memory_space<vmem>>, vector<16xf32>,
        %swap3A_235 = arith.index_cast %add3A_211 : i32 to index
        %swap3A_236 = arith.constant 48 : index
        %swap3A_237 = tpu.vector_load %arg8[%swap3A_235, %swap3A_236] {strides = array<i32>} : memref<128x64xf32, #tpu.memory_space<vmem>>, vector<16xf32>,
        tpu.vector_store %arg8[%swap3A_235, %swap3A_236], %unpack3A_231 {strides = array<i32>} : memref<128x64xf32, #tpu.memory_space<vmem>>, vector<16xf32>,
        %scan3A_238 = arith.constant 0 : i32
        scf.yield %scan3A_238 : i32
      }
      %scan3A_177 = arith.constant 64 : i32
      "tpu.region"() ({
        %run_scoped3A_179 = tpu.sem_alloc : memref<!tpu.dma_semaphore, #tpu.memory_space<semaphore_mem>>
        %dma_start3A_180 = arith.constant 0 : i32
        %dma_start3A_181 = tpu.memref_slice %arg6[%add3A_136, %dma_start3A_180] : memref<88x128xi32, #tpu.memory_space<vmem>> -> memref<1x128xi32, #tpu.memory_space<vmem>>
        %dma_start3A_182 = tpu.memref_squeeze %dma_start3A_181 : memref<1x128xi32, #tpu.memory_space<vmem>> -> memref<128xi32, #tpu.memory_space<vmem>>
        %dma_start3A_183 = arith.constant 0 : i32
        %dma_start3A_184 = arith.constant 0 : i32
        %dma_start3A_185 = tpu.memref_slice %arg9[%dma_start3A_183, %dma_start3A_184] : memref<10240x64xf32, #tpu.memory_space<vmem_shared>> -> memref<10240x64xf32, #tpu.memory_space<vmem_shared>>
        tpu.enqueue_indirect_dma source(%arg8 : memref<128x64xf32, #tpu.memory_space<vmem>>) target(%dma_start3A_185 : memref<10240x64xf32, #tpu.memory_space<vmem_shared>>) offsets(%dma_start3A_182 : memref<128xi32, #tpu.memory_space<vmem>>) semaphore(%run_scoped3A_179 : memref<!tpu.dma_semaphore, #tpu.memory_space<semaphore_mem>>) {add = true}
        %dma_wait3A_186 = arith.constant 0 : i32
        %dma_wait3A_187 = tpu.memref_slice %arg6[%add3A_136, %dma_wait3A_186] : memref<88x128xi32, #tpu.memory_space<vmem>> -> memref<1x128xi32, #tpu.memory_space<vmem>>
        %dma_wait3A_188 = tpu.memref_squeeze %dma_wait3A_187 : memref<1x128xi32, #tpu.memory_space<vmem>> -> memref<128xi32, #tpu.memory_space<vmem>>
        %dma_wait3A_189 = arith.constant 0 : i32
        %dma_wait3A_190 = arith.constant 0 : i32
        %dma_wait3A_191 = tpu.memref_slice %arg9[%dma_wait3A_189, %dma_wait3A_190] : memref<10240x64xf32, #tpu.memory_space<vmem_shared>> -> memref<10240x64xf32, #tpu.memory_space<vmem_shared>>
        tpu.wait_indirect_dma semaphore(%run_scoped3A_179 : memref<!tpu.dma_semaphore, #tpu.memory_space<semaphore_mem>>) src(%arg8 : memref<128x64xf32, #tpu.memory_space<vmem>>) dst(%dma_wait3A_191 : memref<10240x64xf32, #tpu.memory_space<vmem_shared>>)
        tpu.yield
      }) : () -> ()
      %while3A_178 = arith.constant 0 : i32
      scf.yield %while3A_178 : i32
    }
    %while3A_59 = arith.constant 1 : i32
    %while3A_60 = scf.for %while3A_86 = %while3A_56 to %while3A_52 step %while3A_59 iter_args(%while3A_87 = %while3A_58) -> (i32)  : i32 {
      %mul3A_88 = arith.constant 2 : i32
      %mul3A_89 = arith.muli %while3A_86, %mul3A_88 : i32
      %add3A_90 = arith.constant 0 : i32
      %add3A_91 = arith.addi %mul3A_89, %add3A_90 : i32
      %add3A_92 = arith.constant 1 : i32
      %add3A_93 = arith.addi %add3A_91, %add3A_92 : i32
      %dma_start3A_94 = arith.constant 1 : i32
      %dma_start3A_95 = arith.constant 1 : i32
      %dma_start3A_96 = arith.constant 0 : i32
      %dma_start3A_97 = arith.constant 0 : i32
      %dma_start3A_98 = tpu.memref_slice %arg7[%dma_start3A_94, %dma_start3A_96, %dma_start3A_97] : memref<2x128x64xbf16, #tpu.memory_space<vmem>> -> memref<1x128x64xbf16, #tpu.memory_space<vmem>>
      %dma_start3A_99 = tpu.memref_squeeze %dma_start3A_98 : memref<1x128x64xbf16, #tpu.memory_space<vmem>> -> memref<128x64xbf16, #tpu.memory_space<vmem>>
      %dma_start3A_100 = arith.constant 0 : i32
      %dma_start3A_101 = tpu.memref_slice %arg5[%add3A_93, %dma_start3A_100] : memref<89x128xi32, #tpu.memory_space<vmem>> -> memref<1x128xi32, #tpu.memory_space<vmem>>
      %dma_start3A_102 = tpu.memref_squeeze %dma_start3A_101 : memref<1x128xi32, #tpu.memory_space<vmem>> -> memref<128xi32, #tpu.memory_space<vmem>>
      %dma_start3A_103 = arith.constant 0 : i32
      %dma_start3A_104 = arith.constant 0 : i32
      %dma_start3A_105 = tpu.memref_slice %arg3[%dma_start3A_103, %dma_start3A_104] : memref<10000x64xbf16, #tpu.memory_space<hbm>> -> memref<10000x64xbf16, #tpu.memory_space<hbm>>
      %dma_start3A_106 = tpu.memref_slice %arg10[%dma_start3A_95] : memref<2x!tpu.dma_semaphore, #tpu.memory_space<semaphore_mem>> -> memref<1x!tpu.dma_semaphore, #tpu.memory_space<semaphore_mem>>
      %dma_start3A_107 = tpu.memref_squeeze %dma_start3A_106 : memref<1x!tpu.dma_semaphore, #tpu.memory_space<semaphore_mem>> -> memref<!tpu.dma_semaphore, #tpu.memory_space<semaphore_mem>>
      tpu.enqueue_indirect_dma source(%dma_start3A_105 : memref<10000x64xbf16, #tpu.memory_space<hbm>>) target(%dma_start3A_99 : memref<128x64xbf16, #tpu.memory_space<vmem>>) offsets(%dma_start3A_102 : memref<128xi32, #tpu.memory_space<vmem>>) semaphore(%dma_start3A_107 : memref<!tpu.dma_semaphore, #tpu.memory_space<semaphore_mem>>)
      %dma_wait3A_108 = arith.constant 0 : i32
      %dma_wait3A_109 = arith.constant 0 : i32
      %dma_wait3A_110 = arith.constant 0 : i32
      %dma_wait3A_111 = arith.constant 0 : i32
      %dma_wait3A_112 = tpu.memref_slice %arg7[%dma_wait3A_108, %dma_wait3A_110, %dma_wait3A_111] : memref<2x128x64xbf16, #tpu.memory_space<vmem>> -> memref<1x128x64xbf16, #tpu.memory_space<vmem>>
      %dma_wait3A_113 = tpu.memref_squeeze %dma_wait3A_112 : memref<1x128x64xbf16, #tpu.memory_space<vmem>> -> memref<128x64xbf16, #tpu.memory_space<vmem>>
      %dma_wait3A_114 = arith.constant 0 : i32
      %dma_wait3A_115 = arith.constant 0 : i32
      %dma_wait3A_116 = tpu.memref_slice %arg3[%dma_wait3A_114, %dma_wait3A_115] : memref<10000x64xbf16, #tpu.memory_space<hbm>> -> memref<128x64xbf16, #tpu.memory_space<hbm>>
      %dma_wait3A_117 = tpu.memref_slice %arg10[%dma_wait3A_109] : memref<2x!tpu.dma_semaphore, #tpu.memory_space<semaphore_mem>> -> memref<1x!tpu.dma_semaphore, #tpu.memory_space<semaphore_mem>>
      %dma_wait3A_118 = tpu.memref_squeeze %dma_wait3A_117 : memref<1x!tpu.dma_semaphore, #tpu.memory_space<semaphore_mem>> -> memref<!tpu.dma_semaphore, #tpu.memory_space<semaphore_mem>>
      %dma_wait3A_119 = arith.constant 0 : i32
      %dma_wait3A_120 = arith.constant 0 : i32
      %dma_wait3A_121 = tpu.memref_slice %arg7[%dma_wait3A_108, %dma_wait3A_119, %dma_wait3A_120] : memref<2x128x64xbf16, #tpu.memory_space<vmem>> -> memref<1x128x64xbf16, #tpu.memory_space<vmem>>
      %dma_wait3A_122 = tpu.memref_squeeze %dma_wait3A_121 : memref<1x128x64xbf16, #tpu.memory_space<vmem>> -> memref<128x64xbf16, #tpu.memory_space<vmem>>
      %dma_wait3A_123 = arith.constant 0 : i32
      %dma_wait3A_124 = arith.constant 0 : i32
      %dma_wait3A_125 = tpu.memref_slice %arg3[%dma_wait3A_123, %dma_wait3A_124] : memref<10000x64xbf16, #tpu.memory_space<hbm>> -> memref<128x64xbf16, #tpu.memory_space<hbm>>
      tpu.wait_dma2 semaphore(%dma_wait3A_118 : memref<!tpu.dma_semaphore, #tpu.memory_space<semaphore_mem>>) src(%dma_wait3A_125 : memref<128x64xbf16, #tpu.memory_space<hbm>>) dst(%dma_wait3A_122 : memref<128x64xbf16, #tpu.memory_space<vmem>>)
      %scan3A_126 = arith.constant 0 : i32
      %scan3A_127 = arith.constant 0 : i32
      %scan3A_128 = arith.constant 64 : i32
      %scan3A_129 = arith.addi %scan3A_127, %scan3A_128 : i32
      %scan3A_130 = arith.constant 1 : i32
      %scan3A_131 = scf.for %scan3A_179 = %scan3A_127 to %scan3A_129 step %scan3A_130 iter_args(%scan3A_180 = %scan3A_126) -> (i32)  : i32 {
        %mul3A_181 = arith.constant 2 : i32
        %mul3A_182 = arith.muli %scan3A_179, %mul3A_181 : i32
        %add3A_183 = arith.constant 0 : i32
        %add3A_184 = arith.addi %mul3A_182, %add3A_183 : i32
        %get3A = arith.constant 0 : i32
        %get3A_185 = arith.index_cast %get3A : i32 to index
        %get3A_186 = arith.index_cast %add3A_184 : i32 to index
        %get3A_187 = arith.constant 0 : index
        %get3A_188 = tpu.vector_load %arg7[%get3A_185, %get3A_186, %get3A_187] {strides = array<i32>} : memref<2x128x64xbf16, #tpu.memory_space<vmem>>, vector<32xbf16>,
        %unpack3A = tpu.unpack_subelements %get3A_188, 0 {pack_format = #tpu.pack_format<interleaved>} : vector<32xbf16> -> vector<16xf32>
        %unpack3A_189 = tpu.unpack_subelements %get3A_188, 1 {pack_format = #tpu.pack_format<interleaved>} : vector<32xbf16> -> vector<16xf32>
        %swap3A = arith.index_cast %add3A_184 : i32 to index
        %swap3A_190 = arith.constant 0 : index
        %swap3A_191 = tpu.vector_load %arg8[%swap3A, %swap3A_190] {strides = array<i32>} : memref<128x64xf32, #tpu.memory_space<vmem>>, vector<16xf32>,
        tpu.vector_store %arg8[%swap3A, %swap3A_190], %unpack3A {strides = array<i32>} : memref<128x64xf32, #tpu.memory_space<vmem>>, vector<16xf32>,
        %swap3A_192 = arith.index_cast %add3A_184 : i32 to index
        %swap3A_193 = arith.constant 16 : index
        %swap3A_194 = tpu.vector_load %arg8[%swap3A_192, %swap3A_193] {strides = array<i32>} : memref<128x64xf32, #tpu.memory_space<vmem>>, vector<16xf32>,
        tpu.vector_store %arg8[%swap3A_192, %swap3A_193], %unpack3A_189 {strides = array<i32>} : memref<128x64xf32, #tpu.memory_space<vmem>>, vector<16xf32>,
        %get3A_195 = arith.constant 0 : i32
        %get3A_196 = arith.index_cast %get3A_195 : i32 to index
        %get3A_197 = arith.index_cast %add3A_184 : i32 to index
        %get3A_198 = arith.constant 32 : index
        %get3A_199 = tpu.vector_load %arg7[%get3A_196, %get3A_197, %get3A_198] {strides = array<i32>} : memref<2x128x64xbf16, #tpu.memory_space<vmem>>, vector<32xbf16>,
        %unpack3A_200 = tpu.unpack_subelements %get3A_199, 0 {pack_format = #tpu.pack_format<interleaved>} : vector<32xbf16> -> vector<16xf32>
        %unpack3A_201 = tpu.unpack_subelements %get3A_199, 1 {pack_format = #tpu.pack_format<interleaved>} : vector<32xbf16> -> vector<16xf32>
        %swap3A_202 = arith.index_cast %add3A_184 : i32 to index
        %swap3A_203 = arith.constant 32 : index
        %swap3A_204 = tpu.vector_load %arg8[%swap3A_202, %swap3A_203] {strides = array<i32>} : memref<128x64xf32, #tpu.memory_space<vmem>>, vector<16xf32>,
        tpu.vector_store %arg8[%swap3A_202, %swap3A_203], %unpack3A_200 {strides = array<i32>} : memref<128x64xf32, #tpu.memory_space<vmem>>, vector<16xf32>,
        %swap3A_205 = arith.index_cast %add3A_184 : i32 to index
        %swap3A_206 = arith.constant 48 : index
        %swap3A_207 = tpu.vector_load %arg8[%swap3A_205, %swap3A_206] {strides = array<i32>} : memref<128x64xf32, #tpu.memory_space<vmem>>, vector<16xf32>,
        tpu.vector_store %arg8[%swap3A_205, %swap3A_206], %unpack3A_201 {strides = array<i32>} : memref<128x64xf32, #tpu.memory_space<vmem>>, vector<16xf32>,
        %mul3A_208 = arith.constant 2 : i32
        %mul3A_209 = arith.muli %scan3A_179, %mul3A_208 : i32
        %add3A_210 = arith.constant 1 : i32
        %add3A_211 = arith.addi %mul3A_209, %add3A_210 : i32
        %get3A_212 = arith.constant 0 : i32
        %get3A_213 = arith.index_cast %get3A_212 : i32 to index
        %get3A_214 = arith.index_cast %add3A_211 : i32 to index
        %get3A_215 = arith.constant 0 : index
        %get3A_216 = tpu.vector_load %arg7[%get3A_213, %get3A_214, %get3A_215] {strides = array<i32>} : memref<2x128x64xbf16, #tpu.memory_space<vmem>>, vector<32xbf16>,
        %unpack3A_217 = tpu.unpack_subelements %get3A_216, 0 {pack_format = #tpu.pack_format<interleaved>} : vector<32xbf16> -> vector<16xf32>
        %unpack3A_218 = tpu.unpack_subelements %get3A_216, 1 {pack_format = #tpu.pack_format<interleaved>} : vector<32xbf16> -> vector<16xf32>
        %swap3A_219 = arith.index_cast %add3A_211 : i32 to index
        %swap3A_220 = arith.constant 0 : index
        %swap3A_221 = tpu.vector_load %arg8[%swap3A_219, %swap3A_220] {strides = array<i32>} : memref<128x64xf32, #tpu.memory_space<vmem>>, vector<16xf32>,
        tpu.vector_store %arg8[%swap3A_219, %swap3A_220], %unpack3A_217 {strides = array<i32>} : memref<128x64xf32, #tpu.memory_space<vmem>>, vector<16xf32>,
        %swap3A_222 = arith.index_cast %add3A_211 : i32 to index
        %swap3A_223 = arith.constant 16 : index
        %swap3A_224 = tpu.vector_load %arg8[%swap3A_222, %swap3A_223] {strides = array<i32>} : memref<128x64xf32, #tpu.memory_space<vmem>>, vector<16xf32>,
        tpu.vector_store %arg8[%swap3A_222, %swap3A_223], %unpack3A_218 {strides = array<i32>} : memref<128x64xf32, #tpu.memory_space<vmem>>, vector<16xf32>,
        %get3A_225 = arith.constant 0 : i32
        %get3A_226 = arith.index_cast %get3A_225 : i32 to index
        %get3A_227 = arith.index_cast %add3A_211 : i32 to index
        %get3A_228 = arith.constant 32 : index
        %get3A_229 = tpu.vector_load %arg7[%get3A_226, %get3A_227, %get3A_228] {strides = array<i32>} : memref<2x128x64xbf16, #tpu.memory_space<vmem>>, vector<32xbf16>,
        %unpack3A_230 = tpu.unpack_subelements %get3A_229, 0 {pack_format = #tpu.pack_format<interleaved>} : vector<32xbf16> -> vector<16xf32>
        %unpack3A_231 = tpu.unpack_subelements %get3A_229, 1 {pack_format = #tpu.pack_format<interleaved>} : vector<32xbf16> -> vector<16xf32>
        %swap3A_232 = arith.index_cast %add3A_211 : i32 to index
        %swap3A_233 = arith.constant 32 : index
        %swap3A_234 = tpu.vector_load %arg8[%swap3A_232, %swap3A_233] {strides = array<i32>} : memref<128x64xf32, #tpu.memory_space<vmem>>, vector<16xf32>,
        tpu.vector_store %arg8[%swap3A_232, %swap3A_233], %unpack3A_230 {strides = array<i32>} : memref<128x64xf32, #tpu.memory_space<vmem>>, vector<16xf32>,
        %swap3A_235 = arith.index_cast %add3A_211 : i32 to index
        %swap3A_236 = arith.constant 48 : index
        %swap3A_237 = tpu.vector_load %arg8[%swap3A_235, %swap3A_236] {strides = array<i32>} : memref<128x64xf32, #tpu.memory_space<vmem>>, vector<16xf32>,
        tpu.vector_store %arg8[%swap3A_235, %swap3A_236], %unpack3A_231 {strides = array<i32>} : memref<128x64xf32, #tpu.memory_space<vmem>>, vector<16xf32>,
        %scan3A_238 = arith.constant 0 : i32
        scf.yield %scan3A_238 : i32
      }
      %scan3A_132 = arith.constant 64 : i32
      "tpu.region"() ({
        %run_scoped3A_179 = tpu.sem_alloc : memref<!tpu.dma_semaphore, #tpu.memory_space<semaphore_mem>>
        %dma_start3A_180 = arith.constant 0 : i32
        %dma_start3A_181 = tpu.memref_slice %arg6[%add3A_91, %dma_start3A_180] : memref<88x128xi32, #tpu.memory_space<vmem>> -> memref<1x128xi32, #tpu.memory_space<vmem>>
        %dma_start3A_182 = tpu.memref_squeeze %dma_start3A_181 : memref<1x128xi32, #tpu.memory_space<vmem>> -> memref<128xi32, #tpu.memory_space<vmem>>
        %dma_start3A_183 = arith.constant 0 : i32
        %dma_start3A_184 = arith.constant 0 : i32
        %dma_start3A_185 = tpu.memref_slice %arg9[%dma_start3A_183, %dma_start3A_184] : memref<10240x64xf32, #tpu.memory_space<vmem_shared>> -> memref<10240x64xf32, #tpu.memory_space<vmem_shared>>
        tpu.enqueue_indirect_dma source(%arg8 : memref<128x64xf32, #tpu.memory_space<vmem>>) target(%dma_start3A_185 : memref<10240x64xf32, #tpu.memory_space<vmem_shared>>) offsets(%dma_start3A_182 : memref<128xi32, #tpu.memory_space<vmem>>) semaphore(%run_scoped3A_179 : memref<!tpu.dma_semaphore, #tpu.memory_space<semaphore_mem>>) {add = true}
        %dma_wait3A_186 = arith.constant 0 : i32
        %dma_wait3A_187 = tpu.memref_slice %arg6[%add3A_91, %dma_wait3A_186] : memref<88x128xi32, #tpu.memory_space<vmem>> -> memref<1x128xi32, #tpu.memory_space<vmem>>
        %dma_wait3A_188 = tpu.memref_squeeze %dma_wait3A_187 : memref<1x128xi32, #tpu.memory_space<vmem>> -> memref<128xi32, #tpu.memory_space<vmem>>
        %dma_wait3A_189 = arith.constant 0 : i32
        %dma_wait3A_190 = arith.constant 0 : i32
        %dma_wait3A_191 = tpu.memref_slice %arg9[%dma_wait3A_189, %dma_wait3A_190] : memref<10240x64xf32, #tpu.memory_space<vmem_shared>> -> memref<10240x64xf32, #tpu.memory_space<vmem_shared>>
        tpu.wait_indirect_dma semaphore(%run_scoped3A_179 : memref<!tpu.dma_semaphore, #tpu.memory_space<semaphore_mem>>) src(%arg8 : memref<128x64xf32, #tpu.memory_space<vmem>>) dst(%dma_wait3A_191 : memref<10240x64xf32, #tpu.memory_space<vmem_shared>>)
        tpu.yield
      }) : () -> ()
      %mul3A_133 = arith.constant 2 : i32
      %mul3A_134 = arith.muli %while3A_86, %mul3A_133 : i32
      %add3A_135 = arith.constant 1 : i32
      %add3A_136 = arith.addi %mul3A_134, %add3A_135 : i32
      %add3A_137 = arith.constant 1 : i32
      %add3A_138 = arith.addi %add3A_136, %add3A_137 : i32
      %dma_start3A_139 = arith.constant 0 : i32
      %dma_start3A_140 = arith.constant 0 : i32
      %dma_start3A_141 = arith.constant 0 : i32
      %dma_start3A_142 = arith.constant 0 : i32
      %dma_start3A_143 = tpu.memref_slice %arg7[%dma_start3A_139, %dma_start3A_141, %dma_start3A_142] : memref<2x128x64xbf16, #tpu.memory_space<vmem>> -> memref<1x128x64xbf16, #tpu.memory_space<vmem>>
      %dma_start3A_144 = tpu.memref_squeeze %dma_start3A_143 : memref<1x128x64xbf16, #tpu.memory_space<vmem>> -> memref<128x64xbf16, #tpu.memory_space<vmem>>
      %dma_start3A_145 = arith.constant 0 : i32
      %dma_start3A_146 = tpu.memref_slice %arg5[%add3A_138, %dma_start3A_145] : memref<89x128xi32, #tpu.memory_space<vmem>> -> memref<1x128xi32, #tpu.memory_space<vmem>>
      %dma_start3A_147 = tpu.memref_squeeze %dma_start3A_146 : memref<1x128xi32, #tpu.memory_space<vmem>> -> memref<128xi32, #tpu.memory_space<vmem>>
      %dma_start3A_148 = arith.constant 0 : i32
      %dma_start3A_149 = arith.constant 0 : i32
      %dma_start3A_150 = tpu.memref_slice %arg3[%dma_start3A_148, %dma_start3A_149] : memref<10000x64xbf16, #tpu.memory_space<hbm>> -> memref<10000x64xbf16, #tpu.memory_space<hbm>>
      %dma_start3A_151 = tpu.memref_slice %arg10[%dma_start3A_140] : memref<2x!tpu.dma_semaphore, #tpu.memory_space<semaphore_mem>> -> memref<1x!tpu.dma_semaphore, #tpu.memory_space<semaphore_mem>>
      %dma_start3A_152 = tpu.memref_squeeze %dma_start3A_151 : memref<1x!tpu.dma_semaphore, #tpu.memory_space<semaphore_mem>> -> memref<!tpu.dma_semaphore, #tpu.memory_space<semaphore_mem>>
      tpu.enqueue_indirect_dma source(%dma_start3A_150 : memref<10000x64xbf16, #tpu.memory_space<hbm>>) target(%dma_start3A_144 : memref<128x64xbf16, #tpu.memory_space<vmem>>) offsets(%dma_start3A_147 : memref<128xi32, #tpu.memory_space<vmem>>) semaphore(%dma_start3A_152 : memref<!tpu.dma_semaphore, #tpu.memory_space<semaphore_mem>>)
      %dma_wait3A_153 = arith.constant 1 : i32
      %dma_wait3A_154 = arith.constant 1 : i32
      %dma_wait3A_155 = arith.constant 0 : i32
      %dma_wait3A_156 = arith.constant 0 : i32
      %dma_wait3A_157 = tpu.memref_slice %arg7[%dma_wait3A_153, %dma_wait3A_155, %dma_wait3A_156] : memref<2x128x64xbf16, #tpu.memory_space<vmem>> -> memref<1x128x64xbf16, #tpu.memory_space<vmem>>
      %dma_wait3A_158 = tpu.memref_squeeze %dma_wait3A_157 : memref<1x128x64xbf16, #tpu.memory_space<vmem>> -> memref<128x64xbf16, #tpu.memory_space<vmem>>
      %dma_wait3A_159 = arith.constant 0 : i32
      %dma_wait3A_160 = arith.constant 0 : i32
      %dma_wait3A_161 = tpu.memref_slice %arg3[%dma_wait3A_159, %dma_wait3A_160] : memref<10000x64xbf16, #tpu.memory_space<hbm>> -> memref<128x64xbf16, #tpu.memory_space<hbm>>
      %dma_wait3A_162 = tpu.memref_slice %arg10[%dma_wait3A_154] : memref<2x!tpu.dma_semaphore, #tpu.memory_space<semaphore_mem>> -> memref<1x!tpu.dma_semaphore, #tpu.memory_space<semaphore_mem>>
      %dma_wait3A_163 = tpu.memref_squeeze %dma_wait3A_162 : memref<1x!tpu.dma_semaphore, #tpu.memory_space<semaphore_mem>> -> memref<!tpu.dma_semaphore, #tpu.memory_space<semaphore_mem>>
      %dma_wait3A_164 = arith.constant 0 : i32
      %dma_wait3A_165 = arith.constant 0 : i32
      %dma_wait3A_166 = tpu.memref_slice %arg7[%dma_wait3A_153, %dma_wait3A_164, %dma_wait3A_165] : memref<2x128x64xbf16, #tpu.memory_space<vmem>> -> memref<1x128x64xbf16, #tpu.memory_space<vmem>>
      %dma_wait3A_167 = tpu.memref_squeeze %dma_wait3A_166 : memref<1x128x64xbf16, #tpu.memory_space<vmem>> -> memref<128x64xbf16, #tpu.memory_space<vmem>>
      %dma_wait3A_168 = arith.constant 0 : i32
      %dma_wait3A_169 = arith.constant 0 : i32
      %dma_wait3A_170 = tpu.memref_slice %arg3[%dma_wait3A_168, %dma_wait3A_169] : memref<10000x64xbf16, #tpu.memory_space<hbm>> -> memref<128x64xbf16, #tpu.memory_space<hbm>>
      tpu.wait_dma2 semaphore(%dma_wait3A_163 : memref<!tpu.dma_semaphore, #tpu.memory_space<semaphore_mem>>) src(%dma_wait3A_170 : memref<128x64xbf16, #tpu.memory_space<hbm>>) dst(%dma_wait3A_167 : memref<128x64xbf16, #tpu.memory_space<vmem>>)
      %scan3A_171 = arith.constant 0 : i32
      %scan3A_172 = arith.constant 0 : i32
      %scan3A_173 = arith.constant 64 : i32
      %scan3A_174 = arith.addi %scan3A_172, %scan3A_173 : i32
      %scan3A_175 = arith.constant 1 : i32
      %scan3A_176 = scf.for %scan3A_179 = %scan3A_172 to %scan3A_174 step %scan3A_175 iter_args(%scan3A_180 = %scan3A_171) -> (i32)  : i32 {
        %mul3A_181 = arith.constant 2 : i32
        %mul3A_182 = arith.muli %scan3A_179, %mul3A_181 : i32
        %add3A_183 = arith.constant 0 : i32
        %add3A_184 = arith.addi %mul3A_182, %add3A_183 : i32
        %get3A = arith.constant 1 : i32
        %get3A_185 = arith.index_cast %get3A : i32 to index
        %get3A_186 = arith.index_cast %add3A_184 : i32 to index
        %get3A_187 = arith.constant 0 : index
        %get3A_188 = tpu.vector_load %arg7[%get3A_185, %get3A_186, %get3A_187] {strides = array<i32>} : memref<2x128x64xbf16, #tpu.memory_space<vmem>>, vector<32xbf16>,
        %unpack3A = tpu.unpack_subelements %get3A_188, 0 {pack_format = #tpu.pack_format<interleaved>} : vector<32xbf16> -> vector<16xf32>
        %unpack3A_189 = tpu.unpack_subelements %get3A_188, 1 {pack_format = #tpu.pack_format<interleaved>} : vector<32xbf16> -> vector<16xf32>
        %swap3A = arith.index_cast %add3A_184 : i32 to index
        %swap3A_190 = arith.constant 0 : index
        %swap3A_191 = tpu.vector_load %arg8[%swap3A, %swap3A_190] {strides = array<i32>} : memref<128x64xf32, #tpu.memory_space<vmem>>, vector<16xf32>,
        tpu.vector_store %arg8[%swap3A, %swap3A_190], %unpack3A {strides = array<i32>} : memref<128x64xf32, #tpu.memory_space<vmem>>, vector<16xf32>,
        %swap3A_192 = arith.index_cast %add3A_184 : i32 to index
        %swap3A_193 = arith.constant 16 : index
        %swap3A_194 = tpu.vector_load %arg8[%swap3A_192, %swap3A_193] {strides = array<i32>} : memref<128x64xf32, #tpu.memory_space<vmem>>, vector<16xf32>,
        tpu.vector_store %arg8[%swap3A_192, %swap3A_193], %unpack3A_189 {strides = array<i32>} : memref<128x64xf32, #tpu.memory_space<vmem>>, vector<16xf32>,
        %get3A_195 = arith.constant 1 : i32
        %get3A_196 = arith.index_cast %get3A_195 : i32 to index
        %get3A_197 = arith.index_cast %add3A_184 : i32 to index
        %get3A_198 = arith.constant 32 : index
        %get3A_199 = tpu.vector_load %arg7[%get3A_196, %get3A_197, %get3A_198] {strides = array<i32>} : memref<2x128x64xbf16, #tpu.memory_space<vmem>>, vector<32xbf16>,
        %unpack3A_200 = tpu.unpack_subelements %get3A_199, 0 {pack_format = #tpu.pack_format<interleaved>} : vector<32xbf16> -> vector<16xf32>
        %unpack3A_201 = tpu.unpack_subelements %get3A_199, 1 {pack_format = #tpu.pack_format<interleaved>} : vector<32xbf16> -> vector<16xf32>
        %swap3A_202 = arith.index_cast %add3A_184 : i32 to index
        %swap3A_203 = arith.constant 32 : index
        %swap3A_204 = tpu.vector_load %arg8[%swap3A_202, %swap3A_203] {strides = array<i32>} : memref<128x64xf32, #tpu.memory_space<vmem>>, vector<16xf32>,
        tpu.vector_store %arg8[%swap3A_202, %swap3A_203], %unpack3A_200 {strides = array<i32>} : memref<128x64xf32, #tpu.memory_space<vmem>>, vector<16xf32>,
        %swap3A_205 = arith.index_cast %add3A_184 : i32 to index
        %swap3A_206 = arith.constant 48 : index
        %swap3A_207 = tpu.vector_load %arg8[%swap3A_205, %swap3A_206] {strides = array<i32>} : memref<128x64xf32, #tpu.memory_space<vmem>>, vector<16xf32>,
        tpu.vector_store %arg8[%swap3A_205, %swap3A_206], %unpack3A_201 {strides = array<i32>} : memref<128x64xf32, #tpu.memory_space<vmem>>, vector<16xf32>,
        %mul3A_208 = arith.constant 2 : i32
        %mul3A_209 = arith.muli %scan3A_179, %mul3A_208 : i32
        %add3A_210 = arith.constant 1 : i32
        %add3A_211 = arith.addi %mul3A_209, %add3A_210 : i32
        %get3A_212 = arith.constant 1 : i32
        %get3A_213 = arith.index_cast %get3A_212 : i32 to index
        %get3A_214 = arith.index_cast %add3A_211 : i32 to index
        %get3A_215 = arith.constant 0 : index
        %get3A_216 = tpu.vector_load %arg7[%get3A_213, %get3A_214, %get3A_215] {strides = array<i32>} : memref<2x128x64xbf16, #tpu.memory_space<vmem>>, vector<32xbf16>,
        %unpack3A_217 = tpu.unpack_subelements %get3A_216, 0 {pack_format = #tpu.pack_format<interleaved>} : vector<32xbf16> -> vector<16xf32>
        %unpack3A_218 = tpu.unpack_subelements %get3A_216, 1 {pack_format = #tpu.pack_format<interleaved>} : vector<32xbf16> -> vector<16xf32>
        %swap3A_219 = arith.index_cast %add3A_211 : i32 to index
        %swap3A_220 = arith.constant 0 : index
        %swap3A_221 = tpu.vector_load %arg8[%swap3A_219, %swap3A_220] {strides = array<i32>} : memref<128x64xf32, #tpu.memory_space<vmem>>, vector<16xf32>,
        tpu.vector_store %arg8[%swap3A_219, %swap3A_220], %unpack3A_217 {strides = array<i32>} : memref<128x64xf32, #tpu.memory_space<vmem>>, vector<16xf32>,
        %swap3A_222 = arith.index_cast %add3A_211 : i32 to index
        %swap3A_223 = arith.constant 16 : index
        %swap3A_224 = tpu.vector_load %arg8[%swap3A_222, %swap3A_223] {strides = array<i32>} : memref<128x64xf32, #tpu.memory_space<vmem>>, vector<16xf32>,
        tpu.vector_store %arg8[%swap3A_222, %swap3A_223], %unpack3A_218 {strides = array<i32>} : memref<128x64xf32, #tpu.memory_space<vmem>>, vector<16xf32>,
        %get3A_225 = arith.constant 1 : i32
        %get3A_226 = arith.index_cast %get3A_225 : i32 to index
        %get3A_227 = arith.index_cast %add3A_211 : i32 to index
        %get3A_228 = arith.constant 32 : index
        %get3A_229 = tpu.vector_load %arg7[%get3A_226, %get3A_227, %get3A_228] {strides = array<i32>} : memref<2x128x64xbf16, #tpu.memory_space<vmem>>, vector<32xbf16>,
        %unpack3A_230 = tpu.unpack_subelements %get3A_229, 0 {pack_format = #tpu.pack_format<interleaved>} : vector<32xbf16> -> vector<16xf32>
        %unpack3A_231 = tpu.unpack_subelements %get3A_229, 1 {pack_format = #tpu.pack_format<interleaved>} : vector<32xbf16> -> vector<16xf32>
        %swap3A_232 = arith.index_cast %add3A_211 : i32 to index
        %swap3A_233 = arith.constant 32 : index
        %swap3A_234 = tpu.vector_load %arg8[%swap3A_232, %swap3A_233] {strides = array<i32>} : memref<128x64xf32, #tpu.memory_space<vmem>>, vector<16xf32>,
        tpu.vector_store %arg8[%swap3A_232, %swap3A_233], %unpack3A_230 {strides = array<i32>} : memref<128x64xf32, #tpu.memory_space<vmem>>, vector<16xf32>,
        %swap3A_235 = arith.index_cast %add3A_211 : i32 to index
        %swap3A_236 = arith.constant 48 : index
        %swap3A_237 = tpu.vector_load %arg8[%swap3A_235, %swap3A_236] {strides = array<i32>} : memref<128x64xf32, #tpu.memory_space<vmem>>, vector<16xf32>,
        tpu.vector_store %arg8[%swap3A_235, %swap3A_236], %unpack3A_231 {strides = array<i32>} : memref<128x64xf32, #tpu.memory_space<vmem>>, vector<16xf32>,
        %scan3A_238 = arith.constant 0 : i32
        scf.yield %scan3A_238 : i32
      }
      %scan3A_177 = arith.constant 64 : i32
      "tpu.region"() ({
        %run_scoped3A_179 = tpu.sem_alloc : memref<!tpu.dma_semaphore, #tpu.memory_space<semaphore_mem>>
        %dma_start3A_180 = arith.constant 0 : i32
        %dma_start3A_181 = tpu.memref_slice %arg6[%add3A_136, %dma_start3A_180] : memref<88x128xi32, #tpu.memory_space<vmem>> -> memref<1x128xi32, #tpu.memory_space<vmem>>
        %dma_start3A_182 = tpu.memref_squeeze %dma_start3A_181 : memref<1x128xi32, #tpu.memory_space<vmem>> -> memref<128xi32, #tpu.memory_space<vmem>>
        %dma_start3A_183 = arith.constant 0 : i32
        %dma_start3A_184 = arith.constant 0 : i32
        %dma_start3A_185 = tpu.memref_slice %arg9[%dma_start3A_183, %dma_start3A_184] : memref<10240x64xf32, #tpu.memory_space<vmem_shared>> -> memref<10240x64xf32, #tpu.memory_space<vmem_shared>>
        tpu.enqueue_indirect_dma source(%arg8 : memref<128x64xf32, #tpu.memory_space<vmem>>) target(%dma_start3A_185 : memref<10240x64xf32, #tpu.memory_space<vmem_shared>>) offsets(%dma_start3A_182 : memref<128xi32, #tpu.memory_space<vmem>>) semaphore(%run_scoped3A_179 : memref<!tpu.dma_semaphore, #tpu.memory_space<semaphore_mem>>) {add = true}
        %dma_wait3A_186 = arith.constant 0 : i32
        %dma_wait3A_187 = tpu.memref_slice %arg6[%add3A_136, %dma_wait3A_186] : memref<88x128xi32, #tpu.memory_space<vmem>> -> memref<1x128xi32, #tpu.memory_space<vmem>>
        %dma_wait3A_188 = tpu.memref_squeeze %dma_wait3A_187 : memref<1x128xi32, #tpu.memory_space<vmem>> -> memref<128xi32, #tpu.memory_space<vmem>>
        %dma_wait3A_189 = arith.constant 0 : i32
        %dma_wait3A_190 = arith.constant 0 : i32
        %dma_wait3A_191 = tpu.memref_slice %arg9[%dma_wait3A_189, %dma_wait3A_190] : memref<10240x64xf32, #tpu.memory_space<vmem_shared>> -> memref<10240x64xf32, #tpu.memory_space<vmem_shared>>
        tpu.wait_indirect_dma semaphore(%run_scoped3A_179 : memref<!tpu.dma_semaphore, #tpu.memory_space<semaphore_mem>>) src(%arg8 : memref<128x64xf32, #tpu.memory_space<vmem>>) dst(%dma_wait3A_191 : memref<10240x64xf32, #tpu.memory_space<vmem_shared>>)
        tpu.yield
      }) : () -> ()
      %while3A_178 = arith.constant 0 : i32
      scf.yield %while3A_178 : i32
    }
    %dma_wait3A = arith.constant 0 : i32
    %dma_wait3A_61 = arith.constant 0 : i32
    %dma_wait3A_62 = arith.constant 0 : i32
    %dma_wait3A_63 = arith.constant 0 : i32
    %dma_wait3A_64 = tpu.memref_slice %arg7[%dma_wait3A, %dma_wait3A_62, %dma_wait3A_63] : memref<2x128x64xbf16, #tpu.memory_space<vmem>> -> memref<1x128x64xbf16, #tpu.memory_space<vmem>>
    %dma_wait3A_65 = tpu.memref_squeeze %dma_wait3A_64 : memref<1x128x64xbf16, #tpu.memory_space<vmem>> -> memref<128x64xbf16, #tpu.memory_space<vmem>>
    %dma_wait3A_66 = arith.constant 0 : i32
    %dma_wait3A_67 = arith.constant 0 : i32
    %dma_wait3A_68 = tpu.memref_slice %arg3[%dma_wait3A_66, %dma_wait3A_67] : memref<10000x64xbf16, #tpu.memory_space<hbm>> -> memref<128x64xbf16, #tpu.memory_space<hbm>>
    %dma_wait3A_69 = tpu.memref_slice %arg10[%dma_wait3A_61] : memref<2x!tpu.dma_semaphore, #tpu.memory_space<semaphore_mem>> -> memref<1x!tpu.dma_semaphore, #tpu.memory_space<semaphore_mem>>
    %dma_wait3A_70 = tpu.memref_squeeze %dma_wait3A_69 : memref<1x!tpu.dma_semaphore, #tpu.memory_space<semaphore_mem>> -> memref<!tpu.dma_semaphore, #tpu.memory_space<semaphore_mem>>
    %dma_wait3A_71 = arith.constant 0 : i32
    %dma_wait3A_72 = arith.constant 0 : i32
    %dma_wait3A_73 = tpu.memref_slice %arg7[%dma_wait3A, %dma_wait3A_71, %dma_wait3A_72] : memref<2x128x64xbf16, #tpu.memory_space<vmem>> -> memref<1x128x64xbf16, #tpu.memory_space<vmem>>
    %dma_wait3A_74 = tpu.memref_squeeze %dma_wait3A_73 : memref<1x128x64xbf16, #tpu.memory_space<vmem>> -> memref<128x64xbf16, #tpu.memory_space<vmem>>
    %dma_wait3A_75 = arith.constant 0 : i32
    %dma_wait3A_76 = arith.constant 0 : i32
    %dma_wait3A_77 = tpu.memref_slice %arg3[%dma_wait3A_75, %dma_wait3A_76] : memref<10000x64xbf16, #tpu.memory_space<hbm>> -> memref<128x64xbf16, #tpu.memory_space<hbm>>
    tpu.wait_dma2 semaphore(%dma_wait3A_70 : memref<!tpu.dma_semaphore, #tpu.memory_space<semaphore_mem>>) src(%dma_wait3A_77 : memref<128x64xbf16, #tpu.memory_space<hbm>>) dst(%dma_wait3A_74 : memref<128x64xbf16, #tpu.memory_space<vmem>>)
    %barrier3A_78 = arith.constant 0 : index
    tpu.barrier barrier_id(%barrier3A_78)
    %scan3A_79 = arith.constant 0 : i32
    %scan3A_80 = arith.constant 0 : i32
    %scan3A_81 = arith.constant 5 : i32
    %scan3A_82 = arith.addi %scan3A_80, %scan3A_81 : i32
    %scan3A_83 = arith.constant 1 : i32
    %scan3A_84 = scf.for %scan3A_86 = %scan3A_80 to %scan3A_82 step %scan3A_83 iter_args(%scan3A_87 = %scan3A_79) -> (i32)  : i32 {
      %mul3A_88 = arith.constant 640 : i32
      %mul3A_89 = arith.muli %arg1, %mul3A_88 : i32
      %mul3A_90 = arith.constant 128 : i32
      %mul3A_91 = arith.muli %scan3A_86, %mul3A_90 : i32
      %add3A_92 = arith.addi %mul3A_89, %mul3A_91 : i32
      "tpu.region"() ({
        %run_scoped3A_94 = tpu.sem_alloc : memref<!tpu.dma_semaphore, #tpu.memory_space<semaphore_mem>>
        %dma_start3A_95 = arith.constant 0 : i32
        %dma_start3A_96 = tpu.memref_slice %arg4[%arg0, %add3A_92, %dma_start3A_95] : memref<2x10240x64xf32, #tpu.memory_space<hbm>> -> memref<1x128x64xf32, #tpu.memory_space<hbm>>
        %dma_start3A_97 = tpu.memref_squeeze %dma_start3A_96 : memref<1x128x64xf32, #tpu.memory_space<hbm>> -> memref<128x64xf32, #tpu.memory_space<hbm>>
        %dma_start3A_98 = arith.constant 0 : i32
        %dma_start3A_99 = tpu.memref_slice %arg9[%add3A_92, %dma_start3A_98] : memref<10240x64xf32, #tpu.memory_space<vmem_shared>> -> memref<128x64xf32, #tpu.memory_space<vmem_shared>>
        tpu.enqueue_dma source(%dma_start3A_99 : memref<128x64xf32, #tpu.memory_space<vmem_shared>>) target(%dma_start3A_97 : memref<128x64xf32, #tpu.memory_space<hbm>>) target_semaphore(%run_scoped3A_94 : memref<!tpu.dma_semaphore, #tpu.memory_space<semaphore_mem>>)
        %dma_wait3A_100 = arith.constant 0 : i32
        %dma_wait3A_101 = tpu.memref_slice %arg4[%arg0, %add3A_92, %dma_wait3A_100] : memref<2x10240x64xf32, #tpu.memory_space<hbm>> -> memref<1x128x64xf32, #tpu.memory_space<hbm>>
        %dma_wait3A_102 = tpu.memref_squeeze %dma_wait3A_101 : memref<1x128x64xf32, #tpu.memory_space<hbm>> -> memref<128x64xf32, #tpu.memory_space<hbm>>
        %dma_wait3A_103 = arith.constant 0 : i32
        %dma_wait3A_104 = tpu.memref_slice %arg9[%add3A_92, %dma_wait3A_103] : memref<10240x64xf32, #tpu.memory_space<vmem_shared>> -> memref<128x64xf32, #tpu.memory_space<vmem_shared>>
        tpu.wait_dma2 semaphore(%run_scoped3A_94 : memref<!tpu.dma_semaphore, #tpu.memory_space<semaphore_mem>>) src(%dma_wait3A_104 : memref<128x64xf32, #tpu.memory_space<vmem_shared>>) dst(%dma_wait3A_102 : memref<128x64xf32, #tpu.memory_space<hbm>>)
        tpu.yield
      }) : () -> ()
      %scan3A_93 = arith.constant 0 : i32
      scf.yield %scan3A_93 : i32
    }
    %scan3A_85 = arith.constant 5 : i32
    return
  }
}

#map = affine_map<(d0, d1) -> (0, 0, 0)>
#map1 = affine_map<(d0, d1) -> (0, 0)>
module attributes {stable_mosaic.version = 14 : i64} {
  func.func @body(%arg0: i32, %arg1: i32, %arg2: memref<2x2656x128xi32, #tpu.memory_space<hbm>>, %arg3: memref<10000x64xbf16, #tpu.memory_space<hbm>>, %arg4: memref<2x10240x64xf32, #tpu.memory_space<hbm>>, %arg5: memref<2x10240x16xf32, #tpu.memory_space<hbm>>, %arg6: memref<89x128xi32, #tpu.memory_space<vmem>>, %arg7: memref<88x128xi32, #tpu.memory_space<vmem>>, %arg8: memref<2x128x64xbf16, #tpu.memory_space<vmem>>, %arg9: memref<128x64xf32, #tpu.memory_space<vmem>>, %arg10: memref<10240x64xf32, #tpu.memory_space<vmem_shared>>, %arg11: memref<2x!tpu.dma_semaphore, #tpu.memory_space<semaphore_mem>>, %arg12: memref<128x16xf32, #tpu.memory_space<vmem>>, %arg13: memref<128x16xf32, #tpu.memory_space<vmem>>, %arg14: memref<10240x16xf32, #tpu.memory_space<vmem_shared>>) attributes {dimension_semantics = [#tpu.dimension_semantics<core_parallel>, #tpu.dimension_semantics<subcore_parallel>], iteration_bounds = array<i64: 2, 16>, scalar_prefetch = 0 : i64, scratch_operands = 9 : i64, tpu.core_type = #tpu.core_type<sc_vector_subcore>, window_params = [{transform_indices = #map}, {transform_indices = #map1}, {transform_indices = #map}, {transform_indices = #map}]} {
    %mul3A = arith.constant -16 : i32
    %mul3A_0 = arith.muli %arg0, %mul3A : i32
    %add3A = arith.constant 88 : i32
    %add3A_1 = arith.addi %add3A, %mul3A_0 : i32
    %mul3A_2 = arith.constant 1408 : i32
    %mul3A_3 = arith.muli %arg0, %mul3A_2 : i32
    %mul3A_4 = arith.muli %arg1, %add3A_1 : i32
    %add3A_5 = arith.addi %mul3A_3, %mul3A_4 : i32
    %run_scoped3A = arith.constant 0 : i32
    "tpu.region"() ({
      %run_scoped3A_100 = tpu.sem_alloc : memref<!tpu.dma_semaphore, #tpu.memory_space<semaphore_mem>>
      %dma_start3A_101 = arith.constant 0 : i32
      %dma_start3A_102 = tpu.memref_slice %arg2[%run_scoped3A, %add3A_5, %dma_start3A_101] : memref<2x2656x128xi32, #tpu.memory_space<hbm>> -> memref<1x89x128xi32, #tpu.memory_space<hbm>>
      %dma_start3A_103 = tpu.memref_squeeze %dma_start3A_102 : memref<1x89x128xi32, #tpu.memory_space<hbm>> -> memref<89x128xi32, #tpu.memory_space<hbm>>
      %dma_start3A_104 = arith.constant 0 : i32
      %dma_start3A_105 = tpu.memref_slice %arg2[%run_scoped3A, %add3A_5, %dma_start3A_104] : memref<2x2656x128xi32, #tpu.memory_space<hbm>> -> memref<1x89x128xi32, #tpu.memory_space<hbm>>
      %dma_start3A_106 = tpu.memref_squeeze %dma_start3A_105 : memref<1x89x128xi32, #tpu.memory_space<hbm>> -> memref<89x128xi32, #tpu.memory_space<hbm>>
      tpu.enqueue_dma source(%dma_start3A_106 : memref<89x128xi32, #tpu.memory_space<hbm>>) target(%arg6 : memref<89x128xi32, #tpu.memory_space<vmem>>) target_semaphore(%run_scoped3A_100 : memref<!tpu.dma_semaphore, #tpu.memory_space<semaphore_mem>>)
      %dma_wait3A_107 = arith.constant 0 : i32
      %dma_wait3A_108 = tpu.memref_slice %arg2[%run_scoped3A, %add3A_5, %dma_wait3A_107] : memref<2x2656x128xi32, #tpu.memory_space<hbm>> -> memref<1x89x128xi32, #tpu.memory_space<hbm>>
      %dma_wait3A_109 = tpu.memref_squeeze %dma_wait3A_108 : memref<1x89x128xi32, #tpu.memory_space<hbm>> -> memref<89x128xi32, #tpu.memory_space<hbm>>
      %dma_wait3A_110 = arith.constant 0 : i32
      %dma_wait3A_111 = tpu.memref_slice %arg2[%run_scoped3A, %add3A_5, %dma_wait3A_110] : memref<2x2656x128xi32, #tpu.memory_space<hbm>> -> memref<1x89x128xi32, #tpu.memory_space<hbm>>
      %dma_wait3A_112 = tpu.memref_squeeze %dma_wait3A_111 : memref<1x89x128xi32, #tpu.memory_space<hbm>> -> memref<89x128xi32, #tpu.memory_space<hbm>>
      tpu.wait_dma2 semaphore(%run_scoped3A_100 : memref<!tpu.dma_semaphore, #tpu.memory_space<semaphore_mem>>) src(%dma_wait3A_112 : memref<89x128xi32, #tpu.memory_space<hbm>>) dst(%arg6 : memref<89x128xi32, #tpu.memory_space<vmem>>)
      tpu.yield
    }) : () -> ()
    %run_scoped3A_6 = arith.constant 1 : i32
    "tpu.region"() ({
      %run_scoped3A_100 = tpu.sem_alloc : memref<!tpu.dma_semaphore, #tpu.memory_space<semaphore_mem>>
      %dma_start3A_101 = arith.constant 0 : i32
      %dma_start3A_102 = tpu.memref_slice %arg2[%run_scoped3A_6, %add3A_5, %dma_start3A_101] : memref<2x2656x128xi32, #tpu.memory_space<hbm>> -> memref<1x88x128xi32, #tpu.memory_space<hbm>>
      %dma_start3A_103 = tpu.memref_squeeze %dma_start3A_102 : memref<1x88x128xi32, #tpu.memory_space<hbm>> -> memref<88x128xi32, #tpu.memory_space<hbm>>
      %dma_start3A_104 = arith.constant 0 : i32
      %dma_start3A_105 = tpu.memref_slice %arg2[%run_scoped3A_6, %add3A_5, %dma_start3A_104] : memref<2x2656x128xi32, #tpu.memory_space<hbm>> -> memref<1x88x128xi32, #tpu.memory_space<hbm>>
      %dma_start3A_106 = tpu.memref_squeeze %dma_start3A_105 : memref<1x88x128xi32, #tpu.memory_space<hbm>> -> memref<88x128xi32, #tpu.memory_space<hbm>>
      tpu.enqueue_dma source(%dma_start3A_106 : memref<88x128xi32, #tpu.memory_space<hbm>>) target(%arg7 : memref<88x128xi32, #tpu.memory_space<vmem>>) target_semaphore(%run_scoped3A_100 : memref<!tpu.dma_semaphore, #tpu.memory_space<semaphore_mem>>)
      %dma_wait3A_107 = arith.constant 0 : i32
      %dma_wait3A_108 = tpu.memref_slice %arg2[%run_scoped3A_6, %add3A_5, %dma_wait3A_107] : memref<2x2656x128xi32, #tpu.memory_space<hbm>> -> memref<1x88x128xi32, #tpu.memory_space<hbm>>
      %dma_wait3A_109 = tpu.memref_squeeze %dma_wait3A_108 : memref<1x88x128xi32, #tpu.memory_space<hbm>> -> memref<88x128xi32, #tpu.memory_space<hbm>>
      %dma_wait3A_110 = arith.constant 0 : i32
      %dma_wait3A_111 = tpu.memref_slice %arg2[%run_scoped3A_6, %add3A_5, %dma_wait3A_110] : memref<2x2656x128xi32, #tpu.memory_space<hbm>> -> memref<1x88x128xi32, #tpu.memory_space<hbm>>
      %dma_wait3A_112 = tpu.memref_squeeze %dma_wait3A_111 : memref<1x88x128xi32, #tpu.memory_space<hbm>> -> memref<88x128xi32, #tpu.memory_space<hbm>>
      tpu.wait_dma2 semaphore(%run_scoped3A_100 : memref<!tpu.dma_semaphore, #tpu.memory_space<semaphore_mem>>) src(%dma_wait3A_112 : memref<88x128xi32, #tpu.memory_space<hbm>>) dst(%arg7 : memref<88x128xi32, #tpu.memory_space<vmem>>)
      tpu.yield
    }) : () -> ()
    %scan3A = arith.constant 0 : i32
    %scan3A_7 = arith.constant 0 : i32
    %scan3A_8 = arith.constant 128 : i32
    %scan3A_9 = arith.addi %scan3A_7, %scan3A_8 : i32
    %scan3A_10 = arith.constant 1 : i32
    %scan3A_11 = scf.for %scan3A_100 = %scan3A_7 to %scan3A_9 step %scan3A_10 iter_args(%scan3A_101 = %scan3A) -> (i32)  : i32 {
      %scan3A_102 = arith.constant 0 : i32
      %scan3A_103 = arith.constant 0 : i32
      %scan3A_104 = arith.constant 4 : i32
      %scan3A_105 = arith.addi %scan3A_103, %scan3A_104 : i32
      %scan3A_106 = arith.constant 1 : i32
      %scan3A_107 = scf.for %scan3A_110 = %scan3A_103 to %scan3A_105 step %scan3A_106 iter_args(%scan3A_111 = %scan3A_102) -> (i32)  : i32 {
        %broadcast_in_dim3A = arith.constant 0.000000e+00 : f32
        %broadcast_in_dim3A_112 = vector.broadcast %broadcast_in_dim3A : f32 to vector<16xf32>
        %mul3A_113 = arith.constant 16 : i32
        %mul3A_114 = arith.muli %scan3A_110, %mul3A_113 : i32
        %swap3A = arith.index_cast %scan3A_100 : i32 to index
        %swap3A_115 = arith.index_cast %mul3A_114 : i32 to index
        %swap3A_116 = tpu.vector_load %arg9[%swap3A, %swap3A_115] {strides = array<i32>} : memref<128x64xf32, #tpu.memory_space<vmem>>, vector<16xf32>,
        tpu.vector_store %arg9[%swap3A, %swap3A_115], %broadcast_in_dim3A_112 {strides = array<i32>} : memref<128x64xf32, #tpu.memory_space<vmem>>, vector<16xf32>,
        %scan3A_117 = arith.constant 0 : i32
        scf.yield %scan3A_117 : i32
      }
      %scan3A_108 = arith.constant 4 : i32
      %scan3A_109 = arith.constant 0 : i32
      scf.yield %scan3A_109 : i32
    }
    %scan3A_12 = arith.constant 128 : i32
    %scan3A_13 = arith.constant 0 : i32
    %scan3A_14 = arith.constant 0 : i32
    %scan3A_15 = arith.constant 5 : i32
    %scan3A_16 = arith.addi %scan3A_14, %scan3A_15 : i32
    %scan3A_17 = arith.constant 1 : i32
    %scan3A_18 = scf.for %scan3A_100 = %scan3A_14 to %scan3A_16 step %scan3A_17 iter_args(%scan3A_101 = %scan3A_13) -> (i32)  : i32 {
      %mul3A_102 = arith.constant 640 : i32
      %mul3A_103 = arith.muli %arg1, %mul3A_102 : i32
      %mul3A_104 = arith.constant 128 : i32
      %mul3A_105 = arith.muli %scan3A_100, %mul3A_104 : i32
      %add3A_106 = arith.addi %mul3A_103, %mul3A_105 : i32
      "tpu.region"() ({
        %run_scoped3A_108 = tpu.sem_alloc : memref<!tpu.dma_semaphore, #tpu.memory_space<semaphore_mem>>
        %dma_start3A_109 = arith.constant 0 : i32
        %dma_start3A_110 = tpu.memref_slice %arg10[%add3A_106, %dma_start3A_109] : memref<10240x64xf32, #tpu.memory_space<vmem_shared>> -> memref<128x64xf32, #tpu.memory_space<vmem_shared>>
        %dma_start3A_111 = arith.constant 0 : i32
        %dma_start3A_112 = tpu.memref_slice %arg10[%add3A_106, %dma_start3A_111] : memref<10240x64xf32, #tpu.memory_space<vmem_shared>> -> memref<128x64xf32, #tpu.memory_space<vmem_shared>>
        tpu.enqueue_dma source(%arg9 : memref<128x64xf32, #tpu.memory_space<vmem>>) target(%dma_start3A_112 : memref<128x64xf32, #tpu.memory_space<vmem_shared>>) target_semaphore(%run_scoped3A_108 : memref<!tpu.dma_semaphore, #tpu.memory_space<semaphore_mem>>)
        %dma_wait3A_113 = arith.constant 0 : i32
        %dma_wait3A_114 = tpu.memref_slice %arg10[%add3A_106, %dma_wait3A_113] : memref<10240x64xf32, #tpu.memory_space<vmem_shared>> -> memref<128x64xf32, #tpu.memory_space<vmem_shared>>
        %dma_wait3A_115 = arith.constant 0 : i32
        %dma_wait3A_116 = tpu.memref_slice %arg10[%add3A_106, %dma_wait3A_115] : memref<10240x64xf32, #tpu.memory_space<vmem_shared>> -> memref<128x64xf32, #tpu.memory_space<vmem_shared>>
        tpu.wait_dma2 semaphore(%run_scoped3A_108 : memref<!tpu.dma_semaphore, #tpu.memory_space<semaphore_mem>>) src(%arg9 : memref<128x64xf32, #tpu.memory_space<vmem>>) dst(%dma_wait3A_116 : memref<128x64xf32, #tpu.memory_space<vmem_shared>>)
        tpu.yield
      }) : () -> ()
      %scan3A_107 = arith.constant 0 : i32
      scf.yield %scan3A_107 : i32
    }
    %scan3A_19 = arith.constant 5 : i32
    %scan3A_20 = arith.constant 0 : i32
    %scan3A_21 = arith.constant 0 : i32
    %scan3A_22 = arith.constant 128 : i32
    %scan3A_23 = arith.addi %scan3A_21, %scan3A_22 : i32
    %scan3A_24 = arith.constant 1 : i32
    %scan3A_25 = scf.for %scan3A_100 = %scan3A_21 to %scan3A_23 step %scan3A_24 iter_args(%scan3A_101 = %scan3A_20) -> (i32)  : i32 {
      %broadcast_in_dim3A = arith.constant 1.000000e+00 : f32
      %broadcast_in_dim3A_102 = vector.broadcast %broadcast_in_dim3A : f32 to vector<16xf32>
      %swap3A = arith.index_cast %scan3A_100 : i32 to index
      %swap3A_103 = arith.constant 0 : index
      %swap3A_104 = tpu.vector_load %arg12[%swap3A, %swap3A_103] {strides = array<i32>} : memref<128x16xf32, #tpu.memory_space<vmem>>, vector<16xf32>,
      tpu.vector_store %arg12[%swap3A, %swap3A_103], %broadcast_in_dim3A_102 {strides = array<i32>} : memref<128x16xf32, #tpu.memory_space<vmem>>, vector<16xf32>,
      %broadcast_in_dim3A_105 = arith.constant 0.000000e+00 : f32
      %broadcast_in_dim3A_106 = vector.broadcast %broadcast_in_dim3A_105 : f32 to vector<16xf32>
      %swap3A_107 = arith.index_cast %scan3A_100 : i32 to index
      %swap3A_108 = arith.constant 0 : index
      %swap3A_109 = tpu.vector_load %arg13[%swap3A_107, %swap3A_108] {strides = array<i32>} : memref<128x16xf32, #tpu.memory_space<vmem>>, vector<16xf32>,
      tpu.vector_store %arg13[%swap3A_107, %swap3A_108], %broadcast_in_dim3A_106 {strides = array<i32>} : memref<128x16xf32, #tpu.memory_space<vmem>>, vector<16xf32>,
      %scan3A_110 = arith.constant 0 : i32
      scf.yield %scan3A_110 : i32
    }
    %scan3A_26 = arith.constant 128 : i32
    %scan3A_27 = arith.constant 0 : i32
    %scan3A_28 = arith.constant 0 : i32
    %scan3A_29 = arith.constant 5 : i32
    %scan3A_30 = arith.addi %scan3A_28, %scan3A_29 : i32
    %scan3A_31 = arith.constant 1 : i32
    %scan3A_32 = scf.for %scan3A_100 = %scan3A_28 to %scan3A_30 step %scan3A_31 iter_args(%scan3A_101 = %scan3A_27) -> (i32)  : i32 {
      %mul3A_102 = arith.constant 640 : i32
      %mul3A_103 = arith.muli %arg1, %mul3A_102 : i32
      %mul3A_104 = arith.constant 128 : i32
      %mul3A_105 = arith.muli %scan3A_100, %mul3A_104 : i32
      %add3A_106 = arith.addi %mul3A_103, %mul3A_105 : i32
      "tpu.region"() ({
        %run_scoped3A_108 = tpu.sem_alloc : memref<!tpu.dma_semaphore, #tpu.memory_space<semaphore_mem>>
        %dma_start3A_109 = arith.constant 0 : i32
        %dma_start3A_110 = tpu.memref_slice %arg14[%add3A_106, %dma_start3A_109] : memref<10240x16xf32, #tpu.memory_space<vmem_shared>> -> memref<128x16xf32, #tpu.memory_space<vmem_shared>>
        %dma_start3A_111 = arith.constant 0 : i32
        %dma_start3A_112 = tpu.memref_slice %arg14[%add3A_106, %dma_start3A_111] : memref<10240x16xf32, #tpu.memory_space<vmem_shared>> -> memref<128x16xf32, #tpu.memory_space<vmem_shared>>
        tpu.enqueue_dma source(%arg13 : memref<128x16xf32, #tpu.memory_space<vmem>>) target(%dma_start3A_112 : memref<128x16xf32, #tpu.memory_space<vmem_shared>>) target_semaphore(%run_scoped3A_108 : memref<!tpu.dma_semaphore, #tpu.memory_space<semaphore_mem>>)
        %dma_wait3A_113 = arith.constant 0 : i32
        %dma_wait3A_114 = tpu.memref_slice %arg14[%add3A_106, %dma_wait3A_113] : memref<10240x16xf32, #tpu.memory_space<vmem_shared>> -> memref<128x16xf32, #tpu.memory_space<vmem_shared>>
        %dma_wait3A_115 = arith.constant 0 : i32
        %dma_wait3A_116 = tpu.memref_slice %arg14[%add3A_106, %dma_wait3A_115] : memref<10240x16xf32, #tpu.memory_space<vmem_shared>> -> memref<128x16xf32, #tpu.memory_space<vmem_shared>>
        tpu.wait_dma2 semaphore(%run_scoped3A_108 : memref<!tpu.dma_semaphore, #tpu.memory_space<semaphore_mem>>) src(%arg13 : memref<128x16xf32, #tpu.memory_space<vmem>>) dst(%dma_wait3A_116 : memref<128x16xf32, #tpu.memory_space<vmem_shared>>)
        tpu.yield
      }) : () -> ()
      %scan3A_107 = arith.constant 0 : i32
      scf.yield %scan3A_107 : i32
    }
    %scan3A_33 = arith.constant 5 : i32
    %barrier3A = arith.constant 0 : index
    tpu.barrier barrier_id(%barrier3A)
    %dma_start3A = arith.constant 0 : i32
    %dma_start3A_34 = arith.constant 0 : i32
    %dma_start3A_35 = arith.constant 0 : i32
    %dma_start3A_36 = arith.constant 0 : i32
    %dma_start3A_37 = arith.constant 0 : i32
    %dma_start3A_38 = tpu.memref_slice %arg8[%dma_start3A_34, %dma_start3A_36, %dma_start3A_37] : memref<2x128x64xbf16, #tpu.memory_space<vmem>> -> memref<1x128x64xbf16, #tpu.memory_space<vmem>>
    %dma_start3A_39 = tpu.memref_squeeze %dma_start3A_38 : memref<1x128x64xbf16, #tpu.memory_space<vmem>> -> memref<128x64xbf16, #tpu.memory_space<vmem>>
    %dma_start3A_40 = arith.constant 0 : i32
    %dma_start3A_41 = tpu.memref_slice %arg6[%dma_start3A, %dma_start3A_40] : memref<89x128xi32, #tpu.memory_space<vmem>> -> memref<1x128xi32, #tpu.memory_space<vmem>>
    %dma_start3A_42 = tpu.memref_squeeze %dma_start3A_41 : memref<1x128xi32, #tpu.memory_space<vmem>> -> memref<128xi32, #tpu.memory_space<vmem>>
    %dma_start3A_43 = arith.constant 0 : i32
    %dma_start3A_44 = arith.constant 0 : i32
    %dma_start3A_45 = tpu.memref_slice %arg3[%dma_start3A_43, %dma_start3A_44] : memref<10000x64xbf16, #tpu.memory_space<hbm>> -> memref<10000x64xbf16, #tpu.memory_space<hbm>>
    %dma_start3A_46 = tpu.memref_slice %arg11[%dma_start3A_35] : memref<2x!tpu.dma_semaphore, #tpu.memory_space<semaphore_mem>> -> memref<1x!tpu.dma_semaphore, #tpu.memory_space<semaphore_mem>>
    %dma_start3A_47 = tpu.memref_squeeze %dma_start3A_46 : memref<1x!tpu.dma_semaphore, #tpu.memory_space<semaphore_mem>> -> memref<!tpu.dma_semaphore, #tpu.memory_space<semaphore_mem>>
    tpu.enqueue_indirect_dma source(%dma_start3A_45 : memref<10000x64xbf16, #tpu.memory_space<hbm>>) target(%dma_start3A_39 : memref<128x64xbf16, #tpu.memory_space<vmem>>) offsets(%dma_start3A_42 : memref<128xi32, #tpu.memory_space<vmem>>) semaphore(%dma_start3A_47 : memref<!tpu.dma_semaphore, #tpu.memory_space<semaphore_mem>>)
    %jit3A = arith.constant 2 : i32
    %div3A = arith.divsi %add3A_1, %jit3A : i32
    %sign3A = arith.constant 0 : i32
    %sign3A_48 = arith.cmpi sgt, %add3A_1, %sign3A : i32
    %sign3A_49 = arith.extui %sign3A_48 : i1 to i32
    %sign3A_50 = arith.constant 0 : i32
    %sign3A_51 = arith.cmpi slt, %add3A_1, %sign3A_50 : i32
    %sign3A_52 = arith.extui %sign3A_51 : i1 to i32
    %sign3A_53 = arith.subi %sign3A_49, %sign3A_52 : i32
    %sign3A_54 = arith.constant 0 : i32
    %sign3A_55 = arith.cmpi sgt, %jit3A, %sign3A_54 : i32
    %sign3A_56 = arith.extui %sign3A_55 : i1 to i32
    %sign3A_57 = arith.constant 0 : i32
    %sign3A_58 = arith.cmpi slt, %jit3A, %sign3A_57 : i32
    %sign3A_59 = arith.extui %sign3A_58 : i1 to i32
    %sign3A_60 = arith.subi %sign3A_56, %sign3A_59 : i32
    %ne3A = arith.cmpi ne, %sign3A_53, %sign3A_60 : i32
    %rem3A = arith.remsi %add3A_1, %jit3A : i32
    %ne3A_61 = arith.constant 0 : i32
    %ne3A_62 = arith.cmpi ne, %rem3A, %ne3A_61 : i32
    %and3A = arith.andi %ne3A, %ne3A_62 : i1
    %sub3A = arith.constant 1 : i32
    %sub3A_63 = arith.subi %div3A, %sub3A : i32
    %select_n3A = arith.select %and3A, %sub3A_63, %div3A : i32
    %while3A = arith.constant 0 : i32
    %while3A_64 = arith.constant 0 : i32
    %while3A_65 = arith.subi %select_n3A, %while3A : i32
    %while3A_66 = arith.addi %while3A, %while3A_65 : i32
    %while3A_67 = arith.constant 1 : i32
    %while3A_68 = arith.divsi %while3A_65, %while3A_67 : i32
    %while3A_69 = arith.muli %while3A_68, %while3A_67 : i32
    %while3A_70 = arith.addi %while3A, %while3A_69 : i32
    %while3A_71 = arith.constant 1 : i32
    %while3A_72 = scf.for %while3A_100 = %while3A to %while3A_70 step %while3A_71 iter_args(%while3A_101 = %while3A_64) -> (i32)  : i32 {
      %mul3A_102 = arith.constant 2 : i32
      %mul3A_103 = arith.muli %while3A_100, %mul3A_102 : i32
      %add3A_104 = arith.constant 0 : i32
      %add3A_105 = arith.addi %mul3A_103, %add3A_104 : i32
      %add3A_106 = arith.constant 1 : i32
      %add3A_107 = arith.addi %add3A_105, %add3A_106 : i32
      %dma_start3A_108 = arith.constant 1 : i32
      %dma_start3A_109 = arith.constant 1 : i32
      %dma_start3A_110 = arith.constant 0 : i32
      %dma_start3A_111 = arith.constant 0 : i32
      %dma_start3A_112 = tpu.memref_slice %arg8[%dma_start3A_108, %dma_start3A_110, %dma_start3A_111] : memref<2x128x64xbf16, #tpu.memory_space<vmem>> -> memref<1x128x64xbf16, #tpu.memory_space<vmem>>
      %dma_start3A_113 = tpu.memref_squeeze %dma_start3A_112 : memref<1x128x64xbf16, #tpu.memory_space<vmem>> -> memref<128x64xbf16, #tpu.memory_space<vmem>>
      %dma_start3A_114 = arith.constant 0 : i32
      %dma_start3A_115 = tpu.memref_slice %arg6[%add3A_107, %dma_start3A_114] : memref<89x128xi32, #tpu.memory_space<vmem>> -> memref<1x128xi32, #tpu.memory_space<vmem>>
      %dma_start3A_116 = tpu.memref_squeeze %dma_start3A_115 : memref<1x128xi32, #tpu.memory_space<vmem>> -> memref<128xi32, #tpu.memory_space<vmem>>
      %dma_start3A_117 = arith.constant 0 : i32
      %dma_start3A_118 = arith.constant 0 : i32
      %dma_start3A_119 = tpu.memref_slice %arg3[%dma_start3A_117, %dma_start3A_118] : memref<10000x64xbf16, #tpu.memory_space<hbm>> -> memref<10000x64xbf16, #tpu.memory_space<hbm>>
      %dma_start3A_120 = tpu.memref_slice %arg11[%dma_start3A_109] : memref<2x!tpu.dma_semaphore, #tpu.memory_space<semaphore_mem>> -> memref<1x!tpu.dma_semaphore, #tpu.memory_space<semaphore_mem>>
      %dma_start3A_121 = tpu.memref_squeeze %dma_start3A_120 : memref<1x!tpu.dma_semaphore, #tpu.memory_space<semaphore_mem>> -> memref<!tpu.dma_semaphore, #tpu.memory_space<semaphore_mem>>
      tpu.enqueue_indirect_dma source(%dma_start3A_119 : memref<10000x64xbf16, #tpu.memory_space<hbm>>) target(%dma_start3A_113 : memref<128x64xbf16, #tpu.memory_space<vmem>>) offsets(%dma_start3A_116 : memref<128xi32, #tpu.memory_space<vmem>>) semaphore(%dma_start3A_121 : memref<!tpu.dma_semaphore, #tpu.memory_space<semaphore_mem>>)
      %dma_wait3A_122 = arith.constant 0 : i32
      %dma_wait3A_123 = arith.constant 0 : i32
      %dma_wait3A_124 = arith.constant 0 : i32
      %dma_wait3A_125 = arith.constant 0 : i32
      %dma_wait3A_126 = tpu.memref_slice %arg8[%dma_wait3A_122, %dma_wait3A_124, %dma_wait3A_125] : memref<2x128x64xbf16, #tpu.memory_space<vmem>> -> memref<1x128x64xbf16, #tpu.memory_space<vmem>>
      %dma_wait3A_127 = tpu.memref_squeeze %dma_wait3A_126 : memref<1x128x64xbf16, #tpu.memory_space<vmem>> -> memref<128x64xbf16, #tpu.memory_space<vmem>>
      %dma_wait3A_128 = arith.constant 0 : i32
      %dma_wait3A_129 = arith.constant 0 : i32
      %dma_wait3A_130 = tpu.memref_slice %arg3[%dma_wait3A_128, %dma_wait3A_129] : memref<10000x64xbf16, #tpu.memory_space<hbm>> -> memref<128x64xbf16, #tpu.memory_space<hbm>>
      %dma_wait3A_131 = tpu.memref_slice %arg11[%dma_wait3A_123] : memref<2x!tpu.dma_semaphore, #tpu.memory_space<semaphore_mem>> -> memref<1x!tpu.dma_semaphore, #tpu.memory_space<semaphore_mem>>
      %dma_wait3A_132 = tpu.memref_squeeze %dma_wait3A_131 : memref<1x!tpu.dma_semaphore, #tpu.memory_space<semaphore_mem>> -> memref<!tpu.dma_semaphore, #tpu.memory_space<semaphore_mem>>
      %dma_wait3A_133 = arith.constant 0 : i32
      %dma_wait3A_134 = arith.constant 0 : i32
      %dma_wait3A_135 = tpu.memref_slice %arg8[%dma_wait3A_122, %dma_wait3A_133, %dma_wait3A_134] : memref<2x128x64xbf16, #tpu.memory_space<vmem>> -> memref<1x128x64xbf16, #tpu.memory_space<vmem>>
      %dma_wait3A_136 = tpu.memref_squeeze %dma_wait3A_135 : memref<1x128x64xbf16, #tpu.memory_space<vmem>> -> memref<128x64xbf16, #tpu.memory_space<vmem>>
      %dma_wait3A_137 = arith.constant 0 : i32
      %dma_wait3A_138 = arith.constant 0 : i32
      %dma_wait3A_139 = tpu.memref_slice %arg3[%dma_wait3A_137, %dma_wait3A_138] : memref<10000x64xbf16, #tpu.memory_space<hbm>> -> memref<128x64xbf16, #tpu.memory_space<hbm>>
      tpu.wait_dma2 semaphore(%dma_wait3A_132 : memref<!tpu.dma_semaphore, #tpu.memory_space<semaphore_mem>>) src(%dma_wait3A_139 : memref<128x64xbf16, #tpu.memory_space<hbm>>) dst(%dma_wait3A_136 : memref<128x64xbf16, #tpu.memory_space<vmem>>)
      %scan3A_140 = arith.constant 0 : i32
      %scan3A_141 = arith.constant 0 : i32
      %scan3A_142 = arith.constant 64 : i32
      %scan3A_143 = arith.addi %scan3A_141, %scan3A_142 : i32
      %scan3A_144 = arith.constant 1 : i32
      %scan3A_145 = scf.for %scan3A_193 = %scan3A_141 to %scan3A_143 step %scan3A_144 iter_args(%scan3A_194 = %scan3A_140) -> (i32)  : i32 {
        %mul3A_195 = arith.constant 2 : i32
        %mul3A_196 = arith.muli %scan3A_193, %mul3A_195 : i32
        %add3A_197 = arith.constant 0 : i32
        %add3A_198 = arith.addi %mul3A_196, %add3A_197 : i32
        %get3A = arith.constant 0 : i32
        %get3A_199 = arith.index_cast %get3A : i32 to index
        %get3A_200 = arith.index_cast %add3A_198 : i32 to index
        %get3A_201 = arith.constant 0 : index
        %get3A_202 = tpu.vector_load %arg8[%get3A_199, %get3A_200, %get3A_201] {strides = array<i32>} : memref<2x128x64xbf16, #tpu.memory_space<vmem>>, vector<32xbf16>,
        %unpack3A = tpu.unpack_subelements %get3A_202, 0 {pack_format = #tpu.pack_format<interleaved>} : vector<32xbf16> -> vector<16xf32>
        %unpack3A_203 = tpu.unpack_subelements %get3A_202, 1 {pack_format = #tpu.pack_format<interleaved>} : vector<32xbf16> -> vector<16xf32>
        %swap3A = arith.index_cast %add3A_198 : i32 to index
        %swap3A_204 = arith.constant 0 : index
        %swap3A_205 = tpu.vector_load %arg9[%swap3A, %swap3A_204] {strides = array<i32>} : memref<128x64xf32, #tpu.memory_space<vmem>>, vector<16xf32>,
        tpu.vector_store %arg9[%swap3A, %swap3A_204], %unpack3A {strides = array<i32>} : memref<128x64xf32, #tpu.memory_space<vmem>>, vector<16xf32>,
        %swap3A_206 = arith.index_cast %add3A_198 : i32 to index
        %swap3A_207 = arith.constant 16 : index
        %swap3A_208 = tpu.vector_load %arg9[%swap3A_206, %swap3A_207] {strides = array<i32>} : memref<128x64xf32, #tpu.memory_space<vmem>>, vector<16xf32>,
        tpu.vector_store %arg9[%swap3A_206, %swap3A_207], %unpack3A_203 {strides = array<i32>} : memref<128x64xf32, #tpu.memory_space<vmem>>, vector<16xf32>,
        %get3A_209 = arith.constant 0 : i32
        %get3A_210 = arith.index_cast %get3A_209 : i32 to index
        %get3A_211 = arith.index_cast %add3A_198 : i32 to index
        %get3A_212 = arith.constant 32 : index
        %get3A_213 = tpu.vector_load %arg8[%get3A_210, %get3A_211, %get3A_212] {strides = array<i32>} : memref<2x128x64xbf16, #tpu.memory_space<vmem>>, vector<32xbf16>,
        %unpack3A_214 = tpu.unpack_subelements %get3A_213, 0 {pack_format = #tpu.pack_format<interleaved>} : vector<32xbf16> -> vector<16xf32>
        %unpack3A_215 = tpu.unpack_subelements %get3A_213, 1 {pack_format = #tpu.pack_format<interleaved>} : vector<32xbf16> -> vector<16xf32>
        %swap3A_216 = arith.index_cast %add3A_198 : i32 to index
        %swap3A_217 = arith.constant 32 : index
        %swap3A_218 = tpu.vector_load %arg9[%swap3A_216, %swap3A_217] {strides = array<i32>} : memref<128x64xf32, #tpu.memory_space<vmem>>, vector<16xf32>,
        tpu.vector_store %arg9[%swap3A_216, %swap3A_217], %unpack3A_214 {strides = array<i32>} : memref<128x64xf32, #tpu.memory_space<vmem>>, vector<16xf32>,
        %swap3A_219 = arith.index_cast %add3A_198 : i32 to index
        %swap3A_220 = arith.constant 48 : index
        %swap3A_221 = tpu.vector_load %arg9[%swap3A_219, %swap3A_220] {strides = array<i32>} : memref<128x64xf32, #tpu.memory_space<vmem>>, vector<16xf32>,
        tpu.vector_store %arg9[%swap3A_219, %swap3A_220], %unpack3A_215 {strides = array<i32>} : memref<128x64xf32, #tpu.memory_space<vmem>>, vector<16xf32>,
        %mul3A_222 = arith.constant 2 : i32
        %mul3A_223 = arith.muli %scan3A_193, %mul3A_222 : i32
        %add3A_224 = arith.constant 1 : i32
        %add3A_225 = arith.addi %mul3A_223, %add3A_224 : i32
        %get3A_226 = arith.constant 0 : i32
        %get3A_227 = arith.index_cast %get3A_226 : i32 to index
        %get3A_228 = arith.index_cast %add3A_225 : i32 to index
        %get3A_229 = arith.constant 0 : index
        %get3A_230 = tpu.vector_load %arg8[%get3A_227, %get3A_228, %get3A_229] {strides = array<i32>} : memref<2x128x64xbf16, #tpu.memory_space<vmem>>, vector<32xbf16>,
        %unpack3A_231 = tpu.unpack_subelements %get3A_230, 0 {pack_format = #tpu.pack_format<interleaved>} : vector<32xbf16> -> vector<16xf32>
        %unpack3A_232 = tpu.unpack_subelements %get3A_230, 1 {pack_format = #tpu.pack_format<interleaved>} : vector<32xbf16> -> vector<16xf32>
        %swap3A_233 = arith.index_cast %add3A_225 : i32 to index
        %swap3A_234 = arith.constant 0 : index
        %swap3A_235 = tpu.vector_load %arg9[%swap3A_233, %swap3A_234] {strides = array<i32>} : memref<128x64xf32, #tpu.memory_space<vmem>>, vector<16xf32>,
        tpu.vector_store %arg9[%swap3A_233, %swap3A_234], %unpack3A_231 {strides = array<i32>} : memref<128x64xf32, #tpu.memory_space<vmem>>, vector<16xf32>,
        %swap3A_236 = arith.index_cast %add3A_225 : i32 to index
        %swap3A_237 = arith.constant 16 : index
        %swap3A_238 = tpu.vector_load %arg9[%swap3A_236, %swap3A_237] {strides = array<i32>} : memref<128x64xf32, #tpu.memory_space<vmem>>, vector<16xf32>,
        tpu.vector_store %arg9[%swap3A_236, %swap3A_237], %unpack3A_232 {strides = array<i32>} : memref<128x64xf32, #tpu.memory_space<vmem>>, vector<16xf32>,
        %get3A_239 = arith.constant 0 : i32
        %get3A_240 = arith.index_cast %get3A_239 : i32 to index
        %get3A_241 = arith.index_cast %add3A_225 : i32 to index
        %get3A_242 = arith.constant 32 : index
        %get3A_243 = tpu.vector_load %arg8[%get3A_240, %get3A_241, %get3A_242] {strides = array<i32>} : memref<2x128x64xbf16, #tpu.memory_space<vmem>>, vector<32xbf16>,
        %unpack3A_244 = tpu.unpack_subelements %get3A_243, 0 {pack_format = #tpu.pack_format<interleaved>} : vector<32xbf16> -> vector<16xf32>
        %unpack3A_245 = tpu.unpack_subelements %get3A_243, 1 {pack_format = #tpu.pack_format<interleaved>} : vector<32xbf16> -> vector<16xf32>
        %swap3A_246 = arith.index_cast %add3A_225 : i32 to index
        %swap3A_247 = arith.constant 32 : index
        %swap3A_248 = tpu.vector_load %arg9[%swap3A_246, %swap3A_247] {strides = array<i32>} : memref<128x64xf32, #tpu.memory_space<vmem>>, vector<16xf32>,
        tpu.vector_store %arg9[%swap3A_246, %swap3A_247], %unpack3A_244 {strides = array<i32>} : memref<128x64xf32, #tpu.memory_space<vmem>>, vector<16xf32>,
        %swap3A_249 = arith.index_cast %add3A_225 : i32 to index
        %swap3A_250 = arith.constant 48 : index
        %swap3A_251 = tpu.vector_load %arg9[%swap3A_249, %swap3A_250] {strides = array<i32>} : memref<128x64xf32, #tpu.memory_space<vmem>>, vector<16xf32>,
        tpu.vector_store %arg9[%swap3A_249, %swap3A_250], %unpack3A_245 {strides = array<i32>} : memref<128x64xf32, #tpu.memory_space<vmem>>, vector<16xf32>,
        %scan3A_252 = arith.constant 0 : i32
        scf.yield %scan3A_252 : i32
      }
      %scan3A_146 = arith.constant 64 : i32
      "tpu.region"() ({
        %run_scoped3A_193 = tpu.sem_alloc : memref<!tpu.dma_semaphore, #tpu.memory_space<semaphore_mem>>
        %dma_start3A_194 = arith.constant 0 : i32
        %dma_start3A_195 = tpu.memref_slice %arg7[%add3A_105, %dma_start3A_194] : memref<88x128xi32, #tpu.memory_space<vmem>> -> memref<1x128xi32, #tpu.memory_space<vmem>>
        %dma_start3A_196 = tpu.memref_squeeze %dma_start3A_195 : memref<1x128xi32, #tpu.memory_space<vmem>> -> memref<128xi32, #tpu.memory_space<vmem>>
        %dma_start3A_197 = arith.constant 0 : i32
        %dma_start3A_198 = arith.constant 0 : i32
        %dma_start3A_199 = tpu.memref_slice %arg10[%dma_start3A_197, %dma_start3A_198] : memref<10240x64xf32, #tpu.memory_space<vmem_shared>> -> memref<10240x64xf32, #tpu.memory_space<vmem_shared>>
        tpu.enqueue_indirect_dma source(%arg9 : memref<128x64xf32, #tpu.memory_space<vmem>>) target(%dma_start3A_199 : memref<10240x64xf32, #tpu.memory_space<vmem_shared>>) offsets(%dma_start3A_196 : memref<128xi32, #tpu.memory_space<vmem>>) semaphore(%run_scoped3A_193 : memref<!tpu.dma_semaphore, #tpu.memory_space<semaphore_mem>>) {add = true}
        %dma_wait3A_200 = arith.constant 0 : i32
        %dma_wait3A_201 = tpu.memref_slice %arg7[%add3A_105, %dma_wait3A_200] : memref<88x128xi32, #tpu.memory_space<vmem>> -> memref<1x128xi32, #tpu.memory_space<vmem>>
        %dma_wait3A_202 = tpu.memref_squeeze %dma_wait3A_201 : memref<1x128xi32, #tpu.memory_space<vmem>> -> memref<128xi32, #tpu.memory_space<vmem>>
        %dma_wait3A_203 = arith.constant 0 : i32
        %dma_wait3A_204 = arith.constant 0 : i32
        %dma_wait3A_205 = tpu.memref_slice %arg10[%dma_wait3A_203, %dma_wait3A_204] : memref<10240x64xf32, #tpu.memory_space<vmem_shared>> -> memref<10240x64xf32, #tpu.memory_space<vmem_shared>>
        tpu.wait_indirect_dma semaphore(%run_scoped3A_193 : memref<!tpu.dma_semaphore, #tpu.memory_space<semaphore_mem>>) src(%arg9 : memref<128x64xf32, #tpu.memory_space<vmem>>) dst(%dma_wait3A_205 : memref<10240x64xf32, #tpu.memory_space<vmem_shared>>)
        tpu.yield
      }) : () -> ()
      "tpu.region"() ({
        %run_scoped3A_193 = tpu.sem_alloc : memref<!tpu.dma_semaphore, #tpu.memory_space<semaphore_mem>>
        %dma_start3A_194 = arith.constant 0 : i32
        %dma_start3A_195 = tpu.memref_slice %arg7[%add3A_105, %dma_start3A_194] : memref<88x128xi32, #tpu.memory_space<vmem>> -> memref<1x128xi32, #tpu.memory_space<vmem>>
        %dma_start3A_196 = tpu.memref_squeeze %dma_start3A_195 : memref<1x128xi32, #tpu.memory_space<vmem>> -> memref<128xi32, #tpu.memory_space<vmem>>
        %dma_start3A_197 = arith.constant 0 : i32
        %dma_start3A_198 = arith.constant 0 : i32
        %dma_start3A_199 = tpu.memref_slice %arg14[%dma_start3A_197, %dma_start3A_198] : memref<10240x16xf32, #tpu.memory_space<vmem_shared>> -> memref<10240x16xf32, #tpu.memory_space<vmem_shared>>
        tpu.enqueue_indirect_dma source(%arg12 : memref<128x16xf32, #tpu.memory_space<vmem>>) target(%dma_start3A_199 : memref<10240x16xf32, #tpu.memory_space<vmem_shared>>) offsets(%dma_start3A_196 : memref<128xi32, #tpu.memory_space<vmem>>) semaphore(%run_scoped3A_193 : memref<!tpu.dma_semaphore, #tpu.memory_space<semaphore_mem>>) {add = true}
        %dma_wait3A_200 = arith.constant 0 : i32
        %dma_wait3A_201 = tpu.memref_slice %arg7[%add3A_105, %dma_wait3A_200] : memref<88x128xi32, #tpu.memory_space<vmem>> -> memref<1x128xi32, #tpu.memory_space<vmem>>
        %dma_wait3A_202 = tpu.memref_squeeze %dma_wait3A_201 : memref<1x128xi32, #tpu.memory_space<vmem>> -> memref<128xi32, #tpu.memory_space<vmem>>
        %dma_wait3A_203 = arith.constant 0 : i32
        %dma_wait3A_204 = arith.constant 0 : i32
        %dma_wait3A_205 = tpu.memref_slice %arg14[%dma_wait3A_203, %dma_wait3A_204] : memref<10240x16xf32, #tpu.memory_space<vmem_shared>> -> memref<10240x16xf32, #tpu.memory_space<vmem_shared>>
        tpu.wait_indirect_dma semaphore(%run_scoped3A_193 : memref<!tpu.dma_semaphore, #tpu.memory_space<semaphore_mem>>) src(%arg12 : memref<128x16xf32, #tpu.memory_space<vmem>>) dst(%dma_wait3A_205 : memref<10240x16xf32, #tpu.memory_space<vmem_shared>>)
        tpu.yield
      }) : () -> ()
      %mul3A_147 = arith.constant 2 : i32
      %mul3A_148 = arith.muli %while3A_100, %mul3A_147 : i32
      %add3A_149 = arith.constant 1 : i32
      %add3A_150 = arith.addi %mul3A_148, %add3A_149 : i32
      %add3A_151 = arith.constant 1 : i32
      %add3A_152 = arith.addi %add3A_150, %add3A_151 : i32
      %dma_start3A_153 = arith.constant 0 : i32
      %dma_start3A_154 = arith.constant 0 : i32
      %dma_start3A_155 = arith.constant 0 : i32
      %dma_start3A_156 = arith.constant 0 : i32
      %dma_start3A_157 = tpu.memref_slice %arg8[%dma_start3A_153, %dma_start3A_155, %dma_start3A_156] : memref<2x128x64xbf16, #tpu.memory_space<vmem>> -> memref<1x128x64xbf16, #tpu.memory_space<vmem>>
      %dma_start3A_158 = tpu.memref_squeeze %dma_start3A_157 : memref<1x128x64xbf16, #tpu.memory_space<vmem>> -> memref<128x64xbf16, #tpu.memory_space<vmem>>
      %dma_start3A_159 = arith.constant 0 : i32
      %dma_start3A_160 = tpu.memref_slice %arg6[%add3A_152, %dma_start3A_159] : memref<89x128xi32, #tpu.memory_space<vmem>> -> memref<1x128xi32, #tpu.memory_space<vmem>>
      %dma_start3A_161 = tpu.memref_squeeze %dma_start3A_160 : memref<1x128xi32, #tpu.memory_space<vmem>> -> memref<128xi32, #tpu.memory_space<vmem>>
      %dma_start3A_162 = arith.constant 0 : i32
      %dma_start3A_163 = arith.constant 0 : i32
      %dma_start3A_164 = tpu.memref_slice %arg3[%dma_start3A_162, %dma_start3A_163] : memref<10000x64xbf16, #tpu.memory_space<hbm>> -> memref<10000x64xbf16, #tpu.memory_space<hbm>>
      %dma_start3A_165 = tpu.memref_slice %arg11[%dma_start3A_154] : memref<2x!tpu.dma_semaphore, #tpu.memory_space<semaphore_mem>> -> memref<1x!tpu.dma_semaphore, #tpu.memory_space<semaphore_mem>>
      %dma_start3A_166 = tpu.memref_squeeze %dma_start3A_165 : memref<1x!tpu.dma_semaphore, #tpu.memory_space<semaphore_mem>> -> memref<!tpu.dma_semaphore, #tpu.memory_space<semaphore_mem>>
      tpu.enqueue_indirect_dma source(%dma_start3A_164 : memref<10000x64xbf16, #tpu.memory_space<hbm>>) target(%dma_start3A_158 : memref<128x64xbf16, #tpu.memory_space<vmem>>) offsets(%dma_start3A_161 : memref<128xi32, #tpu.memory_space<vmem>>) semaphore(%dma_start3A_166 : memref<!tpu.dma_semaphore, #tpu.memory_space<semaphore_mem>>)
      %dma_wait3A_167 = arith.constant 1 : i32
      %dma_wait3A_168 = arith.constant 1 : i32
      %dma_wait3A_169 = arith.constant 0 : i32
      %dma_wait3A_170 = arith.constant 0 : i32
      %dma_wait3A_171 = tpu.memref_slice %arg8[%dma_wait3A_167, %dma_wait3A_169, %dma_wait3A_170] : memref<2x128x64xbf16, #tpu.memory_space<vmem>> -> memref<1x128x64xbf16, #tpu.memory_space<vmem>>
      %dma_wait3A_172 = tpu.memref_squeeze %dma_wait3A_171 : memref<1x128x64xbf16, #tpu.memory_space<vmem>> -> memref<128x64xbf16, #tpu.memory_space<vmem>>
      %dma_wait3A_173 = arith.constant 0 : i32
      %dma_wait3A_174 = arith.constant 0 : i32
      %dma_wait3A_175 = tpu.memref_slice %arg3[%dma_wait3A_173, %dma_wait3A_174] : memref<10000x64xbf16, #tpu.memory_space<hbm>> -> memref<128x64xbf16, #tpu.memory_space<hbm>>
      %dma_wait3A_176 = tpu.memref_slice %arg11[%dma_wait3A_168] : memref<2x!tpu.dma_semaphore, #tpu.memory_space<semaphore_mem>> -> memref<1x!tpu.dma_semaphore, #tpu.memory_space<semaphore_mem>>
      %dma_wait3A_177 = tpu.memref_squeeze %dma_wait3A_176 : memref<1x!tpu.dma_semaphore, #tpu.memory_space<semaphore_mem>> -> memref<!tpu.dma_semaphore, #tpu.memory_space<semaphore_mem>>
      %dma_wait3A_178 = arith.constant 0 : i32
      %dma_wait3A_179 = arith.constant 0 : i32
      %dma_wait3A_180 = tpu.memref_slice %arg8[%dma_wait3A_167, %dma_wait3A_178, %dma_wait3A_179] : memref<2x128x64xbf16, #tpu.memory_space<vmem>> -> memref<1x128x64xbf16, #tpu.memory_space<vmem>>
      %dma_wait3A_181 = tpu.memref_squeeze %dma_wait3A_180 : memref<1x128x64xbf16, #tpu.memory_space<vmem>> -> memref<128x64xbf16, #tpu.memory_space<vmem>>
      %dma_wait3A_182 = arith.constant 0 : i32
      %dma_wait3A_183 = arith.constant 0 : i32
      %dma_wait3A_184 = tpu.memref_slice %arg3[%dma_wait3A_182, %dma_wait3A_183] : memref<10000x64xbf16, #tpu.memory_space<hbm>> -> memref<128x64xbf16, #tpu.memory_space<hbm>>
      tpu.wait_dma2 semaphore(%dma_wait3A_177 : memref<!tpu.dma_semaphore, #tpu.memory_space<semaphore_mem>>) src(%dma_wait3A_184 : memref<128x64xbf16, #tpu.memory_space<hbm>>) dst(%dma_wait3A_181 : memref<128x64xbf16, #tpu.memory_space<vmem>>)
      %scan3A_185 = arith.constant 0 : i32
      %scan3A_186 = arith.constant 0 : i32
      %scan3A_187 = arith.constant 64 : i32
      %scan3A_188 = arith.addi %scan3A_186, %scan3A_187 : i32
      %scan3A_189 = arith.constant 1 : i32
      %scan3A_190 = scf.for %scan3A_193 = %scan3A_186 to %scan3A_188 step %scan3A_189 iter_args(%scan3A_194 = %scan3A_185) -> (i32)  : i32 {
        %mul3A_195 = arith.constant 2 : i32
        %mul3A_196 = arith.muli %scan3A_193, %mul3A_195 : i32
        %add3A_197 = arith.constant 0 : i32
        %add3A_198 = arith.addi %mul3A_196, %add3A_197 : i32
        %get3A = arith.constant 1 : i32
        %get3A_199 = arith.index_cast %get3A : i32 to index
        %get3A_200 = arith.index_cast %add3A_198 : i32 to index
        %get3A_201 = arith.constant 0 : index
        %get3A_202 = tpu.vector_load %arg8[%get3A_199, %get3A_200, %get3A_201] {strides = array<i32>} : memref<2x128x64xbf16, #tpu.memory_space<vmem>>, vector<32xbf16>,
        %unpack3A = tpu.unpack_subelements %get3A_202, 0 {pack_format = #tpu.pack_format<interleaved>} : vector<32xbf16> -> vector<16xf32>
        %unpack3A_203 = tpu.unpack_subelements %get3A_202, 1 {pack_format = #tpu.pack_format<interleaved>} : vector<32xbf16> -> vector<16xf32>
        %swap3A = arith.index_cast %add3A_198 : i32 to index
        %swap3A_204 = arith.constant 0 : index
        %swap3A_205 = tpu.vector_load %arg9[%swap3A, %swap3A_204] {strides = array<i32>} : memref<128x64xf32, #tpu.memory_space<vmem>>, vector<16xf32>,
        tpu.vector_store %arg9[%swap3A, %swap3A_204], %unpack3A {strides = array<i32>} : memref<128x64xf32, #tpu.memory_space<vmem>>, vector<16xf32>,
        %swap3A_206 = arith.index_cast %add3A_198 : i32 to index
        %swap3A_207 = arith.constant 16 : index
        %swap3A_208 = tpu.vector_load %arg9[%swap3A_206, %swap3A_207] {strides = array<i32>} : memref<128x64xf32, #tpu.memory_space<vmem>>, vector<16xf32>,
        tpu.vector_store %arg9[%swap3A_206, %swap3A_207], %unpack3A_203 {strides = array<i32>} : memref<128x64xf32, #tpu.memory_space<vmem>>, vector<16xf32>,
        %get3A_209 = arith.constant 1 : i32
        %get3A_210 = arith.index_cast %get3A_209 : i32 to index
        %get3A_211 = arith.index_cast %add3A_198 : i32 to index
        %get3A_212 = arith.constant 32 : index
        %get3A_213 = tpu.vector_load %arg8[%get3A_210, %get3A_211, %get3A_212] {strides = array<i32>} : memref<2x128x64xbf16, #tpu.memory_space<vmem>>, vector<32xbf16>,
        %unpack3A_214 = tpu.unpack_subelements %get3A_213, 0 {pack_format = #tpu.pack_format<interleaved>} : vector<32xbf16> -> vector<16xf32>
        %unpack3A_215 = tpu.unpack_subelements %get3A_213, 1 {pack_format = #tpu.pack_format<interleaved>} : vector<32xbf16> -> vector<16xf32>
        %swap3A_216 = arith.index_cast %add3A_198 : i32 to index
        %swap3A_217 = arith.constant 32 : index
        %swap3A_218 = tpu.vector_load %arg9[%swap3A_216, %swap3A_217] {strides = array<i32>} : memref<128x64xf32, #tpu.memory_space<vmem>>, vector<16xf32>,
        tpu.vector_store %arg9[%swap3A_216, %swap3A_217], %unpack3A_214 {strides = array<i32>} : memref<128x64xf32, #tpu.memory_space<vmem>>, vector<16xf32>,
        %swap3A_219 = arith.index_cast %add3A_198 : i32 to index
        %swap3A_220 = arith.constant 48 : index
        %swap3A_221 = tpu.vector_load %arg9[%swap3A_219, %swap3A_220] {strides = array<i32>} : memref<128x64xf32, #tpu.memory_space<vmem>>, vector<16xf32>,
        tpu.vector_store %arg9[%swap3A_219, %swap3A_220], %unpack3A_215 {strides = array<i32>} : memref<128x64xf32, #tpu.memory_space<vmem>>, vector<16xf32>,
        %mul3A_222 = arith.constant 2 : i32
        %mul3A_223 = arith.muli %scan3A_193, %mul3A_222 : i32
        %add3A_224 = arith.constant 1 : i32
        %add3A_225 = arith.addi %mul3A_223, %add3A_224 : i32
        %get3A_226 = arith.constant 1 : i32
        %get3A_227 = arith.index_cast %get3A_226 : i32 to index
        %get3A_228 = arith.index_cast %add3A_225 : i32 to index
        %get3A_229 = arith.constant 0 : index
        %get3A_230 = tpu.vector_load %arg8[%get3A_227, %get3A_228, %get3A_229] {strides = array<i32>} : memref<2x128x64xbf16, #tpu.memory_space<vmem>>, vector<32xbf16>,
        %unpack3A_231 = tpu.unpack_subelements %get3A_230, 0 {pack_format = #tpu.pack_format<interleaved>} : vector<32xbf16> -> vector<16xf32>
        %unpack3A_232 = tpu.unpack_subelements %get3A_230, 1 {pack_format = #tpu.pack_format<interleaved>} : vector<32xbf16> -> vector<16xf32>
        %swap3A_233 = arith.index_cast %add3A_225 : i32 to index
        %swap3A_234 = arith.constant 0 : index
        %swap3A_235 = tpu.vector_load %arg9[%swap3A_233, %swap3A_234] {strides = array<i32>} : memref<128x64xf32, #tpu.memory_space<vmem>>, vector<16xf32>,
        tpu.vector_store %arg9[%swap3A_233, %swap3A_234], %unpack3A_231 {strides = array<i32>} : memref<128x64xf32, #tpu.memory_space<vmem>>, vector<16xf32>,
        %swap3A_236 = arith.index_cast %add3A_225 : i32 to index
        %swap3A_237 = arith.constant 16 : index
        %swap3A_238 = tpu.vector_load %arg9[%swap3A_236, %swap3A_237] {strides = array<i32>} : memref<128x64xf32, #tpu.memory_space<vmem>>, vector<16xf32>,
        tpu.vector_store %arg9[%swap3A_236, %swap3A_237], %unpack3A_232 {strides = array<i32>} : memref<128x64xf32, #tpu.memory_space<vmem>>, vector<16xf32>,
        %get3A_239 = arith.constant 1 : i32
        %get3A_240 = arith.index_cast %get3A_239 : i32 to index
        %get3A_241 = arith.index_cast %add3A_225 : i32 to index
        %get3A_242 = arith.constant 32 : index
        %get3A_243 = tpu.vector_load %arg8[%get3A_240, %get3A_241, %get3A_242] {strides = array<i32>} : memref<2x128x64xbf16, #tpu.memory_space<vmem>>, vector<32xbf16>,
        %unpack3A_244 = tpu.unpack_subelements %get3A_243, 0 {pack_format = #tpu.pack_format<interleaved>} : vector<32xbf16> -> vector<16xf32>
        %unpack3A_245 = tpu.unpack_subelements %get3A_243, 1 {pack_format = #tpu.pack_format<interleaved>} : vector<32xbf16> -> vector<16xf32>
        %swap3A_246 = arith.index_cast %add3A_225 : i32 to index
        %swap3A_247 = arith.constant 32 : index
        %swap3A_248 = tpu.vector_load %arg9[%swap3A_246, %swap3A_247] {strides = array<i32>} : memref<128x64xf32, #tpu.memory_space<vmem>>, vector<16xf32>,
        tpu.vector_store %arg9[%swap3A_246, %swap3A_247], %unpack3A_244 {strides = array<i32>} : memref<128x64xf32, #tpu.memory_space<vmem>>, vector<16xf32>,
        %swap3A_249 = arith.index_cast %add3A_225 : i32 to index
        %swap3A_250 = arith.constant 48 : index
        %swap3A_251 = tpu.vector_load %arg9[%swap3A_249, %swap3A_250] {strides = array<i32>} : memref<128x64xf32, #tpu.memory_space<vmem>>, vector<16xf32>,
        tpu.vector_store %arg9[%swap3A_249, %swap3A_250], %unpack3A_245 {strides = array<i32>} : memref<128x64xf32, #tpu.memory_space<vmem>>, vector<16xf32>,
        %scan3A_252 = arith.constant 0 : i32
        scf.yield %scan3A_252 : i32
      }
      %scan3A_191 = arith.constant 64 : i32
      "tpu.region"() ({
        %run_scoped3A_193 = tpu.sem_alloc : memref<!tpu.dma_semaphore, #tpu.memory_space<semaphore_mem>>
        %dma_start3A_194 = arith.constant 0 : i32
        %dma_start3A_195 = tpu.memref_slice %arg7[%add3A_150, %dma_start3A_194] : memref<88x128xi32, #tpu.memory_space<vmem>> -> memref<1x128xi32, #tpu.memory_space<vmem>>
        %dma_start3A_196 = tpu.memref_squeeze %dma_start3A_195 : memref<1x128xi32, #tpu.memory_space<vmem>> -> memref<128xi32, #tpu.memory_space<vmem>>
        %dma_start3A_197 = arith.constant 0 : i32
        %dma_start3A_198 = arith.constant 0 : i32
        %dma_start3A_199 = tpu.memref_slice %arg10[%dma_start3A_197, %dma_start3A_198] : memref<10240x64xf32, #tpu.memory_space<vmem_shared>> -> memref<10240x64xf32, #tpu.memory_space<vmem_shared>>
        tpu.enqueue_indirect_dma source(%arg9 : memref<128x64xf32, #tpu.memory_space<vmem>>) target(%dma_start3A_199 : memref<10240x64xf32, #tpu.memory_space<vmem_shared>>) offsets(%dma_start3A_196 : memref<128xi32, #tpu.memory_space<vmem>>) semaphore(%run_scoped3A_193 : memref<!tpu.dma_semaphore, #tpu.memory_space<semaphore_mem>>) {add = true}
        %dma_wait3A_200 = arith.constant 0 : i32
        %dma_wait3A_201 = tpu.memref_slice %arg7[%add3A_150, %dma_wait3A_200] : memref<88x128xi32, #tpu.memory_space<vmem>> -> memref<1x128xi32, #tpu.memory_space<vmem>>
        %dma_wait3A_202 = tpu.memref_squeeze %dma_wait3A_201 : memref<1x128xi32, #tpu.memory_space<vmem>> -> memref<128xi32, #tpu.memory_space<vmem>>
        %dma_wait3A_203 = arith.constant 0 : i32
        %dma_wait3A_204 = arith.constant 0 : i32
        %dma_wait3A_205 = tpu.memref_slice %arg10[%dma_wait3A_203, %dma_wait3A_204] : memref<10240x64xf32, #tpu.memory_space<vmem_shared>> -> memref<10240x64xf32, #tpu.memory_space<vmem_shared>>
        tpu.wait_indirect_dma semaphore(%run_scoped3A_193 : memref<!tpu.dma_semaphore, #tpu.memory_space<semaphore_mem>>) src(%arg9 : memref<128x64xf32, #tpu.memory_space<vmem>>) dst(%dma_wait3A_205 : memref<10240x64xf32, #tpu.memory_space<vmem_shared>>)
        tpu.yield
      }) : () -> ()
      "tpu.region"() ({
        %run_scoped3A_193 = tpu.sem_alloc : memref<!tpu.dma_semaphore, #tpu.memory_space<semaphore_mem>>
        %dma_start3A_194 = arith.constant 0 : i32
        %dma_start3A_195 = tpu.memref_slice %arg7[%add3A_150, %dma_start3A_194] : memref<88x128xi32, #tpu.memory_space<vmem>> -> memref<1x128xi32, #tpu.memory_space<vmem>>
        %dma_start3A_196 = tpu.memref_squeeze %dma_start3A_195 : memref<1x128xi32, #tpu.memory_space<vmem>> -> memref<128xi32, #tpu.memory_space<vmem>>
        %dma_start3A_197 = arith.constant 0 : i32
        %dma_start3A_198 = arith.constant 0 : i32
        %dma_start3A_199 = tpu.memref_slice %arg14[%dma_start3A_197, %dma_start3A_198] : memref<10240x16xf32, #tpu.memory_space<vmem_shared>> -> memref<10240x16xf32, #tpu.memory_space<vmem_shared>>
        tpu.enqueue_indirect_dma source(%arg12 : memref<128x16xf32, #tpu.memory_space<vmem>>) target(%dma_start3A_199 : memref<10240x16xf32, #tpu.memory_space<vmem_shared>>) offsets(%dma_start3A_196 : memref<128xi32, #tpu.memory_space<vmem>>) semaphore(%run_scoped3A_193 : memref<!tpu.dma_semaphore, #tpu.memory_space<semaphore_mem>>) {add = true}
        %dma_wait3A_200 = arith.constant 0 : i32
        %dma_wait3A_201 = tpu.memref_slice %arg7[%add3A_150, %dma_wait3A_200] : memref<88x128xi32, #tpu.memory_space<vmem>> -> memref<1x128xi32, #tpu.memory_space<vmem>>
        %dma_wait3A_202 = tpu.memref_squeeze %dma_wait3A_201 : memref<1x128xi32, #tpu.memory_space<vmem>> -> memref<128xi32, #tpu.memory_space<vmem>>
        %dma_wait3A_203 = arith.constant 0 : i32
        %dma_wait3A_204 = arith.constant 0 : i32
        %dma_wait3A_205 = tpu.memref_slice %arg14[%dma_wait3A_203, %dma_wait3A_204] : memref<10240x16xf32, #tpu.memory_space<vmem_shared>> -> memref<10240x16xf32, #tpu.memory_space<vmem_shared>>
        tpu.wait_indirect_dma semaphore(%run_scoped3A_193 : memref<!tpu.dma_semaphore, #tpu.memory_space<semaphore_mem>>) src(%arg12 : memref<128x16xf32, #tpu.memory_space<vmem>>) dst(%dma_wait3A_205 : memref<10240x16xf32, #tpu.memory_space<vmem_shared>>)
        tpu.yield
      }) : () -> ()
      %while3A_192 = arith.constant 0 : i32
      scf.yield %while3A_192 : i32
    }
    %while3A_73 = arith.constant 1 : i32
    %while3A_74 = scf.for %while3A_100 = %while3A_70 to %while3A_66 step %while3A_73 iter_args(%while3A_101 = %while3A_72) -> (i32)  : i32 {
      %mul3A_102 = arith.constant 2 : i32
      %mul3A_103 = arith.muli %while3A_100, %mul3A_102 : i32
      %add3A_104 = arith.constant 0 : i32
      %add3A_105 = arith.addi %mul3A_103, %add3A_104 : i32
      %add3A_106 = arith.constant 1 : i32
      %add3A_107 = arith.addi %add3A_105, %add3A_106 : i32
      %dma_start3A_108 = arith.constant 1 : i32
      %dma_start3A_109 = arith.constant 1 : i32
      %dma_start3A_110 = arith.constant 0 : i32
      %dma_start3A_111 = arith.constant 0 : i32
      %dma_start3A_112 = tpu.memref_slice %arg8[%dma_start3A_108, %dma_start3A_110, %dma_start3A_111] : memref<2x128x64xbf16, #tpu.memory_space<vmem>> -> memref<1x128x64xbf16, #tpu.memory_space<vmem>>
      %dma_start3A_113 = tpu.memref_squeeze %dma_start3A_112 : memref<1x128x64xbf16, #tpu.memory_space<vmem>> -> memref<128x64xbf16, #tpu.memory_space<vmem>>
      %dma_start3A_114 = arith.constant 0 : i32
      %dma_start3A_115 = tpu.memref_slice %arg6[%add3A_107, %dma_start3A_114] : memref<89x128xi32, #tpu.memory_space<vmem>> -> memref<1x128xi32, #tpu.memory_space<vmem>>
      %dma_start3A_116 = tpu.memref_squeeze %dma_start3A_115 : memref<1x128xi32, #tpu.memory_space<vmem>> -> memref<128xi32, #tpu.memory_space<vmem>>
      %dma_start3A_117 = arith.constant 0 : i32
      %dma_start3A_118 = arith.constant 0 : i32
      %dma_start3A_119 = tpu.memref_slice %arg3[%dma_start3A_117, %dma_start3A_118] : memref<10000x64xbf16, #tpu.memory_space<hbm>> -> memref<10000x64xbf16, #tpu.memory_space<hbm>>
      %dma_start3A_120 = tpu.memref_slice %arg11[%dma_start3A_109] : memref<2x!tpu.dma_semaphore, #tpu.memory_space<semaphore_mem>> -> memref<1x!tpu.dma_semaphore, #tpu.memory_space<semaphore_mem>>
      %dma_start3A_121 = tpu.memref_squeeze %dma_start3A_120 : memref<1x!tpu.dma_semaphore, #tpu.memory_space<semaphore_mem>> -> memref<!tpu.dma_semaphore, #tpu.memory_space<semaphore_mem>>
      tpu.enqueue_indirect_dma source(%dma_start3A_119 : memref<10000x64xbf16, #tpu.memory_space<hbm>>) target(%dma_start3A_113 : memref<128x64xbf16, #tpu.memory_space<vmem>>) offsets(%dma_start3A_116 : memref<128xi32, #tpu.memory_space<vmem>>) semaphore(%dma_start3A_121 : memref<!tpu.dma_semaphore, #tpu.memory_space<semaphore_mem>>)
      %dma_wait3A_122 = arith.constant 0 : i32
      %dma_wait3A_123 = arith.constant 0 : i32
      %dma_wait3A_124 = arith.constant 0 : i32
      %dma_wait3A_125 = arith.constant 0 : i32
      %dma_wait3A_126 = tpu.memref_slice %arg8[%dma_wait3A_122, %dma_wait3A_124, %dma_wait3A_125] : memref<2x128x64xbf16, #tpu.memory_space<vmem>> -> memref<1x128x64xbf16, #tpu.memory_space<vmem>>
      %dma_wait3A_127 = tpu.memref_squeeze %dma_wait3A_126 : memref<1x128x64xbf16, #tpu.memory_space<vmem>> -> memref<128x64xbf16, #tpu.memory_space<vmem>>
      %dma_wait3A_128 = arith.constant 0 : i32
      %dma_wait3A_129 = arith.constant 0 : i32
      %dma_wait3A_130 = tpu.memref_slice %arg3[%dma_wait3A_128, %dma_wait3A_129] : memref<10000x64xbf16, #tpu.memory_space<hbm>> -> memref<128x64xbf16, #tpu.memory_space<hbm>>
      %dma_wait3A_131 = tpu.memref_slice %arg11[%dma_wait3A_123] : memref<2x!tpu.dma_semaphore, #tpu.memory_space<semaphore_mem>> -> memref<1x!tpu.dma_semaphore, #tpu.memory_space<semaphore_mem>>
      %dma_wait3A_132 = tpu.memref_squeeze %dma_wait3A_131 : memref<1x!tpu.dma_semaphore, #tpu.memory_space<semaphore_mem>> -> memref<!tpu.dma_semaphore, #tpu.memory_space<semaphore_mem>>
      %dma_wait3A_133 = arith.constant 0 : i32
      %dma_wait3A_134 = arith.constant 0 : i32
      %dma_wait3A_135 = tpu.memref_slice %arg8[%dma_wait3A_122, %dma_wait3A_133, %dma_wait3A_134] : memref<2x128x64xbf16, #tpu.memory_space<vmem>> -> memref<1x128x64xbf16, #tpu.memory_space<vmem>>
      %dma_wait3A_136 = tpu.memref_squeeze %dma_wait3A_135 : memref<1x128x64xbf16, #tpu.memory_space<vmem>> -> memref<128x64xbf16, #tpu.memory_space<vmem>>
      %dma_wait3A_137 = arith.constant 0 : i32
      %dma_wait3A_138 = arith.constant 0 : i32
      %dma_wait3A_139 = tpu.memref_slice %arg3[%dma_wait3A_137, %dma_wait3A_138] : memref<10000x64xbf16, #tpu.memory_space<hbm>> -> memref<128x64xbf16, #tpu.memory_space<hbm>>
      tpu.wait_dma2 semaphore(%dma_wait3A_132 : memref<!tpu.dma_semaphore, #tpu.memory_space<semaphore_mem>>) src(%dma_wait3A_139 : memref<128x64xbf16, #tpu.memory_space<hbm>>) dst(%dma_wait3A_136 : memref<128x64xbf16, #tpu.memory_space<vmem>>)
      %scan3A_140 = arith.constant 0 : i32
      %scan3A_141 = arith.constant 0 : i32
      %scan3A_142 = arith.constant 64 : i32
      %scan3A_143 = arith.addi %scan3A_141, %scan3A_142 : i32
      %scan3A_144 = arith.constant 1 : i32
      %scan3A_145 = scf.for %scan3A_193 = %scan3A_141 to %scan3A_143 step %scan3A_144 iter_args(%scan3A_194 = %scan3A_140) -> (i32)  : i32 {
        %mul3A_195 = arith.constant 2 : i32
        %mul3A_196 = arith.muli %scan3A_193, %mul3A_195 : i32
        %add3A_197 = arith.constant 0 : i32
        %add3A_198 = arith.addi %mul3A_196, %add3A_197 : i32
        %get3A = arith.constant 0 : i32
        %get3A_199 = arith.index_cast %get3A : i32 to index
        %get3A_200 = arith.index_cast %add3A_198 : i32 to index
        %get3A_201 = arith.constant 0 : index
        %get3A_202 = tpu.vector_load %arg8[%get3A_199, %get3A_200, %get3A_201] {strides = array<i32>} : memref<2x128x64xbf16, #tpu.memory_space<vmem>>, vector<32xbf16>,
        %unpack3A = tpu.unpack_subelements %get3A_202, 0 {pack_format = #tpu.pack_format<interleaved>} : vector<32xbf16> -> vector<16xf32>
        %unpack3A_203 = tpu.unpack_subelements %get3A_202, 1 {pack_format = #tpu.pack_format<interleaved>} : vector<32xbf16> -> vector<16xf32>
        %swap3A = arith.index_cast %add3A_198 : i32 to index
        %swap3A_204 = arith.constant 0 : index
        %swap3A_205 = tpu.vector_load %arg9[%swap3A, %swap3A_204] {strides = array<i32>} : memref<128x64xf32, #tpu.memory_space<vmem>>, vector<16xf32>,
        tpu.vector_store %arg9[%swap3A, %swap3A_204], %unpack3A {strides = array<i32>} : memref<128x64xf32, #tpu.memory_space<vmem>>, vector<16xf32>,
        %swap3A_206 = arith.index_cast %add3A_198 : i32 to index
        %swap3A_207 = arith.constant 16 : index
        %swap3A_208 = tpu.vector_load %arg9[%swap3A_206, %swap3A_207] {strides = array<i32>} : memref<128x64xf32, #tpu.memory_space<vmem>>, vector<16xf32>,
        tpu.vector_store %arg9[%swap3A_206, %swap3A_207], %unpack3A_203 {strides = array<i32>} : memref<128x64xf32, #tpu.memory_space<vmem>>, vector<16xf32>,
        %get3A_209 = arith.constant 0 : i32
        %get3A_210 = arith.index_cast %get3A_209 : i32 to index
        %get3A_211 = arith.index_cast %add3A_198 : i32 to index
        %get3A_212 = arith.constant 32 : index
        %get3A_213 = tpu.vector_load %arg8[%get3A_210, %get3A_211, %get3A_212] {strides = array<i32>} : memref<2x128x64xbf16, #tpu.memory_space<vmem>>, vector<32xbf16>,
        %unpack3A_214 = tpu.unpack_subelements %get3A_213, 0 {pack_format = #tpu.pack_format<interleaved>} : vector<32xbf16> -> vector<16xf32>
        %unpack3A_215 = tpu.unpack_subelements %get3A_213, 1 {pack_format = #tpu.pack_format<interleaved>} : vector<32xbf16> -> vector<16xf32>
        %swap3A_216 = arith.index_cast %add3A_198 : i32 to index
        %swap3A_217 = arith.constant 32 : index
        %swap3A_218 = tpu.vector_load %arg9[%swap3A_216, %swap3A_217] {strides = array<i32>} : memref<128x64xf32, #tpu.memory_space<vmem>>, vector<16xf32>,
        tpu.vector_store %arg9[%swap3A_216, %swap3A_217], %unpack3A_214 {strides = array<i32>} : memref<128x64xf32, #tpu.memory_space<vmem>>, vector<16xf32>,
        %swap3A_219 = arith.index_cast %add3A_198 : i32 to index
        %swap3A_220 = arith.constant 48 : index
        %swap3A_221 = tpu.vector_load %arg9[%swap3A_219, %swap3A_220] {strides = array<i32>} : memref<128x64xf32, #tpu.memory_space<vmem>>, vector<16xf32>,
        tpu.vector_store %arg9[%swap3A_219, %swap3A_220], %unpack3A_215 {strides = array<i32>} : memref<128x64xf32, #tpu.memory_space<vmem>>, vector<16xf32>,
        %mul3A_222 = arith.constant 2 : i32
        %mul3A_223 = arith.muli %scan3A_193, %mul3A_222 : i32
        %add3A_224 = arith.constant 1 : i32
        %add3A_225 = arith.addi %mul3A_223, %add3A_224 : i32
        %get3A_226 = arith.constant 0 : i32
        %get3A_227 = arith.index_cast %get3A_226 : i32 to index
        %get3A_228 = arith.index_cast %add3A_225 : i32 to index
        %get3A_229 = arith.constant 0 : index
        %get3A_230 = tpu.vector_load %arg8[%get3A_227, %get3A_228, %get3A_229] {strides = array<i32>} : memref<2x128x64xbf16, #tpu.memory_space<vmem>>, vector<32xbf16>,
        %unpack3A_231 = tpu.unpack_subelements %get3A_230, 0 {pack_format = #tpu.pack_format<interleaved>} : vector<32xbf16> -> vector<16xf32>
        %unpack3A_232 = tpu.unpack_subelements %get3A_230, 1 {pack_format = #tpu.pack_format<interleaved>} : vector<32xbf16> -> vector<16xf32>
        %swap3A_233 = arith.index_cast %add3A_225 : i32 to index
        %swap3A_234 = arith.constant 0 : index
        %swap3A_235 = tpu.vector_load %arg9[%swap3A_233, %swap3A_234] {strides = array<i32>} : memref<128x64xf32, #tpu.memory_space<vmem>>, vector<16xf32>,
        tpu.vector_store %arg9[%swap3A_233, %swap3A_234], %unpack3A_231 {strides = array<i32>} : memref<128x64xf32, #tpu.memory_space<vmem>>, vector<16xf32>,
        %swap3A_236 = arith.index_cast %add3A_225 : i32 to index
        %swap3A_237 = arith.constant 16 : index
        %swap3A_238 = tpu.vector_load %arg9[%swap3A_236, %swap3A_237] {strides = array<i32>} : memref<128x64xf32, #tpu.memory_space<vmem>>, vector<16xf32>,
        tpu.vector_store %arg9[%swap3A_236, %swap3A_237], %unpack3A_232 {strides = array<i32>} : memref<128x64xf32, #tpu.memory_space<vmem>>, vector<16xf32>,
        %get3A_239 = arith.constant 0 : i32
        %get3A_240 = arith.index_cast %get3A_239 : i32 to index
        %get3A_241 = arith.index_cast %add3A_225 : i32 to index
        %get3A_242 = arith.constant 32 : index
        %get3A_243 = tpu.vector_load %arg8[%get3A_240, %get3A_241, %get3A_242] {strides = array<i32>} : memref<2x128x64xbf16, #tpu.memory_space<vmem>>, vector<32xbf16>,
        %unpack3A_244 = tpu.unpack_subelements %get3A_243, 0 {pack_format = #tpu.pack_format<interleaved>} : vector<32xbf16> -> vector<16xf32>
        %unpack3A_245 = tpu.unpack_subelements %get3A_243, 1 {pack_format = #tpu.pack_format<interleaved>} : vector<32xbf16> -> vector<16xf32>
        %swap3A_246 = arith.index_cast %add3A_225 : i32 to index
        %swap3A_247 = arith.constant 32 : index
        %swap3A_248 = tpu.vector_load %arg9[%swap3A_246, %swap3A_247] {strides = array<i32>} : memref<128x64xf32, #tpu.memory_space<vmem>>, vector<16xf32>,
        tpu.vector_store %arg9[%swap3A_246, %swap3A_247], %unpack3A_244 {strides = array<i32>} : memref<128x64xf32, #tpu.memory_space<vmem>>, vector<16xf32>,
        %swap3A_249 = arith.index_cast %add3A_225 : i32 to index
        %swap3A_250 = arith.constant 48 : index
        %swap3A_251 = tpu.vector_load %arg9[%swap3A_249, %swap3A_250] {strides = array<i32>} : memref<128x64xf32, #tpu.memory_space<vmem>>, vector<16xf32>,
        tpu.vector_store %arg9[%swap3A_249, %swap3A_250], %unpack3A_245 {strides = array<i32>} : memref<128x64xf32, #tpu.memory_space<vmem>>, vector<16xf32>,
        %scan3A_252 = arith.constant 0 : i32
        scf.yield %scan3A_252 : i32
      }
      %scan3A_146 = arith.constant 64 : i32
      "tpu.region"() ({
        %run_scoped3A_193 = tpu.sem_alloc : memref<!tpu.dma_semaphore, #tpu.memory_space<semaphore_mem>>
        %dma_start3A_194 = arith.constant 0 : i32
        %dma_start3A_195 = tpu.memref_slice %arg7[%add3A_105, %dma_start3A_194] : memref<88x128xi32, #tpu.memory_space<vmem>> -> memref<1x128xi32, #tpu.memory_space<vmem>>
        %dma_start3A_196 = tpu.memref_squeeze %dma_start3A_195 : memref<1x128xi32, #tpu.memory_space<vmem>> -> memref<128xi32, #tpu.memory_space<vmem>>
        %dma_start3A_197 = arith.constant 0 : i32
        %dma_start3A_198 = arith.constant 0 : i32
        %dma_start3A_199 = tpu.memref_slice %arg10[%dma_start3A_197, %dma_start3A_198] : memref<10240x64xf32, #tpu.memory_space<vmem_shared>> -> memref<10240x64xf32, #tpu.memory_space<vmem_shared>>
        tpu.enqueue_indirect_dma source(%arg9 : memref<128x64xf32, #tpu.memory_space<vmem>>) target(%dma_start3A_199 : memref<10240x64xf32, #tpu.memory_space<vmem_shared>>) offsets(%dma_start3A_196 : memref<128xi32, #tpu.memory_space<vmem>>) semaphore(%run_scoped3A_193 : memref<!tpu.dma_semaphore, #tpu.memory_space<semaphore_mem>>) {add = true}
        %dma_wait3A_200 = arith.constant 0 : i32
        %dma_wait3A_201 = tpu.memref_slice %arg7[%add3A_105, %dma_wait3A_200] : memref<88x128xi32, #tpu.memory_space<vmem>> -> memref<1x128xi32, #tpu.memory_space<vmem>>
        %dma_wait3A_202 = tpu.memref_squeeze %dma_wait3A_201 : memref<1x128xi32, #tpu.memory_space<vmem>> -> memref<128xi32, #tpu.memory_space<vmem>>
        %dma_wait3A_203 = arith.constant 0 : i32
        %dma_wait3A_204 = arith.constant 0 : i32
        %dma_wait3A_205 = tpu.memref_slice %arg10[%dma_wait3A_203, %dma_wait3A_204] : memref<10240x64xf32, #tpu.memory_space<vmem_shared>> -> memref<10240x64xf32, #tpu.memory_space<vmem_shared>>
        tpu.wait_indirect_dma semaphore(%run_scoped3A_193 : memref<!tpu.dma_semaphore, #tpu.memory_space<semaphore_mem>>) src(%arg9 : memref<128x64xf32, #tpu.memory_space<vmem>>) dst(%dma_wait3A_205 : memref<10240x64xf32, #tpu.memory_space<vmem_shared>>)
        tpu.yield
      }) : () -> ()
      "tpu.region"() ({
        %run_scoped3A_193 = tpu.sem_alloc : memref<!tpu.dma_semaphore, #tpu.memory_space<semaphore_mem>>
        %dma_start3A_194 = arith.constant 0 : i32
        %dma_start3A_195 = tpu.memref_slice %arg7[%add3A_105, %dma_start3A_194] : memref<88x128xi32, #tpu.memory_space<vmem>> -> memref<1x128xi32, #tpu.memory_space<vmem>>
        %dma_start3A_196 = tpu.memref_squeeze %dma_start3A_195 : memref<1x128xi32, #tpu.memory_space<vmem>> -> memref<128xi32, #tpu.memory_space<vmem>>
        %dma_start3A_197 = arith.constant 0 : i32
        %dma_start3A_198 = arith.constant 0 : i32
        %dma_start3A_199 = tpu.memref_slice %arg14[%dma_start3A_197, %dma_start3A_198] : memref<10240x16xf32, #tpu.memory_space<vmem_shared>> -> memref<10240x16xf32, #tpu.memory_space<vmem_shared>>
        tpu.enqueue_indirect_dma source(%arg12 : memref<128x16xf32, #tpu.memory_space<vmem>>) target(%dma_start3A_199 : memref<10240x16xf32, #tpu.memory_space<vmem_shared>>) offsets(%dma_start3A_196 : memref<128xi32, #tpu.memory_space<vmem>>) semaphore(%run_scoped3A_193 : memref<!tpu.dma_semaphore, #tpu.memory_space<semaphore_mem>>) {add = true}
        %dma_wait3A_200 = arith.constant 0 : i32
        %dma_wait3A_201 = tpu.memref_slice %arg7[%add3A_105, %dma_wait3A_200] : memref<88x128xi32, #tpu.memory_space<vmem>> -> memref<1x128xi32, #tpu.memory_space<vmem>>
        %dma_wait3A_202 = tpu.memref_squeeze %dma_wait3A_201 : memref<1x128xi32, #tpu.memory_space<vmem>> -> memref<128xi32, #tpu.memory_space<vmem>>
        %dma_wait3A_203 = arith.constant 0 : i32
        %dma_wait3A_204 = arith.constant 0 : i32
        %dma_wait3A_205 = tpu.memref_slice %arg14[%dma_wait3A_203, %dma_wait3A_204] : memref<10240x16xf32, #tpu.memory_space<vmem_shared>> -> memref<10240x16xf32, #tpu.memory_space<vmem_shared>>
        tpu.wait_indirect_dma semaphore(%run_scoped3A_193 : memref<!tpu.dma_semaphore, #tpu.memory_space<semaphore_mem>>) src(%arg12 : memref<128x16xf32, #tpu.memory_space<vmem>>) dst(%dma_wait3A_205 : memref<10240x16xf32, #tpu.memory_space<vmem_shared>>)
        tpu.yield
      }) : () -> ()
      %mul3A_147 = arith.constant 2 : i32
      %mul3A_148 = arith.muli %while3A_100, %mul3A_147 : i32
      %add3A_149 = arith.constant 1 : i32
      %add3A_150 = arith.addi %mul3A_148, %add3A_149 : i32
      %add3A_151 = arith.constant 1 : i32
      %add3A_152 = arith.addi %add3A_150, %add3A_151 : i32
      %dma_start3A_153 = arith.constant 0 : i32
      %dma_start3A_154 = arith.constant 0 : i32
      %dma_start3A_155 = arith.constant 0 : i32
      %dma_start3A_156 = arith.constant 0 : i32
      %dma_start3A_157 = tpu.memref_slice %arg8[%dma_start3A_153, %dma_start3A_155, %dma_start3A_156] : memref<2x128x64xbf16, #tpu.memory_space<vmem>> -> memref<1x128x64xbf16, #tpu.memory_space<vmem>>
      %dma_start3A_158 = tpu.memref_squeeze %dma_start3A_157 : memref<1x128x64xbf16, #tpu.memory_space<vmem>> -> memref<128x64xbf16, #tpu.memory_space<vmem>>
      %dma_start3A_159 = arith.constant 0 : i32
      %dma_start3A_160 = tpu.memref_slice %arg6[%add3A_152, %dma_start3A_159] : memref<89x128xi32, #tpu.memory_space<vmem>> -> memref<1x128xi32, #tpu.memory_space<vmem>>
      %dma_start3A_161 = tpu.memref_squeeze %dma_start3A_160 : memref<1x128xi32, #tpu.memory_space<vmem>> -> memref<128xi32, #tpu.memory_space<vmem>>
      %dma_start3A_162 = arith.constant 0 : i32
      %dma_start3A_163 = arith.constant 0 : i32
      %dma_start3A_164 = tpu.memref_slice %arg3[%dma_start3A_162, %dma_start3A_163] : memref<10000x64xbf16, #tpu.memory_space<hbm>> -> memref<10000x64xbf16, #tpu.memory_space<hbm>>
      %dma_start3A_165 = tpu.memref_slice %arg11[%dma_start3A_154] : memref<2x!tpu.dma_semaphore, #tpu.memory_space<semaphore_mem>> -> memref<1x!tpu.dma_semaphore, #tpu.memory_space<semaphore_mem>>
      %dma_start3A_166 = tpu.memref_squeeze %dma_start3A_165 : memref<1x!tpu.dma_semaphore, #tpu.memory_space<semaphore_mem>> -> memref<!tpu.dma_semaphore, #tpu.memory_space<semaphore_mem>>
      tpu.enqueue_indirect_dma source(%dma_start3A_164 : memref<10000x64xbf16, #tpu.memory_space<hbm>>) target(%dma_start3A_158 : memref<128x64xbf16, #tpu.memory_space<vmem>>) offsets(%dma_start3A_161 : memref<128xi32, #tpu.memory_space<vmem>>) semaphore(%dma_start3A_166 : memref<!tpu.dma_semaphore, #tpu.memory_space<semaphore_mem>>)
      %dma_wait3A_167 = arith.constant 1 : i32
      %dma_wait3A_168 = arith.constant 1 : i32
      %dma_wait3A_169 = arith.constant 0 : i32
      %dma_wait3A_170 = arith.constant 0 : i32
      %dma_wait3A_171 = tpu.memref_slice %arg8[%dma_wait3A_167, %dma_wait3A_169, %dma_wait3A_170] : memref<2x128x64xbf16, #tpu.memory_space<vmem>> -> memref<1x128x64xbf16, #tpu.memory_space<vmem>>
      %dma_wait3A_172 = tpu.memref_squeeze %dma_wait3A_171 : memref<1x128x64xbf16, #tpu.memory_space<vmem>> -> memref<128x64xbf16, #tpu.memory_space<vmem>>
      %dma_wait3A_173 = arith.constant 0 : i32
      %dma_wait3A_174 = arith.constant 0 : i32
      %dma_wait3A_175 = tpu.memref_slice %arg3[%dma_wait3A_173, %dma_wait3A_174] : memref<10000x64xbf16, #tpu.memory_space<hbm>> -> memref<128x64xbf16, #tpu.memory_space<hbm>>
      %dma_wait3A_176 = tpu.memref_slice %arg11[%dma_wait3A_168] : memref<2x!tpu.dma_semaphore, #tpu.memory_space<semaphore_mem>> -> memref<1x!tpu.dma_semaphore, #tpu.memory_space<semaphore_mem>>
      %dma_wait3A_177 = tpu.memref_squeeze %dma_wait3A_176 : memref<1x!tpu.dma_semaphore, #tpu.memory_space<semaphore_mem>> -> memref<!tpu.dma_semaphore, #tpu.memory_space<semaphore_mem>>
      %dma_wait3A_178 = arith.constant 0 : i32
      %dma_wait3A_179 = arith.constant 0 : i32
      %dma_wait3A_180 = tpu.memref_slice %arg8[%dma_wait3A_167, %dma_wait3A_178, %dma_wait3A_179] : memref<2x128x64xbf16, #tpu.memory_space<vmem>> -> memref<1x128x64xbf16, #tpu.memory_space<vmem>>
      %dma_wait3A_181 = tpu.memref_squeeze %dma_wait3A_180 : memref<1x128x64xbf16, #tpu.memory_space<vmem>> -> memref<128x64xbf16, #tpu.memory_space<vmem>>
      %dma_wait3A_182 = arith.constant 0 : i32
      %dma_wait3A_183 = arith.constant 0 : i32
      %dma_wait3A_184 = tpu.memref_slice %arg3[%dma_wait3A_182, %dma_wait3A_183] : memref<10000x64xbf16, #tpu.memory_space<hbm>> -> memref<128x64xbf16, #tpu.memory_space<hbm>>
      tpu.wait_dma2 semaphore(%dma_wait3A_177 : memref<!tpu.dma_semaphore, #tpu.memory_space<semaphore_mem>>) src(%dma_wait3A_184 : memref<128x64xbf16, #tpu.memory_space<hbm>>) dst(%dma_wait3A_181 : memref<128x64xbf16, #tpu.memory_space<vmem>>)
      %scan3A_185 = arith.constant 0 : i32
      %scan3A_186 = arith.constant 0 : i32
      %scan3A_187 = arith.constant 64 : i32
      %scan3A_188 = arith.addi %scan3A_186, %scan3A_187 : i32
      %scan3A_189 = arith.constant 1 : i32
      %scan3A_190 = scf.for %scan3A_193 = %scan3A_186 to %scan3A_188 step %scan3A_189 iter_args(%scan3A_194 = %scan3A_185) -> (i32)  : i32 {
        %mul3A_195 = arith.constant 2 : i32
        %mul3A_196 = arith.muli %scan3A_193, %mul3A_195 : i32
        %add3A_197 = arith.constant 0 : i32
        %add3A_198 = arith.addi %mul3A_196, %add3A_197 : i32
        %get3A = arith.constant 1 : i32
        %get3A_199 = arith.index_cast %get3A : i32 to index
        %get3A_200 = arith.index_cast %add3A_198 : i32 to index
        %get3A_201 = arith.constant 0 : index
        %get3A_202 = tpu.vector_load %arg8[%get3A_199, %get3A_200, %get3A_201] {strides = array<i32>} : memref<2x128x64xbf16, #tpu.memory_space<vmem>>, vector<32xbf16>,
        %unpack3A = tpu.unpack_subelements %get3A_202, 0 {pack_format = #tpu.pack_format<interleaved>} : vector<32xbf16> -> vector<16xf32>
        %unpack3A_203 = tpu.unpack_subelements %get3A_202, 1 {pack_format = #tpu.pack_format<interleaved>} : vector<32xbf16> -> vector<16xf32>
        %swap3A = arith.index_cast %add3A_198 : i32 to index
        %swap3A_204 = arith.constant 0 : index
        %swap3A_205 = tpu.vector_load %arg9[%swap3A, %swap3A_204] {strides = array<i32>} : memref<128x64xf32, #tpu.memory_space<vmem>>, vector<16xf32>,
        tpu.vector_store %arg9[%swap3A, %swap3A_204], %unpack3A {strides = array<i32>} : memref<128x64xf32, #tpu.memory_space<vmem>>, vector<16xf32>,
        %swap3A_206 = arith.index_cast %add3A_198 : i32 to index
        %swap3A_207 = arith.constant 16 : index
        %swap3A_208 = tpu.vector_load %arg9[%swap3A_206, %swap3A_207] {strides = array<i32>} : memref<128x64xf32, #tpu.memory_space<vmem>>, vector<16xf32>,
        tpu.vector_store %arg9[%swap3A_206, %swap3A_207], %unpack3A_203 {strides = array<i32>} : memref<128x64xf32, #tpu.memory_space<vmem>>, vector<16xf32>,
        %get3A_209 = arith.constant 1 : i32
        %get3A_210 = arith.index_cast %get3A_209 : i32 to index
        %get3A_211 = arith.index_cast %add3A_198 : i32 to index
        %get3A_212 = arith.constant 32 : index
        %get3A_213 = tpu.vector_load %arg8[%get3A_210, %get3A_211, %get3A_212] {strides = array<i32>} : memref<2x128x64xbf16, #tpu.memory_space<vmem>>, vector<32xbf16>,
        %unpack3A_214 = tpu.unpack_subelements %get3A_213, 0 {pack_format = #tpu.pack_format<interleaved>} : vector<32xbf16> -> vector<16xf32>
        %unpack3A_215 = tpu.unpack_subelements %get3A_213, 1 {pack_format = #tpu.pack_format<interleaved>} : vector<32xbf16> -> vector<16xf32>
        %swap3A_216 = arith.index_cast %add3A_198 : i32 to index
        %swap3A_217 = arith.constant 32 : index
        %swap3A_218 = tpu.vector_load %arg9[%swap3A_216, %swap3A_217] {strides = array<i32>} : memref<128x64xf32, #tpu.memory_space<vmem>>, vector<16xf32>,
        tpu.vector_store %arg9[%swap3A_216, %swap3A_217], %unpack3A_214 {strides = array<i32>} : memref<128x64xf32, #tpu.memory_space<vmem>>, vector<16xf32>,
        %swap3A_219 = arith.index_cast %add3A_198 : i32 to index
        %swap3A_220 = arith.constant 48 : index
        %swap3A_221 = tpu.vector_load %arg9[%swap3A_219, %swap3A_220] {strides = array<i32>} : memref<128x64xf32, #tpu.memory_space<vmem>>, vector<16xf32>,
        tpu.vector_store %arg9[%swap3A_219, %swap3A_220], %unpack3A_215 {strides = array<i32>} : memref<128x64xf32, #tpu.memory_space<vmem>>, vector<16xf32>,
        %mul3A_222 = arith.constant 2 : i32
        %mul3A_223 = arith.muli %scan3A_193, %mul3A_222 : i32
        %add3A_224 = arith.constant 1 : i32
        %add3A_225 = arith.addi %mul3A_223, %add3A_224 : i32
        %get3A_226 = arith.constant 1 : i32
        %get3A_227 = arith.index_cast %get3A_226 : i32 to index
        %get3A_228 = arith.index_cast %add3A_225 : i32 to index
        %get3A_229 = arith.constant 0 : index
        %get3A_230 = tpu.vector_load %arg8[%get3A_227, %get3A_228, %get3A_229] {strides = array<i32>} : memref<2x128x64xbf16, #tpu.memory_space<vmem>>, vector<32xbf16>,
        %unpack3A_231 = tpu.unpack_subelements %get3A_230, 0 {pack_format = #tpu.pack_format<interleaved>} : vector<32xbf16> -> vector<16xf32>
        %unpack3A_232 = tpu.unpack_subelements %get3A_230, 1 {pack_format = #tpu.pack_format<interleaved>} : vector<32xbf16> -> vector<16xf32>
        %swap3A_233 = arith.index_cast %add3A_225 : i32 to index
        %swap3A_234 = arith.constant 0 : index
        %swap3A_235 = tpu.vector_load %arg9[%swap3A_233, %swap3A_234] {strides = array<i32>} : memref<128x64xf32, #tpu.memory_space<vmem>>, vector<16xf32>,
        tpu.vector_store %arg9[%swap3A_233, %swap3A_234], %unpack3A_231 {strides = array<i32>} : memref<128x64xf32, #tpu.memory_space<vmem>>, vector<16xf32>,
        %swap3A_236 = arith.index_cast %add3A_225 : i32 to index
        %swap3A_237 = arith.constant 16 : index
        %swap3A_238 = tpu.vector_load %arg9[%swap3A_236, %swap3A_237] {strides = array<i32>} : memref<128x64xf32, #tpu.memory_space<vmem>>, vector<16xf32>,
        tpu.vector_store %arg9[%swap3A_236, %swap3A_237], %unpack3A_232 {strides = array<i32>} : memref<128x64xf32, #tpu.memory_space<vmem>>, vector<16xf32>,
        %get3A_239 = arith.constant 1 : i32
        %get3A_240 = arith.index_cast %get3A_239 : i32 to index
        %get3A_241 = arith.index_cast %add3A_225 : i32 to index
        %get3A_242 = arith.constant 32 : index
        %get3A_243 = tpu.vector_load %arg8[%get3A_240, %get3A_241, %get3A_242] {strides = array<i32>} : memref<2x128x64xbf16, #tpu.memory_space<vmem>>, vector<32xbf16>,
        %unpack3A_244 = tpu.unpack_subelements %get3A_243, 0 {pack_format = #tpu.pack_format<interleaved>} : vector<32xbf16> -> vector<16xf32>
        %unpack3A_245 = tpu.unpack_subelements %get3A_243, 1 {pack_format = #tpu.pack_format<interleaved>} : vector<32xbf16> -> vector<16xf32>
        %swap3A_246 = arith.index_cast %add3A_225 : i32 to index
        %swap3A_247 = arith.constant 32 : index
        %swap3A_248 = tpu.vector_load %arg9[%swap3A_246, %swap3A_247] {strides = array<i32>} : memref<128x64xf32, #tpu.memory_space<vmem>>, vector<16xf32>,
        tpu.vector_store %arg9[%swap3A_246, %swap3A_247], %unpack3A_244 {strides = array<i32>} : memref<128x64xf32, #tpu.memory_space<vmem>>, vector<16xf32>,
        %swap3A_249 = arith.index_cast %add3A_225 : i32 to index
        %swap3A_250 = arith.constant 48 : index
        %swap3A_251 = tpu.vector_load %arg9[%swap3A_249, %swap3A_250] {strides = array<i32>} : memref<128x64xf32, #tpu.memory_space<vmem>>, vector<16xf32>,
        tpu.vector_store %arg9[%swap3A_249, %swap3A_250], %unpack3A_245 {strides = array<i32>} : memref<128x64xf32, #tpu.memory_space<vmem>>, vector<16xf32>,
        %scan3A_252 = arith.constant 0 : i32
        scf.yield %scan3A_252 : i32
      }
      %scan3A_191 = arith.constant 64 : i32
      "tpu.region"() ({
        %run_scoped3A_193 = tpu.sem_alloc : memref<!tpu.dma_semaphore, #tpu.memory_space<semaphore_mem>>
        %dma_start3A_194 = arith.constant 0 : i32
        %dma_start3A_195 = tpu.memref_slice %arg7[%add3A_150, %dma_start3A_194] : memref<88x128xi32, #tpu.memory_space<vmem>> -> memref<1x128xi32, #tpu.memory_space<vmem>>
        %dma_start3A_196 = tpu.memref_squeeze %dma_start3A_195 : memref<1x128xi32, #tpu.memory_space<vmem>> -> memref<128xi32, #tpu.memory_space<vmem>>
        %dma_start3A_197 = arith.constant 0 : i32
        %dma_start3A_198 = arith.constant 0 : i32
        %dma_start3A_199 = tpu.memref_slice %arg10[%dma_start3A_197, %dma_start3A_198] : memref<10240x64xf32, #tpu.memory_space<vmem_shared>> -> memref<10240x64xf32, #tpu.memory_space<vmem_shared>>
        tpu.enqueue_indirect_dma source(%arg9 : memref<128x64xf32, #tpu.memory_space<vmem>>) target(%dma_start3A_199 : memref<10240x64xf32, #tpu.memory_space<vmem_shared>>) offsets(%dma_start3A_196 : memref<128xi32, #tpu.memory_space<vmem>>) semaphore(%run_scoped3A_193 : memref<!tpu.dma_semaphore, #tpu.memory_space<semaphore_mem>>) {add = true}
        %dma_wait3A_200 = arith.constant 0 : i32
        %dma_wait3A_201 = tpu.memref_slice %arg7[%add3A_150, %dma_wait3A_200] : memref<88x128xi32, #tpu.memory_space<vmem>> -> memref<1x128xi32, #tpu.memory_space<vmem>>
        %dma_wait3A_202 = tpu.memref_squeeze %dma_wait3A_201 : memref<1x128xi32, #tpu.memory_space<vmem>> -> memref<128xi32, #tpu.memory_space<vmem>>
        %dma_wait3A_203 = arith.constant 0 : i32
        %dma_wait3A_204 = arith.constant 0 : i32
        %dma_wait3A_205 = tpu.memref_slice %arg10[%dma_wait3A_203, %dma_wait3A_204] : memref<10240x64xf32, #tpu.memory_space<vmem_shared>> -> memref<10240x64xf32, #tpu.memory_space<vmem_shared>>
        tpu.wait_indirect_dma semaphore(%run_scoped3A_193 : memref<!tpu.dma_semaphore, #tpu.memory_space<semaphore_mem>>) src(%arg9 : memref<128x64xf32, #tpu.memory_space<vmem>>) dst(%dma_wait3A_205 : memref<10240x64xf32, #tpu.memory_space<vmem_shared>>)
        tpu.yield
      }) : () -> ()
      "tpu.region"() ({
        %run_scoped3A_193 = tpu.sem_alloc : memref<!tpu.dma_semaphore, #tpu.memory_space<semaphore_mem>>
        %dma_start3A_194 = arith.constant 0 : i32
        %dma_start3A_195 = tpu.memref_slice %arg7[%add3A_150, %dma_start3A_194] : memref<88x128xi32, #tpu.memory_space<vmem>> -> memref<1x128xi32, #tpu.memory_space<vmem>>
        %dma_start3A_196 = tpu.memref_squeeze %dma_start3A_195 : memref<1x128xi32, #tpu.memory_space<vmem>> -> memref<128xi32, #tpu.memory_space<vmem>>
        %dma_start3A_197 = arith.constant 0 : i32
        %dma_start3A_198 = arith.constant 0 : i32
        %dma_start3A_199 = tpu.memref_slice %arg14[%dma_start3A_197, %dma_start3A_198] : memref<10240x16xf32, #tpu.memory_space<vmem_shared>> -> memref<10240x16xf32, #tpu.memory_space<vmem_shared>>
        tpu.enqueue_indirect_dma source(%arg12 : memref<128x16xf32, #tpu.memory_space<vmem>>) target(%dma_start3A_199 : memref<10240x16xf32, #tpu.memory_space<vmem_shared>>) offsets(%dma_start3A_196 : memref<128xi32, #tpu.memory_space<vmem>>) semaphore(%run_scoped3A_193 : memref<!tpu.dma_semaphore, #tpu.memory_space<semaphore_mem>>) {add = true}
        %dma_wait3A_200 = arith.constant 0 : i32
        %dma_wait3A_201 = tpu.memref_slice %arg7[%add3A_150, %dma_wait3A_200] : memref<88x128xi32, #tpu.memory_space<vmem>> -> memref<1x128xi32, #tpu.memory_space<vmem>>
        %dma_wait3A_202 = tpu.memref_squeeze %dma_wait3A_201 : memref<1x128xi32, #tpu.memory_space<vmem>> -> memref<128xi32, #tpu.memory_space<vmem>>
        %dma_wait3A_203 = arith.constant 0 : i32
        %dma_wait3A_204 = arith.constant 0 : i32
        %dma_wait3A_205 = tpu.memref_slice %arg14[%dma_wait3A_203, %dma_wait3A_204] : memref<10240x16xf32, #tpu.memory_space<vmem_shared>> -> memref<10240x16xf32, #tpu.memory_space<vmem_shared>>
        tpu.wait_indirect_dma semaphore(%run_scoped3A_193 : memref<!tpu.dma_semaphore, #tpu.memory_space<semaphore_mem>>) src(%arg12 : memref<128x16xf32, #tpu.memory_space<vmem>>) dst(%dma_wait3A_205 : memref<10240x16xf32, #tpu.memory_space<vmem_shared>>)
        tpu.yield
      }) : () -> ()
      %while3A_192 = arith.constant 0 : i32
      scf.yield %while3A_192 : i32
    }
    %dma_wait3A = arith.constant 0 : i32
    %dma_wait3A_75 = arith.constant 0 : i32
    %dma_wait3A_76 = arith.constant 0 : i32
    %dma_wait3A_77 = arith.constant 0 : i32
    %dma_wait3A_78 = tpu.memref_slice %arg8[%dma_wait3A, %dma_wait3A_76, %dma_wait3A_77] : memref<2x128x64xbf16, #tpu.memory_space<vmem>> -> memref<1x128x64xbf16, #tpu.memory_space<vmem>>
    %dma_wait3A_79 = tpu.memref_squeeze %dma_wait3A_78 : memref<1x128x64xbf16, #tpu.memory_space<vmem>> -> memref<128x64xbf16, #tpu.memory_space<vmem>>
    %dma_wait3A_80 = arith.constant 0 : i32
    %dma_wait3A_81 = arith.constant 0 : i32
    %dma_wait3A_82 = tpu.memref_slice %arg3[%dma_wait3A_80, %dma_wait3A_81] : memref<10000x64xbf16, #tpu.memory_space<hbm>> -> memref<128x64xbf16, #tpu.memory_space<hbm>>
    %dma_wait3A_83 = tpu.memref_slice %arg11[%dma_wait3A_75] : memref<2x!tpu.dma_semaphore, #tpu.memory_space<semaphore_mem>> -> memref<1x!tpu.dma_semaphore, #tpu.memory_space<semaphore_mem>>
    %dma_wait3A_84 = tpu.memref_squeeze %dma_wait3A_83 : memref<1x!tpu.dma_semaphore, #tpu.memory_space<semaphore_mem>> -> memref<!tpu.dma_semaphore, #tpu.memory_space<semaphore_mem>>
    %dma_wait3A_85 = arith.constant 0 : i32
    %dma_wait3A_86 = arith.constant 0 : i32
    %dma_wait3A_87 = tpu.memref_slice %arg8[%dma_wait3A, %dma_wait3A_85, %dma_wait3A_86] : memref<2x128x64xbf16, #tpu.memory_space<vmem>> -> memref<1x128x64xbf16, #tpu.memory_space<vmem>>
    %dma_wait3A_88 = tpu.memref_squeeze %dma_wait3A_87 : memref<1x128x64xbf16, #tpu.memory_space<vmem>> -> memref<128x64xbf16, #tpu.memory_space<vmem>>
    %dma_wait3A_89 = arith.constant 0 : i32
    %dma_wait3A_90 = arith.constant 0 : i32
    %dma_wait3A_91 = tpu.memref_slice %arg3[%dma_wait3A_89, %dma_wait3A_90] : memref<10000x64xbf16, #tpu.memory_space<hbm>> -> memref<128x64xbf16, #tpu.memory_space<hbm>>
    tpu.wait_dma2 semaphore(%dma_wait3A_84 : memref<!tpu.dma_semaphore, #tpu.memory_space<semaphore_mem>>) src(%dma_wait3A_91 : memref<128x64xbf16, #tpu.memory_space<hbm>>) dst(%dma_wait3A_88 : memref<128x64xbf16, #tpu.memory_space<vmem>>)
    %barrier3A_92 = arith.constant 0 : index
    tpu.barrier barrier_id(%barrier3A_92)
    %scan3A_93 = arith.constant 0 : i32
    %scan3A_94 = arith.constant 0 : i32
    %scan3A_95 = arith.constant 5 : i32
    %scan3A_96 = arith.addi %scan3A_94, %scan3A_95 : i32
    %scan3A_97 = arith.constant 1 : i32
    %scan3A_98 = scf.for %scan3A_100 = %scan3A_94 to %scan3A_96 step %scan3A_97 iter_args(%scan3A_101 = %scan3A_93) -> (i32)  : i32 {
      %mul3A_102 = arith.constant 640 : i32
      %mul3A_103 = arith.muli %arg1, %mul3A_102 : i32
      %mul3A_104 = arith.constant 128 : i32
      %mul3A_105 = arith.muli %scan3A_100, %mul3A_104 : i32
      %add3A_106 = arith.addi %mul3A_103, %mul3A_105 : i32
      "tpu.region"() ({
        %run_scoped3A_108 = tpu.sem_alloc : memref<!tpu.dma_semaphore, #tpu.memory_space<semaphore_mem>>
        %dma_start3A_109 = arith.constant 0 : i32
        %dma_start3A_110 = tpu.memref_slice %arg4[%arg0, %add3A_106, %dma_start3A_109] : memref<2x10240x64xf32, #tpu.memory_space<hbm>> -> memref<1x128x64xf32, #tpu.memory_space<hbm>>
        %dma_start3A_111 = tpu.memref_squeeze %dma_start3A_110 : memref<1x128x64xf32, #tpu.memory_space<hbm>> -> memref<128x64xf32, #tpu.memory_space<hbm>>
        %dma_start3A_112 = arith.constant 0 : i32
        %dma_start3A_113 = tpu.memref_slice %arg10[%add3A_106, %dma_start3A_112] : memref<10240x64xf32, #tpu.memory_space<vmem_shared>> -> memref<128x64xf32, #tpu.memory_space<vmem_shared>>
        tpu.enqueue_dma source(%dma_start3A_113 : memref<128x64xf32, #tpu.memory_space<vmem_shared>>) target(%dma_start3A_111 : memref<128x64xf32, #tpu.memory_space<hbm>>) target_semaphore(%run_scoped3A_108 : memref<!tpu.dma_semaphore, #tpu.memory_space<semaphore_mem>>)
        %dma_wait3A_114 = arith.constant 0 : i32
        %dma_wait3A_115 = tpu.memref_slice %arg4[%arg0, %add3A_106, %dma_wait3A_114] : memref<2x10240x64xf32, #tpu.memory_space<hbm>> -> memref<1x128x64xf32, #tpu.memory_space<hbm>>
        %dma_wait3A_116 = tpu.memref_squeeze %dma_wait3A_115 : memref<1x128x64xf32, #tpu.memory_space<hbm>> -> memref<128x64xf32, #tpu.memory_space<hbm>>
        %dma_wait3A_117 = arith.constant 0 : i32
        %dma_wait3A_118 = tpu.memref_slice %arg10[%add3A_106, %dma_wait3A_117] : memref<10240x64xf32, #tpu.memory_space<vmem_shared>> -> memref<128x64xf32, #tpu.memory_space<vmem_shared>>
        tpu.wait_dma2 semaphore(%run_scoped3A_108 : memref<!tpu.dma_semaphore, #tpu.memory_space<semaphore_mem>>) src(%dma_wait3A_118 : memref<128x64xf32, #tpu.memory_space<vmem_shared>>) dst(%dma_wait3A_116 : memref<128x64xf32, #tpu.memory_space<hbm>>)
        tpu.yield
      }) : () -> ()
      "tpu.region"() ({
        %run_scoped3A_108 = tpu.sem_alloc : memref<!tpu.dma_semaphore, #tpu.memory_space<semaphore_mem>>
        %dma_start3A_109 = arith.constant 0 : i32
        %dma_start3A_110 = tpu.memref_slice %arg5[%arg0, %add3A_106, %dma_start3A_109] : memref<2x10240x16xf32, #tpu.memory_space<hbm>> -> memref<1x128x16xf32, #tpu.memory_space<hbm>>
        %dma_start3A_111 = tpu.memref_squeeze %dma_start3A_110 : memref<1x128x16xf32, #tpu.memory_space<hbm>> -> memref<128x16xf32, #tpu.memory_space<hbm>>
        %dma_start3A_112 = arith.constant 0 : i32
        %dma_start3A_113 = tpu.memref_slice %arg14[%add3A_106, %dma_start3A_112] : memref<10240x16xf32, #tpu.memory_space<vmem_shared>> -> memref<128x16xf32, #tpu.memory_space<vmem_shared>>
        tpu.enqueue_dma source(%dma_start3A_113 : memref<128x16xf32, #tpu.memory_space<vmem_shared>>) target(%dma_start3A_111 : memref<128x16xf32, #tpu.memory_space<hbm>>) target_semaphore(%run_scoped3A_108 : memref<!tpu.dma_semaphore, #tpu.memory_space<semaphore_mem>>)
        %dma_wait3A_114 = arith.constant 0 : i32
        %dma_wait3A_115 = tpu.memref_slice %arg5[%arg0, %add3A_106, %dma_wait3A_114] : memref<2x10240x16xf32, #tpu.memory_space<hbm>> -> memref<1x128x16xf32, #tpu.memory_space<hbm>>
        %dma_wait3A_116 = tpu.memref_squeeze %dma_wait3A_115 : memref<1x128x16xf32, #tpu.memory_space<hbm>> -> memref<128x16xf32, #tpu.memory_space<hbm>>
        %dma_wait3A_117 = arith.constant 0 : i32
        %dma_wait3A_118 = tpu.memref_slice %arg14[%add3A_106, %dma_wait3A_117] : memref<10240x16xf32, #tpu.memory_space<vmem_shared>> -> memref<128x16xf32, #tpu.memory_space<vmem_shared>>
        tpu.wait_dma2 semaphore(%run_scoped3A_108 : memref<!tpu.dma_semaphore, #tpu.memory_space<semaphore_mem>>) src(%dma_wait3A_118 : memref<128x16xf32, #tpu.memory_space<vmem_shared>>) dst(%dma_wait3A_116 : memref<128x16xf32, #tpu.memory_space<hbm>>)
        tpu.yield
      }) : () -> ()
      %scan3A_107 = arith.constant 0 : i32
      scf.yield %scan3A_107 : i32
    }
    %scan3A_99 = arith.constant 5 : i32
    return
  }
}

module attributes {stable_mosaic.version = 14 : i64} {
  func.func @_mm_body(%arg0: i32, %arg1: memref<2000x128xf32, #tpu.memory_space<vmem>>, %arg2: memref<128x128xf32, #tpu.memory_space<vmem>>, %arg3: memref<2000x64xbf16, #tpu.memory_space<vmem>>, %arg4: memref<2000x64xbf16, #tpu.memory_space<vmem>>) attributes {dimension_semantics = [#tpu.dimension_semantics<arbitrary>], iteration_bounds = array<i64: 5>, scalar_prefetch = 0 : i64, scratch_operands = 0 : i64, tpu.core_type = #tpu.core_type<tc>, window_params = [{transform_indices = @transform_0, window_bounds = array<i64: 2000, 128>}, {pipeline_mode = #tpu.pipeline_mode<synchronous>, transform_indices = @transform_1, window_bounds = array<i64: 128, 128>}, {transform_indices = @transform_2, window_bounds = array<i64: 2000, 64>}, {transform_indices = @transform_3, window_bounds = array<i64: 2000, 64>}]} {
    %get3A = arith.constant 0 : index
    %get3A_0 = arith.constant 0 : index
    %get3A_1 = vector.load %arg1[%get3A, %get3A_0] : memref<2000x128xf32, #tpu.memory_space<vmem>>, vector<2000x128xf32>
    %get3A_2 = arith.constant 0 : index
    %get3A_3 = arith.constant 0 : index
    %get3A_4 = vector.load %arg2[%get3A_2, %get3A_3] : memref<128x128xf32, #tpu.memory_space<vmem>>, vector<128x128xf32>
    %dot_general3A = arith.constant dense<0.000000e+00> : vector<2000x128xf32>
    %dot_general3A_5 = tpu.matmul %get3A_1, %get3A_4, %dot_general3A {dimension_numbers = #tpu.dot_dimension_numbers<[1], [0], [0], [1], [0, 0, 1, 1], [], []>, transpose_lhs_hint = false} : vector<2000x128xf32>, vector<128x128xf32>, vector<2000x128xf32> -> vector<2000x128xf32>
    %slice3A = vector.extract_strided_slice %dot_general3A_5 {offsets = [0, 0], sizes = [2000, 64], strides = [1, 1]} : vector<2000x128xf32> to vector<2000x64xf32>
    %convert_element_type3A = arith.truncf %slice3A : vector<2000x64xf32> to vector<2000x64xbf16>
    %swap3A = arith.constant 0 : index
    %swap3A_6 = arith.constant 0 : index
    %swap3A_7 = vector.load %arg3[%swap3A, %swap3A_6] : memref<2000x64xbf16, #tpu.memory_space<vmem>>, vector<2000x64xbf16>
    tpu.vector_store %arg3[%swap3A, %swap3A_6], %convert_element_type3A {strides = array<i32>} : memref<2000x64xbf16, #tpu.memory_space<vmem>>, vector<2000x64xbf16>,
    %slice3A_8 = vector.extract_strided_slice %dot_general3A_5 {offsets = [0, 64], sizes = [2000, 64], strides = [1, 1]} : vector<2000x128xf32> to vector<2000x64xf32>
    %convert_element_type3A_9 = arith.truncf %slice3A_8 : vector<2000x64xf32> to vector<2000x64xbf16>
    %swap3A_10 = arith.constant 0 : index
    %swap3A_11 = arith.constant 0 : index
    %swap3A_12 = vector.load %arg4[%swap3A_10, %swap3A_11] : memref<2000x64xbf16, #tpu.memory_space<vmem>>, vector<2000x64xbf16>
    tpu.vector_store %arg4[%swap3A_10, %swap3A_11], %convert_element_type3A_9 {strides = array<i32>} : memref<2000x64xbf16, #tpu.memory_space<vmem>>, vector<2000x64xbf16>,
    return
  }
  func.func @transform_0(%arg0: i32) -> (i32, i32) {
    %c0_i32 = arith.constant 0 : i32
    %c0_i32_0 = arith.constant 0 : i32
    return %arg0, %c0_i32 : i32, i32
  }
  func.func @transform_1(%arg0: i32) -> (i32, i32) {
    %c0_i32 = arith.constant 0 : i32
    %c0_i32_0 = arith.constant 0 : i32
    %c0_i32_1 = arith.constant 0 : i32
    return %c0_i32, %c0_i32_0 : i32, i32
  }
  func.func @transform_2(%arg0: i32) -> (i32, i32) {
    %c0_i32 = arith.constant 0 : i32
    %c0_i32_0 = arith.constant 0 : i32
    return %arg0, %c0_i32 : i32, i32
  }
  func.func @transform_3(%arg0: i32) -> (i32, i32) {
    %c0_i32 = arith.constant 0 : i32
    %c0_i32_0 = arith.constant 0 : i32
    return %arg0, %c0_i32 : i32, i32
  }
}

module attributes {stable_mosaic.version = 14 : i64} {
  func.func @_mid_body(%arg0: i32, %arg1: memref<2x2000x64xf32, #tpu.memory_space<vmem>>, %arg2: memref<2x2000x64xf32, #tpu.memory_space<vmem>>, %arg3: memref<2x2000x16xf32, #tpu.memory_space<vmem>>, %arg4: memref<2000x128xf32, #tpu.memory_space<vmem>>, %arg5: memref<128x128xf32, #tpu.memory_space<vmem>>, %arg6: memref<1x128xf32, #tpu.memory_space<vmem>>, %arg7: memref<128x64xf32, #tpu.memory_space<vmem>>, %arg8: memref<128x64xf32, #tpu.memory_space<vmem>>, %arg9: memref<1x64xf32, #tpu.memory_space<vmem>>, %arg10: memref<2000x64xbf16, #tpu.memory_space<vmem>>, %arg11: memref<2000x64xf32, #tpu.memory_space<vmem>>) attributes {dimension_semantics = [#tpu.dimension_semantics<arbitrary>], iteration_bounds = array<i64: 5>, scalar_prefetch = 0 : i64, scratch_operands = 0 : i64, tpu.core_type = #tpu.core_type<tc>, window_params = [{transform_indices = @transform_0, window_bounds = array<i64: 2, 2000, 64>}, {transform_indices = @transform_1, window_bounds = array<i64: 2, 2000, 64>}, {transform_indices = @transform_2, window_bounds = array<i64: 2, 2000, 16>}, {transform_indices = @transform_3, window_bounds = array<i64: 2000, 128>}, {pipeline_mode = #tpu.pipeline_mode<synchronous>, transform_indices = @transform_4, window_bounds = array<i64: 128, 128>}, {pipeline_mode = #tpu.pipeline_mode<synchronous>, transform_indices = @transform_5, window_bounds = array<i64: 1, 128>}, {pipeline_mode = #tpu.pipeline_mode<synchronous>, transform_indices = @transform_6, window_bounds = array<i64: 128, 64>}, {pipeline_mode = #tpu.pipeline_mode<synchronous>, transform_indices = @transform_7, window_bounds = array<i64: 128, 64>}, {pipeline_mode = #tpu.pipeline_mode<synchronous>, transform_indices = @transform_8, window_bounds = array<i64: 1, 64>}, {transform_indices = @transform_9, window_bounds = array<i64: 2000, 64>}, {transform_indices = @transform_10, window_bounds = array<i64: 2000, 64>}]} {
    %get3A = arith.constant 0 : index
    %get3A_0 = arith.constant 0 : index
    %get3A_1 = arith.constant 0 : index
    %get3A_2 = vector.load %arg3[%get3A, %get3A_0, %get3A_1] : memref<2x2000x16xf32, #tpu.memory_space<vmem>>, vector<1x2000x1xf32>
    %get3A_3 = vector.shape_cast %get3A_2 : vector<1x2000x1xf32> to vector<2000xf32>
    %get3A_4 = arith.constant 1 : index
    %get3A_5 = arith.constant 0 : index
    %get3A_6 = arith.constant 0 : index
    %get3A_7 = vector.load %arg3[%get3A_4, %get3A_5, %get3A_6] : memref<2x2000x16xf32, #tpu.memory_space<vmem>>, vector<1x2000x1xf32>
    %get3A_8 = vector.shape_cast %get3A_7 : vector<1x2000x1xf32> to vector<2000xf32>
    %add3A = arith.addf %get3A_3, %get3A_8 : vector<2000xf32>
    %max3A = arith.constant 1.000000e+00 : f32
    %max3A_9 = vector.broadcast %max3A : f32 to vector<2000xf32>
    %max3A_10 = arith.maximumf %add3A, %max3A_9 : vector<2000xf32>
    %div3A = arith.constant 1.000000e+00 : f32
    %div3A_11 = vector.broadcast %div3A : f32 to vector<2000xf32>
    %div3A_12 = arith.divf %div3A_11, %max3A_10 : vector<2000xf32>
    %get3A_13 = arith.constant 0 : index
    %get3A_14 = arith.constant 0 : index
    %get3A_15 = arith.constant 0 : index
    %get3A_16 = vector.load %arg1[%get3A_13, %get3A_14, %get3A_15] : memref<2x2000x64xf32, #tpu.memory_space<vmem>>, vector<1x2000x64xf32>
    %get3A_17 = vector.shape_cast %get3A_16 : vector<1x2000x64xf32> to vector<2000x64xf32>
    %get3A_18 = arith.constant 1 : index
    %get3A_19 = arith.constant 0 : index
    %get3A_20 = arith.constant 0 : index
    %get3A_21 = vector.load %arg1[%get3A_18, %get3A_19, %get3A_20] : memref<2x2000x64xf32, #tpu.memory_space<vmem>>, vector<1x2000x64xf32>
    %get3A_22 = vector.shape_cast %get3A_21 : vector<1x2000x64xf32> to vector<2000x64xf32>
    %add3A_23 = arith.addf %get3A_17, %get3A_22 : vector<2000x64xf32>
    %get3A_24 = arith.constant 0 : index
    %get3A_25 = arith.constant 0 : index
    %get3A_26 = arith.constant 0 : index
    %get3A_27 = vector.load %arg2[%get3A_24, %get3A_25, %get3A_26] : memref<2x2000x64xf32, #tpu.memory_space<vmem>>, vector<1x2000x64xf32>
    %get3A_28 = vector.shape_cast %get3A_27 : vector<1x2000x64xf32> to vector<2000x64xf32>
    %get3A_29 = arith.constant 1 : index
    %get3A_30 = arith.constant 0 : index
    %get3A_31 = arith.constant 0 : index
    %get3A_32 = vector.load %arg2[%get3A_29, %get3A_30, %get3A_31] : memref<2x2000x64xf32, #tpu.memory_space<vmem>>, vector<1x2000x64xf32>
    %get3A_33 = vector.shape_cast %get3A_32 : vector<1x2000x64xf32> to vector<2000x64xf32>
    %add3A_34 = arith.addf %get3A_28, %get3A_33 : vector<2000x64xf32>
    %concatenate3A = tpu.concatenate %add3A_23, %add3A_34 in 1 : vector<2000x64xf32>, vector<2000x64xf32> -> vector<2000x128xf32>
    %broadcast_in_dim3A = vector.shape_cast %div3A_12 : vector<2000xf32> to vector<2000x1xf32>
    %mul3A = vector.broadcast %broadcast_in_dim3A : vector<2000x1xf32> to vector<2000x128xf32>
    %mul3A_35 = arith.mulf %concatenate3A, %mul3A : vector<2000x128xf32>
    %get3A_36 = arith.constant 0 : index
    %get3A_37 = arith.constant 0 : index
    %get3A_38 = vector.load %arg4[%get3A_36, %get3A_37] : memref<2000x128xf32, #tpu.memory_space<vmem>>, vector<2000x128xf32>
    %get3A_39 = arith.constant 0 : index
    %get3A_40 = arith.constant 0 : index
    %get3A_41 = vector.load %arg5[%get3A_39, %get3A_40] : memref<128x128xf32, #tpu.memory_space<vmem>>, vector<128x128xf32>
    %dot_general3A = arith.constant dense<0.000000e+00> : vector<2000x128xf32>
    %dot_general3A_42 = tpu.matmul %get3A_38, %get3A_41, %dot_general3A {dimension_numbers = #tpu.dot_dimension_numbers<[1], [0], [0], [1], [0, 0, 1, 1], [], []>, transpose_lhs_hint = false} : vector<2000x128xf32>, vector<128x128xf32>, vector<2000x128xf32> -> vector<2000x128xf32>
    %add3A_43 = arith.addf %mul3A_35, %dot_general3A_42 : vector<2000x128xf32>
    %get3A_44 = arith.constant 0 : index
    %get3A_45 = arith.constant 0 : index
    %get3A_46 = vector.load %arg6[%get3A_44, %get3A_45] : memref<1x128xf32, #tpu.memory_space<vmem>>, vector<1x128xf32>
    %add3A_47 = vector.broadcast %get3A_46 : vector<1x128xf32> to vector<2000x128xf32>
    %add3A_48 = arith.addf %add3A_43, %add3A_47 : vector<2000x128xf32>
    %max3A_49 = arith.constant 0.000000e+00 : f32
    %max3A_50 = vector.broadcast %max3A_49 : f32 to vector<2000x128xf32>
    %max3A_51 = arith.maximumf %add3A_48, %max3A_50 : vector<2000x128xf32>
    %get3A_52 = arith.constant 0 : index
    %get3A_53 = arith.constant 0 : index
    %get3A_54 = vector.load %arg7[%get3A_52, %get3A_53] : memref<128x64xf32, #tpu.memory_space<vmem>>, vector<128x64xf32>
    %dot_general3A_55 = arith.constant dense<0.000000e+00> : vector<2000x64xf32>
    %dot_general3A_56 = tpu.matmul %max3A_51, %get3A_54, %dot_general3A_55 {dimension_numbers = #tpu.dot_dimension_numbers<[1], [0], [0], [1], [0, 0, 1, 1], [], []>, transpose_lhs_hint = false} : vector<2000x128xf32>, vector<128x64xf32>, vector<2000x64xf32> -> vector<2000x64xf32>
    %convert_element_type3A = arith.truncf %dot_general3A_56 : vector<2000x64xf32> to vector<2000x64xbf16>
    %swap3A = arith.constant 0 : index
    %swap3A_57 = arith.constant 0 : index
    %swap3A_58 = vector.load %arg10[%swap3A, %swap3A_57] : memref<2000x64xbf16, #tpu.memory_space<vmem>>, vector<2000x64xbf16>
    tpu.vector_store %arg10[%swap3A, %swap3A_57], %convert_element_type3A {strides = array<i32>} : memref<2000x64xbf16, #tpu.memory_space<vmem>>, vector<2000x64xbf16>,
    %get3A_59 = arith.constant 0 : index
    %get3A_60 = arith.constant 0 : index
    %get3A_61 = vector.load %arg8[%get3A_59, %get3A_60] : memref<128x64xf32, #tpu.memory_space<vmem>>, vector<128x64xf32>
    %dot_general3A_62 = arith.constant dense<0.000000e+00> : vector<2000x64xf32>
    %dot_general3A_63 = tpu.matmul %max3A_51, %get3A_61, %dot_general3A_62 {dimension_numbers = #tpu.dot_dimension_numbers<[1], [0], [0], [1], [0, 0, 1, 1], [], []>, transpose_lhs_hint = false} : vector<2000x128xf32>, vector<128x64xf32>, vector<2000x64xf32> -> vector<2000x64xf32>
    %get3A_64 = arith.constant 0 : index
    %get3A_65 = arith.constant 0 : index
    %get3A_66 = vector.load %arg9[%get3A_64, %get3A_65] : memref<1x64xf32, #tpu.memory_space<vmem>>, vector<1x64xf32>
    %add3A_67 = vector.broadcast %get3A_66 : vector<1x64xf32> to vector<2000x64xf32>
    %add3A_68 = arith.addf %dot_general3A_63, %add3A_67 : vector<2000x64xf32>
    %swap3A_69 = arith.constant 0 : index
    %swap3A_70 = arith.constant 0 : index
    %swap3A_71 = vector.load %arg11[%swap3A_69, %swap3A_70] : memref<2000x64xf32, #tpu.memory_space<vmem>>, vector<2000x64xf32>
    tpu.vector_store %arg11[%swap3A_69, %swap3A_70], %add3A_68 {strides = array<i32>} : memref<2000x64xf32, #tpu.memory_space<vmem>>, vector<2000x64xf32>,
    return
  }
  func.func @transform_0(%arg0: i32) -> (i32, i32, i32) {
    %c0_i32 = arith.constant 0 : i32
    %c0_i32_0 = arith.constant 0 : i32
    %c0_i32_1 = arith.constant 0 : i32
    return %c0_i32, %arg0, %c0_i32_0 : i32, i32, i32
  }
  func.func @transform_1(%arg0: i32) -> (i32, i32, i32) {
    %c0_i32 = arith.constant 0 : i32
    %c0_i32_0 = arith.constant 0 : i32
    %c0_i32_1 = arith.constant 0 : i32
    return %c0_i32, %arg0, %c0_i32_0 : i32, i32, i32
  }
  func.func @transform_2(%arg0: i32) -> (i32, i32, i32) {
    %c0_i32 = arith.constant 0 : i32
    %c0_i32_0 = arith.constant 0 : i32
    %c0_i32_1 = arith.constant 0 : i32
    return %c0_i32, %arg0, %c0_i32_0 : i32, i32, i32
  }
  func.func @transform_3(%arg0: i32) -> (i32, i32) {
    %c0_i32 = arith.constant 0 : i32
    %c0_i32_0 = arith.constant 0 : i32
    return %arg0, %c0_i32 : i32, i32
  }
  func.func @transform_4(%arg0: i32) -> (i32, i32) {
    %c0_i32 = arith.constant 0 : i32
    %c0_i32_0 = arith.constant 0 : i32
    %c0_i32_1 = arith.constant 0 : i32
    return %c0_i32, %c0_i32_0 : i32, i32
  }
  func.func @transform_5(%arg0: i32) -> (i32, i32) {
    %c0_i32 = arith.constant 0 : i32
    %c0_i32_0 = arith.constant 0 : i32
    %c0_i32_1 = arith.constant 0 : i32
    return %c0_i32, %c0_i32_0 : i32, i32
  }
  func.func @transform_6(%arg0: i32) -> (i32, i32) {
    %c0_i32 = arith.constant 0 : i32
    %c0_i32_0 = arith.constant 0 : i32
    %c0_i32_1 = arith.constant 0 : i32
    return %c0_i32, %c0_i32_0 : i32, i32
  }
  func.func @transform_7(%arg0: i32) -> (i32, i32) {
    %c0_i32 = arith.constant 0 : i32
    %c0_i32_0 = arith.constant 0 : i32
    %c0_i32_1 = arith.constant 0 : i32
    return %c0_i32, %c0_i32_0 : i32, i32
  }
  func.func @transform_8(%arg0: i32) -> (i32, i32) {
    %c0_i32 = arith.constant 0 : i32
    %c0_i32_0 = arith.constant 0 : i32
    %c0_i32_1 = arith.constant 0 : i32
    return %c0_i32, %c0_i32_0 : i32, i32
  }
  func.func @transform_9(%arg0: i32) -> (i32, i32) {
    %c0_i32 = arith.constant 0 : i32
    %c0_i32_0 = arith.constant 0 : i32
    return %arg0, %c0_i32 : i32, i32
  }
  func.func @transform_10(%arg0: i32) -> (i32, i32) {
    %c0_i32 = arith.constant 0 : i32
    %c0_i32_0 = arith.constant 0 : i32
    return %arg0, %c0_i32 : i32, i32
  }
}

module attributes {stable_mosaic.version = 14 : i64} {
  func.func @_final_body(%arg0: i32, %arg1: memref<2x2000x64xf32, #tpu.memory_space<vmem>>, %arg2: memref<2x2000x16xf32, #tpu.memory_space<vmem>>, %arg3: memref<2000x64xf32, #tpu.memory_space<vmem>>, %arg4: memref<2000x64xf32, #tpu.memory_space<vmem>>) attributes {dimension_semantics = [#tpu.dimension_semantics<arbitrary>], iteration_bounds = array<i64: 5>, scalar_prefetch = 0 : i64, scratch_operands = 0 : i64, tpu.core_type = #tpu.core_type<tc>, window_params = [{transform_indices = @transform_0, window_bounds = array<i64: 2, 2000, 64>}, {transform_indices = @transform_1, window_bounds = array<i64: 2, 2000, 16>}, {transform_indices = @transform_2, window_bounds = array<i64: 2000, 64>}, {transform_indices = @transform_3, window_bounds = array<i64: 2000, 64>}]} {
    %get3A = arith.constant 0 : index
    %get3A_0 = arith.constant 0 : index
    %get3A_1 = arith.constant 0 : index
    %get3A_2 = vector.load %arg2[%get3A, %get3A_0, %get3A_1] : memref<2x2000x16xf32, #tpu.memory_space<vmem>>, vector<1x2000x1xf32>
    %get3A_3 = vector.shape_cast %get3A_2 : vector<1x2000x1xf32> to vector<2000xf32>
    %get3A_4 = arith.constant 1 : index
    %get3A_5 = arith.constant 0 : index
    %get3A_6 = arith.constant 0 : index
    %get3A_7 = vector.load %arg2[%get3A_4, %get3A_5, %get3A_6] : memref<2x2000x16xf32, #tpu.memory_space<vmem>>, vector<1x2000x1xf32>
    %get3A_8 = vector.shape_cast %get3A_7 : vector<1x2000x1xf32> to vector<2000xf32>
    %add3A = arith.addf %get3A_3, %get3A_8 : vector<2000xf32>
    %max3A = arith.constant 1.000000e+00 : f32
    %max3A_9 = vector.broadcast %max3A : f32 to vector<2000xf32>
    %max3A_10 = arith.maximumf %add3A, %max3A_9 : vector<2000xf32>
    %div3A = arith.constant 1.000000e+00 : f32
    %div3A_11 = vector.broadcast %div3A : f32 to vector<2000xf32>
    %div3A_12 = arith.divf %div3A_11, %max3A_10 : vector<2000xf32>
    %get3A_13 = arith.constant 0 : index
    %get3A_14 = arith.constant 0 : index
    %get3A_15 = arith.constant 0 : index
    %get3A_16 = vector.load %arg1[%get3A_13, %get3A_14, %get3A_15] : memref<2x2000x64xf32, #tpu.memory_space<vmem>>, vector<1x2000x64xf32>
    %get3A_17 = vector.shape_cast %get3A_16 : vector<1x2000x64xf32> to vector<2000x64xf32>
    %get3A_18 = arith.constant 1 : index
    %get3A_19 = arith.constant 0 : index
    %get3A_20 = arith.constant 0 : index
    %get3A_21 = vector.load %arg1[%get3A_18, %get3A_19, %get3A_20] : memref<2x2000x64xf32, #tpu.memory_space<vmem>>, vector<1x2000x64xf32>
    %get3A_22 = vector.shape_cast %get3A_21 : vector<1x2000x64xf32> to vector<2000x64xf32>
    %add3A_23 = arith.addf %get3A_17, %get3A_22 : vector<2000x64xf32>
    %broadcast_in_dim3A = vector.shape_cast %div3A_12 : vector<2000xf32> to vector<2000x1xf32>
    %mul3A = vector.broadcast %broadcast_in_dim3A : vector<2000x1xf32> to vector<2000x64xf32>
    %mul3A_24 = arith.mulf %add3A_23, %mul3A : vector<2000x64xf32>
    %get3A_25 = arith.constant 0 : index
    %get3A_26 = arith.constant 0 : index
    %get3A_27 = vector.load %arg3[%get3A_25, %get3A_26] : memref<2000x64xf32, #tpu.memory_space<vmem>>, vector<2000x64xf32>
    %add3A_28 = arith.addf %mul3A_24, %get3A_27 : vector<2000x64xf32>
    %swap3A = arith.constant 0 : index
    %swap3A_29 = arith.constant 0 : index
    %swap3A_30 = vector.load %arg4[%swap3A, %swap3A_29] : memref<2000x64xf32, #tpu.memory_space<vmem>>, vector<2000x64xf32>
    tpu.vector_store %arg4[%swap3A, %swap3A_29], %add3A_28 {strides = array<i32>} : memref<2000x64xf32, #tpu.memory_space<vmem>>, vector<2000x64xf32>,
    return
  }
  func.func @transform_0(%arg0: i32) -> (i32, i32, i32) {
    %c0_i32 = arith.constant 0 : i32
    %c0_i32_0 = arith.constant 0 : i32
    %c0_i32_1 = arith.constant 0 : i32
    return %c0_i32, %arg0, %c0_i32_0 : i32, i32, i32
  }
  func.func @transform_1(%arg0: i32) -> (i32, i32, i32) {
    %c0_i32 = arith.constant 0 : i32
    %c0_i32_0 = arith.constant 0 : i32
    %c0_i32_1 = arith.constant 0 : i32
    return %c0_i32, %arg0, %c0_i32_0 : i32, i32, i32
  }
  func.func @transform_2(%arg0: i32) -> (i32, i32) {
    %c0_i32 = arith.constant 0 : i32
    %c0_i32_0 = arith.constant 0 : i32
    return %arg0, %c0_i32 : i32, i32
  }
  func.func @transform_3(%arg0: i32) -> (i32, i32) {
    %c0_i32 = arith.constant 0 : i32
    %c0_i32_0 = arith.constant 0 : i32
    return %arg0, %c0_i32 : i32, i32
  }
}

</mosaic_0001>

<sc_bundles>
// kernel: kernel.11.cloned.1.call-start
scs
__scs_entry_jumppad:
0x0: {  	(pc) =	sbr.rel $0x88, $3  }
0x1: {  	(tag) =	ssettag $0x0;
	lr =	simm.s32 $0x1  }
0x2: {  	[smem:$0x3F99] =	sst lr;
	_ =	strace $0xD0000000  }
0x3: {  	_ = 	snop  }
0x4: {  	_ = 	snop  }
0x5: {  	_ = 	snop  }
0x6: {  	_ = 	snop  }
0x7: {  	_ = 	snop  }
__scs_overlays_trampoline_lowered:
0x8: {  	[smem:$0x3FA8] =	sst s0  }
0x9: {  	[smem:$0x3FA9] =	sst s1  }
0xa: {  	[smem:$0x3FAA] =	sst s2  }
0xb: {  	[smem:$0x3FAB] =	sst s3  }
0xc: {  	[smem:$0x3FAC] =	sst s4  }
0xd: {  	[smem:$0x3FAD] =	sst s5  }
0xe: {  	[smem:$0x3FAE] =	sst s6  }
0xf: {  	[smem:$0x3FAF] =	sst s7  }
0x10: {  	[smem:$0x3FB0] =	sst s8  }
0x11: {  	[smem:$0x3FB1] =	sst s9;
	s0 =	simm.s32 @!p0 $0x0  }
0x12: {  	s1 =	sld [smem:$0x3F97];
	s0 =	simm.s32 @p0 $0x1  }
0x13: {  	[smem:$0x3FB2] =	sst s0;
	s0 =	simm.s32 @!p1 $0x0  }
0x14: {  	s2 =	sld [smem:$0x3F96];
	s0 =	simm.s32 @p1 $0x1  }
0x15: {  	[smem:$0x3FB3] =	sst s0;
	s0 =	simm.s32 @!p2 $0x0  }
0x16: {  	s3 =	sld [smem:$0x3FDB];
	s0 =	simm.s32 @p2 $0x1  }
0x17: {  	s4 =	simm.s32 $0x1BF5;
	[smem:$0x3FB5] =	sst s0  }
0x18: {  	s0 =	sld [smem:$0x3F98];
	_ =	swait.ge [sflag:s4], $0x0  }
0x19: {  	s7 =	sld [smem:$0x3F99]  }
0x1a: {  	s8 =	sadd.s32 $0xFFFFE003, lr  }
0x1b: {  	s9 =	sadd.s32 $0xFFFFFEF7, lr;
	s5 =	simm.s32 $0xFFFFFFFF;
	p2 =	slt.u32 s8, $0xFFFFF086  }
0x1c: {  	p1 =	slt.u32 s9, $0xF7A;
	s5 =	simm.s32 @!p2 $0x0  }
0x1d: {  	s5 =	simm.s32 @p1 $0x1;
	p0 =	seq.s32 s7, s2  }
0x1e: {  	s7 =	smul.u32 @!p0 $0xF7A, s2;
	p2 =	seq.s32 @!p0 s5, $0x0  }
0x1f: {  	s9 =	smul.u32 $0xF7A, s1;
	s8 =	simm.s32 @!p0 $0x1BF5;
	p2 =	por !p2, p0  }
0x20: {  	[sflag:s8] =	ssyncset.s32 @!p0 $0xFFFFF086;
	s6 =	sadd.s32 @!p0 s3, s7;
	s7 =	simm.s32 @!p0 $0x108  }
0x21: {  	s3 =	sadd.s32 s3, s9;
	s6 =	sadd.s32 @!p0 $0x88, s6;
	s7 =	simm.s32 @p2 $0x1082  }
0x22: {  	[simem:s7], [sflag:s8] =	dma.local @!p0 [hbm:s6], $0xF7A  }
0x23: {  	s9 =	sor.u32 $0xD0000000, s2;
	s6 =	simm.s32 $0x108;
	_ =	swait.ge @!p0 [sflag:s8], $0x0  }
0x24: {  	s3 =	sadd.s32 $0x88, s3;
	s6 =	simm.s32 @!p1 $0x1082;
	[sflag:s4] =	ssyncset.s32 $0xFFFFF086  }
0x25: {  	[simem:s6], [sflag:s4] =	dma.local [hbm:s3], $0xF7A  }
0x26: {  	[smem:$0x3F99] =	sst s1;
	(tag) =	ssettag s2;
	_ =	strace s9  }
0x27: {  	s1 =	sld [smem:$0x3FA9]  }
0x28: {  	s2 =	sld [smem:$0x3FAA]  }
0x29: {  	s4 =	sld [smem:$0x3FAC]  }
0x2a: {  	p0 =	seq.s32 s5, $0x0;
	s5 =	sld [smem:$0x3FAD]  }
0x2b: {  	s6 =	sld [smem:$0x3FAE]  }
0x2c: {  	s7 =	sld [smem:$0x3FAF]  }
0x2d: {  	s3 =	simm.s32 $0x108;
	s8 =	sld [smem:$0x3FB0]  }
0x2e: {  	s3 =	simm.s32 @!p0 $0x1082;
	s9 =	sld [smem:$0x3FB1]  }
0x2f: {  	lr =	sadd.s32 s0, s3;
	s0 =	sld [smem:$0x3FA8]  }
0x30: {  	s3 =	sld [smem:$0x3FAB]  }
0x31: {  	[smem:$0x3FB4] =	sst s10  }
0x32: {  	s10 =	sld [smem:$0x3FB2];
	_ =	sdelay $0x3  }
0x33: {  	p0 =	seq.s32 s10, $0x1;
	s10 =	sld [smem:$0x3FB4];
	_ =	sdelay $0x3  }
0x34: {  	[smem:$0x3FB4] =	sst s10  }
0x35: {  	s10 =	sld [smem:$0x3FB3];
	_ =	sdelay $0x3  }
0x36: {  	p1 =	seq.s32 s10, $0x1;
	s10 =	sld [smem:$0x3FB4];
	_ =	sdelay $0x3  }
0x37: {  	[smem:$0x3FB4] =	sst s10  }
0x38: {  	s10 =	sld [smem:$0x3FB5]  }
0x39: {  	_ = 	snop;
	(pc) =	sbr.ind lr, $3  }
0x3a: {  	_ = 	snop  }
0x3b: {  	_ = 	snop  }
0x3c: {  	p2 =	seq.s32 s10, $0x1;
	s10 =	sld [smem:$0x3FB4]  }
0x3d: {  	_ =	shalt  }
0x3e: {  	_ =	shalt  }
0x3f: {  	_ =	shalt  }
0x40: {  	_ =	shalt  }
0x41: {  	_ =	shalt  }
0x42: {  	_ =	shalt  }
0x43: {  	_ =	shalt  }
0x44: {  	_ =	shalt  }
0x45: {  	_ =	shalt  }
0x46: {  	_ =	shalt  }
0x47: {  	_ =	shalt  }
0x48: {  	_ =	shalt  }
0x49: {  	_ =	shalt  }
0x4a: {  	_ =	shalt  }
0x4b: {  	_ =	shalt  }
0x4c: {  	_ =	shalt  }
0x4d: {  	_ =	shalt  }
0x4e: {  	_ =	shalt  }
0x4f: {  	_ =	shalt  }
0x50: {  	_ =	shalt  }
0x51: {  	_ =	shalt  }
0x52: {  	_ =	shalt  }
0x53: {  	_ =	shalt  }
0x54: {  	_ =	shalt  }
0x55: {  	_ =	shalt  }
0x56: {  	_ =	shalt  }
0x57: {  	_ =	shalt  }
0x58: {  	_ =	shalt  }
0x59: {  	_ =	shalt  }
0x5a: {  	_ =	shalt  }
0x5b: {  	_ =	shalt  }
0x5c: {  	_ =	shalt  }
0x5d: {  	_ =	shalt  }
0x5e: {  	_ =	shalt  }
0x5f: {  	_ =	shalt  }
0x60: {  	_ =	shalt  }
0x61: {  	_ =	shalt  }
0x62: {  	_ =	shalt  }
0x63: {  	_ =	shalt  }
0x64: {  	_ =	shalt  }
0x65: {  	_ =	shalt  }
0x66: {  	_ =	shalt  }
0x67: {  	_ =	shalt  }
0x68: {  	_ =	shalt  }
0x69: {  	_ =	shalt  }
0x6a: {  	_ =	shalt  }
0x6b: {  	_ =	shalt  }
0x6c: {  	_ =	shalt  }
0x6d: {  	_ =	shalt  }
0x6e: {  	_ =	shalt  }
0x6f: {  	_ =	shalt  }
0x70: {  	_ =	shalt  }
0x71: {  	_ =	shalt  }
0x72: {  	_ =	shalt  }
0x73: {  	_ =	shalt  }
0x74: {  	_ =	shalt  }
0x75: {  	_ =	shalt  }
0x76: {  	_ =	shalt  }
0x77: {  	_ =	shalt  }
0x78: {  	_ =	shalt  }
0x79: {  	_ =	shalt  }
0x7a: {  	_ =	shalt  }
0x7b: {  	_ =	shalt  }
0x7c: {  	_ =	shalt  }
0x7d: {  	_ =	shalt  }
0x7e: {  	_ =	shalt  }
0x7f: {  	_ =	shalt  }
0x80: {  	_ =	shalt  }
0x81: {  	_ =	shalt  }
0x82: {  	_ =	shalt  }
0x83: {  	_ =	shalt  }
0x84: {  	_ =	shalt  }
0x85: {  	_ =	shalt  }
0x86: {  	_ =	shalt  }
0x87: {  	_ =	shalt  }
.Lfunc_end0:
.L_simem_size_0:
called_computation.1_lowered:
.L_overlay_start_0:
0x88: {  	s2 =	sld [smem:$0x3FD9]  }
0x89: {  	s3 =	sld [smem:$0x3FFE];
	_ =	sdelay $0x1  }
0x8a: {  	s1 =	srdreg.scid  }
0x8b: {  	s0 =	sand.u32 $0x1, s1  }
0x8c: {  	s16 =	sshll.u32 s0, $0xA;
	s2 =	sadd.s32 s3, s2  }
0x8d: {  	s2 =	sadd.s32 s2, s16  }
0x8e: {  	[smem:$0x3FC0] =	sst s2  }
0x8f: {  	_ = 	snop  }
0x90: {  	(tm) =	ssettm $0x1  }
0x91: {  	s17 =	sld [smem:$0x3FFB];
	_ =	sdelay $0x3  }
0x92: {  	_ =	strace s17  }
0x93: {  	s2 =	sld [smem:$0x3FFC];
	_ =	sdelay $0x3  }
0x94: {  	_ =	strace s2  }
0x95: {  	s2 =	sld [smem:$0x3FFD];
	_ =	sdelay $0x3  }
0x96: {  	_ =	strace s2  }
0x97: {  	_ =	strace $0x8FFFFFFF  }
0x98: {  	s18 =	sld [smem:$0x3FDB];
	_ =	sdelay $0x1  }
0x99: {  	s19 =	simm.s32 $_scs_section_size  }
0x9a: {  	s4 =	simm.s32 $_size__tile_overlayer_lowered;
	s5 =	simm.s32 $_tile_overlayer_lowered  }
0x9b: {  	s22 =	simm.s32 $0x1BFF;
	s21 =	sshll.u32 s5, $0x1;
	s2 =	sadd.s32 s19, s18  }
0x9c: {  	s6 =	simm.s32 $0x0;
	s20 =	sshll.u32 s4, $0x1;
	s4 =	sadd.s32 s21, s2  }
0x9d: {  	[timem:s6], [sflag:s22] =	dma.local [hbm:s4], s20  }
0x9e: {  	_ =	swait.ge [sflag:s22], s20  }
0x9f: {  	s3 =	ssub.s32 $0x0, s20;
	[sflag:s22] =	ssyncset.done $0x0  }
0xa0: {  	[sflag:s22] =	ssyncadd.s32 s3;
	_ =	sdelay $0x1  }
0xa1: {  	s23 =	simm.s32 $0x1B8B  }
0xa2: {  	_ =	swait.ge [sflag:s23], $0x1  }
0xa3: {  	[sflag:s23] =	ssyncset.done $0x0  }
0xa4: {  	s25 =	simm.s32 $0x1B8E;
	s24 =	sld [smem:$0x3FFE];
	[sflag:s23] =	ssyncadd.s32 $0xFFFFFFFF  }
0xa5: {  	s26 =	simm.s32 $execute0_lowered;
	[smem:$0x3FD2] =	sst s25  }
0xa6: {  	s4 =	sshll.u32 s26, $0x1;
	_ =	strace $0x80000046;
	[dreg:$0x1] =	wrdreg $0xFFFFFFFF  }
0xa7: {  	s28 =	simm.s32 $_size_execute0_lowered;
	s2 =	sadd.s32 s2, s4;
	[dreg:$0x0] =	wrdreg $0x0  }
0xa8: {  	s4 =	sshll.u32 s28, $0x1;
	[dreg:$0x2] =	wrdreg s2  }
0xa9: {  	[dreg:$0x3] =	wrdreg s4  }
0xaa: {  	[dreg:$0x4] =	wrdreg $0xC0  }
0xab: {  	_ =	task [dreg:s6], $0x5FFFF  }
0xac: {  	[dreg:$0x1] =	wrdreg $0xFFFFFFFF  }
0xad: {  	[dreg:$0x0] =	wrdreg $0x60  }
0xae: {  	[dreg:$0x2] =	wrdreg s24  }
0xaf: {  	[dreg:$0x3] =	wrdreg $0x98800  }
0xb0: {  	[dreg:$0x4] =	wrdreg $0xA  }
0xb1: {  	_ =	task.clear_ibuf [dreg:s6], $0x5FFFF;
	_ =	strace $0x90000046  }
0xb2: {  	s29 =	simm.s32 $0xA;
	_ =	strace $0x80000048  }
0xb3: {  	_ =	swait.ge [sflag:s29], $0x1  }
0xb4: {  	[sflag:s29] =	ssyncadd.s32 $0xFFFFFFFF  }
0xb5: {  	_ =	strace $0x90000048  }
0xb6: {  	_ =	sfence  }
0xb7: {  	s30 =	sld [smem:$0x0];
	_ =	sdelay $0x2  }
0xb8: {  	s31 =	sshll.u32 s1, $0xD;
	s1 =	sshrl.u32 s1, $0x2  }
0xb9: {  	s3 =	sand.u32 $0x4000, s31;
	s1 =	sadd.s32 s1, s30  }
0xba: {  	s0 =	sor.u32 s3, s0;
	s1 =	sshll.u32 s1, $0x11  }
0xbb: {  	s0 =	sor.u32 s1, s0  }
0xbc: {  	s0 =	sadd.s32 $0x8F2B, s0  }
0xbd: {  	[sflag:s0] =	ssyncadd.remote.s32 $0x1  }
0xbe: {  	_ =	sfence.sel $0xFFFF  }
0xbf: {  	[dreg:$0x0] =	wrdreg $0xFFFFFFFF;
	(pc) =	sbr.abs _section_cstart, $3  }
0xc0: {  	[dreg:$0x1] =	wrdreg $0xFFFFFFFF  }
0xc1: {  	_ =	task.clear_ibuf [dreg:s6], $0x2FFFF;
	_ =	strace $0x9FFFFFFF  }
0xc2: {  	(tm) =	ssettm $0x7FFFFFFF  }
0xc3: {  	_ =	shalt  }
tec
execute0_lowered:
.L_overlay_start_1:
0x0: {  	(tag) =	ssettag $0x1  }
0x1: {  	s0 =	srdreg.scid;
	s1 =	rddreg [dreg:$0x0]  }
0x2: {  	s2 =	rddreg [dreg:$0x1];
	s9 =	stileid.u32  }
0x3: {  	s6 =	simm.s32 $0x0;
	s28 =	simm.s32 $0x80;
	s29 =	simm.s32 $0x5880  }
0x4: {  	s30 =	simm.s32 $0x6880;
	s0 =	sand.u32 $0x1, s0;
	s14 =	smul.u32 $0x28000, s9  }
0x5: {  	s31 =	simm.s32 $0x1;
	s3 =	sshll.u32 s0, $0x4;
	s4 =	smul.u32 $0x580, s0  }
0x6: {  	s15 =	ssub.s32 $0x2, s0;
	s0 =	smul.u32 $0xA0000, s0;
	s3 =	sxor.u32 $0x58, s3  }
0x7: {  	[smem:$0x7FF] =	sst s6;
	s8 =	sshrl.u32 s15, $0x1;
	s5 =	smul.u32 s9, s3  }
0x8: {  	_ =	strace $0x80000047;
	s9 =	smul.u32 $0xA000, s9;
	s6 =	ssub.s32 s15, s8  }
0x9: {  	s8 =	sshrl.u32 s3, $0x1;
	s10 =	smax.u32 s6, $0x1;
	s4 =	sadd.s32 s4, s5  }
0xa: {  	s5 =	sshrl.u32 s14, $0x2;
	s17 =	sadd.s32 s0, s9;
	s20 =	sadd.s32 $0x2000, s9  }
0xb: {  	s22 =	sadd.s32 s9, s2;
	s4 =	sshll.u32 s4, $0x4;
	s18 =	sshrl.u32 s17, $0x3  }
0xc: {  	s21 =	sadd.s32 s0, s20;
	s17 =	sadd.s32 $0x4000, s9;
	s3 =	sadd.s32 s20, s2  }
0xd: {  	s7 =	sadd.s32 s4, s1;
	s4 =	sadd.s32 $0x2000, s1;
	s1 =	sadd.s32 $0x20A00, s1  }
0xe: {  	s23 =	sadd.s32 s0, s17;
	s20 =	sadd.s32 s17, s2;
	s16 =	sadd.s32 $0xBE00, s7  }
0xf: {  	s7 =	sadd.s32 $0x16400, s7;
	s19 =	sadd.s32 s1, s18;
	[dreg:$0x3] =	wrdreg s16  }
0x10: {  	s18 =	sadd.s32 $0x6000, s9;
	s9 =	sadd.s32 $0x8000, s9;
	[dreg:$0x4] =	wrdreg s7  }
0x11: {  	s7 =	sadd.s32 s5, s2;
	[dreg:$0x5] =	wrdreg s19;
	s5 =	sshrl.u32 s21, $0x3  }
0x12: {  	s24 =	sadd.s32 s0, s18;
	s0 =	sadd.s32 s0, s9;
	s25 =	sadd.s32 s18, s2  }
0x13: {  	s26 =	sadd.s32 s9, s2;
	s19 =	simm.s32 $0x3;
	s21 =	sshrl.u32 s22, $0x3  }
0x14: {  	s22 =	sshrl.u32 s3, $0x3;
	s11 =	sadd.s32 $0x2000, s7;
	s12 =	sadd.s32 $0x4000, s7  }
0x15: {  	s13 =	sadd.s32 $0x6000, s7;
	s14 =	sadd.s32 $0x8000, s7;
	s15 =	sadd.s32 s1, s5  }
0x16: {  	s5 =	sshrl.u32 s23, $0x3;
	s0 =	sshrl.u32 s0, $0x3;
	s23 =	sshrl.u32 s20, $0x3  }
0x17: {  	s16 =	sadd.s32 s1, s5;
	s5 =	sshrl.u32 s24, $0x3;
	s18 =	sadd.s32 s1, s0  }
0x18: {  	s24 =	sshrl.u32 s25, $0x3;
	s25 =	sshrl.u32 s26, $0x3;
	s26 =	simm.s32 $0x7880  }
0x19: {  	v0 =	vimm.f32 $0.0e+00;
	s0 =	simm.s32 $0x0;
	s17 =	sadd.s32 s1, s5;
	s1 =	simm.s32 $0x2  }
.LBB2_1:
0x1a: {  	s3 =	simm.s32 $0x0;
	s5 =	rddreg [dreg:$0x3]  }
0x1b: {  	[tilespmem:s3], [sflag:$0x3] =	stream.linear.gather [hbm4b:s5+s3], $0x2C80, $0x38;
	[tilespmem:$0x13880] =	vst v63  }
0x1c: {  	_ =	swait.ge [sflag:s19], $0x2C80  }
0x1d: {  	[sflag:s19] =	ssyncset.done $0x0  }
0x1e: {  	s6 =	simm.s32 $0x2C80;
	s20 =	rddreg [dreg:$0x4];
	[sflag:s19] =	ssyncadd.s32 $0xFFFFD380  }
0x1f: {  	[tilespmem:s6], [sflag:$0x3] =	stream.linear.gather [hbm4b:s20+s3], $0x2C00, $0x38;
	[tilespmem:$0x13880] =	vst v63  }
0x20: {  	_ =	swait.ge [sflag:s19], $0x2C00  }
0x21: {  	[sflag:s19] =	ssyncset.done $0x0  }
0x22: {  	s5 =	simm.s32 $0x100;
	s3 =	simm.s32 $0x0;
	[sflag:s19] =	ssyncadd.s32 $0xFFFFD400  }
.LBB2_2:
0x23: {  	p0 =	sne.s32 s5, $0x7F00;
	[tilespmem:s3+$0x78B0] =	vst v0;
	s6 =	smov.u32 s5;
	s5 =	sadd.s32 $0x100, s5  }
.Ltmp0:
0x24: {  	[tilespmem:s3+$0x78A0] =	vst v0;
	(pc) =	sbr.rel @p0 .LBB2_2-.Ltmp0, $3  }
0x25: {  	[tilespmem:s3+$0x7880] =	vst v0  }
0x26: {  	[tilespmem:s3+$0x7890] =	vst v0;
	_ =	sdelay $0x1  }
0x27: {  	s3 =	sshra.s32 s6, $0x2  }
0x28: {  	[tilespmem:s3+$0x78B0] =	vst v0  }
0x29: {  	[tilespmem:s3+$0x78A0] =	vst v0  }
0x2a: {  	[tilespmem:s3+$0x7880] =	vst v0  }
0x2b: {  	[tilespmem:s3+$0x7890] =	vst v0  }
0x2c: {  	[spmem:s7] =	stream.linear.scatter [tilespmem:s26], [sflag:$0x3], $0x2000, $0x38;
	[tilespmem:$0x13880] =	vst v63  }
0x2d: {  	_ =	swait.ge [sflag:s19], $0x2000  }
0x2e: {  	[sflag:s19] =	ssyncset.done $0x0  }
0x2f: {  	[sflag:s19] =	ssyncadd.s32 $0xFFFFE000  }
0x30: {  	[spmem:s11] =	stream.linear.scatter [tilespmem:s26], [sflag:$0x3], $0x2000, $0x38;
	[tilespmem:$0x13880] =	vst v63  }
0x31: {  	_ =	swait.ge [sflag:s19], $0x2000  }
0x32: {  	[sflag:s19] =	ssyncset.done $0x0  }
0x33: {  	[sflag:s19] =	ssyncadd.s32 $0xFFFFE000  }
0x34: {  	[spmem:s12] =	stream.linear.scatter [tilespmem:s26], [sflag:$0x3], $0x2000, $0x38;
	[tilespmem:$0x13880] =	vst v63  }
0x35: {  	_ =	swait.ge [sflag:s19], $0x2000  }
0x36: {  	[sflag:s19] =	ssyncset.done $0x0  }
0x37: {  	[sflag:s19] =	ssyncadd.s32 $0xFFFFE000  }
0x38: {  	[spmem:s13] =	stream.linear.scatter [tilespmem:s26], [sflag:$0x3], $0x2000, $0x38;
	[tilespmem:$0x13880] =	vst v63  }
0x39: {  	_ =	swait.ge [sflag:s19], $0x2000  }
0x3a: {  	[sflag:s19] =	ssyncset.done $0x0  }
0x3b: {  	[sflag:s19] =	ssyncadd.s32 $0xFFFFE000  }
0x3c: {  	[spmem:s14] =	stream.linear.scatter [tilespmem:s26], [sflag:$0x3], $0x2000, $0x38;
	[tilespmem:$0x13880] =	vst v63  }
0x3d: {  	_ =	swait.ge [sflag:s19], $0x2000  }
0x3e: {  	[sflag:s19] =	ssyncset.done $0x0  }
0x3f: {  	[sflag:s19] =	ssyncadd.s32 $0xFFFFE000  }
0x40: {  	s20 =	simm.s32 $0x0;
	[bflag:$0x0] =	sbarrier.arrive $0xFFFF  }
0x41: {  	[tilespmem:s29], [sflag:$0x1] =	stream.indirect.gather [hbm4b:s4+s28], $0x20, s20, s28, $0xb8;
	[tilespmem:$0x13880] =	vst v63  }
.LBB2_4:
0x42: {  	s3 =	sshll.u32 s20, $0x8  }
0x43: {  	s3 =	sor.u32 $0x80, s3  }
0x44: {  	[tilespmem:s30], [sflag:$0x2] =	stream.indirect.gather [hbm4b:s4+s28], $0x20, s3, s28, $0xb8;
	[tilespmem:$0x13880] =	vst v63  }
0x45: {  	_ =	swait.ge [sflag:s31], $0x1000  }
0x46: {  	[sflag:s31] =	ssyncset.done $0x0  }
0x47: {  	s6 =	simm.s32 $0x0;
	[sflag:s31] =	ssyncadd.s32 $0xFFFFF000  }
0x48: {  	v1 =	vld [tilespmem:s6+$0x5880];
	_ =	sdelay $0x4  }
0x49: {  	s5 =	simm.s32 $0x78C0;
	v2 =	vunpack.i.l.bf16.f32 v1  }
0x4a: {  	v1 =	vunpack.i.u.bf16.f32 v1;
	[tilespmem:s5+$0xFFFFFFC0] =	vst v2  }
0x4b: {  	[tilespmem:s5+$0xFFFFFFD0] =	vst v1  }
0x4c: {  	v1 =	vld [tilespmem:s6+$0x5890];
	_ =	sdelay $0x4  }
0x4d: {  	v2 =	vunpack.i.l.bf16.f32 v1  }
0x4e: {  	v1 =	vunpack.i.u.bf16.f32 v1;
	[tilespmem:s5+$0xFFFFFFE0] =	vst v2  }
0x4f: {  	[tilespmem:s5+$0xFFFFFFF0] =	vst v1  }
0x50: {  	v1 =	vld [tilespmem:s6+$0x58A0];
	_ =	sdelay $0x4  }
0x51: {  	v2 =	vunpack.i.u.bf16.f32 v1  }
0x52: {  	v1 =	vunpack.i.l.bf16.f32 v1;
	[tilespmem:s5+$0x10] =	vst v2  }
0x53: {  	[tilespmem:s5+$0x0] =	vst v1  }
0x54: {  	v1 =	vld [tilespmem:s6+$0x58B0];
	_ =	sdelay $0x4  }
0x55: {  	v2 =	vunpack.i.l.bf16.f32 v1  }
0x56: {  	v1 =	vunpack.i.u.bf16.f32 v1;
	[tilespmem:s5+$0x20] =	vst v2  }
0x57: {  	s6 =	simm.s32 $0x40;
	[tilespmem:s5+$0x30] =	vst v1  }
0x58: {  	v1 =	vld [tilespmem:s6+$0x5880]  }
0x59: {  	s9 =	simm.s32 $0x200  }
.LBB2_5:
0x5a: {  	p0 =	sne.s32 s9, $0x3F00;
	_ =	sdelay $0x2  }
0x5b: {  	s5 =	sadd.s32 $0x80, s5;
	v2 =	vunpack.i.l.bf16.f32 v1  }
0x5c: {  	v1 =	vunpack.i.u.bf16.f32 v1;
	[tilespmem:s5+$0xFFFFFFC0] =	vst v2  }
0x5d: {  	[tilespmem:s5+$0xFFFFFFD0] =	vst v1  }
0x5e: {  	v1 =	vld [tilespmem:s6+$0x5890];
	_ =	sdelay $0x4  }
0x5f: {  	v2 =	vunpack.i.l.bf16.f32 v1  }
0x60: {  	v1 =	vunpack.i.u.bf16.f32 v1;
	[tilespmem:s5+$0xFFFFFFE0] =	vst v2  }
0x61: {  	[tilespmem:s5+$0xFFFFFFF0] =	vst v1  }
0x62: {  	v1 =	vld [tilespmem:s6+$0x58A0];
	_ =	sdelay $0x4  }
0x63: {  	v2 =	vunpack.i.u.bf16.f32 v1;
	v1 =	vunpack.i.l.bf16.f32 v1  }
0x64: {  	[tilespmem:s5+$0x10] =	vst v2  }
0x65: {  	[tilespmem:s5+$0x0] =	vst v1  }
0x66: {  	v1 =	vld [tilespmem:s6+$0x58B0];
	_ =	sdelay $0x4  }
.Ltmp1:
0x67: {  	v2 =	vunpack.i.u.bf16.f32 v1;
	v1 =	vunpack.i.l.bf16.f32 v1;
	(pc) =	sbr.rel @p0 .LBB2_5-.Ltmp1, $4  }
0x68: {  	[tilespmem:s5+$0x20] =	vst v1  }
0x69: {  	s6 =	sshra.s32 s9, $0x2;
	[tilespmem:s5+$0x30] =	vst v2  }
0x6a: {  	v1 =	vld [tilespmem:s6+$0x5880]  }
0x6b: {  	s9 =	sadd.s32 $0x100, s9  }
0x6c: {  	_ =	sdelay $0x2  }
0x6d: {  	s5 =	sadd.s32 $0x80, s5;
	v2 =	vunpack.i.l.bf16.f32 v1  }
0x6e: {  	v1 =	vunpack.i.u.bf16.f32 v1;
	[tilespmem:s5+$0xFFFFFFC0] =	vst v2  }
0x6f: {  	[tilespmem:s5+$0xFFFFFFD0] =	vst v1  }
0x70: {  	v1 =	vld [tilespmem:s6+$0x5890];
	_ =	sdelay $0x4  }
0x71: {  	v2 =	vunpack.i.l.bf16.f32 v1  }
0x72: {  	v1 =	vunpack.i.u.bf16.f32 v1;
	[tilespmem:s5+$0xFFFFFFE0] =	vst v2  }
0x73: {  	[tilespmem:s5+$0xFFFFFFF0] =	vst v1  }
0x74: {  	v1 =	vld [tilespmem:s6+$0x58A0];
	_ =	sdelay $0x4  }
0x75: {  	v2 =	vunpack.i.u.bf16.f32 v1  }
0x76: {  	v1 =	vunpack.i.l.bf16.f32 v1;
	[tilespmem:s5+$0x10] =	vst v2  }
0x77: {  	[tilespmem:s5+$0x0] =	vst v1  }
0x78: {  	v1 =	vld [tilespmem:s6+$0x58B0];
	_ =	sdelay $0x4  }
0x79: {  	s9 =	sshll.u32 s20, $0xA;
	v2 =	vunpack.i.l.bf16.f32 v1  }
0x7a: {  	s6 =	sshra.s32 s9, $0x2;
	v1 =	vunpack.i.u.bf16.f32 v1;
	[tilespmem:s5+$0x20] =	vst v2  }
0x7b: {  	s9 =	sadd.s32 $0x2C80, s6;
	[tilespmem:s5+$0x30] =	vst v1  }
0x7c: {  	[spmem:s2] =	stream.indirect.scatter.add.f32 [tilespmem:s26], [sflag:$0x3], $0x40, s9, s28, $0xb8;
	[tilespmem:$0x13880] =	vst v63  }
0x7d: {  	_ =	swait.ge [sflag:s19], $0x2000  }
0x7e: {  	[sflag:s19] =	ssyncset.done $0x0  }
0x7f: {  	s6 =	sadd.s32 $0x100, s6;
	[sflag:s19] =	ssyncadd.s32 $0xFFFFE000  }
0x80: {  	[tilespmem:s29], [sflag:$0x1] =	stream.indirect.gather [hbm4b:s4+s28], $0x20, s6, s28, $0xb8;
	[tilespmem:$0x13880] =	vst v63  }
0x81: {  	_ =	swait.ge [sflag:s1], $0x1000  }
0x82: {  	[sflag:s1] =	ssyncset.done $0x0  }
0x83: {  	s9 =	simm.s32 $0x0;
	[sflag:s1] =	ssyncadd.s32 $0xFFFFF000  }
0x84: {  	v1 =	vld [tilespmem:s9+$0x6880];
	_ =	sdelay $0x4  }
0x85: {  	s5 =	simm.s32 $0x78C0;
	v2 =	vunpack.i.l.bf16.f32 v1  }
0x86: {  	v1 =	vunpack.i.u.bf16.f32 v1;
	[tilespmem:s5+$0xFFFFFFC0] =	vst v2  }
0x87: {  	[tilespmem:s5+$0xFFFFFFD0] =	vst v1  }
0x88: {  	v1 =	vld [tilespmem:s9+$0x6890];
	_ =	sdelay $0x4  }
0x89: {  	v2 =	vunpack.i.l.bf16.f32 v1  }
0x8a: {  	v1 =	vunpack.i.u.bf16.f32 v1;
	[tilespmem:s5+$0xFFFFFFE0] =	vst v2  }
0x8b: {  	[tilespmem:s5+$0xFFFFFFF0] =	vst v1  }
0x8c: {  	v1 =	vld [tilespmem:s9+$0x68A0];
	_ =	sdelay $0x4  }
0x8d: {  	v2 =	vunpack.i.u.bf16.f32 v1  }
0x8e: {  	v1 =	vunpack.i.l.bf16.f32 v1;
	[tilespmem:s5+$0x10] =	vst v2  }
0x8f: {  	[tilespmem:s5+$0x0] =	vst v1  }
0x90: {  	v1 =	vld [tilespmem:s9+$0x68B0];
	_ =	sdelay $0x4  }
0x91: {  	v2 =	vunpack.i.l.bf16.f32 v1  }
0x92: {  	v1 =	vunpack.i.u.bf16.f32 v1;
	[tilespmem:s5+$0x20] =	vst v2  }
0x93: {  	s6 =	simm.s32 $0x40;
	[tilespmem:s5+$0x30] =	vst v1  }
0x94: {  	v1 =	vld [tilespmem:s6+$0x6880]  }
0x95: {  	s9 =	simm.s32 $0x200  }
.LBB2_7:
0x96: {  	p0 =	sne.s32 s9, $0x3F00;
	_ =	sdelay $0x2  }
0x97: {  	s5 =	sadd.s32 $0x80, s5;
	v2 =	vunpack.i.l.bf16.f32 v1  }
0x98: {  	v1 =	vunpack.i.u.bf16.f32 v1;
	[tilespmem:s5+$0xFFFFFFC0] =	vst v2  }
0x99: {  	[tilespmem:s5+$0xFFFFFFD0] =	vst v1  }
0x9a: {  	v1 =	vld [tilespmem:s6+$0x6890];
	_ =	sdelay $0x4  }
0x9b: {  	v2 =	vunpack.i.l.bf16.f32 v1  }
0x9c: {  	v1 =	vunpack.i.u.bf16.f32 v1;
	[tilespmem:s5+$0xFFFFFFE0] =	vst v2  }
0x9d: {  	[tilespmem:s5+$0xFFFFFFF0] =	vst v1  }
0x9e: {  	v1 =	vld [tilespmem:s6+$0x68A0];
	_ =	sdelay $0x4  }
0x9f: {  	v2 =	vunpack.i.u.bf16.f32 v1;
	v1 =	vunpack.i.l.bf16.f32 v1  }
0xa0: {  	[tilespmem:s5+$0x10] =	vst v2  }
0xa1: {  	[tilespmem:s5+$0x0] =	vst v1  }
0xa2: {  	v1 =	vld [tilespmem:s6+$0x68B0];
	_ =	sdelay $0x4  }
.Ltmp2:
0xa3: {  	v2 =	vunpack.i.u.bf16.f32 v1;
	v1 =	vunpack.i.l.bf16.f32 v1;
	(pc) =	sbr.rel @p0 .LBB2_7-.Ltmp2, $4  }
0xa4: {  	[tilespmem:s5+$0x20] =	vst v1  }
0xa5: {  	s6 =	sshra.s32 s9, $0x2;
	[tilespmem:s5+$0x30] =	vst v2  }
0xa6: {  	v1 =	vld [tilespmem:s6+$0x6880]  }
0xa7: {  	s9 =	sadd.s32 $0x100, s9  }
0xa8: {  	_ =	sdelay $0x2  }
0xa9: {  	s5 =	sadd.s32 $0x80, s5;
	v2 =	vunpack.i.l.bf16.f32 v1  }
0xaa: {  	v1 =	vunpack.i.u.bf16.f32 v1;
	[tilespmem:s5+$0xFFFFFFC0] =	vst v2  }
0xab: {  	[tilespmem:s5+$0xFFFFFFD0] =	vst v1  }
0xac: {  	v1 =	vld [tilespmem:s6+$0x6890];
	_ =	sdelay $0x4  }
0xad: {  	v2 =	vunpack.i.l.bf16.f32 v1  }
0xae: {  	v1 =	vunpack.i.u.bf16.f32 v1;
	[tilespmem:s5+$0xFFFFFFE0] =	vst v2  }
0xaf: {  	[tilespmem:s5+$0xFFFFFFF0] =	vst v1  }
0xb0: {  	v1 =	vld [tilespmem:s6+$0x68A0];
	_ =	sdelay $0x4  }
0xb1: {  	v2 =	vunpack.i.u.bf16.f32 v1  }
0xb2: {  	v1 =	vunpack.i.l.bf16.f32 v1;
	[tilespmem:s5+$0x10] =	vst v2  }
0xb3: {  	[tilespmem:s5+$0x0] =	vst v1  }
0xb4: {  	v1 =	vld [tilespmem:s6+$0x68B0];
	_ =	sdelay $0x4  }
0xb5: {  	s20 =	sadd.s32 $0x1, s20;
	v2 =	vunpack.i.l.bf16.f32 v1  }
0xb6: {  	p0 =	sne.s32 s20, s8;
	v1 =	vunpack.i.u.bf16.f32 v1;
	[tilespmem:s5+$0x20] =	vst v2  }
.Ltmp3:
0xb7: {  	s3 =	sadd.s32 $0x2C80, s3;
	[tilespmem:s5+$0x30] =	vst v1;
	(pc) =	sbr.rel @p0 .LBB2_4-.Ltmp3, $4  }
0xb8: {  	[spmem:s2] =	stream.indirect.scatter.add.f32 [tilespmem:s26], [sflag:$0x3], $0x40, s3, s28, $0xb8;
	[tilespmem:$0x13880] =	vst v63  }
0xb9: {  	_ =	swait.ge [sflag:s19], $0x2000  }
0xba: {  	[sflag:s19] =	ssyncset.done $0x0  }
0xbb: {  	[sflag:s19] =	ssyncadd.s32 $0xFFFFE000  }
0xbc: {  	_ =	swait.ge [sflag:s31], $0x1000  }
0xbd: {  	[sflag:s31] =	ssyncset.done $0x0  }
0xbe: {  	s3 =	stileid.u32;
	[sflag:s31] =	ssyncadd.s32 $0xFFFFF000  }
0xbf: {  	s3 =	sshll.u32 s3, $0x6;
	[bflag:$0x0] =	sbarrier.arrive $0xFFFF  }
0xc0: {  	s3 =	sor.u32 $0x1C03, s3;
	s5 =	rddreg [dreg:$0x5]  }
0xc1: {  	[hbm:s5], [sflag:s3] =	dma.local [spmem:s21], $0x400  }
0xc2: {  	_ =	swait.ge [sflag:s19], $0x400  }
0xc3: {  	[sflag:s19] =	ssyncset.done $0x0  }
0xc4: {  	[sflag:s19] =	ssyncadd.s32 $0xFFFFFC00  }
0xc5: {  	[hbm:s15], [sflag:s3] =	dma.local [spmem:s22], $0x400  }
0xc6: {  	_ =	swait.ge [sflag:s19], $0x400  }
0xc7: {  	[sflag:s19] =	ssyncset.done $0x0  }
0xc8: {  	[sflag:s19] =	ssyncadd.s32 $0xFFFFFC00  }
0xc9: {  	[hbm:s16], [sflag:s3] =	dma.local [spmem:s23], $0x400  }
0xca: {  	_ =	swait.ge [sflag:s19], $0x400  }
0xcb: {  	[sflag:s19] =	ssyncset.done $0x0  }
0xcc: {  	[sflag:s19] =	ssyncadd.s32 $0xFFFFFC00  }
0xcd: {  	[hbm:s17], [sflag:s3] =	dma.local [spmem:s24], $0x400  }
0xce: {  	s0 =	sadd.s32 $0x1, s0;
	_ =	swait.ge [sflag:s19], $0x400  }
0xcf: {  	p0 =	sne.s32 s0, s10;
	[sflag:s19] =	ssyncset.done $0x0  }
.Ltmp4:
0xd0: {  	[sflag:s19] =	ssyncadd.s32 $0xFFFFFC00;
	(pc) =	sbr.rel @p0 .LBB2_1-.Ltmp4, $4  }
0xd1: {  	[hbm:s18], [sflag:s3] =	dma.local [spmem:s25], $0x400  }
0xd2: {  	_ =	swait.ge [sflag:s19], $0x400  }
0xd3: {  	[sflag:s19] =	ssyncset.done $0x0  }
0xd4: {  	[sflag:s19] =	ssyncadd.s32 $0xFFFFFC00  }
0xd5: {  	_ =	sfence.sel $0x180000  }
0xd6: {  	[bflag:$0x0] =	sbarrier.arrive $0xFFFF  }
0xd7: {  	_ =	strace $0x90000047  }
0xd8: {  	s0 =	stileid.u32;
	[bflag:$0x2] =	sbarrier.arrive $0xFFFF  }
0xd9: {  	p0 =	sne.s32 s0, $0x0;
	s0 =	rddreg [dreg:$0x2]  }
0xda: {  	s0 =	sadd.s32 @!p0 $0x100000, s0  }
0xdb: {  	[sflag:s0] =	ssyncadd.tile.s32 @!p0 $0x1;
	_ =	shalt  }
.Lfunc_end2:
_tile_overlayer_lowered:
.L_overlay_start_2:
0xdc: {  	(tag) =	ssettag $0x2  }
0xdd: {  	s0 =	rddreg [dreg:$0x0];
	s2 =	stileid.u32  }
0xde: {  	s1 =	rddreg [dreg:$0x1];
	p0 =	sne.s32 s2, $0x0  }
0xdf: {  	s3 =	rddreg [dreg:$0x2];
	[bflag:$0x3] =	sbarrier.arrive $0xFFFF;
	s2 =	simm.s32 @!p0 $0x1C03  }
0xe0: {  	[timem:s3], [sflag:s2] =	dma.local @!p0 [hbm:s0], s1  }
0xe1: {  	s0 =	simm.s32 @!p0 $0x3  }
0xe2: {  	_ =	swait.ge @!p0 [sflag:s0], s1  }
0xe3: {  	s1 =	ssub.s32 @!p0 $0x0, s1;
	[sflag:s0] =	ssyncset.done @!p0 $0x0  }
0xe4: {  	[sflag:s0] =	ssyncadd.s32 @!p0 s1  }
0xe5: {  	[bflag:$0x3] =	sbarrier.arrive $0xFFFF  }
0xe6: {  	_ =	shalt  }

// kernel: kernel.14.cloned.1.call-start
scs
__scs_entry_jumppad:
0x0: {  	(pc) =	sbr.rel $0x88, $3  }
0x1: {  	(tag) =	ssettag $0x0;
	lr =	simm.s32 $0x1  }
0x2: {  	[smem:$0x3F99] =	sst lr;
	_ =	strace $0xD0000000  }
0x3: {  	_ = 	snop  }
0x4: {  	_ = 	snop  }
0x5: {  	_ = 	snop  }
0x6: {  	_ = 	snop  }
0x7: {  	_ = 	snop  }
__scs_overlays_trampoline_lowered:
0x8: {  	[smem:$0x3FA8] =	sst s0  }
0x9: {  	[smem:$0x3FA9] =	sst s1  }
0xa: {  	[smem:$0x3FAA] =	sst s2  }
0xb: {  	[smem:$0x3FAB] =	sst s3  }
0xc: {  	[smem:$0x3FAC] =	sst s4  }
0xd: {  	[smem:$0x3FAD] =	sst s5  }
0xe: {  	[smem:$0x3FAE] =	sst s6  }
0xf: {  	[smem:$0x3FAF] =	sst s7  }
0x10: {  	[smem:$0x3FB0] =	sst s8  }
0x11: {  	[smem:$0x3FB1] =	sst s9;
	s0 =	simm.s32 @!p0 $0x0  }
0x12: {  	s1 =	sld [smem:$0x3F97];
	s0 =	simm.s32 @p0 $0x1  }
0x13: {  	[smem:$0x3FB2] =	sst s0;
	s0 =	simm.s32 @!p1 $0x0  }
0x14: {  	s2 =	sld [smem:$0x3F96];
	s0 =	simm.s32 @p1 $0x1  }
0x15: {  	[smem:$0x3FB3] =	sst s0;
	s0 =	simm.s32 @!p2 $0x0  }
0x16: {  	s3 =	sld [smem:$0x3FDB];
	s0 =	simm.s32 @p2 $0x1  }
0x17: {  	s4 =	simm.s32 $0x1BF5;
	[smem:$0x3FB5] =	sst s0  }
0x18: {  	s0 =	sld [smem:$0x3F98];
	_ =	swait.ge [sflag:s4], $0x0  }
0x19: {  	s7 =	sld [smem:$0x3F99]  }
0x1a: {  	s8 =	sadd.s32 $0xFFFFE003, lr  }
0x1b: {  	s9 =	sadd.s32 $0xFFFFFEF7, lr;
	s5 =	simm.s32 $0xFFFFFFFF;
	p2 =	slt.u32 s8, $0xFFFFF086  }
0x1c: {  	p1 =	slt.u32 s9, $0xF7A;
	s5 =	simm.s32 @!p2 $0x0  }
0x1d: {  	s5 =	simm.s32 @p1 $0x1;
	p0 =	seq.s32 s7, s2  }
0x1e: {  	s7 =	smul.u32 @!p0 $0xF7A, s2;
	p2 =	seq.s32 @!p0 s5, $0x0  }
0x1f: {  	s9 =	smul.u32 $0xF7A, s1;
	s8 =	simm.s32 @!p0 $0x1BF5;
	p2 =	por !p2, p0  }
0x20: {  	[sflag:s8] =	ssyncset.s32 @!p0 $0xFFFFF086;
	s6 =	sadd.s32 @!p0 s3, s7;
	s7 =	simm.s32 @!p0 $0x108  }
0x21: {  	s3 =	sadd.s32 s3, s9;
	s6 =	sadd.s32 @!p0 $0x88, s6;
	s7 =	simm.s32 @p2 $0x1082  }
0x22: {  	[simem:s7], [sflag:s8] =	dma.local @!p0 [hbm:s6], $0xF7A  }
0x23: {  	s9 =	sor.u32 $0xD0000000, s2;
	s6 =	simm.s32 $0x108;
	_ =	swait.ge @!p0 [sflag:s8], $0x0  }
0x24: {  	s3 =	sadd.s32 $0x88, s3;
	s6 =	simm.s32 @!p1 $0x1082;
	[sflag:s4] =	ssyncset.s32 $0xFFFFF086  }
0x25: {  	[simem:s6], [sflag:s4] =	dma.local [hbm:s3], $0xF7A  }
0x26: {  	[smem:$0x3F99] =	sst s1;
	(tag) =	ssettag s2;
	_ =	strace s9  }
0x27: {  	s1 =	sld [smem:$0x3FA9]  }
0x28: {  	s2 =	sld [smem:$0x3FAA]  }
0x29: {  	s4 =	sld [smem:$0x3FAC]  }
0x2a: {  	p0 =	seq.s32 s5, $0x0;
	s5 =	sld [smem:$0x3FAD]  }
0x2b: {  	s6 =	sld [smem:$0x3FAE]  }
0x2c: {  	s7 =	sld [smem:$0x3FAF]  }
0x2d: {  	s3 =	simm.s32 $0x108;
	s8 =	sld [smem:$0x3FB0]  }
0x2e: {  	s3 =	simm.s32 @!p0 $0x1082;
	s9 =	sld [smem:$0x3FB1]  }
0x2f: {  	lr =	sadd.s32 s0, s3;
	s0 =	sld [smem:$0x3FA8]  }
0x30: {  	s3 =	sld [smem:$0x3FAB]  }
0x31: {  	[smem:$0x3FB4] =	sst s10  }
0x32: {  	s10 =	sld [smem:$0x3FB2];
	_ =	sdelay $0x3  }
0x33: {  	p0 =	seq.s32 s10, $0x1;
	s10 =	sld [smem:$0x3FB4];
	_ =	sdelay $0x3  }
0x34: {  	[smem:$0x3FB4] =	sst s10  }
0x35: {  	s10 =	sld [smem:$0x3FB3];
	_ =	sdelay $0x3  }
0x36: {  	p1 =	seq.s32 s10, $0x1;
	s10 =	sld [smem:$0x3FB4];
	_ =	sdelay $0x3  }
0x37: {  	[smem:$0x3FB4] =	sst s10  }
0x38: {  	s10 =	sld [smem:$0x3FB5]  }
0x39: {  	_ = 	snop;
	(pc) =	sbr.ind lr, $3  }
0x3a: {  	_ = 	snop  }
0x3b: {  	_ = 	snop  }
0x3c: {  	p2 =	seq.s32 s10, $0x1;
	s10 =	sld [smem:$0x3FB4]  }
0x3d: {  	_ =	shalt  }
0x3e: {  	_ =	shalt  }
0x3f: {  	_ =	shalt  }
0x40: {  	_ =	shalt  }
0x41: {  	_ =	shalt  }
0x42: {  	_ =	shalt  }
0x43: {  	_ =	shalt  }
0x44: {  	_ =	shalt  }
0x45: {  	_ =	shalt  }
0x46: {  	_ =	shalt  }
0x47: {  	_ =	shalt  }
0x48: {  	_ =	shalt  }
0x49: {  	_ =	shalt  }
0x4a: {  	_ =	shalt  }
0x4b: {  	_ =	shalt  }
0x4c: {  	_ =	shalt  }
0x4d: {  	_ =	shalt  }
0x4e: {  	_ =	shalt  }
0x4f: {  	_ =	shalt  }
0x50: {  	_ =	shalt  }
0x51: {  	_ =	shalt  }
0x52: {  	_ =	shalt  }
0x53: {  	_ =	shalt  }
0x54: {  	_ =	shalt  }
0x55: {  	_ =	shalt  }
0x56: {  	_ =	shalt  }
0x57: {  	_ =	shalt  }
0x58: {  	_ =	shalt  }
0x59: {  	_ =	shalt  }
0x5a: {  	_ =	shalt  }
0x5b: {  	_ =	shalt  }
0x5c: {  	_ =	shalt  }
0x5d: {  	_ =	shalt  }
0x5e: {  	_ =	shalt  }
0x5f: {  	_ =	shalt  }
0x60: {  	_ =	shalt  }
0x61: {  	_ =	shalt  }
0x62: {  	_ =	shalt  }
0x63: {  	_ =	shalt  }
0x64: {  	_ =	shalt  }
0x65: {  	_ =	shalt  }
0x66: {  	_ =	shalt  }
0x67: {  	_ =	shalt  }
0x68: {  	_ =	shalt  }
0x69: {  	_ =	shalt  }
0x6a: {  	_ =	shalt  }
0x6b: {  	_ =	shalt  }
0x6c: {  	_ =	shalt  }
0x6d: {  	_ =	shalt  }
0x6e: {  	_ =	shalt  }
0x6f: {  	_ =	shalt  }
0x70: {  	_ =	shalt  }
0x71: {  	_ =	shalt  }
0x72: {  	_ =	shalt  }
0x73: {  	_ =	shalt  }
0x74: {  	_ =	shalt  }
0x75: {  	_ =	shalt  }
0x76: {  	_ =	shalt  }
0x77: {  	_ =	shalt  }
0x78: {  	_ =	shalt  }
0x79: {  	_ =	shalt  }
0x7a: {  	_ =	shalt  }
0x7b: {  	_ =	shalt  }
0x7c: {  	_ =	shalt  }
0x7d: {  	_ =	shalt  }
0x7e: {  	_ =	shalt  }
0x7f: {  	_ =	shalt  }
0x80: {  	_ =	shalt  }
0x81: {  	_ =	shalt  }
0x82: {  	_ =	shalt  }
0x83: {  	_ =	shalt  }
0x84: {  	_ =	shalt  }
0x85: {  	_ =	shalt  }
0x86: {  	_ =	shalt  }
0x87: {  	_ =	shalt  }
.Lfunc_end0:
.L_simem_size_0:
called_computation.2_lowered:
.L_overlay_start_0:
0x88: {  	s2 =	sld [smem:$0x3FD9]  }
0x89: {  	s3 =	sld [smem:$0x3FFE];
	_ =	sdelay $0x1  }
0x8a: {  	s1 =	srdreg.scid  }
0x8b: {  	s0 =	sand.u32 $0x1, s1  }
0x8c: {  	s17 =	sshll.u32 s0, $0xA;
	s2 =	sadd.s32 s3, s2  }
0x8d: {  	s2 =	sadd.s32 s2, s17  }
0x8e: {  	[smem:$0x3FC0] =	sst s2  }
0x8f: {  	_ = 	snop  }
0x90: {  	s2 =	sld [smem:$0x3FD0];
	(tm) =	ssettm $0x1  }
0x91: {  	s18 =	sld [smem:$0x3FFB];
	_ =	sdelay $0x3  }
0x92: {  	_ =	strace s18  }
0x93: {  	s3 =	sld [smem:$0x3FFC];
	_ =	sdelay $0x3  }
0x94: {  	_ =	strace s3  }
0x95: {  	s3 =	sld [smem:$0x3FFD];
	_ =	sdelay $0x3  }
0x96: {  	_ =	strace s3  }
0x97: {  	_ =	strace $0x8FFFFFFF  }
0x98: {  	s19 =	sld [smem:$0x3FDB];
	_ =	sdelay $0x1  }
0x99: {  	s4 =	simm.s32 $_scs_section_size  }
0x9a: {  	s5 =	simm.s32 $_size__tile_overlayer_lowered;
	s6 =	simm.s32 $_tile_overlayer_lowered  }
0x9b: {  	s22 =	simm.s32 $0x1BFF;
	s21 =	sshll.u32 s6, $0x1;
	s3 =	sadd.s32 s4, s19  }
0x9c: {  	s7 =	simm.s32 $0x0;
	s20 =	sshll.u32 s5, $0x1;
	s5 =	sadd.s32 s21, s3  }
0x9d: {  	[timem:s7], [sflag:s22] =	dma.local [hbm:s5], s20  }
0x9e: {  	_ =	swait.ge [sflag:s22], s20  }
0x9f: {  	s4 =	ssub.s32 $0x0, s20;
	[sflag:s22] =	ssyncset.done $0x0  }
0xa0: {  	[sflag:s22] =	ssyncadd.s32 s4;
	_ =	sdelay $0x1  }
0xa1: {  	s23 =	simm.s32 $0x1B8B  }
0xa2: {  	_ =	swait.ge [sflag:s23], $0x1  }
0xa3: {  	[sflag:s23] =	ssyncset.done $0x0  }
0xa4: {  	s25 =	simm.s32 $0x1B8E;
	s24 =	sld [smem:$0x3FFE];
	[sflag:s23] =	ssyncadd.s32 $0xFFFFFFFF  }
0xa5: {  	s26 =	simm.s32 $execute0_lowered;
	[smem:$0x3FD2] =	sst s25  }
0xa6: {  	s5 =	sshll.u32 s26, $0x1;
	_ =	strace $0x8000004C;
	[dreg:$0x1] =	wrdreg $0xFFFFFFFF  }
0xa7: {  	s28 =	simm.s32 $_size_execute0_lowered;
	s3 =	sadd.s32 s3, s5;
	[dreg:$0x0] =	wrdreg $0x0  }
0xa8: {  	s5 =	sshll.u32 s28, $0x1;
	[dreg:$0x2] =	wrdreg s3  }
0xa9: {  	[dreg:$0x3] =	wrdreg s5  }
0xaa: {  	[dreg:$0x4] =	wrdreg $0xC0  }
0xab: {  	_ =	task [dreg:s7], $0x5FFFF  }
0xac: {  	[dreg:$0x1] =	wrdreg $0xFFFFFFFF  }
0xad: {  	[dreg:$0x0] =	wrdreg $0x60  }
0xae: {  	[dreg:$0x2] =	wrdreg s24  }
0xaf: {  	[dreg:$0x3] =	wrdreg s2  }
0xb0: {  	[dreg:$0x4] =	wrdreg $0x98800  }
0xb1: {  	[dreg:$0x5] =	wrdreg $0x9  }
0xb2: {  	_ =	task.clear_ibuf [dreg:s7], $0x6FFFF;
	_ =	strace $0x9000004C  }
0xb3: {  	s29 =	simm.s32 $0x9;
	_ =	strace $0x8000004E  }
0xb4: {  	_ =	swait.ge [sflag:s29], $0x1  }
0xb5: {  	[sflag:s29] =	ssyncadd.s32 $0xFFFFFFFF  }
0xb6: {  	_ =	strace $0x9000004E  }
0xb7: {  	_ =	sfence  }
0xb8: {  	s30 =	sld [smem:$0x0];
	_ =	sdelay $0x2  }
0xb9: {  	s31 =	sshll.u32 s1, $0xD;
	s1 =	sshrl.u32 s1, $0x2  }
0xba: {  	s3 =	sand.u32 $0x4000, s31;
	s1 =	sadd.s32 s1, s30  }
0xbb: {  	s0 =	sor.u32 s3, s0;
	s1 =	sshll.u32 s1, $0x11  }
0xbc: {  	s0 =	sor.u32 s1, s0  }
0xbd: {  	s0 =	sadd.s32 $0x8F2B, s0  }
0xbe: {  	[sflag:s0] =	ssyncadd.remote.s32 $0x1  }
0xbf: {  	_ =	sfence.sel $0xFFFF  }
0xc0: {  	[dreg:$0x0] =	wrdreg $0xFFFFFFFF;
	(pc) =	sbr.abs _section_cstart, $3  }
0xc1: {  	[dreg:$0x1] =	wrdreg $0xFFFFFFFF  }
0xc2: {  	_ =	task.clear_ibuf [dreg:s7], $0x2FFFF;
	_ =	strace $0x9FFFFFFF  }
0xc3: {  	(tm) =	ssettm $0x7FFFFFFF  }
tec
execute0_lowered:
.L_overlay_start_1:
0x0: {  	(tag) =	ssettag $0x1  }
0x1: {  	s0 =	rddreg [dreg:$0x0]  }
0x2: {  	s1 =	rddreg [dreg:$0x1]  }
0x3: {  	s3 =	srdreg.scid;
	s2 =	rddreg [dreg:$0x2]  }
0x4: {  	s6 =	simm.s32 $0x0;
	s9 =	stileid.u32;
	s28 =	simm.s32 $0x80  }
0x5: {  	s29 =	simm.s32 $0x5880;
	s30 =	simm.s32 $0x6880;
	s31 =	simm.s32 $0x1  }
0x6: {  	s3 =	sand.u32 $0x1, s3;
	[smem:$0x7FF] =	sst s6;
	s7 =	smul.u32 $0x28000, s9  }
0x7: {  	s4 =	sshll.u32 s3, $0x4;
	s5 =	smul.u32 $0x580, s3;
	_ =	strace $0x8000004D  }
0x8: {  	s15 =	ssub.s32 $0x2, s3;
	s3 =	smul.u32 $0xA0000, s3;
	s4 =	sxor.u32 $0x58, s4  }
0x9: {  	s8 =	sshrl.u32 s15, $0x1;
	s7 =	sshrl.u32 s7, $0x2;
	s14 =	smul.u32 s9, s4  }
0xa: {  	s9 =	smul.u32 $0xA000, s9;
	s6 =	ssub.s32 s15, s8;
	s7 =	sadd.s32 s7, s2  }
0xb: {  	s8 =	sshrl.u32 s4, $0x1;
	s10 =	smax.u32 s6, $0x1;
	s11 =	sadd.s32 $0x2000, s7  }
0xc: {  	s12 =	sadd.s32 $0x4000, s7;
	s13 =	sadd.s32 $0x6000, s7;
	s5 =	sadd.s32 s5, s14  }
0xd: {  	s17 =	sadd.s32 s3, s9;
	s20 =	sadd.s32 $0x2000, s9;
	s14 =	sadd.s32 $0x8000, s7  }
0xe: {  	s22 =	sadd.s32 s9, s2;
	s5 =	sshll.u32 s5, $0x4;
	s18 =	sshrl.u32 s17, $0x3  }
0xf: {  	s21 =	sadd.s32 s3, s20;
	s17 =	sadd.s32 $0x4000, s9;
	s5 =	sadd.s32 s5, s0  }
0x10: {  	s4 =	sadd.s32 s20, s2;
	s0 =	sadd.s32 $0x70A00, s0;
	s16 =	sadd.s32 $0xBE00, s5  }
0x11: {  	s23 =	sadd.s32 s3, s17;
	s5 =	sadd.s32 $0x16400, s5;
	[dreg:$0x4] =	wrdreg s16  }
0x12: {  	s20 =	sadd.s32 s17, s2;
	s19 =	sadd.s32 s0, s18;
	[dreg:$0x5] =	wrdreg s5  }
0x13: {  	s18 =	sadd.s32 $0x6000, s9;
	s9 =	sadd.s32 $0x8000, s9;
	[dreg:$0x6] =	wrdreg s19  }
0x14: {  	s5 =	sshrl.u32 s21, $0x3;
	s24 =	sadd.s32 s3, s18;
	s3 =	sadd.s32 s3, s9  }
0x15: {  	s25 =	sadd.s32 s18, s2;
	s26 =	sadd.s32 s9, s2;
	s19 =	simm.s32 $0x3  }
0x16: {  	s21 =	sshrl.u32 s22, $0x3;
	s22 =	sshrl.u32 s4, $0x3;
	s15 =	sadd.s32 s0, s5  }
0x17: {  	s5 =	sshrl.u32 s23, $0x3;
	s3 =	sshrl.u32 s3, $0x3;
	s23 =	sshrl.u32 s20, $0x3  }
0x18: {  	s16 =	sadd.s32 s0, s5;
	s5 =	sshrl.u32 s24, $0x3;
	s18 =	sadd.s32 s0, s3  }
0x19: {  	s24 =	sshrl.u32 s25, $0x3;
	s25 =	sshrl.u32 s26, $0x3;
	s26 =	simm.s32 $0x7880  }
0x1a: {  	v0 =	vimm.f32 $0.0e+00;
	s3 =	simm.s32 $0x0;
	s17 =	sadd.s32 s0, s5;
	s0 =	simm.s32 $0x2  }
.LBB2_1:
0x1b: {  	s4 =	simm.s32 $0x0;
	s5 =	rddreg [dreg:$0x4]  }
0x1c: {  	[tilespmem:s4], [sflag:$0x3] =	stream.linear.gather [hbm4b:s5+s4], $0x2C80, $0x38;
	[tilespmem:$0x13880] =	vst v63  }
0x1d: {  	_ =	swait.ge [sflag:s19], $0x2C80  }
0x1e: {  	[sflag:s19] =	ssyncset.done $0x0  }
0x1f: {  	s6 =	simm.s32 $0x2C80;
	s20 =	rddreg [dreg:$0x5];
	[sflag:s19] =	ssyncadd.s32 $0xFFFFD380  }
0x20: {  	[tilespmem:s6], [sflag:$0x3] =	stream.linear.gather [hbm4b:s20+s4], $0x2C00, $0x38;
	[tilespmem:$0x13880] =	vst v63  }
0x21: {  	_ =	swait.ge [sflag:s19], $0x2C00  }
0x22: {  	[sflag:s19] =	ssyncset.done $0x0  }
0x23: {  	s5 =	simm.s32 $0x100;
	s4 =	simm.s32 $0x0;
	[sflag:s19] =	ssyncadd.s32 $0xFFFFD400  }
.LBB2_2:
0x24: {  	p0 =	sne.s32 s5, $0x7F00;
	[tilespmem:s4+$0x78B0] =	vst v0;
	s6 =	smov.u32 s5;
	s5 =	sadd.s32 $0x100, s5  }
.Ltmp0:
0x25: {  	[tilespmem:s4+$0x78A0] =	vst v0;
	(pc) =	sbr.rel @p0 .LBB2_2-.Ltmp0, $3  }
0x26: {  	[tilespmem:s4+$0x7880] =	vst v0  }
0x27: {  	[tilespmem:s4+$0x7890] =	vst v0;
	_ =	sdelay $0x1  }
0x28: {  	s4 =	sshra.s32 s6, $0x2  }
0x29: {  	[tilespmem:s4+$0x78B0] =	vst v0  }
0x2a: {  	[tilespmem:s4+$0x78A0] =	vst v0  }
0x2b: {  	[tilespmem:s4+$0x7880] =	vst v0  }
0x2c: {  	[tilespmem:s4+$0x7890] =	vst v0  }
0x2d: {  	[spmem:s7] =	stream.linear.scatter [tilespmem:s26], [sflag:$0x3], $0x2000, $0x38;
	[tilespmem:$0x13880] =	vst v63  }
0x2e: {  	_ =	swait.ge [sflag:s19], $0x2000  }
0x2f: {  	[sflag:s19] =	ssyncset.done $0x0  }
0x30: {  	[sflag:s19] =	ssyncadd.s32 $0xFFFFE000  }
0x31: {  	[spmem:s11] =	stream.linear.scatter [tilespmem:s26], [sflag:$0x3], $0x2000, $0x38;
	[tilespmem:$0x13880] =	vst v63  }
0x32: {  	_ =	swait.ge [sflag:s19], $0x2000  }
0x33: {  	[sflag:s19] =	ssyncset.done $0x0  }
0x34: {  	[sflag:s19] =	ssyncadd.s32 $0xFFFFE000  }
0x35: {  	[spmem:s12] =	stream.linear.scatter [tilespmem:s26], [sflag:$0x3], $0x2000, $0x38;
	[tilespmem:$0x13880] =	vst v63  }
0x36: {  	_ =	swait.ge [sflag:s19], $0x2000  }
0x37: {  	[sflag:s19] =	ssyncset.done $0x0  }
0x38: {  	[sflag:s19] =	ssyncadd.s32 $0xFFFFE000  }
0x39: {  	[spmem:s13] =	stream.linear.scatter [tilespmem:s26], [sflag:$0x3], $0x2000, $0x38;
	[tilespmem:$0x13880] =	vst v63  }
0x3a: {  	_ =	swait.ge [sflag:s19], $0x2000  }
0x3b: {  	[sflag:s19] =	ssyncset.done $0x0  }
0x3c: {  	[sflag:s19] =	ssyncadd.s32 $0xFFFFE000  }
0x3d: {  	[spmem:s14] =	stream.linear.scatter [tilespmem:s26], [sflag:$0x3], $0x2000, $0x38;
	[tilespmem:$0x13880] =	vst v63  }
0x3e: {  	_ =	swait.ge [sflag:s19], $0x2000  }
0x3f: {  	[sflag:s19] =	ssyncset.done $0x0  }
0x40: {  	[sflag:s19] =	ssyncadd.s32 $0xFFFFE000  }
0x41: {  	s20 =	simm.s32 $0x0;
	[bflag:$0x0] =	sbarrier.arrive $0xFFFF  }
0x42: {  	[tilespmem:s29], [sflag:$0x1] =	stream.indirect.gather [hbm4b:s1+s28], $0x20, s20, s28, $0xb8;
	[tilespmem:$0x13880] =	vst v63  }
.LBB2_4:
0x43: {  	s4 =	sshll.u32 s20, $0x8  }
0x44: {  	s4 =	sor.u32 $0x80, s4  }
0x45: {  	[tilespmem:s30], [sflag:$0x2] =	stream.indirect.gather [hbm4b:s1+s28], $0x20, s4, s28, $0xb8;
	[tilespmem:$0x13880] =	vst v63  }
0x46: {  	_ =	swait.ge [sflag:s31], $0x1000  }
0x47: {  	[sflag:s31] =	ssyncset.done $0x0  }
0x48: {  	s6 =	simm.s32 $0x0;
	[sflag:s31] =	ssyncadd.s32 $0xFFFFF000  }
0x49: {  	v1 =	vld [tilespmem:s6+$0x5880];
	_ =	sdelay $0x4  }
0x4a: {  	s5 =	simm.s32 $0x78C0;
	v2 =	vunpack.i.l.bf16.f32 v1  }
0x4b: {  	v1 =	vunpack.i.u.bf16.f32 v1;
	[tilespmem:s5+$0xFFFFFFC0] =	vst v2  }
0x4c: {  	[tilespmem:s5+$0xFFFFFFD0] =	vst v1  }
0x4d: {  	v1 =	vld [tilespmem:s6+$0x5890];
	_ =	sdelay $0x4  }
0x4e: {  	v2 =	vunpack.i.l.bf16.f32 v1  }
0x4f: {  	v1 =	vunpack.i.u.bf16.f32 v1;
	[tilespmem:s5+$0xFFFFFFE0] =	vst v2  }
0x50: {  	[tilespmem:s5+$0xFFFFFFF0] =	vst v1  }
0x51: {  	v1 =	vld [tilespmem:s6+$0x58A0];
	_ =	sdelay $0x4  }
0x52: {  	v2 =	vunpack.i.u.bf16.f32 v1  }
0x53: {  	v1 =	vunpack.i.l.bf16.f32 v1;
	[tilespmem:s5+$0x10] =	vst v2  }
0x54: {  	[tilespmem:s5+$0x0] =	vst v1  }
0x55: {  	v1 =	vld [tilespmem:s6+$0x58B0];
	_ =	sdelay $0x4  }
0x56: {  	v2 =	vunpack.i.l.bf16.f32 v1  }
0x57: {  	v1 =	vunpack.i.u.bf16.f32 v1;
	[tilespmem:s5+$0x20] =	vst v2  }
0x58: {  	s6 =	simm.s32 $0x40;
	[tilespmem:s5+$0x30] =	vst v1  }
0x59: {  	v1 =	vld [tilespmem:s6+$0x5880]  }
0x5a: {  	s9 =	simm.s32 $0x200  }
.LBB2_5:
0x5b: {  	p0 =	sne.s32 s9, $0x3F00;
	_ =	sdelay $0x2  }
0x5c: {  	s5 =	sadd.s32 $0x80, s5;
	v2 =	vunpack.i.l.bf16.f32 v1  }
0x5d: {  	v1 =	vunpack.i.u.bf16.f32 v1;
	[tilespmem:s5+$0xFFFFFFC0] =	vst v2  }
0x5e: {  	[tilespmem:s5+$0xFFFFFFD0] =	vst v1  }
0x5f: {  	v1 =	vld [tilespmem:s6+$0x5890];
	_ =	sdelay $0x4  }
0x60: {  	v2 =	vunpack.i.l.bf16.f32 v1  }
0x61: {  	v1 =	vunpack.i.u.bf16.f32 v1;
	[tilespmem:s5+$0xFFFFFFE0] =	vst v2  }
0x62: {  	[tilespmem:s5+$0xFFFFFFF0] =	vst v1  }
0x63: {  	v1 =	vld [tilespmem:s6+$0x58A0];
	_ =	sdelay $0x4  }
0x64: {  	v2 =	vunpack.i.u.bf16.f32 v1;
	v1 =	vunpack.i.l.bf16.f32 v1  }
0x65: {  	[tilespmem:s5+$0x10] =	vst v2  }
0x66: {  	[tilespmem:s5+$0x0] =	vst v1  }
0x67: {  	v1 =	vld [tilespmem:s6+$0x58B0];
	_ =	sdelay $0x4  }
.Ltmp1:
0x68: {  	v2 =	vunpack.i.u.bf16.f32 v1;
	v1 =	vunpack.i.l.bf16.f32 v1;
	(pc) =	sbr.rel @p0 .LBB2_5-.Ltmp1, $4  }
0x69: {  	[tilespmem:s5+$0x20] =	vst v1  }
0x6a: {  	s6 =	sshra.s32 s9, $0x2;
	[tilespmem:s5+$0x30] =	vst v2  }
0x6b: {  	v1 =	vld [tilespmem:s6+$0x5880]  }
0x6c: {  	s9 =	sadd.s32 $0x100, s9  }
0x6d: {  	_ =	sdelay $0x2  }
0x6e: {  	s5 =	sadd.s32 $0x80, s5;
	v2 =	vunpack.i.l.bf16.f32 v1  }
0x6f: {  	v1 =	vunpack.i.u.bf16.f32 v1;
	[tilespmem:s5+$0xFFFFFFC0] =	vst v2  }
0x70: {  	[tilespmem:s5+$0xFFFFFFD0] =	vst v1  }
0x71: {  	v1 =	vld [tilespmem:s6+$0x5890];
	_ =	sdelay $0x4  }
0x72: {  	v2 =	vunpack.i.l.bf16.f32 v1  }
0x73: {  	v1 =	vunpack.i.u.bf16.f32 v1;
	[tilespmem:s5+$0xFFFFFFE0] =	vst v2  }
0x74: {  	[tilespmem:s5+$0xFFFFFFF0] =	vst v1  }
0x75: {  	v1 =	vld [tilespmem:s6+$0x58A0];
	_ =	sdelay $0x4  }
0x76: {  	v2 =	vunpack.i.u.bf16.f32 v1  }
0x77: {  	v1 =	vunpack.i.l.bf16.f32 v1;
	[tilespmem:s5+$0x10] =	vst v2  }
0x78: {  	[tilespmem:s5+$0x0] =	vst v1  }
0x79: {  	v1 =	vld [tilespmem:s6+$0x58B0];
	_ =	sdelay $0x4  }
0x7a: {  	s9 =	sshll.u32 s20, $0xA;
	v2 =	vunpack.i.l.bf16.f32 v1  }
0x7b: {  	s6 =	sshra.s32 s9, $0x2;
	v1 =	vunpack.i.u.bf16.f32 v1;
	[tilespmem:s5+$0x20] =	vst v2  }
0x7c: {  	s9 =	sadd.s32 $0x2C80, s6;
	[tilespmem:s5+$0x30] =	vst v1  }
0x7d: {  	[spmem:s2] =	stream.indirect.scatter.add.f32 [tilespmem:s26], [sflag:$0x3], $0x40, s9, s28, $0xb8;
	[tilespmem:$0x13880] =	vst v63  }
0x7e: {  	_ =	swait.ge [sflag:s19], $0x2000  }
0x7f: {  	[sflag:s19] =	ssyncset.done $0x0  }
0x80: {  	s6 =	sadd.s32 $0x100, s6;
	[sflag:s19] =	ssyncadd.s32 $0xFFFFE000  }
0x81: {  	[tilespmem:s29], [sflag:$0x1] =	stream.indirect.gather [hbm4b:s1+s28], $0x20, s6, s28, $0xb8;
	[tilespmem:$0x13880] =	vst v63  }
0x82: {  	_ =	swait.ge [sflag:s0], $0x1000  }
0x83: {  	[sflag:s0] =	ssyncset.done $0x0  }
0x84: {  	s9 =	simm.s32 $0x0;
	[sflag:s0] =	ssyncadd.s32 $0xFFFFF000  }
0x85: {  	v1 =	vld [tilespmem:s9+$0x6880];
	_ =	sdelay $0x4  }
0x86: {  	s5 =	simm.s32 $0x78C0;
	v2 =	vunpack.i.l.bf16.f32 v1  }
0x87: {  	v1 =	vunpack.i.u.bf16.f32 v1;
	[tilespmem:s5+$0xFFFFFFC0] =	vst v2  }
0x88: {  	[tilespmem:s5+$0xFFFFFFD0] =	vst v1  }
0x89: {  	v1 =	vld [tilespmem:s9+$0x6890];
	_ =	sdelay $0x4  }
0x8a: {  	v2 =	vunpack.i.l.bf16.f32 v1  }
0x8b: {  	v1 =	vunpack.i.u.bf16.f32 v1;
	[tilespmem:s5+$0xFFFFFFE0] =	vst v2  }
0x8c: {  	[tilespmem:s5+$0xFFFFFFF0] =	vst v1  }
0x8d: {  	v1 =	vld [tilespmem:s9+$0x68A0];
	_ =	sdelay $0x4  }
0x8e: {  	v2 =	vunpack.i.u.bf16.f32 v1  }
0x8f: {  	v1 =	vunpack.i.l.bf16.f32 v1;
	[tilespmem:s5+$0x10] =	vst v2  }
0x90: {  	[tilespmem:s5+$0x0] =	vst v1  }
0x91: {  	v1 =	vld [tilespmem:s9+$0x68B0];
	_ =	sdelay $0x4  }
0x92: {  	v2 =	vunpack.i.l.bf16.f32 v1  }
0x93: {  	v1 =	vunpack.i.u.bf16.f32 v1;
	[tilespmem:s5+$0x20] =	vst v2  }
0x94: {  	s6 =	simm.s32 $0x40;
	[tilespmem:s5+$0x30] =	vst v1  }
0x95: {  	v1 =	vld [tilespmem:s6+$0x6880]  }
0x96: {  	s9 =	simm.s32 $0x200  }
.LBB2_7:
0x97: {  	p0 =	sne.s32 s9, $0x3F00;
	_ =	sdelay $0x2  }
0x98: {  	s5 =	sadd.s32 $0x80, s5;
	v2 =	vunpack.i.l.bf16.f32 v1  }
0x99: {  	v1 =	vunpack.i.u.bf16.f32 v1;
	[tilespmem:s5+$0xFFFFFFC0] =	vst v2  }
0x9a: {  	[tilespmem:s5+$0xFFFFFFD0] =	vst v1  }
0x9b: {  	v1 =	vld [tilespmem:s6+$0x6890];
	_ =	sdelay $0x4  }
0x9c: {  	v2 =	vunpack.i.l.bf16.f32 v1  }
0x9d: {  	v1 =	vunpack.i.u.bf16.f32 v1;
	[tilespmem:s5+$0xFFFFFFE0] =	vst v2  }
0x9e: {  	[tilespmem:s5+$0xFFFFFFF0] =	vst v1  }
0x9f: {  	v1 =	vld [tilespmem:s6+$0x68A0];
	_ =	sdelay $0x4  }
0xa0: {  	v2 =	vunpack.i.u.bf16.f32 v1;
	v1 =	vunpack.i.l.bf16.f32 v1  }
0xa1: {  	[tilespmem:s5+$0x10] =	vst v2  }
0xa2: {  	[tilespmem:s5+$0x0] =	vst v1  }
0xa3: {  	v1 =	vld [tilespmem:s6+$0x68B0];
	_ =	sdelay $0x4  }
.Ltmp2:
0xa4: {  	v2 =	vunpack.i.u.bf16.f32 v1;
	v1 =	vunpack.i.l.bf16.f32 v1;
	(pc) =	sbr.rel @p0 .LBB2_7-.Ltmp2, $4  }
0xa5: {  	[tilespmem:s5+$0x20] =	vst v1  }
0xa6: {  	s6 =	sshra.s32 s9, $0x2;
	[tilespmem:s5+$0x30] =	vst v2  }
0xa7: {  	v1 =	vld [tilespmem:s6+$0x6880]  }
0xa8: {  	s9 =	sadd.s32 $0x100, s9  }
0xa9: {  	_ =	sdelay $0x2  }
0xaa: {  	s5 =	sadd.s32 $0x80, s5;
	v2 =	vunpack.i.l.bf16.f32 v1  }
0xab: {  	v1 =	vunpack.i.u.bf16.f32 v1;
	[tilespmem:s5+$0xFFFFFFC0] =	vst v2  }
0xac: {  	[tilespmem:s5+$0xFFFFFFD0] =	vst v1  }
0xad: {  	v1 =	vld [tilespmem:s6+$0x6890];
	_ =	sdelay $0x4  }
0xae: {  	v2 =	vunpack.i.l.bf16.f32 v1  }
0xaf: {  	v1 =	vunpack.i.u.bf16.f32 v1;
	[tilespmem:s5+$0xFFFFFFE0] =	vst v2  }
0xb0: {  	[tilespmem:s5+$0xFFFFFFF0] =	vst v1  }
0xb1: {  	v1 =	vld [tilespmem:s6+$0x68A0];
	_ =	sdelay $0x4  }
0xb2: {  	v2 =	vunpack.i.u.bf16.f32 v1  }
0xb3: {  	v1 =	vunpack.i.l.bf16.f32 v1;
	[tilespmem:s5+$0x10] =	vst v2  }
0xb4: {  	[tilespmem:s5+$0x0] =	vst v1  }
0xb5: {  	v1 =	vld [tilespmem:s6+$0x68B0];
	_ =	sdelay $0x4  }
0xb6: {  	s20 =	sadd.s32 $0x1, s20;
	v2 =	vunpack.i.l.bf16.f32 v1  }
0xb7: {  	p0 =	sne.s32 s20, s8;
	v1 =	vunpack.i.u.bf16.f32 v1;
	[tilespmem:s5+$0x20] =	vst v2  }
.Ltmp3:
0xb8: {  	s4 =	sadd.s32 $0x2C80, s4;
	[tilespmem:s5+$0x30] =	vst v1;
	(pc) =	sbr.rel @p0 .LBB2_4-.Ltmp3, $4  }
0xb9: {  	[spmem:s2] =	stream.indirect.scatter.add.f32 [tilespmem:s26], [sflag:$0x3], $0x40, s4, s28, $0xb8;
	[tilespmem:$0x13880] =	vst v63  }
0xba: {  	_ =	swait.ge [sflag:s19], $0x2000  }
0xbb: {  	[sflag:s19] =	ssyncset.done $0x0  }
0xbc: {  	[sflag:s19] =	ssyncadd.s32 $0xFFFFE000  }
0xbd: {  	_ =	swait.ge [sflag:s31], $0x1000  }
0xbe: {  	[sflag:s31] =	ssyncset.done $0x0  }
0xbf: {  	s4 =	stileid.u32;
	[sflag:s31] =	ssyncadd.s32 $0xFFFFF000  }
0xc0: {  	s4 =	sshll.u32 s4, $0x6;
	[bflag:$0x0] =	sbarrier.arrive $0xFFFF  }
0xc1: {  	s4 =	sor.u32 $0x1C03, s4;
	s5 =	rddreg [dreg:$0x6]  }
0xc2: {  	[hbm:s5], [sflag:s4] =	dma.local [spmem:s21], $0x400  }
0xc3: {  	_ =	swait.ge [sflag:s19], $0x400  }
0xc4: {  	[sflag:s19] =	ssyncset.done $0x0  }
0xc5: {  	[sflag:s19] =	ssyncadd.s32 $0xFFFFFC00  }
0xc6: {  	[hbm:s15], [sflag:s4] =	dma.local [spmem:s22], $0x400  }
0xc7: {  	_ =	swait.ge [sflag:s19], $0x400  }
0xc8: {  	[sflag:s19] =	ssyncset.done $0x0  }
0xc9: {  	[sflag:s19] =	ssyncadd.s32 $0xFFFFFC00  }
0xca: {  	[hbm:s16], [sflag:s4] =	dma.local [spmem:s23], $0x400  }
0xcb: {  	_ =	swait.ge [sflag:s19], $0x400  }
0xcc: {  	[sflag:s19] =	ssyncset.done $0x0  }
0xcd: {  	[sflag:s19] =	ssyncadd.s32 $0xFFFFFC00  }
0xce: {  	[hbm:s17], [sflag:s4] =	dma.local [spmem:s24], $0x400  }
0xcf: {  	s3 =	sadd.s32 $0x1, s3;
	_ =	swait.ge [sflag:s19], $0x400  }
0xd0: {  	p0 =	sne.s32 s3, s10;
	[sflag:s19] =	ssyncset.done $0x0  }
.Ltmp4:
0xd1: {  	[sflag:s19] =	ssyncadd.s32 $0xFFFFFC00;
	(pc) =	sbr.rel @p0 .LBB2_1-.Ltmp4, $4  }
0xd2: {  	[hbm:s18], [sflag:s4] =	dma.local [spmem:s25], $0x400  }
0xd3: {  	_ =	swait.ge [sflag:s19], $0x400  }
0xd4: {  	[sflag:s19] =	ssyncset.done $0x0  }
0xd5: {  	[sflag:s19] =	ssyncadd.s32 $0xFFFFFC00  }
0xd6: {  	_ =	sfence.sel $0x180000  }
0xd7: {  	[bflag:$0x0] =	sbarrier.arrive $0xFFFF  }
0xd8: {  	_ =	strace $0x9000004D  }
0xd9: {  	s0 =	stileid.u32;
	[bflag:$0x2] =	sbarrier.arrive $0xFFFF  }
0xda: {  	p0 =	sne.s32 s0, $0x0;
	s0 =	rddreg [dreg:$0x3]  }
0xdb: {  	s0 =	sadd.s32 @!p0 $0x100000, s0  }
0xdc: {  	[sflag:s0] =	ssyncadd.tile.s32 @!p0 $0x1;
	_ =	shalt  }
.Lfunc_end2:
_tile_overlayer_lowered:
.L_overlay_start_2:
0xdd: {  	(tag) =	ssettag $0x2  }
0xde: {  	s0 =	rddreg [dreg:$0x0];
	s2 =	stileid.u32  }
0xdf: {  	s1 =	rddreg [dreg:$0x1];
	p0 =	sne.s32 s2, $0x0  }
0xe0: {  	s3 =	rddreg [dreg:$0x2];
	[bflag:$0x3] =	sbarrier.arrive $0xFFFF;
	s2 =	simm.s32 @!p0 $0x1C03  }
0xe1: {  	[timem:s3], [sflag:s2] =	dma.local @!p0 [hbm:s0], s1  }
0xe2: {  	s0 =	simm.s32 @!p0 $0x3  }
0xe3: {  	_ =	swait.ge @!p0 [sflag:s0], s1  }
0xe4: {  	s1 =	ssub.s32 @!p0 $0x0, s1;
	[sflag:s0] =	ssyncset.done @!p0 $0x0  }
0xe5: {  	[sflag:s0] =	ssyncadd.s32 @!p0 s1  }
0xe6: {  	[bflag:$0x3] =	sbarrier.arrive $0xFFFF  }
0xe7: {  	_ =	shalt  }

// kernel: kernel.8.cloned.1.call-start
scs
__scs_entry_jumppad:
0x0: {  	(pc) =	sbr.rel $0x88, $3  }
0x1: {  	(tag) =	ssettag $0x0;
	lr =	simm.s32 $0x1  }
0x2: {  	[smem:$0x3F99] =	sst lr;
	_ =	strace $0xD0000000  }
0x3: {  	_ = 	snop  }
0x4: {  	_ = 	snop  }
0x5: {  	_ = 	snop  }
0x6: {  	_ = 	snop  }
0x7: {  	_ = 	snop  }
__scs_overlays_trampoline_lowered:
0x8: {  	[smem:$0x3FA8] =	sst s0  }
0x9: {  	[smem:$0x3FA9] =	sst s1  }
0xa: {  	[smem:$0x3FAA] =	sst s2  }
0xb: {  	[smem:$0x3FAB] =	sst s3  }
0xc: {  	[smem:$0x3FAC] =	sst s4  }
0xd: {  	[smem:$0x3FAD] =	sst s5  }
0xe: {  	[smem:$0x3FAE] =	sst s6  }
0xf: {  	[smem:$0x3FAF] =	sst s7  }
0x10: {  	[smem:$0x3FB0] =	sst s8  }
0x11: {  	[smem:$0x3FB1] =	sst s9;
	s0 =	simm.s32 @!p0 $0x0  }
0x12: {  	s1 =	sld [smem:$0x3F97];
	s0 =	simm.s32 @p0 $0x1  }
0x13: {  	[smem:$0x3FB2] =	sst s0;
	s0 =	simm.s32 @!p1 $0x0  }
0x14: {  	s2 =	sld [smem:$0x3F96];
	s0 =	simm.s32 @p1 $0x1  }
0x15: {  	[smem:$0x3FB3] =	sst s0;
	s0 =	simm.s32 @!p2 $0x0  }
0x16: {  	s3 =	sld [smem:$0x3FDB];
	s0 =	simm.s32 @p2 $0x1  }
0x17: {  	s4 =	simm.s32 $0x1BF5;
	[smem:$0x3FB5] =	sst s0  }
0x18: {  	s0 =	sld [smem:$0x3F98];
	_ =	swait.ge [sflag:s4], $0x0  }
0x19: {  	s7 =	sld [smem:$0x3F99]  }
0x1a: {  	s8 =	sadd.s32 $0xFFFFE003, lr  }
0x1b: {  	s9 =	sadd.s32 $0xFFFFFEF7, lr;
	s5 =	simm.s32 $0xFFFFFFFF;
	p2 =	slt.u32 s8, $0xFFFFF086  }
0x1c: {  	p1 =	slt.u32 s9, $0xF7A;
	s5 =	simm.s32 @!p2 $0x0  }
0x1d: {  	s5 =	simm.s32 @p1 $0x1;
	p0 =	seq.s32 s7, s2  }
0x1e: {  	s7 =	smul.u32 @!p0 $0xF7A, s2;
	p2 =	seq.s32 @!p0 s5, $0x0  }
0x1f: {  	s9 =	smul.u32 $0xF7A, s1;
	s8 =	simm.s32 @!p0 $0x1BF5;
	p2 =	por !p2, p0  }
0x20: {  	[sflag:s8] =	ssyncset.s32 @!p0 $0xFFFFF086;
	s6 =	sadd.s32 @!p0 s3, s7;
	s7 =	simm.s32 @!p0 $0x108  }
0x21: {  	s3 =	sadd.s32 s3, s9;
	s6 =	sadd.s32 @!p0 $0x88, s6;
	s7 =	simm.s32 @p2 $0x1082  }
0x22: {  	[simem:s7], [sflag:s8] =	dma.local @!p0 [hbm:s6], $0xF7A  }
0x23: {  	s9 =	sor.u32 $0xD0000000, s2;
	s6 =	simm.s32 $0x108;
	_ =	swait.ge @!p0 [sflag:s8], $0x0  }
0x24: {  	s3 =	sadd.s32 $0x88, s3;
	s6 =	simm.s32 @!p1 $0x1082;
	[sflag:s4] =	ssyncset.s32 $0xFFFFF086  }
0x25: {  	[simem:s6], [sflag:s4] =	dma.local [hbm:s3], $0xF7A  }
0x26: {  	[smem:$0x3F99] =	sst s1;
	(tag) =	ssettag s2;
	_ =	strace s9  }
0x27: {  	s1 =	sld [smem:$0x3FA9]  }
0x28: {  	s2 =	sld [smem:$0x3FAA]  }
0x29: {  	s4 =	sld [smem:$0x3FAC]  }
0x2a: {  	p0 =	seq.s32 s5, $0x0;
	s5 =	sld [smem:$0x3FAD]  }
0x2b: {  	s6 =	sld [smem:$0x3FAE]  }
0x2c: {  	s7 =	sld [smem:$0x3FAF]  }
0x2d: {  	s3 =	simm.s32 $0x108;
	s8 =	sld [smem:$0x3FB0]  }
0x2e: {  	s3 =	simm.s32 @!p0 $0x1082;
	s9 =	sld [smem:$0x3FB1]  }
0x2f: {  	lr =	sadd.s32 s0, s3;
	s0 =	sld [smem:$0x3FA8]  }
0x30: {  	s3 =	sld [smem:$0x3FAB]  }
0x31: {  	[smem:$0x3FB4] =	sst s10  }
0x32: {  	s10 =	sld [smem:$0x3FB2];
	_ =	sdelay $0x3  }
0x33: {  	p0 =	seq.s32 s10, $0x1;
	s10 =	sld [smem:$0x3FB4];
	_ =	sdelay $0x3  }
0x34: {  	[smem:$0x3FB4] =	sst s10  }
0x35: {  	s10 =	sld [smem:$0x3FB3];
	_ =	sdelay $0x3  }
0x36: {  	p1 =	seq.s32 s10, $0x1;
	s10 =	sld [smem:$0x3FB4];
	_ =	sdelay $0x3  }
0x37: {  	[smem:$0x3FB4] =	sst s10  }
0x38: {  	s10 =	sld [smem:$0x3FB5]  }
0x39: {  	_ = 	snop;
	(pc) =	sbr.ind lr, $3  }
0x3a: {  	_ = 	snop  }
0x3b: {  	_ = 	snop  }
0x3c: {  	p2 =	seq.s32 s10, $0x1;
	s10 =	sld [smem:$0x3FB4]  }
0x3d: {  	_ =	shalt  }
0x3e: {  	_ =	shalt  }
0x3f: {  	_ =	shalt  }
0x40: {  	_ =	shalt  }
0x41: {  	_ =	shalt  }
0x42: {  	_ =	shalt  }
0x43: {  	_ =	shalt  }
0x44: {  	_ =	shalt  }
0x45: {  	_ =	shalt  }
0x46: {  	_ =	shalt  }
0x47: {  	_ =	shalt  }
0x48: {  	_ =	shalt  }
0x49: {  	_ =	shalt  }
0x4a: {  	_ =	shalt  }
0x4b: {  	_ =	shalt  }
0x4c: {  	_ =	shalt  }
0x4d: {  	_ =	shalt  }
0x4e: {  	_ =	shalt  }
0x4f: {  	_ =	shalt  }
0x50: {  	_ =	shalt  }
0x51: {  	_ =	shalt  }
0x52: {  	_ =	shalt  }
0x53: {  	_ =	shalt  }
0x54: {  	_ =	shalt  }
0x55: {  	_ =	shalt  }
0x56: {  	_ =	shalt  }
0x57: {  	_ =	shalt  }
0x58: {  	_ =	shalt  }
0x59: {  	_ =	shalt  }
0x5a: {  	_ =	shalt  }
0x5b: {  	_ =	shalt  }
0x5c: {  	_ =	shalt  }
0x5d: {  	_ =	shalt  }
0x5e: {  	_ =	shalt  }
0x5f: {  	_ =	shalt  }
0x60: {  	_ =	shalt  }
0x61: {  	_ =	shalt  }
0x62: {  	_ =	shalt  }
0x63: {  	_ =	shalt  }
0x64: {  	_ =	shalt  }
0x65: {  	_ =	shalt  }
0x66: {  	_ =	shalt  }
0x67: {  	_ =	shalt  }
0x68: {  	_ =	shalt  }
0x69: {  	_ =	shalt  }
0x6a: {  	_ =	shalt  }
0x6b: {  	_ =	shalt  }
0x6c: {  	_ =	shalt  }
0x6d: {  	_ =	shalt  }
0x6e: {  	_ =	shalt  }
0x6f: {  	_ =	shalt  }
0x70: {  	_ =	shalt  }
0x71: {  	_ =	shalt  }
0x72: {  	_ =	shalt  }
0x73: {  	_ =	shalt  }
0x74: {  	_ =	shalt  }
0x75: {  	_ =	shalt  }
0x76: {  	_ =	shalt  }
0x77: {  	_ =	shalt  }
0x78: {  	_ =	shalt  }
0x79: {  	_ =	shalt  }
0x7a: {  	_ =	shalt  }
0x7b: {  	_ =	shalt  }
0x7c: {  	_ =	shalt  }
0x7d: {  	_ =	shalt  }
0x7e: {  	_ =	shalt  }
0x7f: {  	_ =	shalt  }
0x80: {  	_ =	shalt  }
0x81: {  	_ =	shalt  }
0x82: {  	_ =	shalt  }
0x83: {  	_ =	shalt  }
0x84: {  	_ =	shalt  }
0x85: {  	_ =	shalt  }
0x86: {  	_ =	shalt  }
0x87: {  	_ =	shalt  }
.Lfunc_end0:
.L_simem_size_0:
called_computation_lowered:
.L_overlay_start_0:
0x88: {  	s2 =	sld [smem:$0x3FD9]  }
0x89: {  	s3 =	sld [smem:$0x3FFE];
	_ =	sdelay $0x1  }
0x8a: {  	s1 =	srdreg.scid  }
0x8b: {  	s0 =	sand.u32 $0x1, s1  }
0x8c: {  	s17 =	sshll.u32 s0, $0xA;
	s2 =	sadd.s32 s3, s2  }
0x8d: {  	s2 =	sadd.s32 s2, s17  }
0x8e: {  	[smem:$0x3FC0] =	sst s2  }
0x8f: {  	_ = 	snop  }
0x90: {  	s18 =	sld [smem:$0x3FD0];
	(tm) =	ssettm $0x1  }
0x91: {  	s19 =	sld [smem:$0x3FFB];
	_ =	sdelay $0x3  }
0x92: {  	_ =	strace s19  }
0x93: {  	s2 =	sld [smem:$0x3FFC];
	_ =	sdelay $0x3  }
0x94: {  	_ =	strace s2  }
0x95: {  	s2 =	sld [smem:$0x3FFD];
	_ =	sdelay $0x3  }
0x96: {  	_ =	strace s2  }
0x97: {  	_ =	strace $0x8FFFFFFF  }
0x98: {  	s20 =	sld [smem:$0x3FDB];
	_ =	sdelay $0x1  }
0x99: {  	s4 =	simm.s32 $_scs_section_size  }
0x9a: {  	s5 =	simm.s32 $_size__tile_overlayer_lowered;
	s6 =	simm.s32 $_tile_overlayer_lowered  }
0x9b: {  	s7 =	simm.s32 $0x1BFF;
	s21 =	sshll.u32 s6, $0x1;
	s4 =	sadd.s32 s4, s20  }
0x9c: {  	s22 =	simm.s32 $0x0;
	s5 =	sshll.u32 s5, $0x1;
	s6 =	sadd.s32 s21, s4  }
0x9d: {  	[timem:s22], [sflag:s7] =	dma.local [hbm:s6], s5  }
0x9e: {  	_ =	swait.ge [sflag:s7], s5  }
0x9f: {  	s5 =	ssub.s32 $0x0, s5;
	[sflag:s7] =	ssyncset.done $0x0  }
0xa0: {  	[sflag:s7] =	ssyncadd.s32 s5;
	_ =	sdelay $0x1  }
0xa1: {  	s23 =	simm.s32 $0x1B8B  }
0xa2: {  	_ =	swait.ge [sflag:s23], $0x1  }
0xa3: {  	[sflag:s23] =	ssyncset.done $0x0  }
0xa4: {  	[sflag:s23] =	ssyncadd.s32 $0xFFFFFFFF  }
0xa5: {  	s5 =	sld [smem:$0x0]  }
0xa6: {  	s6 =	sand.u32 $0xFFFFFFFE, s1  }
0xa7: {  	p0 =	sne.s32 s1, s6  }
0xa8: {  	s6 =	sshll.u32 @p0 s6, $0xE  }
0xa9: {  	s6 =	sadd.s32 @p0 $0x11B8D, s6;
	s7 =	sshll.u32 @p0 s5, $0x11  }
0xaa: {  	s6 =	sor.u32 @p0 s7, s6  }
0xab: {  	[sflag:s6] =	ssyncadd.remote.s32 @p0 $0x1;
	_ =	sdelay $0x1  }
0xac: {  	s6 =	simm.s32 @p0 $0x1B8D  }
0xad: {  	_ =	swait.eq @p0 [sflag:s6], $0x1  }
0xae: {  	[sflag:s6] =	ssyncadd.s32 @p0 $0xFFFFFFFF  }
0xaf: {  	s7 =	sshll.u32 @!p0 s1, $0xE  }
0xb0: {  	s7 =	sor.u32 @!p0 $0x4000, s7;
	s6 =	simm.s32 @!p0 $0x1B8D  }
0xb1: {  	s5 =	sshll.u32 @!p0 s5, $0x11;
	s7 =	sadd.s32 @!p0 $0x11B8D, s7;
	_ =	swait.eq @!p0 [sflag:s6], $0x1  }
0xb2: {  	s5 =	sor.u32 @!p0 s5, s7;
	[sflag:s6] =	ssyncadd.s32 @!p0 $0xFFFFFFFF  }
0xb3: {  	s25 =	simm.s32 $0x1B8E;
	s24 =	sld [smem:$0x3FFE];
	[sflag:s5] =	ssyncadd.remote.s32 @!p0 $0x1  }
0xb4: {  	s26 =	simm.s32 $execute0_lowered;
	[smem:$0x3FD2] =	sst s25  }
0xb5: {  	s6 =	sshll.u32 s26, $0x1;
	_ =	strace $0x80000049;
	[dreg:$0x1] =	wrdreg $0xFFFFFFFF  }
0xb6: {  	s28 =	simm.s32 $_size_execute0_lowered;
	s4 =	sadd.s32 s4, s6;
	[dreg:$0x0] =	wrdreg $0x0  }
0xb7: {  	s6 =	sshll.u32 s28, $0x1;
	[dreg:$0x2] =	wrdreg s4  }
0xb8: {  	[dreg:$0x3] =	wrdreg s6  }
0xb9: {  	[dreg:$0x4] =	wrdreg $0xC0  }
0xba: {  	_ =	task [dreg:s22], $0x5FFFF  }
0xbb: {  	[dreg:$0x1] =	wrdreg $0xFFFFFFFF  }
0xbc: {  	[dreg:$0x0] =	wrdreg $0x60  }
0xbd: {  	[dreg:$0x2] =	wrdreg s24  }
0xbe: {  	[dreg:$0x3] =	wrdreg s18  }
0xbf: {  	[dreg:$0x4] =	wrdreg $0x98800  }
0xc0: {  	[dreg:$0x5] =	wrdreg $0x148800  }
0xc1: {  	[dreg:$0x6] =	wrdreg $0x9  }
0xc2: {  	_ =	task.clear_ibuf [dreg:s22], $0x7FFFF;
	_ =	strace $0x90000049  }
0xc3: {  	s29 =	simm.s32 $0x9;
	_ =	strace $0x8000004B  }
0xc4: {  	_ =	swait.ge [sflag:s29], $0x1  }
0xc5: {  	[sflag:s29] =	ssyncadd.s32 $0xFFFFFFFF  }
0xc6: {  	_ =	strace $0x9000004B  }
0xc7: {  	_ =	sfence  }
0xc8: {  	s30 =	sld [smem:$0x0];
	_ =	sdelay $0x2  }
0xc9: {  	s31 =	sshll.u32 s1, $0xD;
	s1 =	sshrl.u32 s1, $0x2  }
0xca: {  	s4 =	sand.u32 $0x4000, s31;
	s1 =	sadd.s32 s1, s30  }
0xcb: {  	s0 =	sor.u32 s4, s0;
	s1 =	sshll.u32 s1, $0x11  }
0xcc: {  	s0 =	sor.u32 s1, s0  }
0xcd: {  	s0 =	sadd.s32 $0x8F2B, s0  }
0xce: {  	[sflag:s0] =	ssyncadd.remote.s32 $0x1  }
0xcf: {  	_ =	sfence.sel $0xFFFF  }
0xd0: {  	[dreg:$0x0] =	wrdreg $0xFFFFFFFF;
	(pc) =	sbr.abs _section_cstart, $3  }
0xd1: {  	[dreg:$0x1] =	wrdreg $0xFFFFFFFF  }
0xd2: {  	_ =	task.clear_ibuf [dreg:s22], $0x2FFFF;
	_ =	strace $0x9FFFFFFF  }
0xd3: {  	(tm) =	ssettm $0x7FFFFFFF  }
tec
execute0_lowered:
.L_overlay_start_1:
0x0: {  	(tag) =	ssettag $0x1  }
0x1: {  	s0 =	srdreg.scid;
	s18 =	stileid.u32  }
0x2: {  	s5 =	rddreg [dreg:$0x0];
	s1 =	smul.u32 $0xA000, s18  }
0x3: {  	s7 =	rddreg [dreg:$0x1];
	s8 =	smul.u32 $0x280, s18  }
0x4: {  	s9 =	simm.s32 $0x0;
	s2 =	sand.u32 $0x1, s0;
	s10 =	smul.u32 $0x2800, s18  }
0x5: {  	[smem:$0x7FF] =	sst s9;
	s3 =	smul.u32 $0x580, s2  }
0x6: {  	s11 =	sadd.s32 $0x52800, s5;
	s0 =	sshll.u32 s2, $0x4;
	s6 =	smul.u32 $0xA0000, s2  }
0x7: {  	s23 =	ssub.s32 $0x2, s2;
	s2 =	smul.u32 $0x28000, s2;
	s0 =	sxor.u32 $0x58, s0  }
0x8: {  	s24 =	sshrl.u32 s23, $0x1;
	s13 =	sadd.s32 $0x80, s8;
	s29 =	sadd.s32 $0x100, s8  }
0x9: {  	s17 =	sadd.s32 $0x180, s8;
	s8 =	sadd.s32 $0x200, s8;
	s4 =	smul.u32 s18, s0  }
0xa: {  	s25 =	sadd.s32 s6, s1;
	s12 =	sadd.s32 s2, s10;
	s14 =	sshll.u32 s13, $0x6  }
0xb: {  	s16 =	sshll.u32 s29, $0x6;
	s21 =	sshll.u32 s17, $0x6;
	s22 =	sshll.u32 s8, $0x6  }
0xc: {  	s17 =	sshll.u32 s17, $0x4;
	s8 =	sshll.u32 s8, $0x4;
	s9 =	sshrl.u32 s25, $0x3  }
0xd: {  	s12 =	sshrl.u32 s12, $0x3;
	s28 =	sadd.s32 s6, s14;
	s15 =	sadd.s32 s6, s16  }
0xe: {  	s19 =	sadd.s32 s6, s21;
	s6 =	sadd.s32 s6, s22;
	s25 =	sadd.s32 s2, s17  }
0xf: {  	s3 =	sadd.s32 s3, s4;
	s4 =	ssub.s32 s23, s24;
	s9 =	sadd.s32 s11, s9  }
0x10: {  	s26 =	sadd.s32 s7, s12;
	s12 =	sshll.u32 s13, $0x4;
	s15 =	sshrl.u32 s15, $0x3  }
0x11: {  	s23 =	sshll.u32 s29, $0x4;
	s20 =	sshrl.u32 s19, $0x3;
	[dreg:$0x5] =	wrdreg s9  }
0x12: {  	s6 =	sshrl.u32 s6, $0x3;
	s3 =	sshll.u32 s3, $0x4;
	[dreg:$0x6] =	wrdreg s26  }
0x13: {  	s9 =	sshrl.u32 s28, $0x3;
	s30 =	sadd.s32 s2, s12;
	s15 =	sadd.s32 s11, s15  }
0x14: {  	s13 =	sadd.s32 s11, s20;
	s6 =	sadd.s32 s11, s6;
	[dreg:$0x8] =	wrdreg s15  }
0x15: {  	s24 =	sadd.s32 s2, s23;
	s2 =	sadd.s32 s2, s8;
	[dreg:$0x9] =	wrdreg s13  }
0x16: {  	s26 =	smul.u32 $0x28000, s18;
	s20 =	sshrl.u32 s0, $0x1;
	[dreg:$0xa] =	wrdreg s6  }
0x17: {  	s9 =	sadd.s32 s11, s9;
	s6 =	sshrl.u32 s24, $0x3;
	s11 =	rddreg [dreg:$0x2]  }
0x18: {  	s13 =	rddreg [dreg:$0x3];
	s2 =	sshrl.u32 s2, $0x3;
	s28 =	sadd.s32 s3, s5  }
0x19: {  	s15 =	sadd.s32 $0x48A00, s5;
	s3 =	sshrl.u32 s1, $0x2;
	s5 =	smax.u32 s4, $0x1  }
0x1a: {  	[dreg:$0x7] =	wrdreg s9;
	s9 =	sshrl.u32 s30, $0x3;
	s6 =	sadd.s32 s7, s6  }
0x1b: {  	s2 =	sadd.s32 s7, s2;
	s29 =	sshrl.u32 s26, $0x2;
	s30 =	sadd.s32 $0xBE00, s28  }
0x1c: {  	s19 =	sadd.s32 s3, s13;
	s22 =	sadd.s32 s22, s11;
	s8 =	sadd.s32 s8, s13  }
0x1d: {  	s9 =	sadd.s32 s7, s9;
	[dreg:$0xc] =	wrdreg s6;
	s6 =	sshrl.u32 s25, $0x3  }
0x1e: {  	[dreg:$0xe] =	wrdreg s2;
	s2 =	sadd.s32 $0x16400, s28;
	s18 =	sadd.s32 s29, s11  }
0x1f: {  	s31 =	sshrl.u32 s22, $0x3;
	s4 =	sadd.s32 $0x800, s19;
	s22 =	simm.s32 $0x13880  }
0x20: {  	[dreg:$0xb] =	wrdreg s9;
	s6 =	sadd.s32 s7, s6;
	s7 =	sadd.s32 s10, s13  }
0x21: {  	s9 =	sadd.s32 s14, s11;
	s10 =	sadd.s32 s12, s13;
	s12 =	sadd.s32 s16, s11  }
0x22: {  	s14 =	sadd.s32 s23, s13;
	s16 =	sadd.s32 s21, s11;
	s21 =	sadd.s32 s17, s13  }
0x23: {  	s3 =	sadd.s32 $0x8000, s18;
	s17 =	simm.s32 $0x6880;
	[dreg:$0xd] =	wrdreg s6  }
0x24: {  	s6 =	sadd.s32 s1, s11;
	_ =	strace $0x8000004A;
	[dreg:$0xf] =	wrdreg s30  }
0x25: {  	s23 =	sshrl.u32 s7, $0x3;
	s24 =	sshrl.u32 s9, $0x3;
	[dreg:$0x10] =	wrdreg s2  }
0x26: {  	s25 =	sshrl.u32 s10, $0x3;
	s26 =	sshrl.u32 s12, $0x3;
	[dreg:$0x11] =	wrdreg s5  }
0x27: {  	s28 =	sshrl.u32 s14, $0x3;
	s29 =	sshrl.u32 s16, $0x3;
	[dreg:$0x13] =	wrdreg s23  }
0x28: {  	s10 =	sshrl.u32 s8, $0x3;
	s1 =	sadd.s32 $0x4000, s18;
	[dreg:$0x14] =	wrdreg s24  }
0x29: {  	s7 =	sadd.s32 $0x2000, s19;
	s8 =	simm.s32 $0x3;
	[dreg:$0x15] =	wrdreg s25  }
0x2a: {  	s9 =	simm.s32 $0x7880;
	s12 =	simm.s32 $0x14080;
	[dreg:$0x16] =	wrdreg s26  }
0x2b: {  	s14 =	simm.s32 $0x80;
	s16 =	simm.s32 $0x5880;
	[dreg:$0x17] =	wrdreg s28  }
0x2c: {  	s0 =	sshrl.u32 s6, $0x3;
	[dreg:$0x18] =	wrdreg s29;
	s30 =	sshrl.u32 s21, $0x3  }
0x2d: {  	s2 =	sadd.s32 $0x6000, s18;
	s5 =	sadd.s32 $0x1000, s19;
	s6 =	sadd.s32 $0x1800, s19  }
0x2e: {  	s21 =	simm.s32 $0x1;
	s23 =	simm.s32 $0x2;
	[dreg:$0x12] =	wrdreg s0  }
0x2f: {  	v0 =	vimm.f32 $0.0e+00;
	v1 =	vimm.f32 $1.000000000e+00;
	s24 =	simm.s32 $0x0;
	[dreg:$0x19] =	wrdreg s30;
	s0 =	sadd.s32 $0x2000, s18  }
.LBB2_1:
0x30: {  	s25 =	simm.s32 $0x0;
	s26 =	rddreg [dreg:$0xf]  }
0x31: {  	[tilespmem:s25], [sflag:$0x3] =	stream.linear.gather [hbm4b:s26+s25], $0x2C80, $0x38;
	[tilespmem:$0x17080] =	vst v63  }
0x32: {  	_ =	swait.ge [sflag:s8], $0x2C80  }
0x33: {  	[sflag:s8] =	ssyncset.done $0x0  }
0x34: {  	s28 =	simm.s32 $0x2C80;
	s30 =	rddreg [dreg:$0x10];
	[sflag:s8] =	ssyncadd.s32 $0xFFFFD380  }
0x35: {  	[tilespmem:s28], [sflag:$0x3] =	stream.linear.gather [hbm4b:s30+s25], $0x2C00, $0x38;
	[tilespmem:$0x17080] =	vst v63  }
0x36: {  	_ =	swait.ge [sflag:s8], $0x2C00  }
0x37: {  	[sflag:s8] =	ssyncset.done $0x0  }
0x38: {  	s26 =	simm.s32 $0x100;
	s25 =	simm.s32 $0x0;
	[sflag:s8] =	ssyncadd.s32 $0xFFFFD400  }
.LBB2_2:
0x39: {  	p0 =	sne.s32 s26, $0x7F00;
	[tilespmem:s25+$0x78B0] =	vst v0;
	s28 =	smov.u32 s26;
	s26 =	sadd.s32 $0x100, s26  }
.Ltmp0:
0x3a: {  	[tilespmem:s25+$0x78A0] =	vst v0;
	(pc) =	sbr.rel @p0 .LBB2_2-.Ltmp0, $3  }
0x3b: {  	[tilespmem:s25+$0x7880] =	vst v0  }
0x3c: {  	[tilespmem:s25+$0x7890] =	vst v0;
	_ =	sdelay $0x1  }
0x3d: {  	s25 =	sshra.s32 s28, $0x2  }
0x3e: {  	[tilespmem:s25+$0x78B0] =	vst v0  }
0x3f: {  	[tilespmem:s25+$0x78A0] =	vst v0  }
0x40: {  	[tilespmem:s25+$0x7880] =	vst v0  }
0x41: {  	[tilespmem:s25+$0x7890] =	vst v0  }
0x42: {  	[spmem:s18] =	stream.linear.scatter [tilespmem:s9], [sflag:$0x3], $0x2000, $0x38;
	[tilespmem:$0x17080] =	vst v63  }
0x43: {  	_ =	swait.ge [sflag:s8], $0x2000  }
0x44: {  	[sflag:s8] =	ssyncset.done $0x0  }
0x45: {  	[sflag:s8] =	ssyncadd.s32 $0xFFFFE000  }
0x46: {  	[spmem:s0] =	stream.linear.scatter [tilespmem:s9], [sflag:$0x3], $0x2000, $0x38;
	[tilespmem:$0x17080] =	vst v63  }
0x47: {  	_ =	swait.ge [sflag:s8], $0x2000  }
0x48: {  	[sflag:s8] =	ssyncset.done $0x0  }
0x49: {  	[sflag:s8] =	ssyncadd.s32 $0xFFFFE000  }
0x4a: {  	[spmem:s1] =	stream.linear.scatter [tilespmem:s9], [sflag:$0x3], $0x2000, $0x38;
	[tilespmem:$0x17080] =	vst v63  }
0x4b: {  	_ =	swait.ge [sflag:s8], $0x2000  }
0x4c: {  	[sflag:s8] =	ssyncset.done $0x0  }
0x4d: {  	[sflag:s8] =	ssyncadd.s32 $0xFFFFE000  }
0x4e: {  	[spmem:s2] =	stream.linear.scatter [tilespmem:s9], [sflag:$0x3], $0x2000, $0x38;
	[tilespmem:$0x17080] =	vst v63  }
0x4f: {  	_ =	swait.ge [sflag:s8], $0x2000  }
0x50: {  	[sflag:s8] =	ssyncset.done $0x0  }
0x51: {  	[sflag:s8] =	ssyncadd.s32 $0xFFFFE000  }
0x52: {  	[spmem:s3] =	stream.linear.scatter [tilespmem:s9], [sflag:$0x3], $0x2000, $0x38;
	[tilespmem:$0x17080] =	vst v63  }
0x53: {  	_ =	swait.ge [sflag:s8], $0x2000  }
0x54: {  	[sflag:s8] =	ssyncset.done $0x0  }
0x55: {  	s25 =	simm.s32 $0x40;
	s26 =	simm.s32 $0x0;
	[sflag:s8] =	ssyncadd.s32 $0xFFFFE000  }
.LBB2_4:
0x56: {  	p0 =	sne.s32 s25, $0x1FC0;
	[tilespmem:s26+$0x13880] =	vst v1;
	s28 =	smov.u32 s25;
	s25 =	sadd.s32 $0x40, s25  }
.Ltmp1:
0x57: {  	[tilespmem:s26+$0x14080] =	vst v0;
	(pc) =	sbr.rel @p0 .LBB2_4-.Ltmp1, $2  }
0x58: {  	_ =	sdelay $0x2  }
0x59: {  	s26 =	sshra.s32 s28, $0x2  }
0x5a: {  	[tilespmem:s26+$0x13880] =	vst v1  }
0x5b: {  	[tilespmem:s26+$0x14080] =	vst v0  }
0x5c: {  	[spmem:s19] =	stream.linear.scatter [tilespmem:s12], [sflag:$0x3], $0x800, $0x38;
	[tilespmem:$0x17080] =	vst v63  }
0x5d: {  	_ =	swait.ge [sflag:s8], $0x800  }
0x5e: {  	[sflag:s8] =	ssyncset.done $0x0  }
0x5f: {  	[sflag:s8] =	ssyncadd.s32 $0xFFFFF800  }
0x60: {  	[spmem:s4] =	stream.linear.scatter [tilespmem:s12], [sflag:$0x3], $0x800, $0x38;
	[tilespmem:$0x17080] =	vst v63  }
0x61: {  	_ =	swait.ge [sflag:s8], $0x800  }
0x62: {  	[sflag:s8] =	ssyncset.done $0x0  }
0x63: {  	[sflag:s8] =	ssyncadd.s32 $0xFFFFF800  }
0x64: {  	[spmem:s5] =	stream.linear.scatter [tilespmem:s12], [sflag:$0x3], $0x800, $0x38;
	[tilespmem:$0x17080] =	vst v63  }
0x65: {  	_ =	swait.ge [sflag:s8], $0x800  }
0x66: {  	[sflag:s8] =	ssyncset.done $0x0  }
0x67: {  	[sflag:s8] =	ssyncadd.s32 $0xFFFFF800  }
0x68: {  	[spmem:s6] =	stream.linear.scatter [tilespmem:s12], [sflag:$0x3], $0x800, $0x38;
	[tilespmem:$0x17080] =	vst v63  }
0x69: {  	_ =	swait.ge [sflag:s8], $0x800  }
0x6a: {  	[sflag:s8] =	ssyncset.done $0x0  }
0x6b: {  	[sflag:s8] =	ssyncadd.s32 $0xFFFFF800  }
0x6c: {  	[spmem:s7] =	stream.linear.scatter [tilespmem:s12], [sflag:$0x3], $0x800, $0x38;
	[tilespmem:$0x17080] =	vst v63  }
0x6d: {  	_ =	swait.ge [sflag:s8], $0x800  }
0x6e: {  	[sflag:s8] =	ssyncset.done $0x0  }
0x6f: {  	[sflag:s8] =	ssyncadd.s32 $0xFFFFF800  }
0x70: {  	s25 =	simm.s32 $0x0;
	[bflag:$0x0] =	sbarrier.arrive $0xFFFF  }
0x71: {  	[tilespmem:s16], [sflag:$0x1] =	stream.indirect.gather [hbm4b:s15+s14], $0x20, s25, s14, $0xb8;
	[tilespmem:$0x17080] =	vst v63  }
.LBB2_6:
0x72: {  	s26 =	sshll.u32 s25, $0x8  }
0x73: {  	s26 =	sor.u32 $0x80, s26  }
0x74: {  	[tilespmem:s17], [sflag:$0x2] =	stream.indirect.gather [hbm4b:s15+s14], $0x20, s26, s14, $0xb8;
	[tilespmem:$0x17080] =	vst v63  }
0x75: {  	_ =	swait.ge [sflag:s21], $0x1000  }
0x76: {  	[sflag:s21] =	ssyncset.done $0x0  }
0x77: {  	s29 =	simm.s32 $0x0;
	[sflag:s21] =	ssyncadd.s32 $0xFFFFF000  }
0x78: {  	v2 =	vld [tilespmem:s29+$0x5880];
	_ =	sdelay $0x4  }
0x79: {  	s28 =	simm.s32 $0x78C0;
	v3 =	vunpack.i.l.bf16.f32 v2  }
0x7a: {  	v2 =	vunpack.i.u.bf16.f32 v2;
	[tilespmem:s28+$0xFFFFFFC0] =	vst v3  }
0x7b: {  	[tilespmem:s28+$0xFFFFFFD0] =	vst v2  }
0x7c: {  	v2 =	vld [tilespmem:s29+$0x5890];
	_ =	sdelay $0x4  }
0x7d: {  	v3 =	vunpack.i.l.bf16.f32 v2  }
0x7e: {  	v2 =	vunpack.i.u.bf16.f32 v2;
	[tilespmem:s28+$0xFFFFFFE0] =	vst v3  }
0x7f: {  	[tilespmem:s28+$0xFFFFFFF0] =	vst v2  }
0x80: {  	v2 =	vld [tilespmem:s29+$0x58A0];
	_ =	sdelay $0x4  }
0x81: {  	v3 =	vunpack.i.u.bf16.f32 v2  }
0x82: {  	v2 =	vunpack.i.l.bf16.f32 v2;
	[tilespmem:s28+$0x10] =	vst v3  }
0x83: {  	[tilespmem:s28+$0x0] =	vst v2  }
0x84: {  	v2 =	vld [tilespmem:s29+$0x58B0];
	_ =	sdelay $0x4  }
0x85: {  	v3 =	vunpack.i.l.bf16.f32 v2  }
0x86: {  	v2 =	vunpack.i.u.bf16.f32 v2;
	[tilespmem:s28+$0x20] =	vst v3  }
0x87: {  	s29 =	simm.s32 $0x40;
	[tilespmem:s28+$0x30] =	vst v2  }
0x88: {  	v2 =	vld [tilespmem:s29+$0x5880]  }
0x89: {  	s30 =	simm.s32 $0x200  }
.LBB2_7:
0x8a: {  	p0 =	sne.s32 s30, $0x3F00;
	_ =	sdelay $0x2  }
0x8b: {  	s28 =	sadd.s32 $0x80, s28;
	v3 =	vunpack.i.l.bf16.f32 v2  }
0x8c: {  	v2 =	vunpack.i.u.bf16.f32 v2;
	[tilespmem:s28+$0xFFFFFFC0] =	vst v3  }
0x8d: {  	[tilespmem:s28+$0xFFFFFFD0] =	vst v2  }
0x8e: {  	v2 =	vld [tilespmem:s29+$0x5890];
	_ =	sdelay $0x4  }
0x8f: {  	v3 =	vunpack.i.l.bf16.f32 v2  }
0x90: {  	v2 =	vunpack.i.u.bf16.f32 v2;
	[tilespmem:s28+$0xFFFFFFE0] =	vst v3  }
0x91: {  	[tilespmem:s28+$0xFFFFFFF0] =	vst v2  }
0x92: {  	v2 =	vld [tilespmem:s29+$0x58A0];
	_ =	sdelay $0x4  }
0x93: {  	v3 =	vunpack.i.u.bf16.f32 v2;
	v2 =	vunpack.i.l.bf16.f32 v2  }
0x94: {  	[tilespmem:s28+$0x10] =	vst v3  }
0x95: {  	[tilespmem:s28+$0x0] =	vst v2  }
0x96: {  	v2 =	vld [tilespmem:s29+$0x58B0];
	_ =	sdelay $0x4  }
.Ltmp2:
0x97: {  	v3 =	vunpack.i.u.bf16.f32 v2;
	v2 =	vunpack.i.l.bf16.f32 v2;
	(pc) =	sbr.rel @p0 .LBB2_7-.Ltmp2, $4  }
0x98: {  	[tilespmem:s28+$0x20] =	vst v2  }
0x99: {  	s29 =	sshra.s32 s30, $0x2;
	[tilespmem:s28+$0x30] =	vst v3  }
0x9a: {  	v2 =	vld [tilespmem:s29+$0x5880]  }
0x9b: {  	s30 =	sadd.s32 $0x100, s30  }
0x9c: {  	_ =	sdelay $0x2  }
0x9d: {  	s28 =	sadd.s32 $0x80, s28;
	v3 =	vunpack.i.l.bf16.f32 v2  }
0x9e: {  	v2 =	vunpack.i.u.bf16.f32 v2;
	[tilespmem:s28+$0xFFFFFFC0] =	vst v3  }
0x9f: {  	[tilespmem:s28+$0xFFFFFFD0] =	vst v2  }
0xa0: {  	v2 =	vld [tilespmem:s29+$0x5890];
	_ =	sdelay $0x4  }
0xa1: {  	v3 =	vunpack.i.l.bf16.f32 v2  }
0xa2: {  	v2 =	vunpack.i.u.bf16.f32 v2;
	[tilespmem:s28+$0xFFFFFFE0] =	vst v3  }
0xa3: {  	[tilespmem:s28+$0xFFFFFFF0] =	vst v2  }
0xa4: {  	v2 =	vld [tilespmem:s29+$0x58A0];
	_ =	sdelay $0x4  }
0xa5: {  	v3 =	vunpack.i.u.bf16.f32 v2  }
0xa6: {  	v2 =	vunpack.i.l.bf16.f32 v2;
	[tilespmem:s28+$0x10] =	vst v3  }
0xa7: {  	[tilespmem:s28+$0x0] =	vst v2  }
0xa8: {  	v2 =	vld [tilespmem:s29+$0x58B0];
	_ =	sdelay $0x4  }
0xa9: {  	s29 =	sshll.u32 s25, $0xA;
	v3 =	vunpack.i.l.bf16.f32 v2  }
0xaa: {  	s29 =	sshra.s32 s29, $0x2;
	v2 =	vunpack.i.u.bf16.f32 v2;
	[tilespmem:s28+$0x20] =	vst v3  }
0xab: {  	[tilespmem:s28+$0x30] =	vst v2;
	s28 =	sadd.s32 $0x2C80, s29  }
0xac: {  	[spmem:s11] =	stream.indirect.scatter.add.f32 [tilespmem:s9], [sflag:$0x3], $0x40, s28, s14, $0xb8;
	[tilespmem:$0x17080] =	vst v63  }
0xad: {  	_ =	swait.ge [sflag:s8], $0x2000  }
0xae: {  	[sflag:s8] =	ssyncset.done $0x0  }
0xaf: {  	[sflag:s8] =	ssyncadd.s32 $0xFFFFE000  }
0xb0: {  	[spmem:s13] =	stream.indirect.scatter.add.f32 [tilespmem:s22], [sflag:$0x3], $0x10, s28, s14, $0xb8;
	[tilespmem:$0x17080] =	vst v63  }
0xb1: {  	_ =	swait.ge [sflag:s8], $0x800  }
0xb2: {  	[sflag:s8] =	ssyncset.done $0x0  }
0xb3: {  	s28 =	sadd.s32 $0x100, s29;
	[sflag:s8] =	ssyncadd.s32 $0xFFFFF800  }
0xb4: {  	[tilespmem:s16], [sflag:$0x1] =	stream.indirect.gather [hbm4b:s15+s14], $0x20, s28, s14, $0xb8;
	[tilespmem:$0x17080] =	vst v63  }
0xb5: {  	_ =	swait.ge [sflag:s23], $0x1000  }
0xb6: {  	[sflag:s23] =	ssyncset.done $0x0  }
0xb7: {  	s29 =	simm.s32 $0x0;
	[sflag:s23] =	ssyncadd.s32 $0xFFFFF000  }
0xb8: {  	v2 =	vld [tilespmem:s29+$0x6880];
	_ =	sdelay $0x4  }
0xb9: {  	s28 =	simm.s32 $0x78C0;
	v3 =	vunpack.i.l.bf16.f32 v2  }
0xba: {  	v2 =	vunpack.i.u.bf16.f32 v2;
	[tilespmem:s28+$0xFFFFFFC0] =	vst v3  }
0xbb: {  	[tilespmem:s28+$0xFFFFFFD0] =	vst v2  }
0xbc: {  	v2 =	vld [tilespmem:s29+$0x6890];
	_ =	sdelay $0x4  }
0xbd: {  	v3 =	vunpack.i.l.bf16.f32 v2  }
0xbe: {  	v2 =	vunpack.i.u.bf16.f32 v2;
	[tilespmem:s28+$0xFFFFFFE0] =	vst v3  }
0xbf: {  	[tilespmem:s28+$0xFFFFFFF0] =	vst v2  }
0xc0: {  	v2 =	vld [tilespmem:s29+$0x68A0];
	_ =	sdelay $0x4  }
0xc1: {  	v3 =	vunpack.i.u.bf16.f32 v2  }
0xc2: {  	v2 =	vunpack.i.l.bf16.f32 v2;
	[tilespmem:s28+$0x10] =	vst v3  }
0xc3: {  	[tilespmem:s28+$0x0] =	vst v2  }
0xc4: {  	v2 =	vld [tilespmem:s29+$0x68B0];
	_ =	sdelay $0x4  }
0xc5: {  	v3 =	vunpack.i.l.bf16.f32 v2  }
0xc6: {  	v2 =	vunpack.i.u.bf16.f32 v2;
	[tilespmem:s28+$0x20] =	vst v3  }
0xc7: {  	s29 =	simm.s32 $0x40;
	[tilespmem:s28+$0x30] =	vst v2  }
0xc8: {  	v2 =	vld [tilespmem:s29+$0x6880]  }
0xc9: {  	s30 =	simm.s32 $0x200  }
.LBB2_9:
0xca: {  	p0 =	sne.s32 s30, $0x3F00;
	_ =	sdelay $0x2  }
0xcb: {  	s28 =	sadd.s32 $0x80, s28;
	v3 =	vunpack.i.l.bf16.f32 v2  }
0xcc: {  	v2 =	vunpack.i.u.bf16.f32 v2;
	[tilespmem:s28+$0xFFFFFFC0] =	vst v3  }
0xcd: {  	[tilespmem:s28+$0xFFFFFFD0] =	vst v2  }
0xce: {  	v2 =	vld [tilespmem:s29+$0x6890];
	_ =	sdelay $0x4  }
0xcf: {  	v3 =	vunpack.i.l.bf16.f32 v2  }
0xd0: {  	v2 =	vunpack.i.u.bf16.f32 v2;
	[tilespmem:s28+$0xFFFFFFE0] =	vst v3  }
0xd1: {  	[tilespmem:s28+$0xFFFFFFF0] =	vst v2  }
0xd2: {  	v2 =	vld [tilespmem:s29+$0x68A0];
	_ =	sdelay $0x4  }
0xd3: {  	v3 =	vunpack.i.u.bf16.f32 v2;
	v2 =	vunpack.i.l.bf16.f32 v2  }
0xd4: {  	[tilespmem:s28+$0x10] =	vst v3  }
0xd5: {  	[tilespmem:s28+$0x0] =	vst v2  }
0xd6: {  	v2 =	vld [tilespmem:s29+$0x68B0];
	_ =	sdelay $0x4  }
.Ltmp3:
0xd7: {  	v3 =	vunpack.i.u.bf16.f32 v2;
	v2 =	vunpack.i.l.bf16.f32 v2;
	(pc) =	sbr.rel @p0 .LBB2_9-.Ltmp3, $4  }
0xd8: {  	[tilespmem:s28+$0x20] =	vst v2  }
0xd9: {  	s29 =	sshra.s32 s30, $0x2;
	[tilespmem:s28+$0x30] =	vst v3  }
0xda: {  	v2 =	vld [tilespmem:s29+$0x6880]  }
0xdb: {  	s30 =	sadd.s32 $0x100, s30  }
0xdc: {  	_ =	sdelay $0x2  }
0xdd: {  	s28 =	sadd.s32 $0x80, s28;
	v3 =	vunpack.i.l.bf16.f32 v2  }
0xde: {  	v2 =	vunpack.i.u.bf16.f32 v2;
	[tilespmem:s28+$0xFFFFFFC0] =	vst v3  }
0xdf: {  	[tilespmem:s28+$0xFFFFFFD0] =	vst v2  }
0xe0: {  	v2 =	vld [tilespmem:s29+$0x6890];
	_ =	sdelay $0x4  }
0xe1: {  	v3 =	vunpack.i.l.bf16.f32 v2  }
0xe2: {  	v2 =	vunpack.i.u.bf16.f32 v2;
	[tilespmem:s28+$0xFFFFFFE0] =	vst v3  }
0xe3: {  	[tilespmem:s28+$0xFFFFFFF0] =	vst v2  }
0xe4: {  	v2 =	vld [tilespmem:s29+$0x68A0];
	_ =	sdelay $0x4  }
0xe5: {  	v3 =	vunpack.i.u.bf16.f32 v2  }
0xe6: {  	v2 =	vunpack.i.l.bf16.f32 v2;
	[tilespmem:s28+$0x10] =	vst v3  }
0xe7: {  	[tilespmem:s28+$0x0] =	vst v2  }
0xe8: {  	v2 =	vld [tilespmem:s29+$0x68B0];
	_ =	sdelay $0x4  }
0xe9: {  	v3 =	vunpack.i.l.bf16.f32 v2  }
0xea: {  	v2 =	vunpack.i.u.bf16.f32 v2;
	[tilespmem:s28+$0x20] =	vst v3  }
0xeb: {  	s26 =	sadd.s32 $0x2C80, s26;
	[tilespmem:s28+$0x30] =	vst v2  }
0xec: {  	[spmem:s11] =	stream.indirect.scatter.add.f32 [tilespmem:s9], [sflag:$0x3], $0x40, s26, s14, $0xb8;
	[tilespmem:$0x17080] =	vst v63  }
0xed: {  	s25 =	sadd.s32 $0x1, s25;
	_ =	swait.ge [sflag:s8], $0x2000  }
0xee: {  	p0 =	sne.s32 s25, s20;
	[sflag:s8] =	ssyncset.done $0x0  }
.Ltmp4:
0xef: {  	[sflag:s8] =	ssyncadd.s32 $0xFFFFE000;
	(pc) =	sbr.rel @p0 .LBB2_6-.Ltmp4, $4  }
0xf0: {  	[spmem:s13] =	stream.indirect.scatter.add.f32 [tilespmem:s22], [sflag:$0x3], $0x10, s26, s14, $0xb8;
	[tilespmem:$0x17080] =	vst v63  }
0xf1: {  	_ =	swait.ge [sflag:s8], $0x800  }
0xf2: {  	[sflag:s8] =	ssyncset.done $0x0  }
0xf3: {  	[sflag:s8] =	ssyncadd.s32 $0xFFFFF800  }
0xf4: {  	_ =	swait.ge [sflag:s21], $0x1000  }
0xf5: {  	[sflag:s21] =	ssyncset.done $0x0  }
0xf6: {  	[sflag:s21] =	ssyncadd.s32 $0xFFFFF000  }
0xf7: {  	s25 =	stileid.u32;
	[bflag:$0x0] =	sbarrier.arrive $0xFFFF  }
0xf8: {  	s25 =	sshll.u32 s25, $0x6;
	s26 =	rddreg [dreg:$0x5]  }
0xf9: {  	s25 =	sor.u32 $0x1C03, s25;
	s28 =	rddreg [dreg:$0x12]  }
0xfa: {  	[hbm:s26], [sflag:s25] =	dma.local [spmem:s28], $0x400  }
0xfb: {  	_ =	swait.ge [sflag:s8], $0x400  }
0xfc: {  	[sflag:s8] =	ssyncset.done $0x0;
	s29 =	rddreg [dreg:$0x6]  }
0xfd: {  	s30 =	rddreg [dreg:$0x13];
	[sflag:s8] =	ssyncadd.s32 $0xFFFFFC00  }
0xfe: {  	[hbm:s29], [sflag:s25] =	dma.local [spmem:s30], $0x100  }
0xff: {  	_ =	swait.ge [sflag:s8], $0x100  }
0x100: {  	[sflag:s8] =	ssyncset.done $0x0;
	s29 =	rddreg [dreg:$0x7]  }
0x101: {  	s30 =	rddreg [dreg:$0x14];
	[sflag:s8] =	ssyncadd.s32 $0xFFFFFF00  }
0x102: {  	[hbm:s29], [sflag:s25] =	dma.local [spmem:s30], $0x400  }
0x103: {  	_ =	swait.ge [sflag:s8], $0x400  }
0x104: {  	[sflag:s8] =	ssyncset.done $0x0;
	s29 =	rddreg [dreg:$0xb]  }
0x105: {  	s30 =	rddreg [dreg:$0x15];
	[sflag:s8] =	ssyncadd.s32 $0xFFFFFC00  }
0x106: {  	[hbm:s29], [sflag:s25] =	dma.local [spmem:s30], $0x100  }
0x107: {  	_ =	swait.ge [sflag:s8], $0x100  }
0x108: {  	[sflag:s8] =	ssyncset.done $0x0;
	s29 =	rddreg [dreg:$0x8]  }
0x109: {  	s30 =	rddreg [dreg:$0x16];
	[sflag:s8] =	ssyncadd.s32 $0xFFFFFF00  }
0x10a: {  	[hbm:s29], [sflag:s25] =	dma.local [spmem:s30], $0x400  }
0x10b: {  	_ =	swait.ge [sflag:s8], $0x400  }
0x10c: {  	[sflag:s8] =	ssyncset.done $0x0;
	s29 =	rddreg [dreg:$0xc]  }
0x10d: {  	s30 =	rddreg [dreg:$0x17];
	[sflag:s8] =	ssyncadd.s32 $0xFFFFFC00  }
0x10e: {  	[hbm:s29], [sflag:s25] =	dma.local [spmem:s30], $0x100  }
0x10f: {  	_ =	swait.ge [sflag:s8], $0x100  }
0x110: {  	[sflag:s8] =	ssyncset.done $0x0;
	s29 =	rddreg [dreg:$0x9]  }
0x111: {  	s30 =	rddreg [dreg:$0x18];
	[sflag:s8] =	ssyncadd.s32 $0xFFFFFF00  }
0x112: {  	[hbm:s29], [sflag:s25] =	dma.local [spmem:s30], $0x400  }
0x113: {  	_ =	swait.ge [sflag:s8], $0x400  }
0x114: {  	[sflag:s8] =	ssyncset.done $0x0;
	s29 =	rddreg [dreg:$0xd]  }
0x115: {  	s30 =	rddreg [dreg:$0x19];
	[sflag:s8] =	ssyncadd.s32 $0xFFFFFC00  }
0x116: {  	[hbm:s29], [sflag:s25] =	dma.local [spmem:s30], $0x100  }
0x117: {  	_ =	swait.ge [sflag:s8], $0x100  }
0x118: {  	[sflag:s8] =	ssyncset.done $0x0  }
0x119: {  	s28 =	rddreg [dreg:$0xa];
	[sflag:s8] =	ssyncadd.s32 $0xFFFFFF00  }
0x11a: {  	[hbm:s28], [sflag:s25] =	dma.local [spmem:s31], $0x400  }
0x11b: {  	_ =	swait.ge [sflag:s8], $0x400  }
0x11c: {  	[sflag:s8] =	ssyncset.done $0x0  }
0x11d: {  	s29 =	rddreg [dreg:$0xe];
	[sflag:s8] =	ssyncadd.s32 $0xFFFFFC00  }
0x11e: {  	[hbm:s29], [sflag:s25] =	dma.local [spmem:s10], $0x100  }
0x11f: {  	_ =	swait.ge [sflag:s8], $0x100  }
0x120: {  	s24 =	sadd.s32 $0x1, s24;
	s30 =	rddreg [dreg:$0x11]  }
0x121: {  	p0 =	sne.s32 s24, s30  }
.Ltmp5:
0x122: {  	_ = 	snop;
	(pc) =	sbr.rel @p0 .LBB2_1-.Ltmp5, $3  }
0x123: {  	_ =	sdelay $0x1  }
0x124: {  	[sflag:s8] =	ssyncset.done $0x0  }
0x125: {  	[sflag:s8] =	ssyncadd.s32 $0xFFFFFF00  }
0x126: {  	_ =	sfence.sel $0x180000  }
0x127: {  	[bflag:$0x0] =	sbarrier.arrive $0xFFFF  }
0x128: {  	_ =	strace $0x9000004A  }
0x129: {  	s0 =	stileid.u32;
	[bflag:$0x2] =	sbarrier.arrive $0xFFFF  }
0x12a: {  	p0 =	sne.s32 s0, $0x0;
	s0 =	rddreg [dreg:$0x4]  }
0x12b: {  	s0 =	sadd.s32 @!p0 $0x100000, s0  }
0x12c: {  	[sflag:s0] =	ssyncadd.tile.s32 @!p0 $0x1;
	_ =	shalt  }
.Lfunc_end2:
_tile_overlayer_lowered:
.L_overlay_start_2:
0x12d: {  	(tag) =	ssettag $0x2  }
0x12e: {  	s0 =	rddreg [dreg:$0x0];
	s2 =	stileid.u32  }
0x12f: {  	s1 =	rddreg [dreg:$0x1];
	p0 =	sne.s32 s2, $0x0  }
0x130: {  	s3 =	rddreg [dreg:$0x2];
	[bflag:$0x3] =	sbarrier.arrive $0xFFFF;
	s2 =	simm.s32 @!p0 $0x1C03  }
0x131: {  	[timem:s3], [sflag:s2] =	dma.local @!p0 [hbm:s0], s1  }
0x132: {  	s0 =	simm.s32 @!p0 $0x3  }
0x133: {  	_ =	swait.ge @!p0 [sflag:s0], s1  }
0x134: {  	s1 =	ssub.s32 @!p0 $0x0, s1;
	[sflag:s0] =	ssyncset.done @!p0 $0x0  }
0x135: {  	[sflag:s0] =	ssyncadd.s32 @!p0 s1  }
0x136: {  	[bflag:$0x3] =	sbarrier.arrive $0xFFFF  }
0x137: {  	_ =	shalt  }

</sc_bundles>
